<compile_context>
chip_gen: v7x
topology: tpu7x:2x2x1
jax: 0.10.2.dev20260603
libtpu: 0.0.44.dev20260713+nightly
codegen_flags: <defaults>
</compile_context>

<pallas_src>
import jax
import jax.numpy as jnp
from jax import lax
from jax.experimental import pallas as pl
from jax.experimental.pallas import tpu as pltpu
from jax.experimental.pallas import tpu_sc as plsc

_SIZE = 1000000
_JOINTS = 17
_SPATIAL = 3
_D = _JOINTS * _SPATIAL
_DP = 64
_BATCH = 16384
_L = 16
_WIN = 16
_GMAX = 999984

_NC = 2
_NS = 16
_NW = _NC * _NS
_BW = _BATCH // _NW
_FLATP = _BW * _DP
_NBLK = _BW // _L


def _body(x_hbm, grid_hbm, out_hbm, x_v, w_v, r_v, rows_v, out_v, sems):
    wid = lax.axis_index("s") * _NC + lax.axis_index("c")
    base = wid * _BW

    pltpu.sync_copy(x_hbm.at[pl.ds(base, _BW)], x_v)

    def prep(i, carry):
        sl = pl.ds(i * _L, _L)
        v = x_v[sl]
        xi = v.astype(jnp.int32)
        xi = xi - (xi.astype(jnp.float32) > v).astype(jnp.int32)
        r_v[sl] = xi
        w_v[sl] = (v - xi.astype(jnp.float32)) * 1000.0
        return carry

    lax.fori_loop(0, _NBLK, prep, None)

    def issue_block(blk):
        rv = r_v[pl.ds(blk * _L, _L)]
        for lane in range(_L):
            r = rv[lane]
            g = pl.multiple_of(
                jnp.minimum(jnp.bitwise_and(r, -8), _GMAX), 8)
            rr = r - g

            @pl.when(rr < 7)
            def _():
                pltpu.async_copy(grid_hbm.at[pl.ds(g, 8)],
                                 rows_v.at[lane, pl.ds(0, 8)],
                                 sems.at[lane])

            @pl.when(rr >= 7)
            def _():
                pltpu.async_copy(grid_hbm.at[pl.ds(g, _WIN)],
                                 rows_v.at[lane], sems.at[lane])

    def compute_block(blk):
        rv = r_v[pl.ds(blk * _L, _L)]
        wv = w_v[pl.ds(blk * _L, _L)]
        obase = blk * (_L * _DP)
        for lane in range(_L):
            r = rv[lane]
            rr = r - jnp.minimum(jnp.bitwise_and(r, -8), _GMAX)

            @pl.when(rr < 7)
            def _():
                pltpu.make_async_copy(grid_hbm.at[pl.ds(0, 8)],
                                      rows_v.at[lane, pl.ds(0, 8)],
                                      sems.at[lane]).wait()

            @pl.when(rr >= 7)
            def _():
                pltpu.make_async_copy(grid_hbm.at[pl.ds(0, _WIN)],
                                      rows_v.at[lane], sems.at[lane]).wait()
            w = wv[lane]
            for off in (0, 16, 32):
                v0 = rows_v[lane, rr, pl.ds(off, _L)]
                v1 = rows_v[lane, rr + 1, pl.ds(off, _L)]
                out_v[pl.ds(obase + lane * _DP + off, _L)] = (
                    v0 * 1000.0 + (v1 - v0) * w)
            v0 = rows_v[lane, rr, pl.ds(_D - _L, _L)]
            v1 = rows_v[lane, rr + 1, pl.ds(_D - _L, _L)]
            tail = v0 * 1000.0 + (v1 - v0) * w
            idx = lax.iota(jnp.int32, _L) + (obase + lane * _DP + _D - _L)
            plsc.store_scatter(out_v, [idx], tail)

    def loop(blk, carry):
        issue_block(blk)
        compute_block(blk)
        return carry

    lax.fori_loop(0, _NBLK, loop, None)

    pltpu.sync_copy(out_v, out_hbm.at[pl.ds(base * _DP, _FLATP)])


def kernel(x, grid):
    mesh = plsc.VectorSubcoreMesh(core_axis_name="c", subcore_axis_name="s")
    k = pl.kernel(
        _body,
        mesh=mesh,
        out_type=jax.ShapeDtypeStruct((_BATCH * _DP,), jnp.float32),
        scratch_types=[
            pltpu.VMEM((_BW,), jnp.float32),
            pltpu.VMEM((_BW,), jnp.float32),
            pltpu.VMEM((_BW,), jnp.int32),
            pltpu.VMEM((_L, _WIN, _D), jnp.float32),
            pltpu.VMEM((_FLATP,), jnp.float32),
            pltpu.SemaphoreType.DMA((_L,)),
        ],
        compiler_params=pltpu.CompilerParams(needs_layout_passes=False),
    )
    out = k(x, grid)
    return out.reshape(_BATCH, _DP)[:, :_D].reshape(
        _BATCH, _JOINTS, _SPATIAL)

# --- scband reference (transcript-rebuilt; emitter-appended) ---
"""Pipeline reference for scband-keypoint-trajectory-68977174774060 (READ-ONLY COPY).

The authoritative reference and input builder live on the scoring server;
editing this copy changes nothing except your own understanding.
"""

import jax, jax.numpy as jnp
import numpy as np

SIZE = 1000000
JOINTS = 17
SPATIAL = 3
BATCH = 16384

def setup_inputs(seed: int = 0) -> dict:
    key = jax.random.key(seed)
    k1, k2 = jax.random.split(key)
    # continuous sample positions in [0, size-1) so that x1 = floor(x)+1 <= size is in-range
    x = jax.random.uniform(k1, (BATCH,), dtype=jnp.float32, minval=0.0, maxval=float(SIZE - 1))
    # learned grid param, lecun_normal init: std = 1/sqrt(fan_in), fan_in = SIZE+1
    grid = jax.random.normal(k2, (SIZE + 1, JOINTS * SPATIAL), dtype=jnp.float32) * (1.0 / np.sqrt(SIZE + 1))
    return {"x": x, "grid": grid}

def reference(x, grid):
    xd, whole = jnp.modf(x)
    x0 = whole.astype(jnp.int32)
    x1 = x0 + 1

    def f(g):
        # g: (SIZE+1,) column of the grid; gather two rows and lerp
        return g[x0] * (1.0 - xd) + g[x1] * xd

    out = jax.vmap(f, -1, -1)(grid)  # (BATCH, JOINTS*SPATIAL)
    return out.reshape(-1, JOINTS, SPATIAL) * 1000.0

if __name__ == "__main__":
    import jax
    _d = setup_inputs()
    print(jax.jit(kernel)(*tuple(_d.values())))

</pallas_src>

<mosaic_0001>
#map = affine_map<(d0, d1) -> (0)>
#map1 = affine_map<(d0, d1) -> (0, 0)>
module attributes {stable_mosaic.version = 14 : i64} {
  func.func @_body(%arg0: i32, %arg1: i32, %arg2: memref<16384xf32, #tpu.memory_space<hbm>>, %arg3: memref<1000001x51xf32, #tpu.memory_space<hbm>>, %arg4: memref<1048576xf32, #tpu.memory_space<hbm>>, %arg5: memref<512xf32, #tpu.memory_space<vmem>>, %arg6: memref<512xf32, #tpu.memory_space<vmem>>, %arg7: memref<512xi32, #tpu.memory_space<vmem>>, %arg8: memref<16x16x51xf32, #tpu.memory_space<vmem>>, %arg9: memref<32768xf32, #tpu.memory_space<vmem>>, %arg10: memref<16x!tpu.dma_semaphore, #tpu.memory_space<semaphore_mem>>) attributes {dimension_semantics = [#tpu.dimension_semantics<core_parallel>, #tpu.dimension_semantics<subcore_parallel>], iteration_bounds = array<i64: 2, 16>, scalar_prefetch = 0 : i64, scratch_operands = 6 : i64, tpu.core_type = #tpu.core_type<sc_vector_subcore>, window_params = [{transform_indices = #map}, {transform_indices = #map1}, {transform_indices = #map}]} {
    %mul3A = arith.constant 2 : i32
    %mul3A_0 = arith.muli %arg1, %mul3A : i32
    %add3A = arith.addi %mul3A_0, %arg0 : i32
    %mul3A_1 = arith.constant 512 : i32
    %mul3A_2 = arith.muli %add3A, %mul3A_1 : i32
    "tpu.region"() ({
      %run_scoped3A = tpu.sem_alloc : memref<!tpu.dma_semaphore, #tpu.memory_space<semaphore_mem>>
      %dma_start3A = tpu.memref_slice %arg2[%mul3A_2] : memref<16384xf32, #tpu.memory_space<hbm>> -> memref<512xf32, #tpu.memory_space<hbm>>
      %dma_start3A_14 = tpu.memref_slice %arg2[%mul3A_2] : memref<16384xf32, #tpu.memory_space<hbm>> -> memref<512xf32, #tpu.memory_space<hbm>>
      tpu.enqueue_dma source(%dma_start3A_14 : memref<512xf32, #tpu.memory_space<hbm>>) target(%arg5 : memref<512xf32, #tpu.memory_space<vmem>>) target_semaphore(%run_scoped3A : memref<!tpu.dma_semaphore, #tpu.memory_space<semaphore_mem>>)
      %dma_wait3A = tpu.memref_slice %arg2[%mul3A_2] : memref<16384xf32, #tpu.memory_space<hbm>> -> memref<512xf32, #tpu.memory_space<hbm>>
      %dma_wait3A_15 = tpu.memref_slice %arg2[%mul3A_2] : memref<16384xf32, #tpu.memory_space<hbm>> -> memref<512xf32, #tpu.memory_space<hbm>>
      tpu.wait_dma2 semaphore(%run_scoped3A : memref<!tpu.dma_semaphore, #tpu.memory_space<semaphore_mem>>) src(%dma_wait3A_15 : memref<512xf32, #tpu.memory_space<hbm>>) dst(%arg5 : memref<512xf32, #tpu.memory_space<vmem>>)
      tpu.yield
    }) : () -> ()
    %scan3A = arith.constant 0 : i32
    %scan3A_3 = arith.constant 32 : i32
    %scan3A_4 = arith.addi %scan3A, %scan3A_3 : i32
    %scan3A_5 = arith.constant 1 : i32
    scf.for %scan3A_14 = %scan3A to %scan3A_4 step %scan3A_5  : i32 {
      %mul3A_15 = arith.constant 16 : i32
      %mul3A_16 = arith.muli %scan3A_14, %mul3A_15 : i32
      %get3A = arith.index_cast %mul3A_16 : i32 to index
      %get3A_17 = tpu.vector_load %arg5[%get3A] {strides = array<i32>} : memref<512xf32, #tpu.memory_space<vmem>>, vector<16xf32>,
      %convert_element_type3A = arith.fptosi %get3A_17 : vector<16xf32> to vector<16xi32>
      %convert_element_type3A_18 = arith.sitofp %convert_element_type3A : vector<16xi32> to vector<16xf32>
      %gt3A = arith.cmpf ogt, %convert_element_type3A_18, %get3A_17 : vector<16xf32>
      %convert_element_type3A_19 = arith.extui %gt3A : vector<16xi1> to vector<16xi32>
      %sub3A = arith.subi %convert_element_type3A, %convert_element_type3A_19 : vector<16xi32>
      %swap3A = arith.index_cast %mul3A_16 : i32 to index
      %swap3A_20 = tpu.vector_load %arg7[%swap3A] {strides = array<i32>} : memref<512xi32, #tpu.memory_space<vmem>>, vector<16xi32>,
      tpu.vector_store %arg7[%swap3A], %sub3A {strides = array<i32>} : memref<512xi32, #tpu.memory_space<vmem>>, vector<16xi32>,
      %convert_element_type3A_21 = arith.sitofp %sub3A : vector<16xi32> to vector<16xf32>
      %sub3A_22 = arith.subf %get3A_17, %convert_element_type3A_21 : vector<16xf32>
      %mul3A_23 = arith.constant 1.000000e+03 : f32
      %mul3A_24 = vector.broadcast %mul3A_23 : f32 to vector<16xf32>
      %mul3A_25 = arith.mulf %sub3A_22, %mul3A_24 : vector<16xf32>
      %swap3A_26 = arith.index_cast %mul3A_16 : i32 to index
      %swap3A_27 = tpu.vector_load %arg6[%swap3A_26] {strides = array<i32>} : memref<512xf32, #tpu.memory_space<vmem>>, vector<16xf32>,
      tpu.vector_store %arg6[%swap3A_26], %mul3A_25 {strides = array<i32>} : memref<512xf32, #tpu.memory_space<vmem>>, vector<16xf32>,
    }
    %scan3A_6 = arith.constant 32 : i32
    %scan3A_7 = arith.constant 0 : i32
    %scan3A_8 = arith.constant 32 : i32
    %scan3A_9 = arith.addi %scan3A_7, %scan3A_8 : i32
    %scan3A_10 = arith.constant 1 : i32
    scf.for %scan3A_14 = %scan3A_7 to %scan3A_9 step %scan3A_10  : i32 {
      %mul3A_15 = arith.constant 16 : i32
      %mul3A_16 = arith.muli %scan3A_14, %mul3A_15 : i32
      %get3A = arith.index_cast %mul3A_16 : i32 to index
      %get3A_17 = tpu.vector_load %arg7[%get3A] {strides = array<i32>} : memref<512xi32, #tpu.memory_space<vmem>>, vector<16xi32>,
      %slice3A = vector.extract_strided_slice %get3A_17 {offsets = [0], sizes = [1], strides = [1]} : vector<16xi32> to vector<1xi32>
      %squeeze3A = vector.extract %slice3A[0] : i32 from vector<1xi32>
      %and3A = arith.constant -8 : i32
      %and3A_18 = arith.andi %squeeze3A, %and3A : i32
      %min3A = arith.constant 999984 : i32
      %min3A_19 = arith.minsi %and3A_18, %min3A : i32
      %multiple_of3A = tpu.assume_multiple %min3A_19, 8 : i32
      %sub3A = arith.subi %squeeze3A, %multiple_of3A : i32
      %lt3A = arith.constant 7 : i32
      %lt3A_20 = arith.cmpi slt, %sub3A, %lt3A : i32
      %convert_element_type3A = arith.extui %lt3A_20 : i1 to i32
      %cond3A = arith.constant 0 : i32
      %cond3A_21 = arith.cmpi ne, %convert_element_type3A, %cond3A : i32
      scf.if %cond3A_21 {
        %dma_start3A = arith.constant 0 : i32
        %dma_start3A_2256 = arith.constant 0 : i32
        %dma_start3A_2257 = arith.constant 0 : i32
        %dma_start3A_2258 = arith.constant 0 : i32
        %dma_start3A_2259 = tpu.memref_slice %arg8[%dma_start3A, %dma_start3A_2257, %dma_start3A_2258] : memref<16x16x51xf32, #tpu.memory_space<vmem>> -> memref<1x8x51xf32, #tpu.memory_space<vmem>>
        %dma_start3A_2260 = tpu.memref_squeeze %dma_start3A_2259 : memref<1x8x51xf32, #tpu.memory_space<vmem>> -> memref<8x51xf32, #tpu.memory_space<vmem>>
        %dma_start3A_2261 = arith.constant 0 : i32
        %dma_start3A_2262 = tpu.memref_slice %arg3[%multiple_of3A, %dma_start3A_2261] : memref<1000001x51xf32, #tpu.memory_space<hbm>> -> memref<8x51xf32, #tpu.memory_space<hbm>>
        %dma_start3A_2263 = tpu.memref_slice %arg10[%dma_start3A_2256] : memref<16x!tpu.dma_semaphore, #tpu.memory_space<semaphore_mem>> -> memref<1x!tpu.dma_semaphore, #tpu.memory_space<semaphore_mem>>
        %dma_start3A_2264 = tpu.memref_squeeze %dma_start3A_2263 : memref<1x!tpu.dma_semaphore, #tpu.memory_space<semaphore_mem>> -> memref<!tpu.dma_semaphore, #tpu.memory_space<semaphore_mem>>
        %dma_start3A_2265 = arith.constant 0 : i32
        %dma_start3A_2266 = arith.constant 0 : i32
        %dma_start3A_2267 = tpu.memref_slice %arg8[%dma_start3A, %dma_start3A_2265, %dma_start3A_2266] : memref<16x16x51xf32, #tpu.memory_space<vmem>> -> memref<1x8x51xf32, #tpu.memory_space<vmem>>
        %dma_start3A_2268 = tpu.memref_squeeze %dma_start3A_2267 : memref<1x8x51xf32, #tpu.memory_space<vmem>> -> memref<8x51xf32, #tpu.memory_space<vmem>>
        %dma_start3A_2269 = arith.constant 0 : i32
        %dma_start3A_2270 = tpu.memref_slice %arg3[%multiple_of3A, %dma_start3A_2269] : memref<1000001x51xf32, #tpu.memory_space<hbm>> -> memref<8x51xf32, #tpu.memory_space<hbm>>
        tpu.enqueue_dma source(%dma_start3A_2270 : memref<8x51xf32, #tpu.memory_space<hbm>>) target(%dma_start3A_2268 : memref<8x51xf32, #tpu.memory_space<vmem>>) target_semaphore(%dma_start3A_2264 : memref<!tpu.dma_semaphore, #tpu.memory_space<semaphore_mem>>)
      } else {
      }
      %ge3A = arith.constant 7 : i32
      %ge3A_22 = arith.cmpi sge, %sub3A, %ge3A : i32
      %convert_element_type3A_23 = arith.extui %ge3A_22 : i1 to i32
      %cond3A_24 = arith.constant 0 : i32
      %cond3A_25 = arith.cmpi ne, %convert_element_type3A_23, %cond3A_24 : i32
      scf.if %cond3A_25 {
        %dma_start3A = arith.constant 0 : i32
        %dma_start3A_2256 = arith.constant 0 : i32
        %dma_start3A_2257 = arith.constant 0 : i32
        %dma_start3A_2258 = arith.constant 0 : i32
        %dma_start3A_2259 = tpu.memref_slice %arg8[%dma_start3A, %dma_start3A_2257, %dma_start3A_2258] : memref<16x16x51xf32, #tpu.memory_space<vmem>> -> memref<1x16x51xf32, #tpu.memory_space<vmem>>
        %dma_start3A_2260 = tpu.memref_squeeze %dma_start3A_2259 : memref<1x16x51xf32, #tpu.memory_space<vmem>> -> memref<16x51xf32, #tpu.memory_space<vmem>>
        %dma_start3A_2261 = arith.constant 0 : i32
        %dma_start3A_2262 = tpu.memref_slice %arg3[%multiple_of3A, %dma_start3A_2261] : memref<1000001x51xf32, #tpu.memory_space<hbm>> -> memref<16x51xf32, #tpu.memory_space<hbm>>
        %dma_start3A_2263 = tpu.memref_slice %arg10[%dma_start3A_2256] : memref<16x!tpu.dma_semaphore, #tpu.memory_space<semaphore_mem>> -> memref<1x!tpu.dma_semaphore, #tpu.memory_space<semaphore_mem>>
        %dma_start3A_2264 = tpu.memref_squeeze %dma_start3A_2263 : memref<1x!tpu.dma_semaphore, #tpu.memory_space<semaphore_mem>> -> memref<!tpu.dma_semaphore, #tpu.memory_space<semaphore_mem>>
        %dma_start3A_2265 = arith.constant 0 : i32
        %dma_start3A_2266 = arith.constant 0 : i32
        %dma_start3A_2267 = tpu.memref_slice %arg8[%dma_start3A, %dma_start3A_2265, %dma_start3A_2266] : memref<16x16x51xf32, #tpu.memory_space<vmem>> -> memref<1x16x51xf32, #tpu.memory_space<vmem>>
        %dma_start3A_2268 = tpu.memref_squeeze %dma_start3A_2267 : memref<1x16x51xf32, #tpu.memory_space<vmem>> -> memref<16x51xf32, #tpu.memory_space<vmem>>
        %dma_start3A_2269 = arith.constant 0 : i32
        %dma_start3A_2270 = tpu.memref_slice %arg3[%multiple_of3A, %dma_start3A_2269] : memref<1000001x51xf32, #tpu.memory_space<hbm>> -> memref<16x51xf32, #tpu.memory_space<hbm>>
        tpu.enqueue_dma source(%dma_start3A_2270 : memref<16x51xf32, #tpu.memory_space<hbm>>) target(%dma_start3A_2268 : memref<16x51xf32, #tpu.memory_space<vmem>>) target_semaphore(%dma_start3A_2264 : memref<!tpu.dma_semaphore, #tpu.memory_space<semaphore_mem>>)
      } else {
      }
      %slice3A_26 = vector.extract_strided_slice %get3A_17 {offsets = [1], sizes = [1], strides = [1]} : vector<16xi32> to vector<1xi32>
      %squeeze3A_27 = vector.extract %slice3A_26[0] : i32 from vector<1xi32>
      %and3A_28 = arith.constant -8 : i32
      %and3A_29 = arith.andi %squeeze3A_27, %and3A_28 : i32
      %min3A_30 = arith.constant 999984 : i32
      %min3A_31 = arith.minsi %and3A_29, %min3A_30 : i32
      %multiple_of3A_32 = tpu.assume_multiple %min3A_31, 8 : i32
      %sub3A_33 = arith.subi %squeeze3A_27, %multiple_of3A_32 : i32
      %lt3A_34 = arith.constant 7 : i32
      %lt3A_35 = arith.cmpi slt, %sub3A_33, %lt3A_34 : i32
      %convert_element_type3A_36 = arith.extui %lt3A_35 : i1 to i32
      %cond3A_37 = arith.constant 0 : i32
      %cond3A_38 = arith.cmpi ne, %convert_element_type3A_36, %cond3A_37 : i32
      scf.if %cond3A_38 {
        %dma_start3A = arith.constant 1 : i32
        %dma_start3A_2256 = arith.constant 1 : i32
        %dma_start3A_2257 = arith.constant 0 : i32
        %dma_start3A_2258 = arith.constant 0 : i32
        %dma_start3A_2259 = tpu.memref_slice %arg8[%dma_start3A, %dma_start3A_2257, %dma_start3A_2258] : memref<16x16x51xf32, #tpu.memory_space<vmem>> -> memref<1x8x51xf32, #tpu.memory_space<vmem>>
        %dma_start3A_2260 = tpu.memref_squeeze %dma_start3A_2259 : memref<1x8x51xf32, #tpu.memory_space<vmem>> -> memref<8x51xf32, #tpu.memory_space<vmem>>
        %dma_start3A_2261 = arith.constant 0 : i32
        %dma_start3A_2262 = tpu.memref_slice %arg3[%multiple_of3A_32, %dma_start3A_2261] : memref<1000001x51xf32, #tpu.memory_space<hbm>> -> memref<8x51xf32, #tpu.memory_space<hbm>>
        %dma_start3A_2263 = tpu.memref_slice %arg10[%dma_start3A_2256] : memref<16x!tpu.dma_semaphore, #tpu.memory_space<semaphore_mem>> -> memref<1x!tpu.dma_semaphore, #tpu.memory_space<semaphore_mem>>
        %dma_start3A_2264 = tpu.memref_squeeze %dma_start3A_2263 : memref<1x!tpu.dma_semaphore, #tpu.memory_space<semaphore_mem>> -> memref<!tpu.dma_semaphore, #tpu.memory_space<semaphore_mem>>
        %dma_start3A_2265 = arith.constant 0 : i32
        %dma_start3A_2266 = arith.constant 0 : i32
        %dma_start3A_2267 = tpu.memref_slice %arg8[%dma_start3A, %dma_start3A_2265, %dma_start3A_2266] : memref<16x16x51xf32, #tpu.memory_space<vmem>> -> memref<1x8x51xf32, #tpu.memory_space<vmem>>
        %dma_start3A_2268 = tpu.memref_squeeze %dma_start3A_2267 : memref<1x8x51xf32, #tpu.memory_space<vmem>> -> memref<8x51xf32, #tpu.memory_space<vmem>>
        %dma_start3A_2269 = arith.constant 0 : i32
        %dma_start3A_2270 = tpu.memref_slice %arg3[%multiple_of3A_32, %dma_start3A_2269] : memref<1000001x51xf32, #tpu.memory_space<hbm>> -> memref<8x51xf32, #tpu.memory_space<hbm>>
        tpu.enqueue_dma source(%dma_start3A_2270 : memref<8x51xf32, #tpu.memory_space<hbm>>) target(%dma_start3A_2268 : memref<8x51xf32, #tpu.memory_space<vmem>>) target_semaphore(%dma_start3A_2264 : memref<!tpu.dma_semaphore, #tpu.memory_space<semaphore_mem>>)
      } else {
      }
      %ge3A_39 = arith.constant 7 : i32
      %ge3A_40 = arith.cmpi sge, %sub3A_33, %ge3A_39 : i32
      %convert_element_type3A_41 = arith.extui %ge3A_40 : i1 to i32
      %cond3A_42 = arith.constant 0 : i32
      %cond3A_43 = arith.cmpi ne, %convert_element_type3A_41, %cond3A_42 : i32
      scf.if %cond3A_43 {
        %dma_start3A = arith.constant 1 : i32
        %dma_start3A_2256 = arith.constant 1 : i32
        %dma_start3A_2257 = arith.constant 0 : i32
        %dma_start3A_2258 = arith.constant 0 : i32
        %dma_start3A_2259 = tpu.memref_slice %arg8[%dma_start3A, %dma_start3A_2257, %dma_start3A_2258] : memref<16x16x51xf32, #tpu.memory_space<vmem>> -> memref<1x16x51xf32, #tpu.memory_space<vmem>>
        %dma_start3A_2260 = tpu.memref_squeeze %dma_start3A_2259 : memref<1x16x51xf32, #tpu.memory_space<vmem>> -> memref<16x51xf32, #tpu.memory_space<vmem>>
        %dma_start3A_2261 = arith.constant 0 : i32
        %dma_start3A_2262 = tpu.memref_slice %arg3[%multiple_of3A_32, %dma_start3A_2261] : memref<1000001x51xf32, #tpu.memory_space<hbm>> -> memref<16x51xf32, #tpu.memory_space<hbm>>
        %dma_start3A_2263 = tpu.memref_slice %arg10[%dma_start3A_2256] : memref<16x!tpu.dma_semaphore, #tpu.memory_space<semaphore_mem>> -> memref<1x!tpu.dma_semaphore, #tpu.memory_space<semaphore_mem>>
        %dma_start3A_2264 = tpu.memref_squeeze %dma_start3A_2263 : memref<1x!tpu.dma_semaphore, #tpu.memory_space<semaphore_mem>> -> memref<!tpu.dma_semaphore, #tpu.memory_space<semaphore_mem>>
        %dma_start3A_2265 = arith.constant 0 : i32
        %dma_start3A_2266 = arith.constant 0 : i32
        %dma_start3A_2267 = tpu.memref_slice %arg8[%dma_start3A, %dma_start3A_2265, %dma_start3A_2266] : memref<16x16x51xf32, #tpu.memory_space<vmem>> -> memref<1x16x51xf32, #tpu.memory_space<vmem>>
        %dma_start3A_2268 = tpu.memref_squeeze %dma_start3A_2267 : memref<1x16x51xf32, #tpu.memory_space<vmem>> -> memref<16x51xf32, #tpu.memory_space<vmem>>
        %dma_start3A_2269 = arith.constant 0 : i32
        %dma_start3A_2270 = tpu.memref_slice %arg3[%multiple_of3A_32, %dma_start3A_2269] : memref<1000001x51xf32, #tpu.memory_space<hbm>> -> memref<16x51xf32, #tpu.memory_space<hbm>>
        tpu.enqueue_dma source(%dma_start3A_2270 : memref<16x51xf32, #tpu.memory_space<hbm>>) target(%dma_start3A_2268 : memref<16x51xf32, #tpu.memory_space<vmem>>) target_semaphore(%dma_start3A_2264 : memref<!tpu.dma_semaphore, #tpu.memory_space<semaphore_mem>>)
      } else {
      }
      %slice3A_44 = vector.extract_strided_slice %get3A_17 {offsets = [2], sizes = [1], strides = [1]} : vector<16xi32> to vector<1xi32>
      %squeeze3A_45 = vector.extract %slice3A_44[0] : i32 from vector<1xi32>
      %and3A_46 = arith.constant -8 : i32
      %and3A_47 = arith.andi %squeeze3A_45, %and3A_46 : i32
      %min3A_48 = arith.constant 999984 : i32
      %min3A_49 = arith.minsi %and3A_47, %min3A_48 : i32
      %multiple_of3A_50 = tpu.assume_multiple %min3A_49, 8 : i32
      %sub3A_51 = arith.subi %squeeze3A_45, %multiple_of3A_50 : i32
      %lt3A_52 = arith.constant 7 : i32
      %lt3A_53 = arith.cmpi slt, %sub3A_51, %lt3A_52 : i32
      %convert_element_type3A_54 = arith.extui %lt3A_53 : i1 to i32
      %cond3A_55 = arith.constant 0 : i32
      %cond3A_56 = arith.cmpi ne, %convert_element_type3A_54, %cond3A_55 : i32
      scf.if %cond3A_56 {
        %dma_start3A = arith.constant 2 : i32
        %dma_start3A_2256 = arith.constant 2 : i32
        %dma_start3A_2257 = arith.constant 0 : i32
        %dma_start3A_2258 = arith.constant 0 : i32
        %dma_start3A_2259 = tpu.memref_slice %arg8[%dma_start3A, %dma_start3A_2257, %dma_start3A_2258] : memref<16x16x51xf32, #tpu.memory_space<vmem>> -> memref<1x8x51xf32, #tpu.memory_space<vmem>>
        %dma_start3A_2260 = tpu.memref_squeeze %dma_start3A_2259 : memref<1x8x51xf32, #tpu.memory_space<vmem>> -> memref<8x51xf32, #tpu.memory_space<vmem>>
        %dma_start3A_2261 = arith.constant 0 : i32
        %dma_start3A_2262 = tpu.memref_slice %arg3[%multiple_of3A_50, %dma_start3A_2261] : memref<1000001x51xf32, #tpu.memory_space<hbm>> -> memref<8x51xf32, #tpu.memory_space<hbm>>
        %dma_start3A_2263 = tpu.memref_slice %arg10[%dma_start3A_2256] : memref<16x!tpu.dma_semaphore, #tpu.memory_space<semaphore_mem>> -> memref<1x!tpu.dma_semaphore, #tpu.memory_space<semaphore_mem>>
        %dma_start3A_2264 = tpu.memref_squeeze %dma_start3A_2263 : memref<1x!tpu.dma_semaphore, #tpu.memory_space<semaphore_mem>> -> memref<!tpu.dma_semaphore, #tpu.memory_space<semaphore_mem>>
        %dma_start3A_2265 = arith.constant 0 : i32
        %dma_start3A_2266 = arith.constant 0 : i32
        %dma_start3A_2267 = tpu.memref_slice %arg8[%dma_start3A, %dma_start3A_2265, %dma_start3A_2266] : memref<16x16x51xf32, #tpu.memory_space<vmem>> -> memref<1x8x51xf32, #tpu.memory_space<vmem>>
        %dma_start3A_2268 = tpu.memref_squeeze %dma_start3A_2267 : memref<1x8x51xf32, #tpu.memory_space<vmem>> -> memref<8x51xf32, #tpu.memory_space<vmem>>
        %dma_start3A_2269 = arith.constant 0 : i32
        %dma_start3A_2270 = tpu.memref_slice %arg3[%multiple_of3A_50, %dma_start3A_2269] : memref<1000001x51xf32, #tpu.memory_space<hbm>> -> memref<8x51xf32, #tpu.memory_space<hbm>>
        tpu.enqueue_dma source(%dma_start3A_2270 : memref<8x51xf32, #tpu.memory_space<hbm>>) target(%dma_start3A_2268 : memref<8x51xf32, #tpu.memory_space<vmem>>) target_semaphore(%dma_start3A_2264 : memref<!tpu.dma_semaphore, #tpu.memory_space<semaphore_mem>>)
      } else {
      }
      %ge3A_57 = arith.constant 7 : i32
      %ge3A_58 = arith.cmpi sge, %sub3A_51, %ge3A_57 : i32
      %convert_element_type3A_59 = arith.extui %ge3A_58 : i1 to i32
      %cond3A_60 = arith.constant 0 : i32
      %cond3A_61 = arith.cmpi ne, %convert_element_type3A_59, %cond3A_60 : i32
      scf.if %cond3A_61 {
        %dma_start3A = arith.constant 2 : i32
        %dma_start3A_2256 = arith.constant 2 : i32
        %dma_start3A_2257 = arith.constant 0 : i32
        %dma_start3A_2258 = arith.constant 0 : i32
        %dma_start3A_2259 = tpu.memref_slice %arg8[%dma_start3A, %dma_start3A_2257, %dma_start3A_2258] : memref<16x16x51xf32, #tpu.memory_space<vmem>> -> memref<1x16x51xf32, #tpu.memory_space<vmem>>
        %dma_start3A_2260 = tpu.memref_squeeze %dma_start3A_2259 : memref<1x16x51xf32, #tpu.memory_space<vmem>> -> memref<16x51xf32, #tpu.memory_space<vmem>>
        %dma_start3A_2261 = arith.constant 0 : i32
        %dma_start3A_2262 = tpu.memref_slice %arg3[%multiple_of3A_50, %dma_start3A_2261] : memref<1000001x51xf32, #tpu.memory_space<hbm>> -> memref<16x51xf32, #tpu.memory_space<hbm>>
        %dma_start3A_2263 = tpu.memref_slice %arg10[%dma_start3A_2256] : memref<16x!tpu.dma_semaphore, #tpu.memory_space<semaphore_mem>> -> memref<1x!tpu.dma_semaphore, #tpu.memory_space<semaphore_mem>>
        %dma_start3A_2264 = tpu.memref_squeeze %dma_start3A_2263 : memref<1x!tpu.dma_semaphore, #tpu.memory_space<semaphore_mem>> -> memref<!tpu.dma_semaphore, #tpu.memory_space<semaphore_mem>>
        %dma_start3A_2265 = arith.constant 0 : i32
        %dma_start3A_2266 = arith.constant 0 : i32
        %dma_start3A_2267 = tpu.memref_slice %arg8[%dma_start3A, %dma_start3A_2265, %dma_start3A_2266] : memref<16x16x51xf32, #tpu.memory_space<vmem>> -> memref<1x16x51xf32, #tpu.memory_space<vmem>>
        %dma_start3A_2268 = tpu.memref_squeeze %dma_start3A_2267 : memref<1x16x51xf32, #tpu.memory_space<vmem>> -> memref<16x51xf32, #tpu.memory_space<vmem>>
        %dma_start3A_2269 = arith.constant 0 : i32
        %dma_start3A_2270 = tpu.memref_slice %arg3[%multiple_of3A_50, %dma_start3A_2269] : memref<1000001x51xf32, #tpu.memory_space<hbm>> -> memref<16x51xf32, #tpu.memory_space<hbm>>
        tpu.enqueue_dma source(%dma_start3A_2270 : memref<16x51xf32, #tpu.memory_space<hbm>>) target(%dma_start3A_2268 : memref<16x51xf32, #tpu.memory_space<vmem>>) target_semaphore(%dma_start3A_2264 : memref<!tpu.dma_semaphore, #tpu.memory_space<semaphore_mem>>)
      } else {
      }
      %slice3A_62 = vector.extract_strided_slice %get3A_17 {offsets = [3], sizes = [1], strides = [1]} : vector<16xi32> to vector<1xi32>
      %squeeze3A_63 = vector.extract %slice3A_62[0] : i32 from vector<1xi32>
      %and3A_64 = arith.constant -8 : i32
      %and3A_65 = arith.andi %squeeze3A_63, %and3A_64 : i32
      %min3A_66 = arith.constant 999984 : i32
      %min3A_67 = arith.minsi %and3A_65, %min3A_66 : i32
      %multiple_of3A_68 = tpu.assume_multiple %min3A_67, 8 : i32
      %sub3A_69 = arith.subi %squeeze3A_63, %multiple_of3A_68 : i32
      %lt3A_70 = arith.constant 7 : i32
      %lt3A_71 = arith.cmpi slt, %sub3A_69, %lt3A_70 : i32
      %convert_element_type3A_72 = arith.extui %lt3A_71 : i1 to i32
      %cond3A_73 = arith.constant 0 : i32
      %cond3A_74 = arith.cmpi ne, %convert_element_type3A_72, %cond3A_73 : i32
      scf.if %cond3A_74 {
        %dma_start3A = arith.constant 3 : i32
        %dma_start3A_2256 = arith.constant 3 : i32
        %dma_start3A_2257 = arith.constant 0 : i32
        %dma_start3A_2258 = arith.constant 0 : i32
        %dma_start3A_2259 = tpu.memref_slice %arg8[%dma_start3A, %dma_start3A_2257, %dma_start3A_2258] : memref<16x16x51xf32, #tpu.memory_space<vmem>> -> memref<1x8x51xf32, #tpu.memory_space<vmem>>
        %dma_start3A_2260 = tpu.memref_squeeze %dma_start3A_2259 : memref<1x8x51xf32, #tpu.memory_space<vmem>> -> memref<8x51xf32, #tpu.memory_space<vmem>>
        %dma_start3A_2261 = arith.constant 0 : i32
        %dma_start3A_2262 = tpu.memref_slice %arg3[%multiple_of3A_68, %dma_start3A_2261] : memref<1000001x51xf32, #tpu.memory_space<hbm>> -> memref<8x51xf32, #tpu.memory_space<hbm>>
        %dma_start3A_2263 = tpu.memref_slice %arg10[%dma_start3A_2256] : memref<16x!tpu.dma_semaphore, #tpu.memory_space<semaphore_mem>> -> memref<1x!tpu.dma_semaphore, #tpu.memory_space<semaphore_mem>>
        %dma_start3A_2264 = tpu.memref_squeeze %dma_start3A_2263 : memref<1x!tpu.dma_semaphore, #tpu.memory_space<semaphore_mem>> -> memref<!tpu.dma_semaphore, #tpu.memory_space<semaphore_mem>>
        %dma_start3A_2265 = arith.constant 0 : i32
        %dma_start3A_2266 = arith.constant 0 : i32
        %dma_start3A_2267 = tpu.memref_slice %arg8[%dma_start3A, %dma_start3A_2265, %dma_start3A_2266] : memref<16x16x51xf32, #tpu.memory_space<vmem>> -> memref<1x8x51xf32, #tpu.memory_space<vmem>>
        %dma_start3A_2268 = tpu.memref_squeeze %dma_start3A_2267 : memref<1x8x51xf32, #tpu.memory_space<vmem>> -> memref<8x51xf32, #tpu.memory_space<vmem>>
        %dma_start3A_2269 = arith.constant 0 : i32
        %dma_start3A_2270 = tpu.memref_slice %arg3[%multiple_of3A_68, %dma_start3A_2269] : memref<1000001x51xf32, #tpu.memory_space<hbm>> -> memref<8x51xf32, #tpu.memory_space<hbm>>
        tpu.enqueue_dma source(%dma_start3A_2270 : memref<8x51xf32, #tpu.memory_space<hbm>>) target(%dma_start3A_2268 : memref<8x51xf32, #tpu.memory_space<vmem>>) target_semaphore(%dma_start3A_2264 : memref<!tpu.dma_semaphore, #tpu.memory_space<semaphore_mem>>)
      } else {
      }
      %ge3A_75 = arith.constant 7 : i32
      %ge3A_76 = arith.cmpi sge, %sub3A_69, %ge3A_75 : i32
      %convert_element_type3A_77 = arith.extui %ge3A_76 : i1 to i32
      %cond3A_78 = arith.constant 0 : i32
      %cond3A_79 = arith.cmpi ne, %convert_element_type3A_77, %cond3A_78 : i32
      scf.if %cond3A_79 {
        %dma_start3A = arith.constant 3 : i32
        %dma_start3A_2256 = arith.constant 3 : i32
        %dma_start3A_2257 = arith.constant 0 : i32
        %dma_start3A_2258 = arith.constant 0 : i32
        %dma_start3A_2259 = tpu.memref_slice %arg8[%dma_start3A, %dma_start3A_2257, %dma_start3A_2258] : memref<16x16x51xf32, #tpu.memory_space<vmem>> -> memref<1x16x51xf32, #tpu.memory_space<vmem>>
        %dma_start3A_2260 = tpu.memref_squeeze %dma_start3A_2259 : memref<1x16x51xf32, #tpu.memory_space<vmem>> -> memref<16x51xf32, #tpu.memory_space<vmem>>
        %dma_start3A_2261 = arith.constant 0 : i32
        %dma_start3A_2262 = tpu.memref_slice %arg3[%multiple_of3A_68, %dma_start3A_2261] : memref<1000001x51xf32, #tpu.memory_space<hbm>> -> memref<16x51xf32, #tpu.memory_space<hbm>>
        %dma_start3A_2263 = tpu.memref_slice %arg10[%dma_start3A_2256] : memref<16x!tpu.dma_semaphore, #tpu.memory_space<semaphore_mem>> -> memref<1x!tpu.dma_semaphore, #tpu.memory_space<semaphore_mem>>
        %dma_start3A_2264 = tpu.memref_squeeze %dma_start3A_2263 : memref<1x!tpu.dma_semaphore, #tpu.memory_space<semaphore_mem>> -> memref<!tpu.dma_semaphore, #tpu.memory_space<semaphore_mem>>
        %dma_start3A_2265 = arith.constant 0 : i32
        %dma_start3A_2266 = arith.constant 0 : i32
        %dma_start3A_2267 = tpu.memref_slice %arg8[%dma_start3A, %dma_start3A_2265, %dma_start3A_2266] : memref<16x16x51xf32, #tpu.memory_space<vmem>> -> memref<1x16x51xf32, #tpu.memory_space<vmem>>
        %dma_start3A_2268 = tpu.memref_squeeze %dma_start3A_2267 : memref<1x16x51xf32, #tpu.memory_space<vmem>> -> memref<16x51xf32, #tpu.memory_space<vmem>>
        %dma_start3A_2269 = arith.constant 0 : i32
        %dma_start3A_2270 = tpu.memref_slice %arg3[%multiple_of3A_68, %dma_start3A_2269] : memref<1000001x51xf32, #tpu.memory_space<hbm>> -> memref<16x51xf32, #tpu.memory_space<hbm>>
        tpu.enqueue_dma source(%dma_start3A_2270 : memref<16x51xf32, #tpu.memory_space<hbm>>) target(%dma_start3A_2268 : memref<16x51xf32, #tpu.memory_space<vmem>>) target_semaphore(%dma_start3A_2264 : memref<!tpu.dma_semaphore, #tpu.memory_space<semaphore_mem>>)
      } else {
      }
      %slice3A_80 = vector.extract_strided_slice %get3A_17 {offsets = [4], sizes = [1], strides = [1]} : vector<16xi32> to vector<1xi32>
      %squeeze3A_81 = vector.extract %slice3A_80[0] : i32 from vector<1xi32>
      %and3A_82 = arith.constant -8 : i32
      %and3A_83 = arith.andi %squeeze3A_81, %and3A_82 : i32
      %min3A_84 = arith.constant 999984 : i32
      %min3A_85 = arith.minsi %and3A_83, %min3A_84 : i32
      %multiple_of3A_86 = tpu.assume_multiple %min3A_85, 8 : i32
      %sub3A_87 = arith.subi %squeeze3A_81, %multiple_of3A_86 : i32
      %lt3A_88 = arith.constant 7 : i32
      %lt3A_89 = arith.cmpi slt, %sub3A_87, %lt3A_88 : i32
      %convert_element_type3A_90 = arith.extui %lt3A_89 : i1 to i32
      %cond3A_91 = arith.constant 0 : i32
      %cond3A_92 = arith.cmpi ne, %convert_element_type3A_90, %cond3A_91 : i32
      scf.if %cond3A_92 {
        %dma_start3A = arith.constant 4 : i32
        %dma_start3A_2256 = arith.constant 4 : i32
        %dma_start3A_2257 = arith.constant 0 : i32
        %dma_start3A_2258 = arith.constant 0 : i32
        %dma_start3A_2259 = tpu.memref_slice %arg8[%dma_start3A, %dma_start3A_2257, %dma_start3A_2258] : memref<16x16x51xf32, #tpu.memory_space<vmem>> -> memref<1x8x51xf32, #tpu.memory_space<vmem>>
        %dma_start3A_2260 = tpu.memref_squeeze %dma_start3A_2259 : memref<1x8x51xf32, #tpu.memory_space<vmem>> -> memref<8x51xf32, #tpu.memory_space<vmem>>
        %dma_start3A_2261 = arith.constant 0 : i32
        %dma_start3A_2262 = tpu.memref_slice %arg3[%multiple_of3A_86, %dma_start3A_2261] : memref<1000001x51xf32, #tpu.memory_space<hbm>> -> memref<8x51xf32, #tpu.memory_space<hbm>>
        %dma_start3A_2263 = tpu.memref_slice %arg10[%dma_start3A_2256] : memref<16x!tpu.dma_semaphore, #tpu.memory_space<semaphore_mem>> -> memref<1x!tpu.dma_semaphore, #tpu.memory_space<semaphore_mem>>
        %dma_start3A_2264 = tpu.memref_squeeze %dma_start3A_2263 : memref<1x!tpu.dma_semaphore, #tpu.memory_space<semaphore_mem>> -> memref<!tpu.dma_semaphore, #tpu.memory_space<semaphore_mem>>
        %dma_start3A_2265 = arith.constant 0 : i32
        %dma_start3A_2266 = arith.constant 0 : i32
        %dma_start3A_2267 = tpu.memref_slice %arg8[%dma_start3A, %dma_start3A_2265, %dma_start3A_2266] : memref<16x16x51xf32, #tpu.memory_space<vmem>> -> memref<1x8x51xf32, #tpu.memory_space<vmem>>
        %dma_start3A_2268 = tpu.memref_squeeze %dma_start3A_2267 : memref<1x8x51xf32, #tpu.memory_space<vmem>> -> memref<8x51xf32, #tpu.memory_space<vmem>>
        %dma_start3A_2269 = arith.constant 0 : i32
        %dma_start3A_2270 = tpu.memref_slice %arg3[%multiple_of3A_86, %dma_start3A_2269] : memref<1000001x51xf32, #tpu.memory_space<hbm>> -> memref<8x51xf32, #tpu.memory_space<hbm>>
        tpu.enqueue_dma source(%dma_start3A_2270 : memref<8x51xf32, #tpu.memory_space<hbm>>) target(%dma_start3A_2268 : memref<8x51xf32, #tpu.memory_space<vmem>>) target_semaphore(%dma_start3A_2264 : memref<!tpu.dma_semaphore, #tpu.memory_space<semaphore_mem>>)
      } else {
      }
      %ge3A_93 = arith.constant 7 : i32
      %ge3A_94 = arith.cmpi sge, %sub3A_87, %ge3A_93 : i32
      %convert_element_type3A_95 = arith.extui %ge3A_94 : i1 to i32
      %cond3A_96 = arith.constant 0 : i32
      %cond3A_97 = arith.cmpi ne, %convert_element_type3A_95, %cond3A_96 : i32
      scf.if %cond3A_97 {
        %dma_start3A = arith.constant 4 : i32
        %dma_start3A_2256 = arith.constant 4 : i32
        %dma_start3A_2257 = arith.constant 0 : i32
        %dma_start3A_2258 = arith.constant 0 : i32
        %dma_start3A_2259 = tpu.memref_slice %arg8[%dma_start3A, %dma_start3A_2257, %dma_start3A_2258] : memref<16x16x51xf32, #tpu.memory_space<vmem>> -> memref<1x16x51xf32, #tpu.memory_space<vmem>>
        %dma_start3A_2260 = tpu.memref_squeeze %dma_start3A_2259 : memref<1x16x51xf32, #tpu.memory_space<vmem>> -> memref<16x51xf32, #tpu.memory_space<vmem>>
        %dma_start3A_2261 = arith.constant 0 : i32
        %dma_start3A_2262 = tpu.memref_slice %arg3[%multiple_of3A_86, %dma_start3A_2261] : memref<1000001x51xf32, #tpu.memory_space<hbm>> -> memref<16x51xf32, #tpu.memory_space<hbm>>
        %dma_start3A_2263 = tpu.memref_slice %arg10[%dma_start3A_2256] : memref<16x!tpu.dma_semaphore, #tpu.memory_space<semaphore_mem>> -> memref<1x!tpu.dma_semaphore, #tpu.memory_space<semaphore_mem>>
        %dma_start3A_2264 = tpu.memref_squeeze %dma_start3A_2263 : memref<1x!tpu.dma_semaphore, #tpu.memory_space<semaphore_mem>> -> memref<!tpu.dma_semaphore, #tpu.memory_space<semaphore_mem>>
        %dma_start3A_2265 = arith.constant 0 : i32
        %dma_start3A_2266 = arith.constant 0 : i32
        %dma_start3A_2267 = tpu.memref_slice %arg8[%dma_start3A, %dma_start3A_2265, %dma_start3A_2266] : memref<16x16x51xf32, #tpu.memory_space<vmem>> -> memref<1x16x51xf32, #tpu.memory_space<vmem>>
        %dma_start3A_2268 = tpu.memref_squeeze %dma_start3A_2267 : memref<1x16x51xf32, #tpu.memory_space<vmem>> -> memref<16x51xf32, #tpu.memory_space<vmem>>
        %dma_start3A_2269 = arith.constant 0 : i32
        %dma_start3A_2270 = tpu.memref_slice %arg3[%multiple_of3A_86, %dma_start3A_2269] : memref<1000001x51xf32, #tpu.memory_space<hbm>> -> memref<16x51xf32, #tpu.memory_space<hbm>>
        tpu.enqueue_dma source(%dma_start3A_2270 : memref<16x51xf32, #tpu.memory_space<hbm>>) target(%dma_start3A_2268 : memref<16x51xf32, #tpu.memory_space<vmem>>) target_semaphore(%dma_start3A_2264 : memref<!tpu.dma_semaphore, #tpu.memory_space<semaphore_mem>>)
      } else {
      }
      %slice3A_98 = vector.extract_strided_slice %get3A_17 {offsets = [5], sizes = [1], strides = [1]} : vector<16xi32> to vector<1xi32>
      %squeeze3A_99 = vector.extract %slice3A_98[0] : i32 from vector<1xi32>
      %and3A_100 = arith.constant -8 : i32
      %and3A_101 = arith.andi %squeeze3A_99, %and3A_100 : i32
      %min3A_102 = arith.constant 999984 : i32
      %min3A_103 = arith.minsi %and3A_101, %min3A_102 : i32
      %multiple_of3A_104 = tpu.assume_multiple %min3A_103, 8 : i32
      %sub3A_105 = arith.subi %squeeze3A_99, %multiple_of3A_104 : i32
      %lt3A_106 = arith.constant 7 : i32
      %lt3A_107 = arith.cmpi slt, %sub3A_105, %lt3A_106 : i32
      %convert_element_type3A_108 = arith.extui %lt3A_107 : i1 to i32
      %cond3A_109 = arith.constant 0 : i32
      %cond3A_110 = arith.cmpi ne, %convert_element_type3A_108, %cond3A_109 : i32
      scf.if %cond3A_110 {
        %dma_start3A = arith.constant 5 : i32
        %dma_start3A_2256 = arith.constant 5 : i32
        %dma_start3A_2257 = arith.constant 0 : i32
        %dma_start3A_2258 = arith.constant 0 : i32
        %dma_start3A_2259 = tpu.memref_slice %arg8[%dma_start3A, %dma_start3A_2257, %dma_start3A_2258] : memref<16x16x51xf32, #tpu.memory_space<vmem>> -> memref<1x8x51xf32, #tpu.memory_space<vmem>>
        %dma_start3A_2260 = tpu.memref_squeeze %dma_start3A_2259 : memref<1x8x51xf32, #tpu.memory_space<vmem>> -> memref<8x51xf32, #tpu.memory_space<vmem>>
        %dma_start3A_2261 = arith.constant 0 : i32
        %dma_start3A_2262 = tpu.memref_slice %arg3[%multiple_of3A_104, %dma_start3A_2261] : memref<1000001x51xf32, #tpu.memory_space<hbm>> -> memref<8x51xf32, #tpu.memory_space<hbm>>
        %dma_start3A_2263 = tpu.memref_slice %arg10[%dma_start3A_2256] : memref<16x!tpu.dma_semaphore, #tpu.memory_space<semaphore_mem>> -> memref<1x!tpu.dma_semaphore, #tpu.memory_space<semaphore_mem>>
        %dma_start3A_2264 = tpu.memref_squeeze %dma_start3A_2263 : memref<1x!tpu.dma_semaphore, #tpu.memory_space<semaphore_mem>> -> memref<!tpu.dma_semaphore, #tpu.memory_space<semaphore_mem>>
        %dma_start3A_2265 = arith.constant 0 : i32
        %dma_start3A_2266 = arith.constant 0 : i32
        %dma_start3A_2267 = tpu.memref_slice %arg8[%dma_start3A, %dma_start3A_2265, %dma_start3A_2266] : memref<16x16x51xf32, #tpu.memory_space<vmem>> -> memref<1x8x51xf32, #tpu.memory_space<vmem>>
        %dma_start3A_2268 = tpu.memref_squeeze %dma_start3A_2267 : memref<1x8x51xf32, #tpu.memory_space<vmem>> -> memref<8x51xf32, #tpu.memory_space<vmem>>
        %dma_start3A_2269 = arith.constant 0 : i32
        %dma_start3A_2270 = tpu.memref_slice %arg3[%multiple_of3A_104, %dma_start3A_2269] : memref<1000001x51xf32, #tpu.memory_space<hbm>> -> memref<8x51xf32, #tpu.memory_space<hbm>>
        tpu.enqueue_dma source(%dma_start3A_2270 : memref<8x51xf32, #tpu.memory_space<hbm>>) target(%dma_start3A_2268 : memref<8x51xf32, #tpu.memory_space<vmem>>) target_semaphore(%dma_start3A_2264 : memref<!tpu.dma_semaphore, #tpu.memory_space<semaphore_mem>>)
      } else {
      }
      %ge3A_111 = arith.constant 7 : i32
      %ge3A_112 = arith.cmpi sge, %sub3A_105, %ge3A_111 : i32
      %convert_element_type3A_113 = arith.extui %ge3A_112 : i1 to i32
      %cond3A_114 = arith.constant 0 : i32
      %cond3A_115 = arith.cmpi ne, %convert_element_type3A_113, %cond3A_114 : i32
      scf.if %cond3A_115 {
        %dma_start3A = arith.constant 5 : i32
        %dma_start3A_2256 = arith.constant 5 : i32
        %dma_start3A_2257 = arith.constant 0 : i32
        %dma_start3A_2258 = arith.constant 0 : i32
        %dma_start3A_2259 = tpu.memref_slice %arg8[%dma_start3A, %dma_start3A_2257, %dma_start3A_2258] : memref<16x16x51xf32, #tpu.memory_space<vmem>> -> memref<1x16x51xf32, #tpu.memory_space<vmem>>
        %dma_start3A_2260 = tpu.memref_squeeze %dma_start3A_2259 : memref<1x16x51xf32, #tpu.memory_space<vmem>> -> memref<16x51xf32, #tpu.memory_space<vmem>>
        %dma_start3A_2261 = arith.constant 0 : i32
        %dma_start3A_2262 = tpu.memref_slice %arg3[%multiple_of3A_104, %dma_start3A_2261] : memref<1000001x51xf32, #tpu.memory_space<hbm>> -> memref<16x51xf32, #tpu.memory_space<hbm>>
        %dma_start3A_2263 = tpu.memref_slice %arg10[%dma_start3A_2256] : memref<16x!tpu.dma_semaphore, #tpu.memory_space<semaphore_mem>> -> memref<1x!tpu.dma_semaphore, #tpu.memory_space<semaphore_mem>>
        %dma_start3A_2264 = tpu.memref_squeeze %dma_start3A_2263 : memref<1x!tpu.dma_semaphore, #tpu.memory_space<semaphore_mem>> -> memref<!tpu.dma_semaphore, #tpu.memory_space<semaphore_mem>>
        %dma_start3A_2265 = arith.constant 0 : i32
        %dma_start3A_2266 = arith.constant 0 : i32
        %dma_start3A_2267 = tpu.memref_slice %arg8[%dma_start3A, %dma_start3A_2265, %dma_start3A_2266] : memref<16x16x51xf32, #tpu.memory_space<vmem>> -> memref<1x16x51xf32, #tpu.memory_space<vmem>>
        %dma_start3A_2268 = tpu.memref_squeeze %dma_start3A_2267 : memref<1x16x51xf32, #tpu.memory_space<vmem>> -> memref<16x51xf32, #tpu.memory_space<vmem>>
        %dma_start3A_2269 = arith.constant 0 : i32
        %dma_start3A_2270 = tpu.memref_slice %arg3[%multiple_of3A_104, %dma_start3A_2269] : memref<1000001x51xf32, #tpu.memory_space<hbm>> -> memref<16x51xf32, #tpu.memory_space<hbm>>
        tpu.enqueue_dma source(%dma_start3A_2270 : memref<16x51xf32, #tpu.memory_space<hbm>>) target(%dma_start3A_2268 : memref<16x51xf32, #tpu.memory_space<vmem>>) target_semaphore(%dma_start3A_2264 : memref<!tpu.dma_semaphore, #tpu.memory_space<semaphore_mem>>)
      } else {
      }
      %slice3A_116 = vector.extract_strided_slice %get3A_17 {offsets = [6], sizes = [1], strides = [1]} : vector<16xi32> to vector<1xi32>
      %squeeze3A_117 = vector.extract %slice3A_116[0] : i32 from vector<1xi32>
      %and3A_118 = arith.constant -8 : i32
      %and3A_119 = arith.andi %squeeze3A_117, %and3A_118 : i32
      %min3A_120 = arith.constant 999984 : i32
      %min3A_121 = arith.minsi %and3A_119, %min3A_120 : i32
      %multiple_of3A_122 = tpu.assume_multiple %min3A_121, 8 : i32
      %sub3A_123 = arith.subi %squeeze3A_117, %multiple_of3A_122 : i32
      %lt3A_124 = arith.constant 7 : i32
      %lt3A_125 = arith.cmpi slt, %sub3A_123, %lt3A_124 : i32
      %convert_element_type3A_126 = arith.extui %lt3A_125 : i1 to i32
      %cond3A_127 = arith.constant 0 : i32
      %cond3A_128 = arith.cmpi ne, %convert_element_type3A_126, %cond3A_127 : i32
      scf.if %cond3A_128 {
        %dma_start3A = arith.constant 6 : i32
        %dma_start3A_2256 = arith.constant 6 : i32
        %dma_start3A_2257 = arith.constant 0 : i32
        %dma_start3A_2258 = arith.constant 0 : i32
        %dma_start3A_2259 = tpu.memref_slice %arg8[%dma_start3A, %dma_start3A_2257, %dma_start3A_2258] : memref<16x16x51xf32, #tpu.memory_space<vmem>> -> memref<1x8x51xf32, #tpu.memory_space<vmem>>
        %dma_start3A_2260 = tpu.memref_squeeze %dma_start3A_2259 : memref<1x8x51xf32, #tpu.memory_space<vmem>> -> memref<8x51xf32, #tpu.memory_space<vmem>>
        %dma_start3A_2261 = arith.constant 0 : i32
        %dma_start3A_2262 = tpu.memref_slice %arg3[%multiple_of3A_122, %dma_start3A_2261] : memref<1000001x51xf32, #tpu.memory_space<hbm>> -> memref<8x51xf32, #tpu.memory_space<hbm>>
        %dma_start3A_2263 = tpu.memref_slice %arg10[%dma_start3A_2256] : memref<16x!tpu.dma_semaphore, #tpu.memory_space<semaphore_mem>> -> memref<1x!tpu.dma_semaphore, #tpu.memory_space<semaphore_mem>>
        %dma_start3A_2264 = tpu.memref_squeeze %dma_start3A_2263 : memref<1x!tpu.dma_semaphore, #tpu.memory_space<semaphore_mem>> -> memref<!tpu.dma_semaphore, #tpu.memory_space<semaphore_mem>>
        %dma_start3A_2265 = arith.constant 0 : i32
        %dma_start3A_2266 = arith.constant 0 : i32
        %dma_start3A_2267 = tpu.memref_slice %arg8[%dma_start3A, %dma_start3A_2265, %dma_start3A_2266] : memref<16x16x51xf32, #tpu.memory_space<vmem>> -> memref<1x8x51xf32, #tpu.memory_space<vmem>>
        %dma_start3A_2268 = tpu.memref_squeeze %dma_start3A_2267 : memref<1x8x51xf32, #tpu.memory_space<vmem>> -> memref<8x51xf32, #tpu.memory_space<vmem>>
        %dma_start3A_2269 = arith.constant 0 : i32
        %dma_start3A_2270 = tpu.memref_slice %arg3[%multiple_of3A_122, %dma_start3A_2269] : memref<1000001x51xf32, #tpu.memory_space<hbm>> -> memref<8x51xf32, #tpu.memory_space<hbm>>
        tpu.enqueue_dma source(%dma_start3A_2270 : memref<8x51xf32, #tpu.memory_space<hbm>>) target(%dma_start3A_2268 : memref<8x51xf32, #tpu.memory_space<vmem>>) target_semaphore(%dma_start3A_2264 : memref<!tpu.dma_semaphore, #tpu.memory_space<semaphore_mem>>)
      } else {
      }
      %ge3A_129 = arith.constant 7 : i32
      %ge3A_130 = arith.cmpi sge, %sub3A_123, %ge3A_129 : i32
      %convert_element_type3A_131 = arith.extui %ge3A_130 : i1 to i32
      %cond3A_132 = arith.constant 0 : i32
      %cond3A_133 = arith.cmpi ne, %convert_element_type3A_131, %cond3A_132 : i32
      scf.if %cond3A_133 {
        %dma_start3A = arith.constant 6 : i32
        %dma_start3A_2256 = arith.constant 6 : i32
        %dma_start3A_2257 = arith.constant 0 : i32
        %dma_start3A_2258 = arith.constant 0 : i32
        %dma_start3A_2259 = tpu.memref_slice %arg8[%dma_start3A, %dma_start3A_2257, %dma_start3A_2258] : memref<16x16x51xf32, #tpu.memory_space<vmem>> -> memref<1x16x51xf32, #tpu.memory_space<vmem>>
        %dma_start3A_2260 = tpu.memref_squeeze %dma_start3A_2259 : memref<1x16x51xf32, #tpu.memory_space<vmem>> -> memref<16x51xf32, #tpu.memory_space<vmem>>
        %dma_start3A_2261 = arith.constant 0 : i32
        %dma_start3A_2262 = tpu.memref_slice %arg3[%multiple_of3A_122, %dma_start3A_2261] : memref<1000001x51xf32, #tpu.memory_space<hbm>> -> memref<16x51xf32, #tpu.memory_space<hbm>>
        %dma_start3A_2263 = tpu.memref_slice %arg10[%dma_start3A_2256] : memref<16x!tpu.dma_semaphore, #tpu.memory_space<semaphore_mem>> -> memref<1x!tpu.dma_semaphore, #tpu.memory_space<semaphore_mem>>
        %dma_start3A_2264 = tpu.memref_squeeze %dma_start3A_2263 : memref<1x!tpu.dma_semaphore, #tpu.memory_space<semaphore_mem>> -> memref<!tpu.dma_semaphore, #tpu.memory_space<semaphore_mem>>
        %dma_start3A_2265 = arith.constant 0 : i32
        %dma_start3A_2266 = arith.constant 0 : i32
        %dma_start3A_2267 = tpu.memref_slice %arg8[%dma_start3A, %dma_start3A_2265, %dma_start3A_2266] : memref<16x16x51xf32, #tpu.memory_space<vmem>> -> memref<1x16x51xf32, #tpu.memory_space<vmem>>
        %dma_start3A_2268 = tpu.memref_squeeze %dma_start3A_2267 : memref<1x16x51xf32, #tpu.memory_space<vmem>> -> memref<16x51xf32, #tpu.memory_space<vmem>>
        %dma_start3A_2269 = arith.constant 0 : i32
        %dma_start3A_2270 = tpu.memref_slice %arg3[%multiple_of3A_122, %dma_start3A_2269] : memref<1000001x51xf32, #tpu.memory_space<hbm>> -> memref<16x51xf32, #tpu.memory_space<hbm>>
        tpu.enqueue_dma source(%dma_start3A_2270 : memref<16x51xf32, #tpu.memory_space<hbm>>) target(%dma_start3A_2268 : memref<16x51xf32, #tpu.memory_space<vmem>>) target_semaphore(%dma_start3A_2264 : memref<!tpu.dma_semaphore, #tpu.memory_space<semaphore_mem>>)
      } else {
      }
      %slice3A_134 = vector.extract_strided_slice %get3A_17 {offsets = [7], sizes = [1], strides = [1]} : vector<16xi32> to vector<1xi32>
      %squeeze3A_135 = vector.extract %slice3A_134[0] : i32 from vector<1xi32>
      %and3A_136 = arith.constant -8 : i32
      %and3A_137 = arith.andi %squeeze3A_135, %and3A_136 : i32
      %min3A_138 = arith.constant 999984 : i32
      %min3A_139 = arith.minsi %and3A_137, %min3A_138 : i32
      %multiple_of3A_140 = tpu.assume_multiple %min3A_139, 8 : i32
      %sub3A_141 = arith.subi %squeeze3A_135, %multiple_of3A_140 : i32
      %lt3A_142 = arith.constant 7 : i32
      %lt3A_143 = arith.cmpi slt, %sub3A_141, %lt3A_142 : i32
      %convert_element_type3A_144 = arith.extui %lt3A_143 : i1 to i32
      %cond3A_145 = arith.constant 0 : i32
      %cond3A_146 = arith.cmpi ne, %convert_element_type3A_144, %cond3A_145 : i32
      scf.if %cond3A_146 {
        %dma_start3A = arith.constant 7 : i32
        %dma_start3A_2256 = arith.constant 7 : i32
        %dma_start3A_2257 = arith.constant 0 : i32
        %dma_start3A_2258 = arith.constant 0 : i32
        %dma_start3A_2259 = tpu.memref_slice %arg8[%dma_start3A, %dma_start3A_2257, %dma_start3A_2258] : memref<16x16x51xf32, #tpu.memory_space<vmem>> -> memref<1x8x51xf32, #tpu.memory_space<vmem>>
        %dma_start3A_2260 = tpu.memref_squeeze %dma_start3A_2259 : memref<1x8x51xf32, #tpu.memory_space<vmem>> -> memref<8x51xf32, #tpu.memory_space<vmem>>
        %dma_start3A_2261 = arith.constant 0 : i32
        %dma_start3A_2262 = tpu.memref_slice %arg3[%multiple_of3A_140, %dma_start3A_2261] : memref<1000001x51xf32, #tpu.memory_space<hbm>> -> memref<8x51xf32, #tpu.memory_space<hbm>>
        %dma_start3A_2263 = tpu.memref_slice %arg10[%dma_start3A_2256] : memref<16x!tpu.dma_semaphore, #tpu.memory_space<semaphore_mem>> -> memref<1x!tpu.dma_semaphore, #tpu.memory_space<semaphore_mem>>
        %dma_start3A_2264 = tpu.memref_squeeze %dma_start3A_2263 : memref<1x!tpu.dma_semaphore, #tpu.memory_space<semaphore_mem>> -> memref<!tpu.dma_semaphore, #tpu.memory_space<semaphore_mem>>
        %dma_start3A_2265 = arith.constant 0 : i32
        %dma_start3A_2266 = arith.constant 0 : i32
        %dma_start3A_2267 = tpu.memref_slice %arg8[%dma_start3A, %dma_start3A_2265, %dma_start3A_2266] : memref<16x16x51xf32, #tpu.memory_space<vmem>> -> memref<1x8x51xf32, #tpu.memory_space<vmem>>
        %dma_start3A_2268 = tpu.memref_squeeze %dma_start3A_2267 : memref<1x8x51xf32, #tpu.memory_space<vmem>> -> memref<8x51xf32, #tpu.memory_space<vmem>>
        %dma_start3A_2269 = arith.constant 0 : i32
        %dma_start3A_2270 = tpu.memref_slice %arg3[%multiple_of3A_140, %dma_start3A_2269] : memref<1000001x51xf32, #tpu.memory_space<hbm>> -> memref<8x51xf32, #tpu.memory_space<hbm>>
        tpu.enqueue_dma source(%dma_start3A_2270 : memref<8x51xf32, #tpu.memory_space<hbm>>) target(%dma_start3A_2268 : memref<8x51xf32, #tpu.memory_space<vmem>>) target_semaphore(%dma_start3A_2264 : memref<!tpu.dma_semaphore, #tpu.memory_space<semaphore_mem>>)
      } else {
      }
      %ge3A_147 = arith.constant 7 : i32
      %ge3A_148 = arith.cmpi sge, %sub3A_141, %ge3A_147 : i32
      %convert_element_type3A_149 = arith.extui %ge3A_148 : i1 to i32
      %cond3A_150 = arith.constant 0 : i32
      %cond3A_151 = arith.cmpi ne, %convert_element_type3A_149, %cond3A_150 : i32
      scf.if %cond3A_151 {
        %dma_start3A = arith.constant 7 : i32
        %dma_start3A_2256 = arith.constant 7 : i32
        %dma_start3A_2257 = arith.constant 0 : i32
        %dma_start3A_2258 = arith.constant 0 : i32
        %dma_start3A_2259 = tpu.memref_slice %arg8[%dma_start3A, %dma_start3A_2257, %dma_start3A_2258] : memref<16x16x51xf32, #tpu.memory_space<vmem>> -> memref<1x16x51xf32, #tpu.memory_space<vmem>>
        %dma_start3A_2260 = tpu.memref_squeeze %dma_start3A_2259 : memref<1x16x51xf32, #tpu.memory_space<vmem>> -> memref<16x51xf32, #tpu.memory_space<vmem>>
        %dma_start3A_2261 = arith.constant 0 : i32
        %dma_start3A_2262 = tpu.memref_slice %arg3[%multiple_of3A_140, %dma_start3A_2261] : memref<1000001x51xf32, #tpu.memory_space<hbm>> -> memref<16x51xf32, #tpu.memory_space<hbm>>
        %dma_start3A_2263 = tpu.memref_slice %arg10[%dma_start3A_2256] : memref<16x!tpu.dma_semaphore, #tpu.memory_space<semaphore_mem>> -> memref<1x!tpu.dma_semaphore, #tpu.memory_space<semaphore_mem>>
        %dma_start3A_2264 = tpu.memref_squeeze %dma_start3A_2263 : memref<1x!tpu.dma_semaphore, #tpu.memory_space<semaphore_mem>> -> memref<!tpu.dma_semaphore, #tpu.memory_space<semaphore_mem>>
        %dma_start3A_2265 = arith.constant 0 : i32
        %dma_start3A_2266 = arith.constant 0 : i32
        %dma_start3A_2267 = tpu.memref_slice %arg8[%dma_start3A, %dma_start3A_2265, %dma_start3A_2266] : memref<16x16x51xf32, #tpu.memory_space<vmem>> -> memref<1x16x51xf32, #tpu.memory_space<vmem>>
        %dma_start3A_2268 = tpu.memref_squeeze %dma_start3A_2267 : memref<1x16x51xf32, #tpu.memory_space<vmem>> -> memref<16x51xf32, #tpu.memory_space<vmem>>
        %dma_start3A_2269 = arith.constant 0 : i32
        %dma_start3A_2270 = tpu.memref_slice %arg3[%multiple_of3A_140, %dma_start3A_2269] : memref<1000001x51xf32, #tpu.memory_space<hbm>> -> memref<16x51xf32, #tpu.memory_space<hbm>>
        tpu.enqueue_dma source(%dma_start3A_2270 : memref<16x51xf32, #tpu.memory_space<hbm>>) target(%dma_start3A_2268 : memref<16x51xf32, #tpu.memory_space<vmem>>) target_semaphore(%dma_start3A_2264 : memref<!tpu.dma_semaphore, #tpu.memory_space<semaphore_mem>>)
      } else {
      }
      %slice3A_152 = vector.extract_strided_slice %get3A_17 {offsets = [8], sizes = [1], strides = [1]} : vector<16xi32> to vector<1xi32>
      %squeeze3A_153 = vector.extract %slice3A_152[0] : i32 from vector<1xi32>
      %and3A_154 = arith.constant -8 : i32
      %and3A_155 = arith.andi %squeeze3A_153, %and3A_154 : i32
      %min3A_156 = arith.constant 999984 : i32
      %min3A_157 = arith.minsi %and3A_155, %min3A_156 : i32
      %multiple_of3A_158 = tpu.assume_multiple %min3A_157, 8 : i32
      %sub3A_159 = arith.subi %squeeze3A_153, %multiple_of3A_158 : i32
      %lt3A_160 = arith.constant 7 : i32
      %lt3A_161 = arith.cmpi slt, %sub3A_159, %lt3A_160 : i32
      %convert_element_type3A_162 = arith.extui %lt3A_161 : i1 to i32
      %cond3A_163 = arith.constant 0 : i32
      %cond3A_164 = arith.cmpi ne, %convert_element_type3A_162, %cond3A_163 : i32
      scf.if %cond3A_164 {
        %dma_start3A = arith.constant 8 : i32
        %dma_start3A_2256 = arith.constant 8 : i32
        %dma_start3A_2257 = arith.constant 0 : i32
        %dma_start3A_2258 = arith.constant 0 : i32
        %dma_start3A_2259 = tpu.memref_slice %arg8[%dma_start3A, %dma_start3A_2257, %dma_start3A_2258] : memref<16x16x51xf32, #tpu.memory_space<vmem>> -> memref<1x8x51xf32, #tpu.memory_space<vmem>>
        %dma_start3A_2260 = tpu.memref_squeeze %dma_start3A_2259 : memref<1x8x51xf32, #tpu.memory_space<vmem>> -> memref<8x51xf32, #tpu.memory_space<vmem>>
        %dma_start3A_2261 = arith.constant 0 : i32
        %dma_start3A_2262 = tpu.memref_slice %arg3[%multiple_of3A_158, %dma_start3A_2261] : memref<1000001x51xf32, #tpu.memory_space<hbm>> -> memref<8x51xf32, #tpu.memory_space<hbm>>
        %dma_start3A_2263 = tpu.memref_slice %arg10[%dma_start3A_2256] : memref<16x!tpu.dma_semaphore, #tpu.memory_space<semaphore_mem>> -> memref<1x!tpu.dma_semaphore, #tpu.memory_space<semaphore_mem>>
        %dma_start3A_2264 = tpu.memref_squeeze %dma_start3A_2263 : memref<1x!tpu.dma_semaphore, #tpu.memory_space<semaphore_mem>> -> memref<!tpu.dma_semaphore, #tpu.memory_space<semaphore_mem>>
        %dma_start3A_2265 = arith.constant 0 : i32
        %dma_start3A_2266 = arith.constant 0 : i32
        %dma_start3A_2267 = tpu.memref_slice %arg8[%dma_start3A, %dma_start3A_2265, %dma_start3A_2266] : memref<16x16x51xf32, #tpu.memory_space<vmem>> -> memref<1x8x51xf32, #tpu.memory_space<vmem>>
        %dma_start3A_2268 = tpu.memref_squeeze %dma_start3A_2267 : memref<1x8x51xf32, #tpu.memory_space<vmem>> -> memref<8x51xf32, #tpu.memory_space<vmem>>
        %dma_start3A_2269 = arith.constant 0 : i32
        %dma_start3A_2270 = tpu.memref_slice %arg3[%multiple_of3A_158, %dma_start3A_2269] : memref<1000001x51xf32, #tpu.memory_space<hbm>> -> memref<8x51xf32, #tpu.memory_space<hbm>>
        tpu.enqueue_dma source(%dma_start3A_2270 : memref<8x51xf32, #tpu.memory_space<hbm>>) target(%dma_start3A_2268 : memref<8x51xf32, #tpu.memory_space<vmem>>) target_semaphore(%dma_start3A_2264 : memref<!tpu.dma_semaphore, #tpu.memory_space<semaphore_mem>>)
      } else {
      }
      %ge3A_165 = arith.constant 7 : i32
      %ge3A_166 = arith.cmpi sge, %sub3A_159, %ge3A_165 : i32
      %convert_element_type3A_167 = arith.extui %ge3A_166 : i1 to i32
      %cond3A_168 = arith.constant 0 : i32
      %cond3A_169 = arith.cmpi ne, %convert_element_type3A_167, %cond3A_168 : i32
      scf.if %cond3A_169 {
        %dma_start3A = arith.constant 8 : i32
        %dma_start3A_2256 = arith.constant 8 : i32
        %dma_start3A_2257 = arith.constant 0 : i32
        %dma_start3A_2258 = arith.constant 0 : i32
        %dma_start3A_2259 = tpu.memref_slice %arg8[%dma_start3A, %dma_start3A_2257, %dma_start3A_2258] : memref<16x16x51xf32, #tpu.memory_space<vmem>> -> memref<1x16x51xf32, #tpu.memory_space<vmem>>
        %dma_start3A_2260 = tpu.memref_squeeze %dma_start3A_2259 : memref<1x16x51xf32, #tpu.memory_space<vmem>> -> memref<16x51xf32, #tpu.memory_space<vmem>>
        %dma_start3A_2261 = arith.constant 0 : i32
        %dma_start3A_2262 = tpu.memref_slice %arg3[%multiple_of3A_158, %dma_start3A_2261] : memref<1000001x51xf32, #tpu.memory_space<hbm>> -> memref<16x51xf32, #tpu.memory_space<hbm>>
        %dma_start3A_2263 = tpu.memref_slice %arg10[%dma_start3A_2256] : memref<16x!tpu.dma_semaphore, #tpu.memory_space<semaphore_mem>> -> memref<1x!tpu.dma_semaphore, #tpu.memory_space<semaphore_mem>>
        %dma_start3A_2264 = tpu.memref_squeeze %dma_start3A_2263 : memref<1x!tpu.dma_semaphore, #tpu.memory_space<semaphore_mem>> -> memref<!tpu.dma_semaphore, #tpu.memory_space<semaphore_mem>>
        %dma_start3A_2265 = arith.constant 0 : i32
        %dma_start3A_2266 = arith.constant 0 : i32
        %dma_start3A_2267 = tpu.memref_slice %arg8[%dma_start3A, %dma_start3A_2265, %dma_start3A_2266] : memref<16x16x51xf32, #tpu.memory_space<vmem>> -> memref<1x16x51xf32, #tpu.memory_space<vmem>>
        %dma_start3A_2268 = tpu.memref_squeeze %dma_start3A_2267 : memref<1x16x51xf32, #tpu.memory_space<vmem>> -> memref<16x51xf32, #tpu.memory_space<vmem>>
        %dma_start3A_2269 = arith.constant 0 : i32
        %dma_start3A_2270 = tpu.memref_slice %arg3[%multiple_of3A_158, %dma_start3A_2269] : memref<1000001x51xf32, #tpu.memory_space<hbm>> -> memref<16x51xf32, #tpu.memory_space<hbm>>
        tpu.enqueue_dma source(%dma_start3A_2270 : memref<16x51xf32, #tpu.memory_space<hbm>>) target(%dma_start3A_2268 : memref<16x51xf32, #tpu.memory_space<vmem>>) target_semaphore(%dma_start3A_2264 : memref<!tpu.dma_semaphore, #tpu.memory_space<semaphore_mem>>)
      } else {
      }
      %slice3A_170 = vector.extract_strided_slice %get3A_17 {offsets = [9], sizes = [1], strides = [1]} : vector<16xi32> to vector<1xi32>
      %squeeze3A_171 = vector.extract %slice3A_170[0] : i32 from vector<1xi32>
      %and3A_172 = arith.constant -8 : i32
      %and3A_173 = arith.andi %squeeze3A_171, %and3A_172 : i32
      %min3A_174 = arith.constant 999984 : i32
      %min3A_175 = arith.minsi %and3A_173, %min3A_174 : i32
      %multiple_of3A_176 = tpu.assume_multiple %min3A_175, 8 : i32
      %sub3A_177 = arith.subi %squeeze3A_171, %multiple_of3A_176 : i32
      %lt3A_178 = arith.constant 7 : i32
      %lt3A_179 = arith.cmpi slt, %sub3A_177, %lt3A_178 : i32
      %convert_element_type3A_180 = arith.extui %lt3A_179 : i1 to i32
      %cond3A_181 = arith.constant 0 : i32
      %cond3A_182 = arith.cmpi ne, %convert_element_type3A_180, %cond3A_181 : i32
      scf.if %cond3A_182 {
        %dma_start3A = arith.constant 9 : i32
        %dma_start3A_2256 = arith.constant 9 : i32
        %dma_start3A_2257 = arith.constant 0 : i32
        %dma_start3A_2258 = arith.constant 0 : i32
        %dma_start3A_2259 = tpu.memref_slice %arg8[%dma_start3A, %dma_start3A_2257, %dma_start3A_2258] : memref<16x16x51xf32, #tpu.memory_space<vmem>> -> memref<1x8x51xf32, #tpu.memory_space<vmem>>
        %dma_start3A_2260 = tpu.memref_squeeze %dma_start3A_2259 : memref<1x8x51xf32, #tpu.memory_space<vmem>> -> memref<8x51xf32, #tpu.memory_space<vmem>>
        %dma_start3A_2261 = arith.constant 0 : i32
        %dma_start3A_2262 = tpu.memref_slice %arg3[%multiple_of3A_176, %dma_start3A_2261] : memref<1000001x51xf32, #tpu.memory_space<hbm>> -> memref<8x51xf32, #tpu.memory_space<hbm>>
        %dma_start3A_2263 = tpu.memref_slice %arg10[%dma_start3A_2256] : memref<16x!tpu.dma_semaphore, #tpu.memory_space<semaphore_mem>> -> memref<1x!tpu.dma_semaphore, #tpu.memory_space<semaphore_mem>>
        %dma_start3A_2264 = tpu.memref_squeeze %dma_start3A_2263 : memref<1x!tpu.dma_semaphore, #tpu.memory_space<semaphore_mem>> -> memref<!tpu.dma_semaphore, #tpu.memory_space<semaphore_mem>>
        %dma_start3A_2265 = arith.constant 0 : i32
        %dma_start3A_2266 = arith.constant 0 : i32
        %dma_start3A_2267 = tpu.memref_slice %arg8[%dma_start3A, %dma_start3A_2265, %dma_start3A_2266] : memref<16x16x51xf32, #tpu.memory_space<vmem>> -> memref<1x8x51xf32, #tpu.memory_space<vmem>>
        %dma_start3A_2268 = tpu.memref_squeeze %dma_start3A_2267 : memref<1x8x51xf32, #tpu.memory_space<vmem>> -> memref<8x51xf32, #tpu.memory_space<vmem>>
        %dma_start3A_2269 = arith.constant 0 : i32
        %dma_start3A_2270 = tpu.memref_slice %arg3[%multiple_of3A_176, %dma_start3A_2269] : memref<1000001x51xf32, #tpu.memory_space<hbm>> -> memref<8x51xf32, #tpu.memory_space<hbm>>
        tpu.enqueue_dma source(%dma_start3A_2270 : memref<8x51xf32, #tpu.memory_space<hbm>>) target(%dma_start3A_2268 : memref<8x51xf32, #tpu.memory_space<vmem>>) target_semaphore(%dma_start3A_2264 : memref<!tpu.dma_semaphore, #tpu.memory_space<semaphore_mem>>)
      } else {
      }
      %ge3A_183 = arith.constant 7 : i32
      %ge3A_184 = arith.cmpi sge, %sub3A_177, %ge3A_183 : i32
      %convert_element_type3A_185 = arith.extui %ge3A_184 : i1 to i32
      %cond3A_186 = arith.constant 0 : i32
      %cond3A_187 = arith.cmpi ne, %convert_element_type3A_185, %cond3A_186 : i32
      scf.if %cond3A_187 {
        %dma_start3A = arith.constant 9 : i32
        %dma_start3A_2256 = arith.constant 9 : i32
        %dma_start3A_2257 = arith.constant 0 : i32
        %dma_start3A_2258 = arith.constant 0 : i32
        %dma_start3A_2259 = tpu.memref_slice %arg8[%dma_start3A, %dma_start3A_2257, %dma_start3A_2258] : memref<16x16x51xf32, #tpu.memory_space<vmem>> -> memref<1x16x51xf32, #tpu.memory_space<vmem>>
        %dma_start3A_2260 = tpu.memref_squeeze %dma_start3A_2259 : memref<1x16x51xf32, #tpu.memory_space<vmem>> -> memref<16x51xf32, #tpu.memory_space<vmem>>
        %dma_start3A_2261 = arith.constant 0 : i32
        %dma_start3A_2262 = tpu.memref_slice %arg3[%multiple_of3A_176, %dma_start3A_2261] : memref<1000001x51xf32, #tpu.memory_space<hbm>> -> memref<16x51xf32, #tpu.memory_space<hbm>>
        %dma_start3A_2263 = tpu.memref_slice %arg10[%dma_start3A_2256] : memref<16x!tpu.dma_semaphore, #tpu.memory_space<semaphore_mem>> -> memref<1x!tpu.dma_semaphore, #tpu.memory_space<semaphore_mem>>
        %dma_start3A_2264 = tpu.memref_squeeze %dma_start3A_2263 : memref<1x!tpu.dma_semaphore, #tpu.memory_space<semaphore_mem>> -> memref<!tpu.dma_semaphore, #tpu.memory_space<semaphore_mem>>
        %dma_start3A_2265 = arith.constant 0 : i32
        %dma_start3A_2266 = arith.constant 0 : i32
        %dma_start3A_2267 = tpu.memref_slice %arg8[%dma_start3A, %dma_start3A_2265, %dma_start3A_2266] : memref<16x16x51xf32, #tpu.memory_space<vmem>> -> memref<1x16x51xf32, #tpu.memory_space<vmem>>
        %dma_start3A_2268 = tpu.memref_squeeze %dma_start3A_2267 : memref<1x16x51xf32, #tpu.memory_space<vmem>> -> memref<16x51xf32, #tpu.memory_space<vmem>>
        %dma_start3A_2269 = arith.constant 0 : i32
        %dma_start3A_2270 = tpu.memref_slice %arg3[%multiple_of3A_176, %dma_start3A_2269] : memref<1000001x51xf32, #tpu.memory_space<hbm>> -> memref<16x51xf32, #tpu.memory_space<hbm>>
        tpu.enqueue_dma source(%dma_start3A_2270 : memref<16x51xf32, #tpu.memory_space<hbm>>) target(%dma_start3A_2268 : memref<16x51xf32, #tpu.memory_space<vmem>>) target_semaphore(%dma_start3A_2264 : memref<!tpu.dma_semaphore, #tpu.memory_space<semaphore_mem>>)
      } else {
      }
      %slice3A_188 = vector.extract_strided_slice %get3A_17 {offsets = [10], sizes = [1], strides = [1]} : vector<16xi32> to vector<1xi32>
      %squeeze3A_189 = vector.extract %slice3A_188[0] : i32 from vector<1xi32>
      %and3A_190 = arith.constant -8 : i32
      %and3A_191 = arith.andi %squeeze3A_189, %and3A_190 : i32
      %min3A_192 = arith.constant 999984 : i32
      %min3A_193 = arith.minsi %and3A_191, %min3A_192 : i32
      %multiple_of3A_194 = tpu.assume_multiple %min3A_193, 8 : i32
      %sub3A_195 = arith.subi %squeeze3A_189, %multiple_of3A_194 : i32
      %lt3A_196 = arith.constant 7 : i32
      %lt3A_197 = arith.cmpi slt, %sub3A_195, %lt3A_196 : i32
      %convert_element_type3A_198 = arith.extui %lt3A_197 : i1 to i32
      %cond3A_199 = arith.constant 0 : i32
      %cond3A_200 = arith.cmpi ne, %convert_element_type3A_198, %cond3A_199 : i32
      scf.if %cond3A_200 {
        %dma_start3A = arith.constant 10 : i32
        %dma_start3A_2256 = arith.constant 10 : i32
        %dma_start3A_2257 = arith.constant 0 : i32
        %dma_start3A_2258 = arith.constant 0 : i32
        %dma_start3A_2259 = tpu.memref_slice %arg8[%dma_start3A, %dma_start3A_2257, %dma_start3A_2258] : memref<16x16x51xf32, #tpu.memory_space<vmem>> -> memref<1x8x51xf32, #tpu.memory_space<vmem>>
        %dma_start3A_2260 = tpu.memref_squeeze %dma_start3A_2259 : memref<1x8x51xf32, #tpu.memory_space<vmem>> -> memref<8x51xf32, #tpu.memory_space<vmem>>
        %dma_start3A_2261 = arith.constant 0 : i32
        %dma_start3A_2262 = tpu.memref_slice %arg3[%multiple_of3A_194, %dma_start3A_2261] : memref<1000001x51xf32, #tpu.memory_space<hbm>> -> memref<8x51xf32, #tpu.memory_space<hbm>>
        %dma_start3A_2263 = tpu.memref_slice %arg10[%dma_start3A_2256] : memref<16x!tpu.dma_semaphore, #tpu.memory_space<semaphore_mem>> -> memref<1x!tpu.dma_semaphore, #tpu.memory_space<semaphore_mem>>
        %dma_start3A_2264 = tpu.memref_squeeze %dma_start3A_2263 : memref<1x!tpu.dma_semaphore, #tpu.memory_space<semaphore_mem>> -> memref<!tpu.dma_semaphore, #tpu.memory_space<semaphore_mem>>
        %dma_start3A_2265 = arith.constant 0 : i32
        %dma_start3A_2266 = arith.constant 0 : i32
        %dma_start3A_2267 = tpu.memref_slice %arg8[%dma_start3A, %dma_start3A_2265, %dma_start3A_2266] : memref<16x16x51xf32, #tpu.memory_space<vmem>> -> memref<1x8x51xf32, #tpu.memory_space<vmem>>
        %dma_start3A_2268 = tpu.memref_squeeze %dma_start3A_2267 : memref<1x8x51xf32, #tpu.memory_space<vmem>> -> memref<8x51xf32, #tpu.memory_space<vmem>>
        %dma_start3A_2269 = arith.constant 0 : i32
        %dma_start3A_2270 = tpu.memref_slice %arg3[%multiple_of3A_194, %dma_start3A_2269] : memref<1000001x51xf32, #tpu.memory_space<hbm>> -> memref<8x51xf32, #tpu.memory_space<hbm>>
        tpu.enqueue_dma source(%dma_start3A_2270 : memref<8x51xf32, #tpu.memory_space<hbm>>) target(%dma_start3A_2268 : memref<8x51xf32, #tpu.memory_space<vmem>>) target_semaphore(%dma_start3A_2264 : memref<!tpu.dma_semaphore, #tpu.memory_space<semaphore_mem>>)
      } else {
      }
      %ge3A_201 = arith.constant 7 : i32
      %ge3A_202 = arith.cmpi sge, %sub3A_195, %ge3A_201 : i32
      %convert_element_type3A_203 = arith.extui %ge3A_202 : i1 to i32
      %cond3A_204 = arith.constant 0 : i32
      %cond3A_205 = arith.cmpi ne, %convert_element_type3A_203, %cond3A_204 : i32
      scf.if %cond3A_205 {
        %dma_start3A = arith.constant 10 : i32
        %dma_start3A_2256 = arith.constant 10 : i32
        %dma_start3A_2257 = arith.constant 0 : i32
        %dma_start3A_2258 = arith.constant 0 : i32
        %dma_start3A_2259 = tpu.memref_slice %arg8[%dma_start3A, %dma_start3A_2257, %dma_start3A_2258] : memref<16x16x51xf32, #tpu.memory_space<vmem>> -> memref<1x16x51xf32, #tpu.memory_space<vmem>>
        %dma_start3A_2260 = tpu.memref_squeeze %dma_start3A_2259 : memref<1x16x51xf32, #tpu.memory_space<vmem>> -> memref<16x51xf32, #tpu.memory_space<vmem>>
        %dma_start3A_2261 = arith.constant 0 : i32
        %dma_start3A_2262 = tpu.memref_slice %arg3[%multiple_of3A_194, %dma_start3A_2261] : memref<1000001x51xf32, #tpu.memory_space<hbm>> -> memref<16x51xf32, #tpu.memory_space<hbm>>
        %dma_start3A_2263 = tpu.memref_slice %arg10[%dma_start3A_2256] : memref<16x!tpu.dma_semaphore, #tpu.memory_space<semaphore_mem>> -> memref<1x!tpu.dma_semaphore, #tpu.memory_space<semaphore_mem>>
        %dma_start3A_2264 = tpu.memref_squeeze %dma_start3A_2263 : memref<1x!tpu.dma_semaphore, #tpu.memory_space<semaphore_mem>> -> memref<!tpu.dma_semaphore, #tpu.memory_space<semaphore_mem>>
        %dma_start3A_2265 = arith.constant 0 : i32
        %dma_start3A_2266 = arith.constant 0 : i32
        %dma_start3A_2267 = tpu.memref_slice %arg8[%dma_start3A, %dma_start3A_2265, %dma_start3A_2266] : memref<16x16x51xf32, #tpu.memory_space<vmem>> -> memref<1x16x51xf32, #tpu.memory_space<vmem>>
        %dma_start3A_2268 = tpu.memref_squeeze %dma_start3A_2267 : memref<1x16x51xf32, #tpu.memory_space<vmem>> -> memref<16x51xf32, #tpu.memory_space<vmem>>
        %dma_start3A_2269 = arith.constant 0 : i32
        %dma_start3A_2270 = tpu.memref_slice %arg3[%multiple_of3A_194, %dma_start3A_2269] : memref<1000001x51xf32, #tpu.memory_space<hbm>> -> memref<16x51xf32, #tpu.memory_space<hbm>>
        tpu.enqueue_dma source(%dma_start3A_2270 : memref<16x51xf32, #tpu.memory_space<hbm>>) target(%dma_start3A_2268 : memref<16x51xf32, #tpu.memory_space<vmem>>) target_semaphore(%dma_start3A_2264 : memref<!tpu.dma_semaphore, #tpu.memory_space<semaphore_mem>>)
      } else {
      }
      %slice3A_206 = vector.extract_strided_slice %get3A_17 {offsets = [11], sizes = [1], strides = [1]} : vector<16xi32> to vector<1xi32>
      %squeeze3A_207 = vector.extract %slice3A_206[0] : i32 from vector<1xi32>
      %and3A_208 = arith.constant -8 : i32
      %and3A_209 = arith.andi %squeeze3A_207, %and3A_208 : i32
      %min3A_210 = arith.constant 999984 : i32
      %min3A_211 = arith.minsi %and3A_209, %min3A_210 : i32
      %multiple_of3A_212 = tpu.assume_multiple %min3A_211, 8 : i32
      %sub3A_213 = arith.subi %squeeze3A_207, %multiple_of3A_212 : i32
      %lt3A_214 = arith.constant 7 : i32
      %lt3A_215 = arith.cmpi slt, %sub3A_213, %lt3A_214 : i32
      %convert_element_type3A_216 = arith.extui %lt3A_215 : i1 to i32
      %cond3A_217 = arith.constant 0 : i32
      %cond3A_218 = arith.cmpi ne, %convert_element_type3A_216, %cond3A_217 : i32
      scf.if %cond3A_218 {
        %dma_start3A = arith.constant 11 : i32
        %dma_start3A_2256 = arith.constant 11 : i32
        %dma_start3A_2257 = arith.constant 0 : i32
        %dma_start3A_2258 = arith.constant 0 : i32
        %dma_start3A_2259 = tpu.memref_slice %arg8[%dma_start3A, %dma_start3A_2257, %dma_start3A_2258] : memref<16x16x51xf32, #tpu.memory_space<vmem>> -> memref<1x8x51xf32, #tpu.memory_space<vmem>>
        %dma_start3A_2260 = tpu.memref_squeeze %dma_start3A_2259 : memref<1x8x51xf32, #tpu.memory_space<vmem>> -> memref<8x51xf32, #tpu.memory_space<vmem>>
        %dma_start3A_2261 = arith.constant 0 : i32
        %dma_start3A_2262 = tpu.memref_slice %arg3[%multiple_of3A_212, %dma_start3A_2261] : memref<1000001x51xf32, #tpu.memory_space<hbm>> -> memref<8x51xf32, #tpu.memory_space<hbm>>
        %dma_start3A_2263 = tpu.memref_slice %arg10[%dma_start3A_2256] : memref<16x!tpu.dma_semaphore, #tpu.memory_space<semaphore_mem>> -> memref<1x!tpu.dma_semaphore, #tpu.memory_space<semaphore_mem>>
        %dma_start3A_2264 = tpu.memref_squeeze %dma_start3A_2263 : memref<1x!tpu.dma_semaphore, #tpu.memory_space<semaphore_mem>> -> memref<!tpu.dma_semaphore, #tpu.memory_space<semaphore_mem>>
        %dma_start3A_2265 = arith.constant 0 : i32
        %dma_start3A_2266 = arith.constant 0 : i32
        %dma_start3A_2267 = tpu.memref_slice %arg8[%dma_start3A, %dma_start3A_2265, %dma_start3A_2266] : memref<16x16x51xf32, #tpu.memory_space<vmem>> -> memref<1x8x51xf32, #tpu.memory_space<vmem>>
        %dma_start3A_2268 = tpu.memref_squeeze %dma_start3A_2267 : memref<1x8x51xf32, #tpu.memory_space<vmem>> -> memref<8x51xf32, #tpu.memory_space<vmem>>
        %dma_start3A_2269 = arith.constant 0 : i32
        %dma_start3A_2270 = tpu.memref_slice %arg3[%multiple_of3A_212, %dma_start3A_2269] : memref<1000001x51xf32, #tpu.memory_space<hbm>> -> memref<8x51xf32, #tpu.memory_space<hbm>>
        tpu.enqueue_dma source(%dma_start3A_2270 : memref<8x51xf32, #tpu.memory_space<hbm>>) target(%dma_start3A_2268 : memref<8x51xf32, #tpu.memory_space<vmem>>) target_semaphore(%dma_start3A_2264 : memref<!tpu.dma_semaphore, #tpu.memory_space<semaphore_mem>>)
      } else {
      }
      %ge3A_219 = arith.constant 7 : i32
      %ge3A_220 = arith.cmpi sge, %sub3A_213, %ge3A_219 : i32
      %convert_element_type3A_221 = arith.extui %ge3A_220 : i1 to i32
      %cond3A_222 = arith.constant 0 : i32
      %cond3A_223 = arith.cmpi ne, %convert_element_type3A_221, %cond3A_222 : i32
      scf.if %cond3A_223 {
        %dma_start3A = arith.constant 11 : i32
        %dma_start3A_2256 = arith.constant 11 : i32
        %dma_start3A_2257 = arith.constant 0 : i32
        %dma_start3A_2258 = arith.constant 0 : i32
        %dma_start3A_2259 = tpu.memref_slice %arg8[%dma_start3A, %dma_start3A_2257, %dma_start3A_2258] : memref<16x16x51xf32, #tpu.memory_space<vmem>> -> memref<1x16x51xf32, #tpu.memory_space<vmem>>
        %dma_start3A_2260 = tpu.memref_squeeze %dma_start3A_2259 : memref<1x16x51xf32, #tpu.memory_space<vmem>> -> memref<16x51xf32, #tpu.memory_space<vmem>>
        %dma_start3A_2261 = arith.constant 0 : i32
        %dma_start3A_2262 = tpu.memref_slice %arg3[%multiple_of3A_212, %dma_start3A_2261] : memref<1000001x51xf32, #tpu.memory_space<hbm>> -> memref<16x51xf32, #tpu.memory_space<hbm>>
        %dma_start3A_2263 = tpu.memref_slice %arg10[%dma_start3A_2256] : memref<16x!tpu.dma_semaphore, #tpu.memory_space<semaphore_mem>> -> memref<1x!tpu.dma_semaphore, #tpu.memory_space<semaphore_mem>>
        %dma_start3A_2264 = tpu.memref_squeeze %dma_start3A_2263 : memref<1x!tpu.dma_semaphore, #tpu.memory_space<semaphore_mem>> -> memref<!tpu.dma_semaphore, #tpu.memory_space<semaphore_mem>>
        %dma_start3A_2265 = arith.constant 0 : i32
        %dma_start3A_2266 = arith.constant 0 : i32
        %dma_start3A_2267 = tpu.memref_slice %arg8[%dma_start3A, %dma_start3A_2265, %dma_start3A_2266] : memref<16x16x51xf32, #tpu.memory_space<vmem>> -> memref<1x16x51xf32, #tpu.memory_space<vmem>>
        %dma_start3A_2268 = tpu.memref_squeeze %dma_start3A_2267 : memref<1x16x51xf32, #tpu.memory_space<vmem>> -> memref<16x51xf32, #tpu.memory_space<vmem>>
        %dma_start3A_2269 = arith.constant 0 : i32
        %dma_start3A_2270 = tpu.memref_slice %arg3[%multiple_of3A_212, %dma_start3A_2269] : memref<1000001x51xf32, #tpu.memory_space<hbm>> -> memref<16x51xf32, #tpu.memory_space<hbm>>
        tpu.enqueue_dma source(%dma_start3A_2270 : memref<16x51xf32, #tpu.memory_space<hbm>>) target(%dma_start3A_2268 : memref<16x51xf32, #tpu.memory_space<vmem>>) target_semaphore(%dma_start3A_2264 : memref<!tpu.dma_semaphore, #tpu.memory_space<semaphore_mem>>)
      } else {
      }
      %slice3A_224 = vector.extract_strided_slice %get3A_17 {offsets = [12], sizes = [1], strides = [1]} : vector<16xi32> to vector<1xi32>
      %squeeze3A_225 = vector.extract %slice3A_224[0] : i32 from vector<1xi32>
      %and3A_226 = arith.constant -8 : i32
      %and3A_227 = arith.andi %squeeze3A_225, %and3A_226 : i32
      %min3A_228 = arith.constant 999984 : i32
      %min3A_229 = arith.minsi %and3A_227, %min3A_228 : i32
      %multiple_of3A_230 = tpu.assume_multiple %min3A_229, 8 : i32
      %sub3A_231 = arith.subi %squeeze3A_225, %multiple_of3A_230 : i32
      %lt3A_232 = arith.constant 7 : i32
      %lt3A_233 = arith.cmpi slt, %sub3A_231, %lt3A_232 : i32
      %convert_element_type3A_234 = arith.extui %lt3A_233 : i1 to i32
      %cond3A_235 = arith.constant 0 : i32
      %cond3A_236 = arith.cmpi ne, %convert_element_type3A_234, %cond3A_235 : i32
      scf.if %cond3A_236 {
        %dma_start3A = arith.constant 12 : i32
        %dma_start3A_2256 = arith.constant 12 : i32
        %dma_start3A_2257 = arith.constant 0 : i32
        %dma_start3A_2258 = arith.constant 0 : i32
        %dma_start3A_2259 = tpu.memref_slice %arg8[%dma_start3A, %dma_start3A_2257, %dma_start3A_2258] : memref<16x16x51xf32, #tpu.memory_space<vmem>> -> memref<1x8x51xf32, #tpu.memory_space<vmem>>
        %dma_start3A_2260 = tpu.memref_squeeze %dma_start3A_2259 : memref<1x8x51xf32, #tpu.memory_space<vmem>> -> memref<8x51xf32, #tpu.memory_space<vmem>>
        %dma_start3A_2261 = arith.constant 0 : i32
        %dma_start3A_2262 = tpu.memref_slice %arg3[%multiple_of3A_230, %dma_start3A_2261] : memref<1000001x51xf32, #tpu.memory_space<hbm>> -> memref<8x51xf32, #tpu.memory_space<hbm>>
        %dma_start3A_2263 = tpu.memref_slice %arg10[%dma_start3A_2256] : memref<16x!tpu.dma_semaphore, #tpu.memory_space<semaphore_mem>> -> memref<1x!tpu.dma_semaphore, #tpu.memory_space<semaphore_mem>>
        %dma_start3A_2264 = tpu.memref_squeeze %dma_start3A_2263 : memref<1x!tpu.dma_semaphore, #tpu.memory_space<semaphore_mem>> -> memref<!tpu.dma_semaphore, #tpu.memory_space<semaphore_mem>>
        %dma_start3A_2265 = arith.constant 0 : i32
        %dma_start3A_2266 = arith.constant 0 : i32
        %dma_start3A_2267 = tpu.memref_slice %arg8[%dma_start3A, %dma_start3A_2265, %dma_start3A_2266] : memref<16x16x51xf32, #tpu.memory_space<vmem>> -> memref<1x8x51xf32, #tpu.memory_space<vmem>>
        %dma_start3A_2268 = tpu.memref_squeeze %dma_start3A_2267 : memref<1x8x51xf32, #tpu.memory_space<vmem>> -> memref<8x51xf32, #tpu.memory_space<vmem>>
        %dma_start3A_2269 = arith.constant 0 : i32
        %dma_start3A_2270 = tpu.memref_slice %arg3[%multiple_of3A_230, %dma_start3A_2269] : memref<1000001x51xf32, #tpu.memory_space<hbm>> -> memref<8x51xf32, #tpu.memory_space<hbm>>
        tpu.enqueue_dma source(%dma_start3A_2270 : memref<8x51xf32, #tpu.memory_space<hbm>>) target(%dma_start3A_2268 : memref<8x51xf32, #tpu.memory_space<vmem>>) target_semaphore(%dma_start3A_2264 : memref<!tpu.dma_semaphore, #tpu.memory_space<semaphore_mem>>)
      } else {
      }
      %ge3A_237 = arith.constant 7 : i32
      %ge3A_238 = arith.cmpi sge, %sub3A_231, %ge3A_237 : i32
      %convert_element_type3A_239 = arith.extui %ge3A_238 : i1 to i32
      %cond3A_240 = arith.constant 0 : i32
      %cond3A_241 = arith.cmpi ne, %convert_element_type3A_239, %cond3A_240 : i32
      scf.if %cond3A_241 {
        %dma_start3A = arith.constant 12 : i32
        %dma_start3A_2256 = arith.constant 12 : i32
        %dma_start3A_2257 = arith.constant 0 : i32
        %dma_start3A_2258 = arith.constant 0 : i32
        %dma_start3A_2259 = tpu.memref_slice %arg8[%dma_start3A, %dma_start3A_2257, %dma_start3A_2258] : memref<16x16x51xf32, #tpu.memory_space<vmem>> -> memref<1x16x51xf32, #tpu.memory_space<vmem>>
        %dma_start3A_2260 = tpu.memref_squeeze %dma_start3A_2259 : memref<1x16x51xf32, #tpu.memory_space<vmem>> -> memref<16x51xf32, #tpu.memory_space<vmem>>
        %dma_start3A_2261 = arith.constant 0 : i32
        %dma_start3A_2262 = tpu.memref_slice %arg3[%multiple_of3A_230, %dma_start3A_2261] : memref<1000001x51xf32, #tpu.memory_space<hbm>> -> memref<16x51xf32, #tpu.memory_space<hbm>>
        %dma_start3A_2263 = tpu.memref_slice %arg10[%dma_start3A_2256] : memref<16x!tpu.dma_semaphore, #tpu.memory_space<semaphore_mem>> -> memref<1x!tpu.dma_semaphore, #tpu.memory_space<semaphore_mem>>
        %dma_start3A_2264 = tpu.memref_squeeze %dma_start3A_2263 : memref<1x!tpu.dma_semaphore, #tpu.memory_space<semaphore_mem>> -> memref<!tpu.dma_semaphore, #tpu.memory_space<semaphore_mem>>
        %dma_start3A_2265 = arith.constant 0 : i32
        %dma_start3A_2266 = arith.constant 0 : i32
        %dma_start3A_2267 = tpu.memref_slice %arg8[%dma_start3A, %dma_start3A_2265, %dma_start3A_2266] : memref<16x16x51xf32, #tpu.memory_space<vmem>> -> memref<1x16x51xf32, #tpu.memory_space<vmem>>
        %dma_start3A_2268 = tpu.memref_squeeze %dma_start3A_2267 : memref<1x16x51xf32, #tpu.memory_space<vmem>> -> memref<16x51xf32, #tpu.memory_space<vmem>>
        %dma_start3A_2269 = arith.constant 0 : i32
        %dma_start3A_2270 = tpu.memref_slice %arg3[%multiple_of3A_230, %dma_start3A_2269] : memref<1000001x51xf32, #tpu.memory_space<hbm>> -> memref<16x51xf32, #tpu.memory_space<hbm>>
        tpu.enqueue_dma source(%dma_start3A_2270 : memref<16x51xf32, #tpu.memory_space<hbm>>) target(%dma_start3A_2268 : memref<16x51xf32, #tpu.memory_space<vmem>>) target_semaphore(%dma_start3A_2264 : memref<!tpu.dma_semaphore, #tpu.memory_space<semaphore_mem>>)
      } else {
      }
      %slice3A_242 = vector.extract_strided_slice %get3A_17 {offsets = [13], sizes = [1], strides = [1]} : vector<16xi32> to vector<1xi32>
      %squeeze3A_243 = vector.extract %slice3A_242[0] : i32 from vector<1xi32>
      %and3A_244 = arith.constant -8 : i32
      %and3A_245 = arith.andi %squeeze3A_243, %and3A_244 : i32
      %min3A_246 = arith.constant 999984 : i32
      %min3A_247 = arith.minsi %and3A_245, %min3A_246 : i32
      %multiple_of3A_248 = tpu.assume_multiple %min3A_247, 8 : i32
      %sub3A_249 = arith.subi %squeeze3A_243, %multiple_of3A_248 : i32
      %lt3A_250 = arith.constant 7 : i32
      %lt3A_251 = arith.cmpi slt, %sub3A_249, %lt3A_250 : i32
      %convert_element_type3A_252 = arith.extui %lt3A_251 : i1 to i32
      %cond3A_253 = arith.constant 0 : i32
      %cond3A_254 = arith.cmpi ne, %convert_element_type3A_252, %cond3A_253 : i32
      scf.if %cond3A_254 {
        %dma_start3A = arith.constant 13 : i32
        %dma_start3A_2256 = arith.constant 13 : i32
        %dma_start3A_2257 = arith.constant 0 : i32
        %dma_start3A_2258 = arith.constant 0 : i32
        %dma_start3A_2259 = tpu.memref_slice %arg8[%dma_start3A, %dma_start3A_2257, %dma_start3A_2258] : memref<16x16x51xf32, #tpu.memory_space<vmem>> -> memref<1x8x51xf32, #tpu.memory_space<vmem>>
        %dma_start3A_2260 = tpu.memref_squeeze %dma_start3A_2259 : memref<1x8x51xf32, #tpu.memory_space<vmem>> -> memref<8x51xf32, #tpu.memory_space<vmem>>
        %dma_start3A_2261 = arith.constant 0 : i32
        %dma_start3A_2262 = tpu.memref_slice %arg3[%multiple_of3A_248, %dma_start3A_2261] : memref<1000001x51xf32, #tpu.memory_space<hbm>> -> memref<8x51xf32, #tpu.memory_space<hbm>>
        %dma_start3A_2263 = tpu.memref_slice %arg10[%dma_start3A_2256] : memref<16x!tpu.dma_semaphore, #tpu.memory_space<semaphore_mem>> -> memref<1x!tpu.dma_semaphore, #tpu.memory_space<semaphore_mem>>
        %dma_start3A_2264 = tpu.memref_squeeze %dma_start3A_2263 : memref<1x!tpu.dma_semaphore, #tpu.memory_space<semaphore_mem>> -> memref<!tpu.dma_semaphore, #tpu.memory_space<semaphore_mem>>
        %dma_start3A_2265 = arith.constant 0 : i32
        %dma_start3A_2266 = arith.constant 0 : i32
        %dma_start3A_2267 = tpu.memref_slice %arg8[%dma_start3A, %dma_start3A_2265, %dma_start3A_2266] : memref<16x16x51xf32, #tpu.memory_space<vmem>> -> memref<1x8x51xf32, #tpu.memory_space<vmem>>
        %dma_start3A_2268 = tpu.memref_squeeze %dma_start3A_2267 : memref<1x8x51xf32, #tpu.memory_space<vmem>> -> memref<8x51xf32, #tpu.memory_space<vmem>>
        %dma_start3A_2269 = arith.constant 0 : i32
        %dma_start3A_2270 = tpu.memref_slice %arg3[%multiple_of3A_248, %dma_start3A_2269] : memref<1000001x51xf32, #tpu.memory_space<hbm>> -> memref<8x51xf32, #tpu.memory_space<hbm>>
        tpu.enqueue_dma source(%dma_start3A_2270 : memref<8x51xf32, #tpu.memory_space<hbm>>) target(%dma_start3A_2268 : memref<8x51xf32, #tpu.memory_space<vmem>>) target_semaphore(%dma_start3A_2264 : memref<!tpu.dma_semaphore, #tpu.memory_space<semaphore_mem>>)
      } else {
      }
      %ge3A_255 = arith.constant 7 : i32
      %ge3A_256 = arith.cmpi sge, %sub3A_249, %ge3A_255 : i32
      %convert_element_type3A_257 = arith.extui %ge3A_256 : i1 to i32
      %cond3A_258 = arith.constant 0 : i32
      %cond3A_259 = arith.cmpi ne, %convert_element_type3A_257, %cond3A_258 : i32
      scf.if %cond3A_259 {
        %dma_start3A = arith.constant 13 : i32
        %dma_start3A_2256 = arith.constant 13 : i32
        %dma_start3A_2257 = arith.constant 0 : i32
        %dma_start3A_2258 = arith.constant 0 : i32
        %dma_start3A_2259 = tpu.memref_slice %arg8[%dma_start3A, %dma_start3A_2257, %dma_start3A_2258] : memref<16x16x51xf32, #tpu.memory_space<vmem>> -> memref<1x16x51xf32, #tpu.memory_space<vmem>>
        %dma_start3A_2260 = tpu.memref_squeeze %dma_start3A_2259 : memref<1x16x51xf32, #tpu.memory_space<vmem>> -> memref<16x51xf32, #tpu.memory_space<vmem>>
        %dma_start3A_2261 = arith.constant 0 : i32
        %dma_start3A_2262 = tpu.memref_slice %arg3[%multiple_of3A_248, %dma_start3A_2261] : memref<1000001x51xf32, #tpu.memory_space<hbm>> -> memref<16x51xf32, #tpu.memory_space<hbm>>
        %dma_start3A_2263 = tpu.memref_slice %arg10[%dma_start3A_2256] : memref<16x!tpu.dma_semaphore, #tpu.memory_space<semaphore_mem>> -> memref<1x!tpu.dma_semaphore, #tpu.memory_space<semaphore_mem>>
        %dma_start3A_2264 = tpu.memref_squeeze %dma_start3A_2263 : memref<1x!tpu.dma_semaphore, #tpu.memory_space<semaphore_mem>> -> memref<!tpu.dma_semaphore, #tpu.memory_space<semaphore_mem>>
        %dma_start3A_2265 = arith.constant 0 : i32
        %dma_start3A_2266 = arith.constant 0 : i32
        %dma_start3A_2267 = tpu.memref_slice %arg8[%dma_start3A, %dma_start3A_2265, %dma_start3A_2266] : memref<16x16x51xf32, #tpu.memory_space<vmem>> -> memref<1x16x51xf32, #tpu.memory_space<vmem>>
        %dma_start3A_2268 = tpu.memref_squeeze %dma_start3A_2267 : memref<1x16x51xf32, #tpu.memory_space<vmem>> -> memref<16x51xf32, #tpu.memory_space<vmem>>
        %dma_start3A_2269 = arith.constant 0 : i32
        %dma_start3A_2270 = tpu.memref_slice %arg3[%multiple_of3A_248, %dma_start3A_2269] : memref<1000001x51xf32, #tpu.memory_space<hbm>> -> memref<16x51xf32, #tpu.memory_space<hbm>>
        tpu.enqueue_dma source(%dma_start3A_2270 : memref<16x51xf32, #tpu.memory_space<hbm>>) target(%dma_start3A_2268 : memref<16x51xf32, #tpu.memory_space<vmem>>) target_semaphore(%dma_start3A_2264 : memref<!tpu.dma_semaphore, #tpu.memory_space<semaphore_mem>>)
      } else {
      }
      %slice3A_260 = vector.extract_strided_slice %get3A_17 {offsets = [14], sizes = [1], strides = [1]} : vector<16xi32> to vector<1xi32>
      %squeeze3A_261 = vector.extract %slice3A_260[0] : i32 from vector<1xi32>
      %and3A_262 = arith.constant -8 : i32
      %and3A_263 = arith.andi %squeeze3A_261, %and3A_262 : i32
      %min3A_264 = arith.constant 999984 : i32
      %min3A_265 = arith.minsi %and3A_263, %min3A_264 : i32
      %multiple_of3A_266 = tpu.assume_multiple %min3A_265, 8 : i32
      %sub3A_267 = arith.subi %squeeze3A_261, %multiple_of3A_266 : i32
      %lt3A_268 = arith.constant 7 : i32
      %lt3A_269 = arith.cmpi slt, %sub3A_267, %lt3A_268 : i32
      %convert_element_type3A_270 = arith.extui %lt3A_269 : i1 to i32
      %cond3A_271 = arith.constant 0 : i32
      %cond3A_272 = arith.cmpi ne, %convert_element_type3A_270, %cond3A_271 : i32
      scf.if %cond3A_272 {
        %dma_start3A = arith.constant 14 : i32
        %dma_start3A_2256 = arith.constant 14 : i32
        %dma_start3A_2257 = arith.constant 0 : i32
        %dma_start3A_2258 = arith.constant 0 : i32
        %dma_start3A_2259 = tpu.memref_slice %arg8[%dma_start3A, %dma_start3A_2257, %dma_start3A_2258] : memref<16x16x51xf32, #tpu.memory_space<vmem>> -> memref<1x8x51xf32, #tpu.memory_space<vmem>>
        %dma_start3A_2260 = tpu.memref_squeeze %dma_start3A_2259 : memref<1x8x51xf32, #tpu.memory_space<vmem>> -> memref<8x51xf32, #tpu.memory_space<vmem>>
        %dma_start3A_2261 = arith.constant 0 : i32
        %dma_start3A_2262 = tpu.memref_slice %arg3[%multiple_of3A_266, %dma_start3A_2261] : memref<1000001x51xf32, #tpu.memory_space<hbm>> -> memref<8x51xf32, #tpu.memory_space<hbm>>
        %dma_start3A_2263 = tpu.memref_slice %arg10[%dma_start3A_2256] : memref<16x!tpu.dma_semaphore, #tpu.memory_space<semaphore_mem>> -> memref<1x!tpu.dma_semaphore, #tpu.memory_space<semaphore_mem>>
        %dma_start3A_2264 = tpu.memref_squeeze %dma_start3A_2263 : memref<1x!tpu.dma_semaphore, #tpu.memory_space<semaphore_mem>> -> memref<!tpu.dma_semaphore, #tpu.memory_space<semaphore_mem>>
        %dma_start3A_2265 = arith.constant 0 : i32
        %dma_start3A_2266 = arith.constant 0 : i32
        %dma_start3A_2267 = tpu.memref_slice %arg8[%dma_start3A, %dma_start3A_2265, %dma_start3A_2266] : memref<16x16x51xf32, #tpu.memory_space<vmem>> -> memref<1x8x51xf32, #tpu.memory_space<vmem>>
        %dma_start3A_2268 = tpu.memref_squeeze %dma_start3A_2267 : memref<1x8x51xf32, #tpu.memory_space<vmem>> -> memref<8x51xf32, #tpu.memory_space<vmem>>
        %dma_start3A_2269 = arith.constant 0 : i32
        %dma_start3A_2270 = tpu.memref_slice %arg3[%multiple_of3A_266, %dma_start3A_2269] : memref<1000001x51xf32, #tpu.memory_space<hbm>> -> memref<8x51xf32, #tpu.memory_space<hbm>>
        tpu.enqueue_dma source(%dma_start3A_2270 : memref<8x51xf32, #tpu.memory_space<hbm>>) target(%dma_start3A_2268 : memref<8x51xf32, #tpu.memory_space<vmem>>) target_semaphore(%dma_start3A_2264 : memref<!tpu.dma_semaphore, #tpu.memory_space<semaphore_mem>>)
      } else {
      }
      %ge3A_273 = arith.constant 7 : i32
      %ge3A_274 = arith.cmpi sge, %sub3A_267, %ge3A_273 : i32
      %convert_element_type3A_275 = arith.extui %ge3A_274 : i1 to i32
      %cond3A_276 = arith.constant 0 : i32
      %cond3A_277 = arith.cmpi ne, %convert_element_type3A_275, %cond3A_276 : i32
      scf.if %cond3A_277 {
        %dma_start3A = arith.constant 14 : i32
        %dma_start3A_2256 = arith.constant 14 : i32
        %dma_start3A_2257 = arith.constant 0 : i32
        %dma_start3A_2258 = arith.constant 0 : i32
        %dma_start3A_2259 = tpu.memref_slice %arg8[%dma_start3A, %dma_start3A_2257, %dma_start3A_2258] : memref<16x16x51xf32, #tpu.memory_space<vmem>> -> memref<1x16x51xf32, #tpu.memory_space<vmem>>
        %dma_start3A_2260 = tpu.memref_squeeze %dma_start3A_2259 : memref<1x16x51xf32, #tpu.memory_space<vmem>> -> memref<16x51xf32, #tpu.memory_space<vmem>>
        %dma_start3A_2261 = arith.constant 0 : i32
        %dma_start3A_2262 = tpu.memref_slice %arg3[%multiple_of3A_266, %dma_start3A_2261] : memref<1000001x51xf32, #tpu.memory_space<hbm>> -> memref<16x51xf32, #tpu.memory_space<hbm>>
        %dma_start3A_2263 = tpu.memref_slice %arg10[%dma_start3A_2256] : memref<16x!tpu.dma_semaphore, #tpu.memory_space<semaphore_mem>> -> memref<1x!tpu.dma_semaphore, #tpu.memory_space<semaphore_mem>>
        %dma_start3A_2264 = tpu.memref_squeeze %dma_start3A_2263 : memref<1x!tpu.dma_semaphore, #tpu.memory_space<semaphore_mem>> -> memref<!tpu.dma_semaphore, #tpu.memory_space<semaphore_mem>>
        %dma_start3A_2265 = arith.constant 0 : i32
        %dma_start3A_2266 = arith.constant 0 : i32
        %dma_start3A_2267 = tpu.memref_slice %arg8[%dma_start3A, %dma_start3A_2265, %dma_start3A_2266] : memref<16x16x51xf32, #tpu.memory_space<vmem>> -> memref<1x16x51xf32, #tpu.memory_space<vmem>>
        %dma_start3A_2268 = tpu.memref_squeeze %dma_start3A_2267 : memref<1x16x51xf32, #tpu.memory_space<vmem>> -> memref<16x51xf32, #tpu.memory_space<vmem>>
        %dma_start3A_2269 = arith.constant 0 : i32
        %dma_start3A_2270 = tpu.memref_slice %arg3[%multiple_of3A_266, %dma_start3A_2269] : memref<1000001x51xf32, #tpu.memory_space<hbm>> -> memref<16x51xf32, #tpu.memory_space<hbm>>
        tpu.enqueue_dma source(%dma_start3A_2270 : memref<16x51xf32, #tpu.memory_space<hbm>>) target(%dma_start3A_2268 : memref<16x51xf32, #tpu.memory_space<vmem>>) target_semaphore(%dma_start3A_2264 : memref<!tpu.dma_semaphore, #tpu.memory_space<semaphore_mem>>)
      } else {
      }
      %slice3A_278 = vector.extract_strided_slice %get3A_17 {offsets = [15], sizes = [1], strides = [1]} : vector<16xi32> to vector<1xi32>
      %squeeze3A_279 = vector.extract %slice3A_278[0] : i32 from vector<1xi32>
      %and3A_280 = arith.constant -8 : i32
      %and3A_281 = arith.andi %squeeze3A_279, %and3A_280 : i32
      %min3A_282 = arith.constant 999984 : i32
      %min3A_283 = arith.minsi %and3A_281, %min3A_282 : i32
      %multiple_of3A_284 = tpu.assume_multiple %min3A_283, 8 : i32
      %sub3A_285 = arith.subi %squeeze3A_279, %multiple_of3A_284 : i32
      %lt3A_286 = arith.constant 7 : i32
      %lt3A_287 = arith.cmpi slt, %sub3A_285, %lt3A_286 : i32
      %convert_element_type3A_288 = arith.extui %lt3A_287 : i1 to i32
      %cond3A_289 = arith.constant 0 : i32
      %cond3A_290 = arith.cmpi ne, %convert_element_type3A_288, %cond3A_289 : i32
      scf.if %cond3A_290 {
        %dma_start3A = arith.constant 15 : i32
        %dma_start3A_2256 = arith.constant 15 : i32
        %dma_start3A_2257 = arith.constant 0 : i32
        %dma_start3A_2258 = arith.constant 0 : i32
        %dma_start3A_2259 = tpu.memref_slice %arg8[%dma_start3A, %dma_start3A_2257, %dma_start3A_2258] : memref<16x16x51xf32, #tpu.memory_space<vmem>> -> memref<1x8x51xf32, #tpu.memory_space<vmem>>
        %dma_start3A_2260 = tpu.memref_squeeze %dma_start3A_2259 : memref<1x8x51xf32, #tpu.memory_space<vmem>> -> memref<8x51xf32, #tpu.memory_space<vmem>>
        %dma_start3A_2261 = arith.constant 0 : i32
        %dma_start3A_2262 = tpu.memref_slice %arg3[%multiple_of3A_284, %dma_start3A_2261] : memref<1000001x51xf32, #tpu.memory_space<hbm>> -> memref<8x51xf32, #tpu.memory_space<hbm>>
        %dma_start3A_2263 = tpu.memref_slice %arg10[%dma_start3A_2256] : memref<16x!tpu.dma_semaphore, #tpu.memory_space<semaphore_mem>> -> memref<1x!tpu.dma_semaphore, #tpu.memory_space<semaphore_mem>>
        %dma_start3A_2264 = tpu.memref_squeeze %dma_start3A_2263 : memref<1x!tpu.dma_semaphore, #tpu.memory_space<semaphore_mem>> -> memref<!tpu.dma_semaphore, #tpu.memory_space<semaphore_mem>>
        %dma_start3A_2265 = arith.constant 0 : i32
        %dma_start3A_2266 = arith.constant 0 : i32
        %dma_start3A_2267 = tpu.memref_slice %arg8[%dma_start3A, %dma_start3A_2265, %dma_start3A_2266] : memref<16x16x51xf32, #tpu.memory_space<vmem>> -> memref<1x8x51xf32, #tpu.memory_space<vmem>>
        %dma_start3A_2268 = tpu.memref_squeeze %dma_start3A_2267 : memref<1x8x51xf32, #tpu.memory_space<vmem>> -> memref<8x51xf32, #tpu.memory_space<vmem>>
        %dma_start3A_2269 = arith.constant 0 : i32
        %dma_start3A_2270 = tpu.memref_slice %arg3[%multiple_of3A_284, %dma_start3A_2269] : memref<1000001x51xf32, #tpu.memory_space<hbm>> -> memref<8x51xf32, #tpu.memory_space<hbm>>
        tpu.enqueue_dma source(%dma_start3A_2270 : memref<8x51xf32, #tpu.memory_space<hbm>>) target(%dma_start3A_2268 : memref<8x51xf32, #tpu.memory_space<vmem>>) target_semaphore(%dma_start3A_2264 : memref<!tpu.dma_semaphore, #tpu.memory_space<semaphore_mem>>)
      } else {
      }
      %ge3A_291 = arith.constant 7 : i32
      %ge3A_292 = arith.cmpi sge, %sub3A_285, %ge3A_291 : i32
      %convert_element_type3A_293 = arith.extui %ge3A_292 : i1 to i32
      %cond3A_294 = arith.constant 0 : i32
      %cond3A_295 = arith.cmpi ne, %convert_element_type3A_293, %cond3A_294 : i32
      scf.if %cond3A_295 {
        %dma_start3A = arith.constant 15 : i32
        %dma_start3A_2256 = arith.constant 15 : i32
        %dma_start3A_2257 = arith.constant 0 : i32
        %dma_start3A_2258 = arith.constant 0 : i32
        %dma_start3A_2259 = tpu.memref_slice %arg8[%dma_start3A, %dma_start3A_2257, %dma_start3A_2258] : memref<16x16x51xf32, #tpu.memory_space<vmem>> -> memref<1x16x51xf32, #tpu.memory_space<vmem>>
        %dma_start3A_2260 = tpu.memref_squeeze %dma_start3A_2259 : memref<1x16x51xf32, #tpu.memory_space<vmem>> -> memref<16x51xf32, #tpu.memory_space<vmem>>
        %dma_start3A_2261 = arith.constant 0 : i32
        %dma_start3A_2262 = tpu.memref_slice %arg3[%multiple_of3A_284, %dma_start3A_2261] : memref<1000001x51xf32, #tpu.memory_space<hbm>> -> memref<16x51xf32, #tpu.memory_space<hbm>>
        %dma_start3A_2263 = tpu.memref_slice %arg10[%dma_start3A_2256] : memref<16x!tpu.dma_semaphore, #tpu.memory_space<semaphore_mem>> -> memref<1x!tpu.dma_semaphore, #tpu.memory_space<semaphore_mem>>
        %dma_start3A_2264 = tpu.memref_squeeze %dma_start3A_2263 : memref<1x!tpu.dma_semaphore, #tpu.memory_space<semaphore_mem>> -> memref<!tpu.dma_semaphore, #tpu.memory_space<semaphore_mem>>
        %dma_start3A_2265 = arith.constant 0 : i32
        %dma_start3A_2266 = arith.constant 0 : i32
        %dma_start3A_2267 = tpu.memref_slice %arg8[%dma_start3A, %dma_start3A_2265, %dma_start3A_2266] : memref<16x16x51xf32, #tpu.memory_space<vmem>> -> memref<1x16x51xf32, #tpu.memory_space<vmem>>
        %dma_start3A_2268 = tpu.memref_squeeze %dma_start3A_2267 : memref<1x16x51xf32, #tpu.memory_space<vmem>> -> memref<16x51xf32, #tpu.memory_space<vmem>>
        %dma_start3A_2269 = arith.constant 0 : i32
        %dma_start3A_2270 = tpu.memref_slice %arg3[%multiple_of3A_284, %dma_start3A_2269] : memref<1000001x51xf32, #tpu.memory_space<hbm>> -> memref<16x51xf32, #tpu.memory_space<hbm>>
        tpu.enqueue_dma source(%dma_start3A_2270 : memref<16x51xf32, #tpu.memory_space<hbm>>) target(%dma_start3A_2268 : memref<16x51xf32, #tpu.memory_space<vmem>>) target_semaphore(%dma_start3A_2264 : memref<!tpu.dma_semaphore, #tpu.memory_space<semaphore_mem>>)
      } else {
      }
      %mul3A_296 = arith.constant 16 : i32
      %mul3A_297 = arith.muli %scan3A_14, %mul3A_296 : i32
      %get3A_298 = arith.index_cast %mul3A_297 : i32 to index
      %get3A_299 = tpu.vector_load %arg7[%get3A_298] {strides = array<i32>} : memref<512xi32, #tpu.memory_space<vmem>>, vector<16xi32>,
      %mul3A_300 = arith.constant 16 : i32
      %mul3A_301 = arith.muli %scan3A_14, %mul3A_300 : i32
      %get3A_302 = arith.index_cast %mul3A_301 : i32 to index
      %get3A_303 = tpu.vector_load %arg6[%get3A_302] {strides = array<i32>} : memref<512xf32, #tpu.memory_space<vmem>>, vector<16xf32>,
      %mul3A_304 = arith.constant 1024 : i32
      %mul3A_305 = arith.muli %scan3A_14, %mul3A_304 : i32
      %slice3A_306 = vector.extract_strided_slice %get3A_299 {offsets = [0], sizes = [1], strides = [1]} : vector<16xi32> to vector<1xi32>
      %squeeze3A_307 = vector.extract %slice3A_306[0] : i32 from vector<1xi32>
      %and3A_308 = arith.constant -8 : i32
      %and3A_309 = arith.andi %squeeze3A_307, %and3A_308 : i32
      %min3A_310 = arith.constant 999984 : i32
      %min3A_311 = arith.minsi %and3A_309, %min3A_310 : i32
      %sub3A_312 = arith.subi %squeeze3A_307, %min3A_311 : i32
      %lt3A_313 = arith.constant 7 : i32
      %lt3A_314 = arith.cmpi slt, %sub3A_312, %lt3A_313 : i32
      %convert_element_type3A_315 = arith.extui %lt3A_314 : i1 to i32
      %cond3A_316 = arith.constant 0 : i32
      %cond3A_317 = arith.cmpi ne, %convert_element_type3A_315, %cond3A_316 : i32
      scf.if %cond3A_317 {
        %dma_wait3A = arith.constant 0 : i32
        %dma_wait3A_2256 = arith.constant 0 : i32
        %dma_wait3A_2257 = arith.constant 0 : i32
        %dma_wait3A_2258 = arith.constant 0 : i32
        %dma_wait3A_2259 = tpu.memref_slice %arg8[%dma_wait3A, %dma_wait3A_2257, %dma_wait3A_2258] : memref<16x16x51xf32, #tpu.memory_space<vmem>> -> memref<1x8x51xf32, #tpu.memory_space<vmem>>
        %dma_wait3A_2260 = tpu.memref_squeeze %dma_wait3A_2259 : memref<1x8x51xf32, #tpu.memory_space<vmem>> -> memref<8x51xf32, #tpu.memory_space<vmem>>
        %dma_wait3A_2261 = arith.constant 0 : i32
        %dma_wait3A_2262 = arith.constant 0 : i32
        %dma_wait3A_2263 = tpu.memref_slice %arg3[%dma_wait3A_2261, %dma_wait3A_2262] : memref<1000001x51xf32, #tpu.memory_space<hbm>> -> memref<8x51xf32, #tpu.memory_space<hbm>>
        %dma_wait3A_2264 = tpu.memref_slice %arg10[%dma_wait3A_2256] : memref<16x!tpu.dma_semaphore, #tpu.memory_space<semaphore_mem>> -> memref<1x!tpu.dma_semaphore, #tpu.memory_space<semaphore_mem>>
        %dma_wait3A_2265 = tpu.memref_squeeze %dma_wait3A_2264 : memref<1x!tpu.dma_semaphore, #tpu.memory_space<semaphore_mem>> -> memref<!tpu.dma_semaphore, #tpu.memory_space<semaphore_mem>>
        %dma_wait3A_2266 = arith.constant 0 : i32
        %dma_wait3A_2267 = arith.constant 0 : i32
        %dma_wait3A_2268 = tpu.memref_slice %arg8[%dma_wait3A, %dma_wait3A_2266, %dma_wait3A_2267] : memref<16x16x51xf32, #tpu.memory_space<vmem>> -> memref<1x8x51xf32, #tpu.memory_space<vmem>>
        %dma_wait3A_2269 = tpu.memref_squeeze %dma_wait3A_2268 : memref<1x8x51xf32, #tpu.memory_space<vmem>> -> memref<8x51xf32, #tpu.memory_space<vmem>>
        %dma_wait3A_2270 = arith.constant 0 : i32
        %dma_wait3A_2271 = arith.constant 0 : i32
        %dma_wait3A_2272 = tpu.memref_slice %arg3[%dma_wait3A_2270, %dma_wait3A_2271] : memref<1000001x51xf32, #tpu.memory_space<hbm>> -> memref<8x51xf32, #tpu.memory_space<hbm>>
        tpu.wait_dma2 semaphore(%dma_wait3A_2265 : memref<!tpu.dma_semaphore, #tpu.memory_space<semaphore_mem>>) src(%dma_wait3A_2272 : memref<8x51xf32, #tpu.memory_space<hbm>>) dst(%dma_wait3A_2269 : memref<8x51xf32, #tpu.memory_space<vmem>>)
      } else {
      }
      %ge3A_318 = arith.constant 7 : i32
      %ge3A_319 = arith.cmpi sge, %sub3A_312, %ge3A_318 : i32
      %convert_element_type3A_320 = arith.extui %ge3A_319 : i1 to i32
      %cond3A_321 = arith.constant 0 : i32
      %cond3A_322 = arith.cmpi ne, %convert_element_type3A_320, %cond3A_321 : i32
      scf.if %cond3A_322 {
        %dma_wait3A = arith.constant 0 : i32
        %dma_wait3A_2256 = arith.constant 0 : i32
        %dma_wait3A_2257 = arith.constant 0 : i32
        %dma_wait3A_2258 = arith.constant 0 : i32
        %dma_wait3A_2259 = tpu.memref_slice %arg8[%dma_wait3A, %dma_wait3A_2257, %dma_wait3A_2258] : memref<16x16x51xf32, #tpu.memory_space<vmem>> -> memref<1x16x51xf32, #tpu.memory_space<vmem>>
        %dma_wait3A_2260 = tpu.memref_squeeze %dma_wait3A_2259 : memref<1x16x51xf32, #tpu.memory_space<vmem>> -> memref<16x51xf32, #tpu.memory_space<vmem>>
        %dma_wait3A_2261 = arith.constant 0 : i32
        %dma_wait3A_2262 = arith.constant 0 : i32
        %dma_wait3A_2263 = tpu.memref_slice %arg3[%dma_wait3A_2261, %dma_wait3A_2262] : memref<1000001x51xf32, #tpu.memory_space<hbm>> -> memref<16x51xf32, #tpu.memory_space<hbm>>
        %dma_wait3A_2264 = tpu.memref_slice %arg10[%dma_wait3A_2256] : memref<16x!tpu.dma_semaphore, #tpu.memory_space<semaphore_mem>> -> memref<1x!tpu.dma_semaphore, #tpu.memory_space<semaphore_mem>>
        %dma_wait3A_2265 = tpu.memref_squeeze %dma_wait3A_2264 : memref<1x!tpu.dma_semaphore, #tpu.memory_space<semaphore_mem>> -> memref<!tpu.dma_semaphore, #tpu.memory_space<semaphore_mem>>
        %dma_wait3A_2266 = arith.constant 0 : i32
        %dma_wait3A_2267 = arith.constant 0 : i32
        %dma_wait3A_2268 = tpu.memref_slice %arg8[%dma_wait3A, %dma_wait3A_2266, %dma_wait3A_2267] : memref<16x16x51xf32, #tpu.memory_space<vmem>> -> memref<1x16x51xf32, #tpu.memory_space<vmem>>
        %dma_wait3A_2269 = tpu.memref_squeeze %dma_wait3A_2268 : memref<1x16x51xf32, #tpu.memory_space<vmem>> -> memref<16x51xf32, #tpu.memory_space<vmem>>
        %dma_wait3A_2270 = arith.constant 0 : i32
        %dma_wait3A_2271 = arith.constant 0 : i32
        %dma_wait3A_2272 = tpu.memref_slice %arg3[%dma_wait3A_2270, %dma_wait3A_2271] : memref<1000001x51xf32, #tpu.memory_space<hbm>> -> memref<16x51xf32, #tpu.memory_space<hbm>>
        tpu.wait_dma2 semaphore(%dma_wait3A_2265 : memref<!tpu.dma_semaphore, #tpu.memory_space<semaphore_mem>>) src(%dma_wait3A_2272 : memref<16x51xf32, #tpu.memory_space<hbm>>) dst(%dma_wait3A_2269 : memref<16x51xf32, #tpu.memory_space<vmem>>)
      } else {
      }
      %slice3A_323 = vector.extract_strided_slice %get3A_303 {offsets = [0], sizes = [1], strides = [1]} : vector<16xf32> to vector<1xf32>
      %squeeze3A_324 = vector.extract %slice3A_323[0] : f32 from vector<1xf32>
      %get3A_325 = arith.constant 0 : i32
      %get3A_326 = arith.index_cast %get3A_325 : i32 to index
      %get3A_327 = arith.index_cast %sub3A_312 : i32 to index
      %get3A_328 = arith.constant 0 : index
      %get3A_329 = tpu.vector_load %arg8[%get3A_326, %get3A_327, %get3A_328] {strides = array<i32>} : memref<16x16x51xf32, #tpu.memory_space<vmem>>, vector<16xf32>,
      %add3A_330 = arith.constant 1 : i32
      %add3A_331 = arith.addi %sub3A_312, %add3A_330 : i32
      %get3A_332 = arith.constant 0 : i32
      %get3A_333 = arith.index_cast %get3A_332 : i32 to index
      %get3A_334 = arith.index_cast %add3A_331 : i32 to index
      %get3A_335 = arith.constant 0 : index
      %get3A_336 = tpu.vector_load %arg8[%get3A_333, %get3A_334, %get3A_335] {strides = array<i32>} : memref<16x16x51xf32, #tpu.memory_space<vmem>>, vector<16xf32>,
      %mul3A_337 = arith.constant 1.000000e+03 : f32
      %mul3A_338 = vector.broadcast %mul3A_337 : f32 to vector<16xf32>
      %mul3A_339 = arith.mulf %get3A_329, %mul3A_338 : vector<16xf32>
      %sub3A_340 = arith.subf %get3A_336, %get3A_329 : vector<16xf32>
      %mul3A_341 = vector.broadcast %squeeze3A_324 : f32 to vector<16xf32>
      %mul3A_342 = arith.mulf %sub3A_340, %mul3A_341 : vector<16xf32>
      %add3A_343 = arith.addf %mul3A_339, %mul3A_342 : vector<16xf32>
      %add3A_344 = arith.constant 0 : i32
      %add3A_345 = arith.addi %mul3A_305, %add3A_344 : i32
      %add3A_346 = arith.constant 0 : i32
      %add3A_347 = arith.addi %add3A_345, %add3A_346 : i32
      %swap3A = arith.index_cast %add3A_347 : i32 to index
      %swap3A_348 = tpu.vector_load %arg9[%swap3A] {strides = array<i32>} : memref<32768xf32, #tpu.memory_space<vmem>>, vector<16xf32>,
      tpu.vector_store %arg9[%swap3A], %add3A_343 {strides = array<i32>} : memref<32768xf32, #tpu.memory_space<vmem>>, vector<16xf32>,
      %get3A_349 = arith.constant 0 : i32
      %get3A_350 = arith.index_cast %get3A_349 : i32 to index
      %get3A_351 = arith.index_cast %sub3A_312 : i32 to index
      %get3A_352 = arith.constant 16 : index
      %get3A_353 = tpu.vector_load %arg8[%get3A_350, %get3A_351, %get3A_352] {strides = array<i32>} : memref<16x16x51xf32, #tpu.memory_space<vmem>>, vector<16xf32>,
      %add3A_354 = arith.constant 1 : i32
      %add3A_355 = arith.addi %sub3A_312, %add3A_354 : i32
      %get3A_356 = arith.constant 0 : i32
      %get3A_357 = arith.index_cast %get3A_356 : i32 to index
      %get3A_358 = arith.index_cast %add3A_355 : i32 to index
      %get3A_359 = arith.constant 16 : index
      %get3A_360 = tpu.vector_load %arg8[%get3A_357, %get3A_358, %get3A_359] {strides = array<i32>} : memref<16x16x51xf32, #tpu.memory_space<vmem>>, vector<16xf32>,
      %mul3A_361 = arith.constant 1.000000e+03 : f32
      %mul3A_362 = vector.broadcast %mul3A_361 : f32 to vector<16xf32>
      %mul3A_363 = arith.mulf %get3A_353, %mul3A_362 : vector<16xf32>
      %sub3A_364 = arith.subf %get3A_360, %get3A_353 : vector<16xf32>
      %mul3A_365 = vector.broadcast %squeeze3A_324 : f32 to vector<16xf32>
      %mul3A_366 = arith.mulf %sub3A_364, %mul3A_365 : vector<16xf32>
      %add3A_367 = arith.addf %mul3A_363, %mul3A_366 : vector<16xf32>
      %add3A_368 = arith.constant 0 : i32
      %add3A_369 = arith.addi %mul3A_305, %add3A_368 : i32
      %add3A_370 = arith.constant 16 : i32
      %add3A_371 = arith.addi %add3A_369, %add3A_370 : i32
      %swap3A_372 = arith.index_cast %add3A_371 : i32 to index
      %swap3A_373 = tpu.vector_load %arg9[%swap3A_372] {strides = array<i32>} : memref<32768xf32, #tpu.memory_space<vmem>>, vector<16xf32>,
      tpu.vector_store %arg9[%swap3A_372], %add3A_367 {strides = array<i32>} : memref<32768xf32, #tpu.memory_space<vmem>>, vector<16xf32>,
      %get3A_374 = arith.constant 0 : i32
      %get3A_375 = arith.index_cast %get3A_374 : i32 to index
      %get3A_376 = arith.index_cast %sub3A_312 : i32 to index
      %get3A_377 = arith.constant 32 : index
      %get3A_378 = tpu.vector_load %arg8[%get3A_375, %get3A_376, %get3A_377] {strides = array<i32>} : memref<16x16x51xf32, #tpu.memory_space<vmem>>, vector<16xf32>,
      %add3A_379 = arith.constant 1 : i32
      %add3A_380 = arith.addi %sub3A_312, %add3A_379 : i32
      %get3A_381 = arith.constant 0 : i32
      %get3A_382 = arith.index_cast %get3A_381 : i32 to index
      %get3A_383 = arith.index_cast %add3A_380 : i32 to index
      %get3A_384 = arith.constant 32 : index
      %get3A_385 = tpu.vector_load %arg8[%get3A_382, %get3A_383, %get3A_384] {strides = array<i32>} : memref<16x16x51xf32, #tpu.memory_space<vmem>>, vector<16xf32>,
      %mul3A_386 = arith.constant 1.000000e+03 : f32
      %mul3A_387 = vector.broadcast %mul3A_386 : f32 to vector<16xf32>
      %mul3A_388 = arith.mulf %get3A_378, %mul3A_387 : vector<16xf32>
      %sub3A_389 = arith.subf %get3A_385, %get3A_378 : vector<16xf32>
      %mul3A_390 = vector.broadcast %squeeze3A_324 : f32 to vector<16xf32>
      %mul3A_391 = arith.mulf %sub3A_389, %mul3A_390 : vector<16xf32>
      %add3A_392 = arith.addf %mul3A_388, %mul3A_391 : vector<16xf32>
      %add3A_393 = arith.constant 0 : i32
      %add3A_394 = arith.addi %mul3A_305, %add3A_393 : i32
      %add3A_395 = arith.constant 32 : i32
      %add3A_396 = arith.addi %add3A_394, %add3A_395 : i32
      %swap3A_397 = arith.index_cast %add3A_396 : i32 to index
      %swap3A_398 = tpu.vector_load %arg9[%swap3A_397] {strides = array<i32>} : memref<32768xf32, #tpu.memory_space<vmem>>, vector<16xf32>,
      tpu.vector_store %arg9[%swap3A_397], %add3A_392 {strides = array<i32>} : memref<32768xf32, #tpu.memory_space<vmem>>, vector<16xf32>,
      %get3A_399 = arith.constant 0 : i32
      %get3A_400 = arith.index_cast %get3A_399 : i32 to index
      %get3A_401 = arith.index_cast %sub3A_312 : i32 to index
      %get3A_402 = arith.constant 35 : index
      %get3A_403 = tpu.vector_load %arg8[%get3A_400, %get3A_401, %get3A_402] {strides = array<i32>} : memref<16x16x51xf32, #tpu.memory_space<vmem>>, vector<16xf32>,
      %add3A_404 = arith.constant 1 : i32
      %add3A_405 = arith.addi %sub3A_312, %add3A_404 : i32
      %get3A_406 = arith.constant 0 : i32
      %get3A_407 = arith.index_cast %get3A_406 : i32 to index
      %get3A_408 = arith.index_cast %add3A_405 : i32 to index
      %get3A_409 = arith.constant 35 : index
      %get3A_410 = tpu.vector_load %arg8[%get3A_407, %get3A_408, %get3A_409] {strides = array<i32>} : memref<16x16x51xf32, #tpu.memory_space<vmem>>, vector<16xf32>,
      %mul3A_411 = arith.constant 1.000000e+03 : f32
      %mul3A_412 = vector.broadcast %mul3A_411 : f32 to vector<16xf32>
      %mul3A_413 = arith.mulf %get3A_403, %mul3A_412 : vector<16xf32>
      %sub3A_414 = arith.subf %get3A_410, %get3A_403 : vector<16xf32>
      %mul3A_415 = vector.broadcast %squeeze3A_324 : f32 to vector<16xf32>
      %mul3A_416 = arith.mulf %sub3A_414, %mul3A_415 : vector<16xf32>
      %add3A_417 = arith.addf %mul3A_413, %mul3A_416 : vector<16xf32>
      %iota3A = tpu.iota {dimensions = array<i32: 0>} : vector<16xi32>
      %add3A_418 = arith.constant 0 : i32
      %add3A_419 = arith.addi %mul3A_305, %add3A_418 : i32
      %add3A_420 = arith.constant 51 : i32
      %add3A_421 = arith.addi %add3A_419, %add3A_420 : i32
      %sub3A_422 = arith.constant 16 : i32
      %sub3A_423 = arith.subi %add3A_421, %sub3A_422 : i32
      %add3A_424 = vector.broadcast %sub3A_423 : i32 to vector<16xi32>
      %add3A_425 = arith.addi %iota3A, %add3A_424 : vector<16xi32>
      tpu.vector_store_idx %arg9[%add3A_425], %add3A_417 : memref<32768xf32, #tpu.memory_space<vmem>>[vector<16xi32>], vector<16xf32>,
      %slice3A_426 = vector.extract_strided_slice %get3A_299 {offsets = [1], sizes = [1], strides = [1]} : vector<16xi32> to vector<1xi32>
      %squeeze3A_427 = vector.extract %slice3A_426[0] : i32 from vector<1xi32>
      %and3A_428 = arith.constant -8 : i32
      %and3A_429 = arith.andi %squeeze3A_427, %and3A_428 : i32
      %min3A_430 = arith.constant 999984 : i32
      %min3A_431 = arith.minsi %and3A_429, %min3A_430 : i32
      %sub3A_432 = arith.subi %squeeze3A_427, %min3A_431 : i32
      %lt3A_433 = arith.constant 7 : i32
      %lt3A_434 = arith.cmpi slt, %sub3A_432, %lt3A_433 : i32
      %convert_element_type3A_435 = arith.extui %lt3A_434 : i1 to i32
      %cond3A_436 = arith.constant 0 : i32
      %cond3A_437 = arith.cmpi ne, %convert_element_type3A_435, %cond3A_436 : i32
      scf.if %cond3A_437 {
        %dma_wait3A = arith.constant 1 : i32
        %dma_wait3A_2256 = arith.constant 1 : i32
        %dma_wait3A_2257 = arith.constant 0 : i32
        %dma_wait3A_2258 = arith.constant 0 : i32
        %dma_wait3A_2259 = tpu.memref_slice %arg8[%dma_wait3A, %dma_wait3A_2257, %dma_wait3A_2258] : memref<16x16x51xf32, #tpu.memory_space<vmem>> -> memref<1x8x51xf32, #tpu.memory_space<vmem>>
        %dma_wait3A_2260 = tpu.memref_squeeze %dma_wait3A_2259 : memref<1x8x51xf32, #tpu.memory_space<vmem>> -> memref<8x51xf32, #tpu.memory_space<vmem>>
        %dma_wait3A_2261 = arith.constant 0 : i32
        %dma_wait3A_2262 = arith.constant 0 : i32
        %dma_wait3A_2263 = tpu.memref_slice %arg3[%dma_wait3A_2261, %dma_wait3A_2262] : memref<1000001x51xf32, #tpu.memory_space<hbm>> -> memref<8x51xf32, #tpu.memory_space<hbm>>
        %dma_wait3A_2264 = tpu.memref_slice %arg10[%dma_wait3A_2256] : memref<16x!tpu.dma_semaphore, #tpu.memory_space<semaphore_mem>> -> memref<1x!tpu.dma_semaphore, #tpu.memory_space<semaphore_mem>>
        %dma_wait3A_2265 = tpu.memref_squeeze %dma_wait3A_2264 : memref<1x!tpu.dma_semaphore, #tpu.memory_space<semaphore_mem>> -> memref<!tpu.dma_semaphore, #tpu.memory_space<semaphore_mem>>
        %dma_wait3A_2266 = arith.constant 0 : i32
        %dma_wait3A_2267 = arith.constant 0 : i32
        %dma_wait3A_2268 = tpu.memref_slice %arg8[%dma_wait3A, %dma_wait3A_2266, %dma_wait3A_2267] : memref<16x16x51xf32, #tpu.memory_space<vmem>> -> memref<1x8x51xf32, #tpu.memory_space<vmem>>
        %dma_wait3A_2269 = tpu.memref_squeeze %dma_wait3A_2268 : memref<1x8x51xf32, #tpu.memory_space<vmem>> -> memref<8x51xf32, #tpu.memory_space<vmem>>
        %dma_wait3A_2270 = arith.constant 0 : i32
        %dma_wait3A_2271 = arith.constant 0 : i32
        %dma_wait3A_2272 = tpu.memref_slice %arg3[%dma_wait3A_2270, %dma_wait3A_2271] : memref<1000001x51xf32, #tpu.memory_space<hbm>> -> memref<8x51xf32, #tpu.memory_space<hbm>>
        tpu.wait_dma2 semaphore(%dma_wait3A_2265 : memref<!tpu.dma_semaphore, #tpu.memory_space<semaphore_mem>>) src(%dma_wait3A_2272 : memref<8x51xf32, #tpu.memory_space<hbm>>) dst(%dma_wait3A_2269 : memref<8x51xf32, #tpu.memory_space<vmem>>)
      } else {
      }
      %ge3A_438 = arith.constant 7 : i32
      %ge3A_439 = arith.cmpi sge, %sub3A_432, %ge3A_438 : i32
      %convert_element_type3A_440 = arith.extui %ge3A_439 : i1 to i32
      %cond3A_441 = arith.constant 0 : i32
      %cond3A_442 = arith.cmpi ne, %convert_element_type3A_440, %cond3A_441 : i32
      scf.if %cond3A_442 {
        %dma_wait3A = arith.constant 1 : i32
        %dma_wait3A_2256 = arith.constant 1 : i32
        %dma_wait3A_2257 = arith.constant 0 : i32
        %dma_wait3A_2258 = arith.constant 0 : i32
        %dma_wait3A_2259 = tpu.memref_slice %arg8[%dma_wait3A, %dma_wait3A_2257, %dma_wait3A_2258] : memref<16x16x51xf32, #tpu.memory_space<vmem>> -> memref<1x16x51xf32, #tpu.memory_space<vmem>>
        %dma_wait3A_2260 = tpu.memref_squeeze %dma_wait3A_2259 : memref<1x16x51xf32, #tpu.memory_space<vmem>> -> memref<16x51xf32, #tpu.memory_space<vmem>>
        %dma_wait3A_2261 = arith.constant 0 : i32
        %dma_wait3A_2262 = arith.constant 0 : i32
        %dma_wait3A_2263 = tpu.memref_slice %arg3[%dma_wait3A_2261, %dma_wait3A_2262] : memref<1000001x51xf32, #tpu.memory_space<hbm>> -> memref<16x51xf32, #tpu.memory_space<hbm>>
        %dma_wait3A_2264 = tpu.memref_slice %arg10[%dma_wait3A_2256] : memref<16x!tpu.dma_semaphore, #tpu.memory_space<semaphore_mem>> -> memref<1x!tpu.dma_semaphore, #tpu.memory_space<semaphore_mem>>
        %dma_wait3A_2265 = tpu.memref_squeeze %dma_wait3A_2264 : memref<1x!tpu.dma_semaphore, #tpu.memory_space<semaphore_mem>> -> memref<!tpu.dma_semaphore, #tpu.memory_space<semaphore_mem>>
        %dma_wait3A_2266 = arith.constant 0 : i32
        %dma_wait3A_2267 = arith.constant 0 : i32
        %dma_wait3A_2268 = tpu.memref_slice %arg8[%dma_wait3A, %dma_wait3A_2266, %dma_wait3A_2267] : memref<16x16x51xf32, #tpu.memory_space<vmem>> -> memref<1x16x51xf32, #tpu.memory_space<vmem>>
        %dma_wait3A_2269 = tpu.memref_squeeze %dma_wait3A_2268 : memref<1x16x51xf32, #tpu.memory_space<vmem>> -> memref<16x51xf32, #tpu.memory_space<vmem>>
        %dma_wait3A_2270 = arith.constant 0 : i32
        %dma_wait3A_2271 = arith.constant 0 : i32
        %dma_wait3A_2272 = tpu.memref_slice %arg3[%dma_wait3A_2270, %dma_wait3A_2271] : memref<1000001x51xf32, #tpu.memory_space<hbm>> -> memref<16x51xf32, #tpu.memory_space<hbm>>
        tpu.wait_dma2 semaphore(%dma_wait3A_2265 : memref<!tpu.dma_semaphore, #tpu.memory_space<semaphore_mem>>) src(%dma_wait3A_2272 : memref<16x51xf32, #tpu.memory_space<hbm>>) dst(%dma_wait3A_2269 : memref<16x51xf32, #tpu.memory_space<vmem>>)
      } else {
      }
      %slice3A_443 = vector.extract_strided_slice %get3A_303 {offsets = [1], sizes = [1], strides = [1]} : vector<16xf32> to vector<1xf32>
      %squeeze3A_444 = vector.extract %slice3A_443[0] : f32 from vector<1xf32>
      %get3A_445 = arith.constant 1 : i32
      %get3A_446 = arith.index_cast %get3A_445 : i32 to index
      %get3A_447 = arith.index_cast %sub3A_432 : i32 to index
      %get3A_448 = arith.constant 0 : index
      %get3A_449 = tpu.vector_load %arg8[%get3A_446, %get3A_447, %get3A_448] {strides = array<i32>} : memref<16x16x51xf32, #tpu.memory_space<vmem>>, vector<16xf32>,
      %add3A_450 = arith.constant 1 : i32
      %add3A_451 = arith.addi %sub3A_432, %add3A_450 : i32
      %get3A_452 = arith.constant 1 : i32
      %get3A_453 = arith.index_cast %get3A_452 : i32 to index
      %get3A_454 = arith.index_cast %add3A_451 : i32 to index
      %get3A_455 = arith.constant 0 : index
      %get3A_456 = tpu.vector_load %arg8[%get3A_453, %get3A_454, %get3A_455] {strides = array<i32>} : memref<16x16x51xf32, #tpu.memory_space<vmem>>, vector<16xf32>,
      %mul3A_457 = arith.constant 1.000000e+03 : f32
      %mul3A_458 = vector.broadcast %mul3A_457 : f32 to vector<16xf32>
      %mul3A_459 = arith.mulf %get3A_449, %mul3A_458 : vector<16xf32>
      %sub3A_460 = arith.subf %get3A_456, %get3A_449 : vector<16xf32>
      %mul3A_461 = vector.broadcast %squeeze3A_444 : f32 to vector<16xf32>
      %mul3A_462 = arith.mulf %sub3A_460, %mul3A_461 : vector<16xf32>
      %add3A_463 = arith.addf %mul3A_459, %mul3A_462 : vector<16xf32>
      %add3A_464 = arith.constant 64 : i32
      %add3A_465 = arith.addi %mul3A_305, %add3A_464 : i32
      %add3A_466 = arith.constant 0 : i32
      %add3A_467 = arith.addi %add3A_465, %add3A_466 : i32
      %swap3A_468 = arith.index_cast %add3A_467 : i32 to index
      %swap3A_469 = tpu.vector_load %arg9[%swap3A_468] {strides = array<i32>} : memref<32768xf32, #tpu.memory_space<vmem>>, vector<16xf32>,
      tpu.vector_store %arg9[%swap3A_468], %add3A_463 {strides = array<i32>} : memref<32768xf32, #tpu.memory_space<vmem>>, vector<16xf32>,
      %get3A_470 = arith.constant 1 : i32
      %get3A_471 = arith.index_cast %get3A_470 : i32 to index
      %get3A_472 = arith.index_cast %sub3A_432 : i32 to index
      %get3A_473 = arith.constant 16 : index
      %get3A_474 = tpu.vector_load %arg8[%get3A_471, %get3A_472, %get3A_473] {strides = array<i32>} : memref<16x16x51xf32, #tpu.memory_space<vmem>>, vector<16xf32>,
      %add3A_475 = arith.constant 1 : i32
      %add3A_476 = arith.addi %sub3A_432, %add3A_475 : i32
      %get3A_477 = arith.constant 1 : i32
      %get3A_478 = arith.index_cast %get3A_477 : i32 to index
      %get3A_479 = arith.index_cast %add3A_476 : i32 to index
      %get3A_480 = arith.constant 16 : index
      %get3A_481 = tpu.vector_load %arg8[%get3A_478, %get3A_479, %get3A_480] {strides = array<i32>} : memref<16x16x51xf32, #tpu.memory_space<vmem>>, vector<16xf32>,
      %mul3A_482 = arith.constant 1.000000e+03 : f32
      %mul3A_483 = vector.broadcast %mul3A_482 : f32 to vector<16xf32>
      %mul3A_484 = arith.mulf %get3A_474, %mul3A_483 : vector<16xf32>
      %sub3A_485 = arith.subf %get3A_481, %get3A_474 : vector<16xf32>
      %mul3A_486 = vector.broadcast %squeeze3A_444 : f32 to vector<16xf32>
      %mul3A_487 = arith.mulf %sub3A_485, %mul3A_486 : vector<16xf32>
      %add3A_488 = arith.addf %mul3A_484, %mul3A_487 : vector<16xf32>
      %add3A_489 = arith.constant 64 : i32
      %add3A_490 = arith.addi %mul3A_305, %add3A_489 : i32
      %add3A_491 = arith.constant 16 : i32
      %add3A_492 = arith.addi %add3A_490, %add3A_491 : i32
      %swap3A_493 = arith.index_cast %add3A_492 : i32 to index
      %swap3A_494 = tpu.vector_load %arg9[%swap3A_493] {strides = array<i32>} : memref<32768xf32, #tpu.memory_space<vmem>>, vector<16xf32>,
      tpu.vector_store %arg9[%swap3A_493], %add3A_488 {strides = array<i32>} : memref<32768xf32, #tpu.memory_space<vmem>>, vector<16xf32>,
      %get3A_495 = arith.constant 1 : i32
      %get3A_496 = arith.index_cast %get3A_495 : i32 to index
      %get3A_497 = arith.index_cast %sub3A_432 : i32 to index
      %get3A_498 = arith.constant 32 : index
      %get3A_499 = tpu.vector_load %arg8[%get3A_496, %get3A_497, %get3A_498] {strides = array<i32>} : memref<16x16x51xf32, #tpu.memory_space<vmem>>, vector<16xf32>,
      %add3A_500 = arith.constant 1 : i32
      %add3A_501 = arith.addi %sub3A_432, %add3A_500 : i32
      %get3A_502 = arith.constant 1 : i32
      %get3A_503 = arith.index_cast %get3A_502 : i32 to index
      %get3A_504 = arith.index_cast %add3A_501 : i32 to index
      %get3A_505 = arith.constant 32 : index
      %get3A_506 = tpu.vector_load %arg8[%get3A_503, %get3A_504, %get3A_505] {strides = array<i32>} : memref<16x16x51xf32, #tpu.memory_space<vmem>>, vector<16xf32>,
      %mul3A_507 = arith.constant 1.000000e+03 : f32
      %mul3A_508 = vector.broadcast %mul3A_507 : f32 to vector<16xf32>
      %mul3A_509 = arith.mulf %get3A_499, %mul3A_508 : vector<16xf32>
      %sub3A_510 = arith.subf %get3A_506, %get3A_499 : vector<16xf32>
      %mul3A_511 = vector.broadcast %squeeze3A_444 : f32 to vector<16xf32>
      %mul3A_512 = arith.mulf %sub3A_510, %mul3A_511 : vector<16xf32>
      %add3A_513 = arith.addf %mul3A_509, %mul3A_512 : vector<16xf32>
      %add3A_514 = arith.constant 64 : i32
      %add3A_515 = arith.addi %mul3A_305, %add3A_514 : i32
      %add3A_516 = arith.constant 32 : i32
      %add3A_517 = arith.addi %add3A_515, %add3A_516 : i32
      %swap3A_518 = arith.index_cast %add3A_517 : i32 to index
      %swap3A_519 = tpu.vector_load %arg9[%swap3A_518] {strides = array<i32>} : memref<32768xf32, #tpu.memory_space<vmem>>, vector<16xf32>,
      tpu.vector_store %arg9[%swap3A_518], %add3A_513 {strides = array<i32>} : memref<32768xf32, #tpu.memory_space<vmem>>, vector<16xf32>,
      %get3A_520 = arith.constant 1 : i32
      %get3A_521 = arith.index_cast %get3A_520 : i32 to index
      %get3A_522 = arith.index_cast %sub3A_432 : i32 to index
      %get3A_523 = arith.constant 35 : index
      %get3A_524 = tpu.vector_load %arg8[%get3A_521, %get3A_522, %get3A_523] {strides = array<i32>} : memref<16x16x51xf32, #tpu.memory_space<vmem>>, vector<16xf32>,
      %add3A_525 = arith.constant 1 : i32
      %add3A_526 = arith.addi %sub3A_432, %add3A_525 : i32
      %get3A_527 = arith.constant 1 : i32
      %get3A_528 = arith.index_cast %get3A_527 : i32 to index
      %get3A_529 = arith.index_cast %add3A_526 : i32 to index
      %get3A_530 = arith.constant 35 : index
      %get3A_531 = tpu.vector_load %arg8[%get3A_528, %get3A_529, %get3A_530] {strides = array<i32>} : memref<16x16x51xf32, #tpu.memory_space<vmem>>, vector<16xf32>,
      %mul3A_532 = arith.constant 1.000000e+03 : f32
      %mul3A_533 = vector.broadcast %mul3A_532 : f32 to vector<16xf32>
      %mul3A_534 = arith.mulf %get3A_524, %mul3A_533 : vector<16xf32>
      %sub3A_535 = arith.subf %get3A_531, %get3A_524 : vector<16xf32>
      %mul3A_536 = vector.broadcast %squeeze3A_444 : f32 to vector<16xf32>
      %mul3A_537 = arith.mulf %sub3A_535, %mul3A_536 : vector<16xf32>
      %add3A_538 = arith.addf %mul3A_534, %mul3A_537 : vector<16xf32>
      %iota3A_539 = tpu.iota {dimensions = array<i32: 0>} : vector<16xi32>
      %add3A_540 = arith.constant 64 : i32
      %add3A_541 = arith.addi %mul3A_305, %add3A_540 : i32
      %add3A_542 = arith.constant 51 : i32
      %add3A_543 = arith.addi %add3A_541, %add3A_542 : i32
      %sub3A_544 = arith.constant 16 : i32
      %sub3A_545 = arith.subi %add3A_543, %sub3A_544 : i32
      %add3A_546 = vector.broadcast %sub3A_545 : i32 to vector<16xi32>
      %add3A_547 = arith.addi %iota3A_539, %add3A_546 : vector<16xi32>
      tpu.vector_store_idx %arg9[%add3A_547], %add3A_538 : memref<32768xf32, #tpu.memory_space<vmem>>[vector<16xi32>], vector<16xf32>,
      %slice3A_548 = vector.extract_strided_slice %get3A_299 {offsets = [2], sizes = [1], strides = [1]} : vector<16xi32> to vector<1xi32>
      %squeeze3A_549 = vector.extract %slice3A_548[0] : i32 from vector<1xi32>
      %and3A_550 = arith.constant -8 : i32
      %and3A_551 = arith.andi %squeeze3A_549, %and3A_550 : i32
      %min3A_552 = arith.constant 999984 : i32
      %min3A_553 = arith.minsi %and3A_551, %min3A_552 : i32
      %sub3A_554 = arith.subi %squeeze3A_549, %min3A_553 : i32
      %lt3A_555 = arith.constant 7 : i32
      %lt3A_556 = arith.cmpi slt, %sub3A_554, %lt3A_555 : i32
      %convert_element_type3A_557 = arith.extui %lt3A_556 : i1 to i32
      %cond3A_558 = arith.constant 0 : i32
      %cond3A_559 = arith.cmpi ne, %convert_element_type3A_557, %cond3A_558 : i32
      scf.if %cond3A_559 {
        %dma_wait3A = arith.constant 2 : i32
        %dma_wait3A_2256 = arith.constant 2 : i32
        %dma_wait3A_2257 = arith.constant 0 : i32
        %dma_wait3A_2258 = arith.constant 0 : i32
        %dma_wait3A_2259 = tpu.memref_slice %arg8[%dma_wait3A, %dma_wait3A_2257, %dma_wait3A_2258] : memref<16x16x51xf32, #tpu.memory_space<vmem>> -> memref<1x8x51xf32, #tpu.memory_space<vmem>>
        %dma_wait3A_2260 = tpu.memref_squeeze %dma_wait3A_2259 : memref<1x8x51xf32, #tpu.memory_space<vmem>> -> memref<8x51xf32, #tpu.memory_space<vmem>>
        %dma_wait3A_2261 = arith.constant 0 : i32
        %dma_wait3A_2262 = arith.constant 0 : i32
        %dma_wait3A_2263 = tpu.memref_slice %arg3[%dma_wait3A_2261, %dma_wait3A_2262] : memref<1000001x51xf32, #tpu.memory_space<hbm>> -> memref<8x51xf32, #tpu.memory_space<hbm>>
        %dma_wait3A_2264 = tpu.memref_slice %arg10[%dma_wait3A_2256] : memref<16x!tpu.dma_semaphore, #tpu.memory_space<semaphore_mem>> -> memref<1x!tpu.dma_semaphore, #tpu.memory_space<semaphore_mem>>
        %dma_wait3A_2265 = tpu.memref_squeeze %dma_wait3A_2264 : memref<1x!tpu.dma_semaphore, #tpu.memory_space<semaphore_mem>> -> memref<!tpu.dma_semaphore, #tpu.memory_space<semaphore_mem>>
        %dma_wait3A_2266 = arith.constant 0 : i32
        %dma_wait3A_2267 = arith.constant 0 : i32
        %dma_wait3A_2268 = tpu.memref_slice %arg8[%dma_wait3A, %dma_wait3A_2266, %dma_wait3A_2267] : memref<16x16x51xf32, #tpu.memory_space<vmem>> -> memref<1x8x51xf32, #tpu.memory_space<vmem>>
        %dma_wait3A_2269 = tpu.memref_squeeze %dma_wait3A_2268 : memref<1x8x51xf32, #tpu.memory_space<vmem>> -> memref<8x51xf32, #tpu.memory_space<vmem>>
        %dma_wait3A_2270 = arith.constant 0 : i32
        %dma_wait3A_2271 = arith.constant 0 : i32
        %dma_wait3A_2272 = tpu.memref_slice %arg3[%dma_wait3A_2270, %dma_wait3A_2271] : memref<1000001x51xf32, #tpu.memory_space<hbm>> -> memref<8x51xf32, #tpu.memory_space<hbm>>
        tpu.wait_dma2 semaphore(%dma_wait3A_2265 : memref<!tpu.dma_semaphore, #tpu.memory_space<semaphore_mem>>) src(%dma_wait3A_2272 : memref<8x51xf32, #tpu.memory_space<hbm>>) dst(%dma_wait3A_2269 : memref<8x51xf32, #tpu.memory_space<vmem>>)
      } else {
      }
      %ge3A_560 = arith.constant 7 : i32
      %ge3A_561 = arith.cmpi sge, %sub3A_554, %ge3A_560 : i32
      %convert_element_type3A_562 = arith.extui %ge3A_561 : i1 to i32
      %cond3A_563 = arith.constant 0 : i32
      %cond3A_564 = arith.cmpi ne, %convert_element_type3A_562, %cond3A_563 : i32
      scf.if %cond3A_564 {
        %dma_wait3A = arith.constant 2 : i32
        %dma_wait3A_2256 = arith.constant 2 : i32
        %dma_wait3A_2257 = arith.constant 0 : i32
        %dma_wait3A_2258 = arith.constant 0 : i32
        %dma_wait3A_2259 = tpu.memref_slice %arg8[%dma_wait3A, %dma_wait3A_2257, %dma_wait3A_2258] : memref<16x16x51xf32, #tpu.memory_space<vmem>> -> memref<1x16x51xf32, #tpu.memory_space<vmem>>
        %dma_wait3A_2260 = tpu.memref_squeeze %dma_wait3A_2259 : memref<1x16x51xf32, #tpu.memory_space<vmem>> -> memref<16x51xf32, #tpu.memory_space<vmem>>
        %dma_wait3A_2261 = arith.constant 0 : i32
        %dma_wait3A_2262 = arith.constant 0 : i32
        %dma_wait3A_2263 = tpu.memref_slice %arg3[%dma_wait3A_2261, %dma_wait3A_2262] : memref<1000001x51xf32, #tpu.memory_space<hbm>> -> memref<16x51xf32, #tpu.memory_space<hbm>>
        %dma_wait3A_2264 = tpu.memref_slice %arg10[%dma_wait3A_2256] : memref<16x!tpu.dma_semaphore, #tpu.memory_space<semaphore_mem>> -> memref<1x!tpu.dma_semaphore, #tpu.memory_space<semaphore_mem>>
        %dma_wait3A_2265 = tpu.memref_squeeze %dma_wait3A_2264 : memref<1x!tpu.dma_semaphore, #tpu.memory_space<semaphore_mem>> -> memref<!tpu.dma_semaphore, #tpu.memory_space<semaphore_mem>>
        %dma_wait3A_2266 = arith.constant 0 : i32
        %dma_wait3A_2267 = arith.constant 0 : i32
        %dma_wait3A_2268 = tpu.memref_slice %arg8[%dma_wait3A, %dma_wait3A_2266, %dma_wait3A_2267] : memref<16x16x51xf32, #tpu.memory_space<vmem>> -> memref<1x16x51xf32, #tpu.memory_space<vmem>>
        %dma_wait3A_2269 = tpu.memref_squeeze %dma_wait3A_2268 : memref<1x16x51xf32, #tpu.memory_space<vmem>> -> memref<16x51xf32, #tpu.memory_space<vmem>>
        %dma_wait3A_2270 = arith.constant 0 : i32
        %dma_wait3A_2271 = arith.constant 0 : i32
        %dma_wait3A_2272 = tpu.memref_slice %arg3[%dma_wait3A_2270, %dma_wait3A_2271] : memref<1000001x51xf32, #tpu.memory_space<hbm>> -> memref<16x51xf32, #tpu.memory_space<hbm>>
        tpu.wait_dma2 semaphore(%dma_wait3A_2265 : memref<!tpu.dma_semaphore, #tpu.memory_space<semaphore_mem>>) src(%dma_wait3A_2272 : memref<16x51xf32, #tpu.memory_space<hbm>>) dst(%dma_wait3A_2269 : memref<16x51xf32, #tpu.memory_space<vmem>>)
      } else {
      }
      %slice3A_565 = vector.extract_strided_slice %get3A_303 {offsets = [2], sizes = [1], strides = [1]} : vector<16xf32> to vector<1xf32>
      %squeeze3A_566 = vector.extract %slice3A_565[0] : f32 from vector<1xf32>
      %get3A_567 = arith.constant 2 : i32
      %get3A_568 = arith.index_cast %get3A_567 : i32 to index
      %get3A_569 = arith.index_cast %sub3A_554 : i32 to index
      %get3A_570 = arith.constant 0 : index
      %get3A_571 = tpu.vector_load %arg8[%get3A_568, %get3A_569, %get3A_570] {strides = array<i32>} : memref<16x16x51xf32, #tpu.memory_space<vmem>>, vector<16xf32>,
      %add3A_572 = arith.constant 1 : i32
      %add3A_573 = arith.addi %sub3A_554, %add3A_572 : i32
      %get3A_574 = arith.constant 2 : i32
      %get3A_575 = arith.index_cast %get3A_574 : i32 to index
      %get3A_576 = arith.index_cast %add3A_573 : i32 to index
      %get3A_577 = arith.constant 0 : index
      %get3A_578 = tpu.vector_load %arg8[%get3A_575, %get3A_576, %get3A_577] {strides = array<i32>} : memref<16x16x51xf32, #tpu.memory_space<vmem>>, vector<16xf32>,
      %mul3A_579 = arith.constant 1.000000e+03 : f32
      %mul3A_580 = vector.broadcast %mul3A_579 : f32 to vector<16xf32>
      %mul3A_581 = arith.mulf %get3A_571, %mul3A_580 : vector<16xf32>
      %sub3A_582 = arith.subf %get3A_578, %get3A_571 : vector<16xf32>
      %mul3A_583 = vector.broadcast %squeeze3A_566 : f32 to vector<16xf32>
      %mul3A_584 = arith.mulf %sub3A_582, %mul3A_583 : vector<16xf32>
      %add3A_585 = arith.addf %mul3A_581, %mul3A_584 : vector<16xf32>
      %add3A_586 = arith.constant 128 : i32
      %add3A_587 = arith.addi %mul3A_305, %add3A_586 : i32
      %add3A_588 = arith.constant 0 : i32
      %add3A_589 = arith.addi %add3A_587, %add3A_588 : i32
      %swap3A_590 = arith.index_cast %add3A_589 : i32 to index
      %swap3A_591 = tpu.vector_load %arg9[%swap3A_590] {strides = array<i32>} : memref<32768xf32, #tpu.memory_space<vmem>>, vector<16xf32>,
      tpu.vector_store %arg9[%swap3A_590], %add3A_585 {strides = array<i32>} : memref<32768xf32, #tpu.memory_space<vmem>>, vector<16xf32>,
      %get3A_592 = arith.constant 2 : i32
      %get3A_593 = arith.index_cast %get3A_592 : i32 to index
      %get3A_594 = arith.index_cast %sub3A_554 : i32 to index
      %get3A_595 = arith.constant 16 : index
      %get3A_596 = tpu.vector_load %arg8[%get3A_593, %get3A_594, %get3A_595] {strides = array<i32>} : memref<16x16x51xf32, #tpu.memory_space<vmem>>, vector<16xf32>,
      %add3A_597 = arith.constant 1 : i32
      %add3A_598 = arith.addi %sub3A_554, %add3A_597 : i32
      %get3A_599 = arith.constant 2 : i32
      %get3A_600 = arith.index_cast %get3A_599 : i32 to index
      %get3A_601 = arith.index_cast %add3A_598 : i32 to index
      %get3A_602 = arith.constant 16 : index
      %get3A_603 = tpu.vector_load %arg8[%get3A_600, %get3A_601, %get3A_602] {strides = array<i32>} : memref<16x16x51xf32, #tpu.memory_space<vmem>>, vector<16xf32>,
      %mul3A_604 = arith.constant 1.000000e+03 : f32
      %mul3A_605 = vector.broadcast %mul3A_604 : f32 to vector<16xf32>
      %mul3A_606 = arith.mulf %get3A_596, %mul3A_605 : vector<16xf32>
      %sub3A_607 = arith.subf %get3A_603, %get3A_596 : vector<16xf32>
      %mul3A_608 = vector.broadcast %squeeze3A_566 : f32 to vector<16xf32>
      %mul3A_609 = arith.mulf %sub3A_607, %mul3A_608 : vector<16xf32>
      %add3A_610 = arith.addf %mul3A_606, %mul3A_609 : vector<16xf32>
      %add3A_611 = arith.constant 128 : i32
      %add3A_612 = arith.addi %mul3A_305, %add3A_611 : i32
      %add3A_613 = arith.constant 16 : i32
      %add3A_614 = arith.addi %add3A_612, %add3A_613 : i32
      %swap3A_615 = arith.index_cast %add3A_614 : i32 to index
      %swap3A_616 = tpu.vector_load %arg9[%swap3A_615] {strides = array<i32>} : memref<32768xf32, #tpu.memory_space<vmem>>, vector<16xf32>,
      tpu.vector_store %arg9[%swap3A_615], %add3A_610 {strides = array<i32>} : memref<32768xf32, #tpu.memory_space<vmem>>, vector<16xf32>,
      %get3A_617 = arith.constant 2 : i32
      %get3A_618 = arith.index_cast %get3A_617 : i32 to index
      %get3A_619 = arith.index_cast %sub3A_554 : i32 to index
      %get3A_620 = arith.constant 32 : index
      %get3A_621 = tpu.vector_load %arg8[%get3A_618, %get3A_619, %get3A_620] {strides = array<i32>} : memref<16x16x51xf32, #tpu.memory_space<vmem>>, vector<16xf32>,
      %add3A_622 = arith.constant 1 : i32
      %add3A_623 = arith.addi %sub3A_554, %add3A_622 : i32
      %get3A_624 = arith.constant 2 : i32
      %get3A_625 = arith.index_cast %get3A_624 : i32 to index
      %get3A_626 = arith.index_cast %add3A_623 : i32 to index
      %get3A_627 = arith.constant 32 : index
      %get3A_628 = tpu.vector_load %arg8[%get3A_625, %get3A_626, %get3A_627] {strides = array<i32>} : memref<16x16x51xf32, #tpu.memory_space<vmem>>, vector<16xf32>,
      %mul3A_629 = arith.constant 1.000000e+03 : f32
      %mul3A_630 = vector.broadcast %mul3A_629 : f32 to vector<16xf32>
      %mul3A_631 = arith.mulf %get3A_621, %mul3A_630 : vector<16xf32>
      %sub3A_632 = arith.subf %get3A_628, %get3A_621 : vector<16xf32>
      %mul3A_633 = vector.broadcast %squeeze3A_566 : f32 to vector<16xf32>
      %mul3A_634 = arith.mulf %sub3A_632, %mul3A_633 : vector<16xf32>
      %add3A_635 = arith.addf %mul3A_631, %mul3A_634 : vector<16xf32>
      %add3A_636 = arith.constant 128 : i32
      %add3A_637 = arith.addi %mul3A_305, %add3A_636 : i32
      %add3A_638 = arith.constant 32 : i32
      %add3A_639 = arith.addi %add3A_637, %add3A_638 : i32
      %swap3A_640 = arith.index_cast %add3A_639 : i32 to index
      %swap3A_641 = tpu.vector_load %arg9[%swap3A_640] {strides = array<i32>} : memref<32768xf32, #tpu.memory_space<vmem>>, vector<16xf32>,
      tpu.vector_store %arg9[%swap3A_640], %add3A_635 {strides = array<i32>} : memref<32768xf32, #tpu.memory_space<vmem>>, vector<16xf32>,
      %get3A_642 = arith.constant 2 : i32
      %get3A_643 = arith.index_cast %get3A_642 : i32 to index
      %get3A_644 = arith.index_cast %sub3A_554 : i32 to index
      %get3A_645 = arith.constant 35 : index
      %get3A_646 = tpu.vector_load %arg8[%get3A_643, %get3A_644, %get3A_645] {strides = array<i32>} : memref<16x16x51xf32, #tpu.memory_space<vmem>>, vector<16xf32>,
      %add3A_647 = arith.constant 1 : i32
      %add3A_648 = arith.addi %sub3A_554, %add3A_647 : i32
      %get3A_649 = arith.constant 2 : i32
      %get3A_650 = arith.index_cast %get3A_649 : i32 to index
      %get3A_651 = arith.index_cast %add3A_648 : i32 to index
      %get3A_652 = arith.constant 35 : index
      %get3A_653 = tpu.vector_load %arg8[%get3A_650, %get3A_651, %get3A_652] {strides = array<i32>} : memref<16x16x51xf32, #tpu.memory_space<vmem>>, vector<16xf32>,
      %mul3A_654 = arith.constant 1.000000e+03 : f32
      %mul3A_655 = vector.broadcast %mul3A_654 : f32 to vector<16xf32>
      %mul3A_656 = arith.mulf %get3A_646, %mul3A_655 : vector<16xf32>
      %sub3A_657 = arith.subf %get3A_653, %get3A_646 : vector<16xf32>
      %mul3A_658 = vector.broadcast %squeeze3A_566 : f32 to vector<16xf32>
      %mul3A_659 = arith.mulf %sub3A_657, %mul3A_658 : vector<16xf32>
      %add3A_660 = arith.addf %mul3A_656, %mul3A_659 : vector<16xf32>
      %iota3A_661 = tpu.iota {dimensions = array<i32: 0>} : vector<16xi32>
      %add3A_662 = arith.constant 128 : i32
      %add3A_663 = arith.addi %mul3A_305, %add3A_662 : i32
      %add3A_664 = arith.constant 51 : i32
      %add3A_665 = arith.addi %add3A_663, %add3A_664 : i32
      %sub3A_666 = arith.constant 16 : i32
      %sub3A_667 = arith.subi %add3A_665, %sub3A_666 : i32
      %add3A_668 = vector.broadcast %sub3A_667 : i32 to vector<16xi32>
      %add3A_669 = arith.addi %iota3A_661, %add3A_668 : vector<16xi32>
      tpu.vector_store_idx %arg9[%add3A_669], %add3A_660 : memref<32768xf32, #tpu.memory_space<vmem>>[vector<16xi32>], vector<16xf32>,
      %slice3A_670 = vector.extract_strided_slice %get3A_299 {offsets = [3], sizes = [1], strides = [1]} : vector<16xi32> to vector<1xi32>
      %squeeze3A_671 = vector.extract %slice3A_670[0] : i32 from vector<1xi32>
      %and3A_672 = arith.constant -8 : i32
      %and3A_673 = arith.andi %squeeze3A_671, %and3A_672 : i32
      %min3A_674 = arith.constant 999984 : i32
      %min3A_675 = arith.minsi %and3A_673, %min3A_674 : i32
      %sub3A_676 = arith.subi %squeeze3A_671, %min3A_675 : i32
      %lt3A_677 = arith.constant 7 : i32
      %lt3A_678 = arith.cmpi slt, %sub3A_676, %lt3A_677 : i32
      %convert_element_type3A_679 = arith.extui %lt3A_678 : i1 to i32
      %cond3A_680 = arith.constant 0 : i32
      %cond3A_681 = arith.cmpi ne, %convert_element_type3A_679, %cond3A_680 : i32
      scf.if %cond3A_681 {
        %dma_wait3A = arith.constant 3 : i32
        %dma_wait3A_2256 = arith.constant 3 : i32
        %dma_wait3A_2257 = arith.constant 0 : i32
        %dma_wait3A_2258 = arith.constant 0 : i32
        %dma_wait3A_2259 = tpu.memref_slice %arg8[%dma_wait3A, %dma_wait3A_2257, %dma_wait3A_2258] : memref<16x16x51xf32, #tpu.memory_space<vmem>> -> memref<1x8x51xf32, #tpu.memory_space<vmem>>
        %dma_wait3A_2260 = tpu.memref_squeeze %dma_wait3A_2259 : memref<1x8x51xf32, #tpu.memory_space<vmem>> -> memref<8x51xf32, #tpu.memory_space<vmem>>
        %dma_wait3A_2261 = arith.constant 0 : i32
        %dma_wait3A_2262 = arith.constant 0 : i32
        %dma_wait3A_2263 = tpu.memref_slice %arg3[%dma_wait3A_2261, %dma_wait3A_2262] : memref<1000001x51xf32, #tpu.memory_space<hbm>> -> memref<8x51xf32, #tpu.memory_space<hbm>>
        %dma_wait3A_2264 = tpu.memref_slice %arg10[%dma_wait3A_2256] : memref<16x!tpu.dma_semaphore, #tpu.memory_space<semaphore_mem>> -> memref<1x!tpu.dma_semaphore, #tpu.memory_space<semaphore_mem>>
        %dma_wait3A_2265 = tpu.memref_squeeze %dma_wait3A_2264 : memref<1x!tpu.dma_semaphore, #tpu.memory_space<semaphore_mem>> -> memref<!tpu.dma_semaphore, #tpu.memory_space<semaphore_mem>>
        %dma_wait3A_2266 = arith.constant 0 : i32
        %dma_wait3A_2267 = arith.constant 0 : i32
        %dma_wait3A_2268 = tpu.memref_slice %arg8[%dma_wait3A, %dma_wait3A_2266, %dma_wait3A_2267] : memref<16x16x51xf32, #tpu.memory_space<vmem>> -> memref<1x8x51xf32, #tpu.memory_space<vmem>>
        %dma_wait3A_2269 = tpu.memref_squeeze %dma_wait3A_2268 : memref<1x8x51xf32, #tpu.memory_space<vmem>> -> memref<8x51xf32, #tpu.memory_space<vmem>>
        %dma_wait3A_2270 = arith.constant 0 : i32
        %dma_wait3A_2271 = arith.constant 0 : i32
        %dma_wait3A_2272 = tpu.memref_slice %arg3[%dma_wait3A_2270, %dma_wait3A_2271] : memref<1000001x51xf32, #tpu.memory_space<hbm>> -> memref<8x51xf32, #tpu.memory_space<hbm>>
        tpu.wait_dma2 semaphore(%dma_wait3A_2265 : memref<!tpu.dma_semaphore, #tpu.memory_space<semaphore_mem>>) src(%dma_wait3A_2272 : memref<8x51xf32, #tpu.memory_space<hbm>>) dst(%dma_wait3A_2269 : memref<8x51xf32, #tpu.memory_space<vmem>>)
      } else {
      }
      %ge3A_682 = arith.constant 7 : i32
      %ge3A_683 = arith.cmpi sge, %sub3A_676, %ge3A_682 : i32
      %convert_element_type3A_684 = arith.extui %ge3A_683 : i1 to i32
      %cond3A_685 = arith.constant 0 : i32
      %cond3A_686 = arith.cmpi ne, %convert_element_type3A_684, %cond3A_685 : i32
      scf.if %cond3A_686 {
        %dma_wait3A = arith.constant 3 : i32
        %dma_wait3A_2256 = arith.constant 3 : i32
        %dma_wait3A_2257 = arith.constant 0 : i32
        %dma_wait3A_2258 = arith.constant 0 : i32
        %dma_wait3A_2259 = tpu.memref_slice %arg8[%dma_wait3A, %dma_wait3A_2257, %dma_wait3A_2258] : memref<16x16x51xf32, #tpu.memory_space<vmem>> -> memref<1x16x51xf32, #tpu.memory_space<vmem>>
        %dma_wait3A_2260 = tpu.memref_squeeze %dma_wait3A_2259 : memref<1x16x51xf32, #tpu.memory_space<vmem>> -> memref<16x51xf32, #tpu.memory_space<vmem>>
        %dma_wait3A_2261 = arith.constant 0 : i32
        %dma_wait3A_2262 = arith.constant 0 : i32
        %dma_wait3A_2263 = tpu.memref_slice %arg3[%dma_wait3A_2261, %dma_wait3A_2262] : memref<1000001x51xf32, #tpu.memory_space<hbm>> -> memref<16x51xf32, #tpu.memory_space<hbm>>
        %dma_wait3A_2264 = tpu.memref_slice %arg10[%dma_wait3A_2256] : memref<16x!tpu.dma_semaphore, #tpu.memory_space<semaphore_mem>> -> memref<1x!tpu.dma_semaphore, #tpu.memory_space<semaphore_mem>>
        %dma_wait3A_2265 = tpu.memref_squeeze %dma_wait3A_2264 : memref<1x!tpu.dma_semaphore, #tpu.memory_space<semaphore_mem>> -> memref<!tpu.dma_semaphore, #tpu.memory_space<semaphore_mem>>
        %dma_wait3A_2266 = arith.constant 0 : i32
        %dma_wait3A_2267 = arith.constant 0 : i32
        %dma_wait3A_2268 = tpu.memref_slice %arg8[%dma_wait3A, %dma_wait3A_2266, %dma_wait3A_2267] : memref<16x16x51xf32, #tpu.memory_space<vmem>> -> memref<1x16x51xf32, #tpu.memory_space<vmem>>
        %dma_wait3A_2269 = tpu.memref_squeeze %dma_wait3A_2268 : memref<1x16x51xf32, #tpu.memory_space<vmem>> -> memref<16x51xf32, #tpu.memory_space<vmem>>
        %dma_wait3A_2270 = arith.constant 0 : i32
        %dma_wait3A_2271 = arith.constant 0 : i32
        %dma_wait3A_2272 = tpu.memref_slice %arg3[%dma_wait3A_2270, %dma_wait3A_2271] : memref<1000001x51xf32, #tpu.memory_space<hbm>> -> memref<16x51xf32, #tpu.memory_space<hbm>>
        tpu.wait_dma2 semaphore(%dma_wait3A_2265 : memref<!tpu.dma_semaphore, #tpu.memory_space<semaphore_mem>>) src(%dma_wait3A_2272 : memref<16x51xf32, #tpu.memory_space<hbm>>) dst(%dma_wait3A_2269 : memref<16x51xf32, #tpu.memory_space<vmem>>)
      } else {
      }
      %slice3A_687 = vector.extract_strided_slice %get3A_303 {offsets = [3], sizes = [1], strides = [1]} : vector<16xf32> to vector<1xf32>
      %squeeze3A_688 = vector.extract %slice3A_687[0] : f32 from vector<1xf32>
      %get3A_689 = arith.constant 3 : i32
      %get3A_690 = arith.index_cast %get3A_689 : i32 to index
      %get3A_691 = arith.index_cast %sub3A_676 : i32 to index
      %get3A_692 = arith.constant 0 : index
      %get3A_693 = tpu.vector_load %arg8[%get3A_690, %get3A_691, %get3A_692] {strides = array<i32>} : memref<16x16x51xf32, #tpu.memory_space<vmem>>, vector<16xf32>,
      %add3A_694 = arith.constant 1 : i32
      %add3A_695 = arith.addi %sub3A_676, %add3A_694 : i32
      %get3A_696 = arith.constant 3 : i32
      %get3A_697 = arith.index_cast %get3A_696 : i32 to index
      %get3A_698 = arith.index_cast %add3A_695 : i32 to index
      %get3A_699 = arith.constant 0 : index
      %get3A_700 = tpu.vector_load %arg8[%get3A_697, %get3A_698, %get3A_699] {strides = array<i32>} : memref<16x16x51xf32, #tpu.memory_space<vmem>>, vector<16xf32>,
      %mul3A_701 = arith.constant 1.000000e+03 : f32
      %mul3A_702 = vector.broadcast %mul3A_701 : f32 to vector<16xf32>
      %mul3A_703 = arith.mulf %get3A_693, %mul3A_702 : vector<16xf32>
      %sub3A_704 = arith.subf %get3A_700, %get3A_693 : vector<16xf32>
      %mul3A_705 = vector.broadcast %squeeze3A_688 : f32 to vector<16xf32>
      %mul3A_706 = arith.mulf %sub3A_704, %mul3A_705 : vector<16xf32>
      %add3A_707 = arith.addf %mul3A_703, %mul3A_706 : vector<16xf32>
      %add3A_708 = arith.constant 192 : i32
      %add3A_709 = arith.addi %mul3A_305, %add3A_708 : i32
      %add3A_710 = arith.constant 0 : i32
      %add3A_711 = arith.addi %add3A_709, %add3A_710 : i32
      %swap3A_712 = arith.index_cast %add3A_711 : i32 to index
      %swap3A_713 = tpu.vector_load %arg9[%swap3A_712] {strides = array<i32>} : memref<32768xf32, #tpu.memory_space<vmem>>, vector<16xf32>,
      tpu.vector_store %arg9[%swap3A_712], %add3A_707 {strides = array<i32>} : memref<32768xf32, #tpu.memory_space<vmem>>, vector<16xf32>,
      %get3A_714 = arith.constant 3 : i32
      %get3A_715 = arith.index_cast %get3A_714 : i32 to index
      %get3A_716 = arith.index_cast %sub3A_676 : i32 to index
      %get3A_717 = arith.constant 16 : index
      %get3A_718 = tpu.vector_load %arg8[%get3A_715, %get3A_716, %get3A_717] {strides = array<i32>} : memref<16x16x51xf32, #tpu.memory_space<vmem>>, vector<16xf32>,
      %add3A_719 = arith.constant 1 : i32
      %add3A_720 = arith.addi %sub3A_676, %add3A_719 : i32
      %get3A_721 = arith.constant 3 : i32
      %get3A_722 = arith.index_cast %get3A_721 : i32 to index
      %get3A_723 = arith.index_cast %add3A_720 : i32 to index
      %get3A_724 = arith.constant 16 : index
      %get3A_725 = tpu.vector_load %arg8[%get3A_722, %get3A_723, %get3A_724] {strides = array<i32>} : memref<16x16x51xf32, #tpu.memory_space<vmem>>, vector<16xf32>,
      %mul3A_726 = arith.constant 1.000000e+03 : f32
      %mul3A_727 = vector.broadcast %mul3A_726 : f32 to vector<16xf32>
      %mul3A_728 = arith.mulf %get3A_718, %mul3A_727 : vector<16xf32>
      %sub3A_729 = arith.subf %get3A_725, %get3A_718 : vector<16xf32>
      %mul3A_730 = vector.broadcast %squeeze3A_688 : f32 to vector<16xf32>
      %mul3A_731 = arith.mulf %sub3A_729, %mul3A_730 : vector<16xf32>
      %add3A_732 = arith.addf %mul3A_728, %mul3A_731 : vector<16xf32>
      %add3A_733 = arith.constant 192 : i32
      %add3A_734 = arith.addi %mul3A_305, %add3A_733 : i32
      %add3A_735 = arith.constant 16 : i32
      %add3A_736 = arith.addi %add3A_734, %add3A_735 : i32
      %swap3A_737 = arith.index_cast %add3A_736 : i32 to index
      %swap3A_738 = tpu.vector_load %arg9[%swap3A_737] {strides = array<i32>} : memref<32768xf32, #tpu.memory_space<vmem>>, vector<16xf32>,
      tpu.vector_store %arg9[%swap3A_737], %add3A_732 {strides = array<i32>} : memref<32768xf32, #tpu.memory_space<vmem>>, vector<16xf32>,
      %get3A_739 = arith.constant 3 : i32
      %get3A_740 = arith.index_cast %get3A_739 : i32 to index
      %get3A_741 = arith.index_cast %sub3A_676 : i32 to index
      %get3A_742 = arith.constant 32 : index
      %get3A_743 = tpu.vector_load %arg8[%get3A_740, %get3A_741, %get3A_742] {strides = array<i32>} : memref<16x16x51xf32, #tpu.memory_space<vmem>>, vector<16xf32>,
      %add3A_744 = arith.constant 1 : i32
      %add3A_745 = arith.addi %sub3A_676, %add3A_744 : i32
      %get3A_746 = arith.constant 3 : i32
      %get3A_747 = arith.index_cast %get3A_746 : i32 to index
      %get3A_748 = arith.index_cast %add3A_745 : i32 to index
      %get3A_749 = arith.constant 32 : index
      %get3A_750 = tpu.vector_load %arg8[%get3A_747, %get3A_748, %get3A_749] {strides = array<i32>} : memref<16x16x51xf32, #tpu.memory_space<vmem>>, vector<16xf32>,
      %mul3A_751 = arith.constant 1.000000e+03 : f32
      %mul3A_752 = vector.broadcast %mul3A_751 : f32 to vector<16xf32>
      %mul3A_753 = arith.mulf %get3A_743, %mul3A_752 : vector<16xf32>
      %sub3A_754 = arith.subf %get3A_750, %get3A_743 : vector<16xf32>
      %mul3A_755 = vector.broadcast %squeeze3A_688 : f32 to vector<16xf32>
      %mul3A_756 = arith.mulf %sub3A_754, %mul3A_755 : vector<16xf32>
      %add3A_757 = arith.addf %mul3A_753, %mul3A_756 : vector<16xf32>
      %add3A_758 = arith.constant 192 : i32
      %add3A_759 = arith.addi %mul3A_305, %add3A_758 : i32
      %add3A_760 = arith.constant 32 : i32
      %add3A_761 = arith.addi %add3A_759, %add3A_760 : i32
      %swap3A_762 = arith.index_cast %add3A_761 : i32 to index
      %swap3A_763 = tpu.vector_load %arg9[%swap3A_762] {strides = array<i32>} : memref<32768xf32, #tpu.memory_space<vmem>>, vector<16xf32>,
      tpu.vector_store %arg9[%swap3A_762], %add3A_757 {strides = array<i32>} : memref<32768xf32, #tpu.memory_space<vmem>>, vector<16xf32>,
      %get3A_764 = arith.constant 3 : i32
      %get3A_765 = arith.index_cast %get3A_764 : i32 to index
      %get3A_766 = arith.index_cast %sub3A_676 : i32 to index
      %get3A_767 = arith.constant 35 : index
      %get3A_768 = tpu.vector_load %arg8[%get3A_765, %get3A_766, %get3A_767] {strides = array<i32>} : memref<16x16x51xf32, #tpu.memory_space<vmem>>, vector<16xf32>,
      %add3A_769 = arith.constant 1 : i32
      %add3A_770 = arith.addi %sub3A_676, %add3A_769 : i32
      %get3A_771 = arith.constant 3 : i32
      %get3A_772 = arith.index_cast %get3A_771 : i32 to index
      %get3A_773 = arith.index_cast %add3A_770 : i32 to index
      %get3A_774 = arith.constant 35 : index
      %get3A_775 = tpu.vector_load %arg8[%get3A_772, %get3A_773, %get3A_774] {strides = array<i32>} : memref<16x16x51xf32, #tpu.memory_space<vmem>>, vector<16xf32>,
      %mul3A_776 = arith.constant 1.000000e+03 : f32
      %mul3A_777 = vector.broadcast %mul3A_776 : f32 to vector<16xf32>
      %mul3A_778 = arith.mulf %get3A_768, %mul3A_777 : vector<16xf32>
      %sub3A_779 = arith.subf %get3A_775, %get3A_768 : vector<16xf32>
      %mul3A_780 = vector.broadcast %squeeze3A_688 : f32 to vector<16xf32>
      %mul3A_781 = arith.mulf %sub3A_779, %mul3A_780 : vector<16xf32>
      %add3A_782 = arith.addf %mul3A_778, %mul3A_781 : vector<16xf32>
      %iota3A_783 = tpu.iota {dimensions = array<i32: 0>} : vector<16xi32>
      %add3A_784 = arith.constant 192 : i32
      %add3A_785 = arith.addi %mul3A_305, %add3A_784 : i32
      %add3A_786 = arith.constant 51 : i32
      %add3A_787 = arith.addi %add3A_785, %add3A_786 : i32
      %sub3A_788 = arith.constant 16 : i32
      %sub3A_789 = arith.subi %add3A_787, %sub3A_788 : i32
      %add3A_790 = vector.broadcast %sub3A_789 : i32 to vector<16xi32>
      %add3A_791 = arith.addi %iota3A_783, %add3A_790 : vector<16xi32>
      tpu.vector_store_idx %arg9[%add3A_791], %add3A_782 : memref<32768xf32, #tpu.memory_space<vmem>>[vector<16xi32>], vector<16xf32>,
      %slice3A_792 = vector.extract_strided_slice %get3A_299 {offsets = [4], sizes = [1], strides = [1]} : vector<16xi32> to vector<1xi32>
      %squeeze3A_793 = vector.extract %slice3A_792[0] : i32 from vector<1xi32>
      %and3A_794 = arith.constant -8 : i32
      %and3A_795 = arith.andi %squeeze3A_793, %and3A_794 : i32
      %min3A_796 = arith.constant 999984 : i32
      %min3A_797 = arith.minsi %and3A_795, %min3A_796 : i32
      %sub3A_798 = arith.subi %squeeze3A_793, %min3A_797 : i32
      %lt3A_799 = arith.constant 7 : i32
      %lt3A_800 = arith.cmpi slt, %sub3A_798, %lt3A_799 : i32
      %convert_element_type3A_801 = arith.extui %lt3A_800 : i1 to i32
      %cond3A_802 = arith.constant 0 : i32
      %cond3A_803 = arith.cmpi ne, %convert_element_type3A_801, %cond3A_802 : i32
      scf.if %cond3A_803 {
        %dma_wait3A = arith.constant 4 : i32
        %dma_wait3A_2256 = arith.constant 4 : i32
        %dma_wait3A_2257 = arith.constant 0 : i32
        %dma_wait3A_2258 = arith.constant 0 : i32
        %dma_wait3A_2259 = tpu.memref_slice %arg8[%dma_wait3A, %dma_wait3A_2257, %dma_wait3A_2258] : memref<16x16x51xf32, #tpu.memory_space<vmem>> -> memref<1x8x51xf32, #tpu.memory_space<vmem>>
        %dma_wait3A_2260 = tpu.memref_squeeze %dma_wait3A_2259 : memref<1x8x51xf32, #tpu.memory_space<vmem>> -> memref<8x51xf32, #tpu.memory_space<vmem>>
        %dma_wait3A_2261 = arith.constant 0 : i32
        %dma_wait3A_2262 = arith.constant 0 : i32
        %dma_wait3A_2263 = tpu.memref_slice %arg3[%dma_wait3A_2261, %dma_wait3A_2262] : memref<1000001x51xf32, #tpu.memory_space<hbm>> -> memref<8x51xf32, #tpu.memory_space<hbm>>
        %dma_wait3A_2264 = tpu.memref_slice %arg10[%dma_wait3A_2256] : memref<16x!tpu.dma_semaphore, #tpu.memory_space<semaphore_mem>> -> memref<1x!tpu.dma_semaphore, #tpu.memory_space<semaphore_mem>>
        %dma_wait3A_2265 = tpu.memref_squeeze %dma_wait3A_2264 : memref<1x!tpu.dma_semaphore, #tpu.memory_space<semaphore_mem>> -> memref<!tpu.dma_semaphore, #tpu.memory_space<semaphore_mem>>
        %dma_wait3A_2266 = arith.constant 0 : i32
        %dma_wait3A_2267 = arith.constant 0 : i32
        %dma_wait3A_2268 = tpu.memref_slice %arg8[%dma_wait3A, %dma_wait3A_2266, %dma_wait3A_2267] : memref<16x16x51xf32, #tpu.memory_space<vmem>> -> memref<1x8x51xf32, #tpu.memory_space<vmem>>
        %dma_wait3A_2269 = tpu.memref_squeeze %dma_wait3A_2268 : memref<1x8x51xf32, #tpu.memory_space<vmem>> -> memref<8x51xf32, #tpu.memory_space<vmem>>
        %dma_wait3A_2270 = arith.constant 0 : i32
        %dma_wait3A_2271 = arith.constant 0 : i32
        %dma_wait3A_2272 = tpu.memref_slice %arg3[%dma_wait3A_2270, %dma_wait3A_2271] : memref<1000001x51xf32, #tpu.memory_space<hbm>> -> memref<8x51xf32, #tpu.memory_space<hbm>>
        tpu.wait_dma2 semaphore(%dma_wait3A_2265 : memref<!tpu.dma_semaphore, #tpu.memory_space<semaphore_mem>>) src(%dma_wait3A_2272 : memref<8x51xf32, #tpu.memory_space<hbm>>) dst(%dma_wait3A_2269 : memref<8x51xf32, #tpu.memory_space<vmem>>)
      } else {
      }
      %ge3A_804 = arith.constant 7 : i32
      %ge3A_805 = arith.cmpi sge, %sub3A_798, %ge3A_804 : i32
      %convert_element_type3A_806 = arith.extui %ge3A_805 : i1 to i32
      %cond3A_807 = arith.constant 0 : i32
      %cond3A_808 = arith.cmpi ne, %convert_element_type3A_806, %cond3A_807 : i32
      scf.if %cond3A_808 {
        %dma_wait3A = arith.constant 4 : i32
        %dma_wait3A_2256 = arith.constant 4 : i32
        %dma_wait3A_2257 = arith.constant 0 : i32
        %dma_wait3A_2258 = arith.constant 0 : i32
        %dma_wait3A_2259 = tpu.memref_slice %arg8[%dma_wait3A, %dma_wait3A_2257, %dma_wait3A_2258] : memref<16x16x51xf32, #tpu.memory_space<vmem>> -> memref<1x16x51xf32, #tpu.memory_space<vmem>>
        %dma_wait3A_2260 = tpu.memref_squeeze %dma_wait3A_2259 : memref<1x16x51xf32, #tpu.memory_space<vmem>> -> memref<16x51xf32, #tpu.memory_space<vmem>>
        %dma_wait3A_2261 = arith.constant 0 : i32
        %dma_wait3A_2262 = arith.constant 0 : i32
        %dma_wait3A_2263 = tpu.memref_slice %arg3[%dma_wait3A_2261, %dma_wait3A_2262] : memref<1000001x51xf32, #tpu.memory_space<hbm>> -> memref<16x51xf32, #tpu.memory_space<hbm>>
        %dma_wait3A_2264 = tpu.memref_slice %arg10[%dma_wait3A_2256] : memref<16x!tpu.dma_semaphore, #tpu.memory_space<semaphore_mem>> -> memref<1x!tpu.dma_semaphore, #tpu.memory_space<semaphore_mem>>
        %dma_wait3A_2265 = tpu.memref_squeeze %dma_wait3A_2264 : memref<1x!tpu.dma_semaphore, #tpu.memory_space<semaphore_mem>> -> memref<!tpu.dma_semaphore, #tpu.memory_space<semaphore_mem>>
        %dma_wait3A_2266 = arith.constant 0 : i32
        %dma_wait3A_2267 = arith.constant 0 : i32
        %dma_wait3A_2268 = tpu.memref_slice %arg8[%dma_wait3A, %dma_wait3A_2266, %dma_wait3A_2267] : memref<16x16x51xf32, #tpu.memory_space<vmem>> -> memref<1x16x51xf32, #tpu.memory_space<vmem>>
        %dma_wait3A_2269 = tpu.memref_squeeze %dma_wait3A_2268 : memref<1x16x51xf32, #tpu.memory_space<vmem>> -> memref<16x51xf32, #tpu.memory_space<vmem>>
        %dma_wait3A_2270 = arith.constant 0 : i32
        %dma_wait3A_2271 = arith.constant 0 : i32
        %dma_wait3A_2272 = tpu.memref_slice %arg3[%dma_wait3A_2270, %dma_wait3A_2271] : memref<1000001x51xf32, #tpu.memory_space<hbm>> -> memref<16x51xf32, #tpu.memory_space<hbm>>
        tpu.wait_dma2 semaphore(%dma_wait3A_2265 : memref<!tpu.dma_semaphore, #tpu.memory_space<semaphore_mem>>) src(%dma_wait3A_2272 : memref<16x51xf32, #tpu.memory_space<hbm>>) dst(%dma_wait3A_2269 : memref<16x51xf32, #tpu.memory_space<vmem>>)
      } else {
      }
      %slice3A_809 = vector.extract_strided_slice %get3A_303 {offsets = [4], sizes = [1], strides = [1]} : vector<16xf32> to vector<1xf32>
      %squeeze3A_810 = vector.extract %slice3A_809[0] : f32 from vector<1xf32>
      %get3A_811 = arith.constant 4 : i32
      %get3A_812 = arith.index_cast %get3A_811 : i32 to index
      %get3A_813 = arith.index_cast %sub3A_798 : i32 to index
      %get3A_814 = arith.constant 0 : index
      %get3A_815 = tpu.vector_load %arg8[%get3A_812, %get3A_813, %get3A_814] {strides = array<i32>} : memref<16x16x51xf32, #tpu.memory_space<vmem>>, vector<16xf32>,
      %add3A_816 = arith.constant 1 : i32
      %add3A_817 = arith.addi %sub3A_798, %add3A_816 : i32
      %get3A_818 = arith.constant 4 : i32
      %get3A_819 = arith.index_cast %get3A_818 : i32 to index
      %get3A_820 = arith.index_cast %add3A_817 : i32 to index
      %get3A_821 = arith.constant 0 : index
      %get3A_822 = tpu.vector_load %arg8[%get3A_819, %get3A_820, %get3A_821] {strides = array<i32>} : memref<16x16x51xf32, #tpu.memory_space<vmem>>, vector<16xf32>,
      %mul3A_823 = arith.constant 1.000000e+03 : f32
      %mul3A_824 = vector.broadcast %mul3A_823 : f32 to vector<16xf32>
      %mul3A_825 = arith.mulf %get3A_815, %mul3A_824 : vector<16xf32>
      %sub3A_826 = arith.subf %get3A_822, %get3A_815 : vector<16xf32>
      %mul3A_827 = vector.broadcast %squeeze3A_810 : f32 to vector<16xf32>
      %mul3A_828 = arith.mulf %sub3A_826, %mul3A_827 : vector<16xf32>
      %add3A_829 = arith.addf %mul3A_825, %mul3A_828 : vector<16xf32>
      %add3A_830 = arith.constant 256 : i32
      %add3A_831 = arith.addi %mul3A_305, %add3A_830 : i32
      %add3A_832 = arith.constant 0 : i32
      %add3A_833 = arith.addi %add3A_831, %add3A_832 : i32
      %swap3A_834 = arith.index_cast %add3A_833 : i32 to index
      %swap3A_835 = tpu.vector_load %arg9[%swap3A_834] {strides = array<i32>} : memref<32768xf32, #tpu.memory_space<vmem>>, vector<16xf32>,
      tpu.vector_store %arg9[%swap3A_834], %add3A_829 {strides = array<i32>} : memref<32768xf32, #tpu.memory_space<vmem>>, vector<16xf32>,
      %get3A_836 = arith.constant 4 : i32
      %get3A_837 = arith.index_cast %get3A_836 : i32 to index
      %get3A_838 = arith.index_cast %sub3A_798 : i32 to index
      %get3A_839 = arith.constant 16 : index
      %get3A_840 = tpu.vector_load %arg8[%get3A_837, %get3A_838, %get3A_839] {strides = array<i32>} : memref<16x16x51xf32, #tpu.memory_space<vmem>>, vector<16xf32>,
      %add3A_841 = arith.constant 1 : i32
      %add3A_842 = arith.addi %sub3A_798, %add3A_841 : i32
      %get3A_843 = arith.constant 4 : i32
      %get3A_844 = arith.index_cast %get3A_843 : i32 to index
      %get3A_845 = arith.index_cast %add3A_842 : i32 to index
      %get3A_846 = arith.constant 16 : index
      %get3A_847 = tpu.vector_load %arg8[%get3A_844, %get3A_845, %get3A_846] {strides = array<i32>} : memref<16x16x51xf32, #tpu.memory_space<vmem>>, vector<16xf32>,
      %mul3A_848 = arith.constant 1.000000e+03 : f32
      %mul3A_849 = vector.broadcast %mul3A_848 : f32 to vector<16xf32>
      %mul3A_850 = arith.mulf %get3A_840, %mul3A_849 : vector<16xf32>
      %sub3A_851 = arith.subf %get3A_847, %get3A_840 : vector<16xf32>
      %mul3A_852 = vector.broadcast %squeeze3A_810 : f32 to vector<16xf32>
      %mul3A_853 = arith.mulf %sub3A_851, %mul3A_852 : vector<16xf32>
      %add3A_854 = arith.addf %mul3A_850, %mul3A_853 : vector<16xf32>
      %add3A_855 = arith.constant 256 : i32
      %add3A_856 = arith.addi %mul3A_305, %add3A_855 : i32
      %add3A_857 = arith.constant 16 : i32
      %add3A_858 = arith.addi %add3A_856, %add3A_857 : i32
      %swap3A_859 = arith.index_cast %add3A_858 : i32 to index
      %swap3A_860 = tpu.vector_load %arg9[%swap3A_859] {strides = array<i32>} : memref<32768xf32, #tpu.memory_space<vmem>>, vector<16xf32>,
      tpu.vector_store %arg9[%swap3A_859], %add3A_854 {strides = array<i32>} : memref<32768xf32, #tpu.memory_space<vmem>>, vector<16xf32>,
      %get3A_861 = arith.constant 4 : i32
      %get3A_862 = arith.index_cast %get3A_861 : i32 to index
      %get3A_863 = arith.index_cast %sub3A_798 : i32 to index
      %get3A_864 = arith.constant 32 : index
      %get3A_865 = tpu.vector_load %arg8[%get3A_862, %get3A_863, %get3A_864] {strides = array<i32>} : memref<16x16x51xf32, #tpu.memory_space<vmem>>, vector<16xf32>,
      %add3A_866 = arith.constant 1 : i32
      %add3A_867 = arith.addi %sub3A_798, %add3A_866 : i32
      %get3A_868 = arith.constant 4 : i32
      %get3A_869 = arith.index_cast %get3A_868 : i32 to index
      %get3A_870 = arith.index_cast %add3A_867 : i32 to index
      %get3A_871 = arith.constant 32 : index
      %get3A_872 = tpu.vector_load %arg8[%get3A_869, %get3A_870, %get3A_871] {strides = array<i32>} : memref<16x16x51xf32, #tpu.memory_space<vmem>>, vector<16xf32>,
      %mul3A_873 = arith.constant 1.000000e+03 : f32
      %mul3A_874 = vector.broadcast %mul3A_873 : f32 to vector<16xf32>
      %mul3A_875 = arith.mulf %get3A_865, %mul3A_874 : vector<16xf32>
      %sub3A_876 = arith.subf %get3A_872, %get3A_865 : vector<16xf32>
      %mul3A_877 = vector.broadcast %squeeze3A_810 : f32 to vector<16xf32>
      %mul3A_878 = arith.mulf %sub3A_876, %mul3A_877 : vector<16xf32>
      %add3A_879 = arith.addf %mul3A_875, %mul3A_878 : vector<16xf32>
      %add3A_880 = arith.constant 256 : i32
      %add3A_881 = arith.addi %mul3A_305, %add3A_880 : i32
      %add3A_882 = arith.constant 32 : i32
      %add3A_883 = arith.addi %add3A_881, %add3A_882 : i32
      %swap3A_884 = arith.index_cast %add3A_883 : i32 to index
      %swap3A_885 = tpu.vector_load %arg9[%swap3A_884] {strides = array<i32>} : memref<32768xf32, #tpu.memory_space<vmem>>, vector<16xf32>,
      tpu.vector_store %arg9[%swap3A_884], %add3A_879 {strides = array<i32>} : memref<32768xf32, #tpu.memory_space<vmem>>, vector<16xf32>,
      %get3A_886 = arith.constant 4 : i32
      %get3A_887 = arith.index_cast %get3A_886 : i32 to index
      %get3A_888 = arith.index_cast %sub3A_798 : i32 to index
      %get3A_889 = arith.constant 35 : index
      %get3A_890 = tpu.vector_load %arg8[%get3A_887, %get3A_888, %get3A_889] {strides = array<i32>} : memref<16x16x51xf32, #tpu.memory_space<vmem>>, vector<16xf32>,
      %add3A_891 = arith.constant 1 : i32
      %add3A_892 = arith.addi %sub3A_798, %add3A_891 : i32
      %get3A_893 = arith.constant 4 : i32
      %get3A_894 = arith.index_cast %get3A_893 : i32 to index
      %get3A_895 = arith.index_cast %add3A_892 : i32 to index
      %get3A_896 = arith.constant 35 : index
      %get3A_897 = tpu.vector_load %arg8[%get3A_894, %get3A_895, %get3A_896] {strides = array<i32>} : memref<16x16x51xf32, #tpu.memory_space<vmem>>, vector<16xf32>,
      %mul3A_898 = arith.constant 1.000000e+03 : f32
      %mul3A_899 = vector.broadcast %mul3A_898 : f32 to vector<16xf32>
      %mul3A_900 = arith.mulf %get3A_890, %mul3A_899 : vector<16xf32>
      %sub3A_901 = arith.subf %get3A_897, %get3A_890 : vector<16xf32>
      %mul3A_902 = vector.broadcast %squeeze3A_810 : f32 to vector<16xf32>
      %mul3A_903 = arith.mulf %sub3A_901, %mul3A_902 : vector<16xf32>
      %add3A_904 = arith.addf %mul3A_900, %mul3A_903 : vector<16xf32>
      %iota3A_905 = tpu.iota {dimensions = array<i32: 0>} : vector<16xi32>
      %add3A_906 = arith.constant 256 : i32
      %add3A_907 = arith.addi %mul3A_305, %add3A_906 : i32
      %add3A_908 = arith.constant 51 : i32
      %add3A_909 = arith.addi %add3A_907, %add3A_908 : i32
      %sub3A_910 = arith.constant 16 : i32
      %sub3A_911 = arith.subi %add3A_909, %sub3A_910 : i32
      %add3A_912 = vector.broadcast %sub3A_911 : i32 to vector<16xi32>
      %add3A_913 = arith.addi %iota3A_905, %add3A_912 : vector<16xi32>
      tpu.vector_store_idx %arg9[%add3A_913], %add3A_904 : memref<32768xf32, #tpu.memory_space<vmem>>[vector<16xi32>], vector<16xf32>,
      %slice3A_914 = vector.extract_strided_slice %get3A_299 {offsets = [5], sizes = [1], strides = [1]} : vector<16xi32> to vector<1xi32>
      %squeeze3A_915 = vector.extract %slice3A_914[0] : i32 from vector<1xi32>
      %and3A_916 = arith.constant -8 : i32
      %and3A_917 = arith.andi %squeeze3A_915, %and3A_916 : i32
      %min3A_918 = arith.constant 999984 : i32
      %min3A_919 = arith.minsi %and3A_917, %min3A_918 : i32
      %sub3A_920 = arith.subi %squeeze3A_915, %min3A_919 : i32
      %lt3A_921 = arith.constant 7 : i32
      %lt3A_922 = arith.cmpi slt, %sub3A_920, %lt3A_921 : i32
      %convert_element_type3A_923 = arith.extui %lt3A_922 : i1 to i32
      %cond3A_924 = arith.constant 0 : i32
      %cond3A_925 = arith.cmpi ne, %convert_element_type3A_923, %cond3A_924 : i32
      scf.if %cond3A_925 {
        %dma_wait3A = arith.constant 5 : i32
        %dma_wait3A_2256 = arith.constant 5 : i32
        %dma_wait3A_2257 = arith.constant 0 : i32
        %dma_wait3A_2258 = arith.constant 0 : i32
        %dma_wait3A_2259 = tpu.memref_slice %arg8[%dma_wait3A, %dma_wait3A_2257, %dma_wait3A_2258] : memref<16x16x51xf32, #tpu.memory_space<vmem>> -> memref<1x8x51xf32, #tpu.memory_space<vmem>>
        %dma_wait3A_2260 = tpu.memref_squeeze %dma_wait3A_2259 : memref<1x8x51xf32, #tpu.memory_space<vmem>> -> memref<8x51xf32, #tpu.memory_space<vmem>>
        %dma_wait3A_2261 = arith.constant 0 : i32
        %dma_wait3A_2262 = arith.constant 0 : i32
        %dma_wait3A_2263 = tpu.memref_slice %arg3[%dma_wait3A_2261, %dma_wait3A_2262] : memref<1000001x51xf32, #tpu.memory_space<hbm>> -> memref<8x51xf32, #tpu.memory_space<hbm>>
        %dma_wait3A_2264 = tpu.memref_slice %arg10[%dma_wait3A_2256] : memref<16x!tpu.dma_semaphore, #tpu.memory_space<semaphore_mem>> -> memref<1x!tpu.dma_semaphore, #tpu.memory_space<semaphore_mem>>
        %dma_wait3A_2265 = tpu.memref_squeeze %dma_wait3A_2264 : memref<1x!tpu.dma_semaphore, #tpu.memory_space<semaphore_mem>> -> memref<!tpu.dma_semaphore, #tpu.memory_space<semaphore_mem>>
        %dma_wait3A_2266 = arith.constant 0 : i32
        %dma_wait3A_2267 = arith.constant 0 : i32
        %dma_wait3A_2268 = tpu.memref_slice %arg8[%dma_wait3A, %dma_wait3A_2266, %dma_wait3A_2267] : memref<16x16x51xf32, #tpu.memory_space<vmem>> -> memref<1x8x51xf32, #tpu.memory_space<vmem>>
        %dma_wait3A_2269 = tpu.memref_squeeze %dma_wait3A_2268 : memref<1x8x51xf32, #tpu.memory_space<vmem>> -> memref<8x51xf32, #tpu.memory_space<vmem>>
        %dma_wait3A_2270 = arith.constant 0 : i32
        %dma_wait3A_2271 = arith.constant 0 : i32
        %dma_wait3A_2272 = tpu.memref_slice %arg3[%dma_wait3A_2270, %dma_wait3A_2271] : memref<1000001x51xf32, #tpu.memory_space<hbm>> -> memref<8x51xf32, #tpu.memory_space<hbm>>
        tpu.wait_dma2 semaphore(%dma_wait3A_2265 : memref<!tpu.dma_semaphore, #tpu.memory_space<semaphore_mem>>) src(%dma_wait3A_2272 : memref<8x51xf32, #tpu.memory_space<hbm>>) dst(%dma_wait3A_2269 : memref<8x51xf32, #tpu.memory_space<vmem>>)
      } else {
      }
      %ge3A_926 = arith.constant 7 : i32
      %ge3A_927 = arith.cmpi sge, %sub3A_920, %ge3A_926 : i32
      %convert_element_type3A_928 = arith.extui %ge3A_927 : i1 to i32
      %cond3A_929 = arith.constant 0 : i32
      %cond3A_930 = arith.cmpi ne, %convert_element_type3A_928, %cond3A_929 : i32
      scf.if %cond3A_930 {
        %dma_wait3A = arith.constant 5 : i32
        %dma_wait3A_2256 = arith.constant 5 : i32
        %dma_wait3A_2257 = arith.constant 0 : i32
        %dma_wait3A_2258 = arith.constant 0 : i32
        %dma_wait3A_2259 = tpu.memref_slice %arg8[%dma_wait3A, %dma_wait3A_2257, %dma_wait3A_2258] : memref<16x16x51xf32, #tpu.memory_space<vmem>> -> memref<1x16x51xf32, #tpu.memory_space<vmem>>
        %dma_wait3A_2260 = tpu.memref_squeeze %dma_wait3A_2259 : memref<1x16x51xf32, #tpu.memory_space<vmem>> -> memref<16x51xf32, #tpu.memory_space<vmem>>
        %dma_wait3A_2261 = arith.constant 0 : i32
        %dma_wait3A_2262 = arith.constant 0 : i32
        %dma_wait3A_2263 = tpu.memref_slice %arg3[%dma_wait3A_2261, %dma_wait3A_2262] : memref<1000001x51xf32, #tpu.memory_space<hbm>> -> memref<16x51xf32, #tpu.memory_space<hbm>>
        %dma_wait3A_2264 = tpu.memref_slice %arg10[%dma_wait3A_2256] : memref<16x!tpu.dma_semaphore, #tpu.memory_space<semaphore_mem>> -> memref<1x!tpu.dma_semaphore, #tpu.memory_space<semaphore_mem>>
        %dma_wait3A_2265 = tpu.memref_squeeze %dma_wait3A_2264 : memref<1x!tpu.dma_semaphore, #tpu.memory_space<semaphore_mem>> -> memref<!tpu.dma_semaphore, #tpu.memory_space<semaphore_mem>>
        %dma_wait3A_2266 = arith.constant 0 : i32
        %dma_wait3A_2267 = arith.constant 0 : i32
        %dma_wait3A_2268 = tpu.memref_slice %arg8[%dma_wait3A, %dma_wait3A_2266, %dma_wait3A_2267] : memref<16x16x51xf32, #tpu.memory_space<vmem>> -> memref<1x16x51xf32, #tpu.memory_space<vmem>>
        %dma_wait3A_2269 = tpu.memref_squeeze %dma_wait3A_2268 : memref<1x16x51xf32, #tpu.memory_space<vmem>> -> memref<16x51xf32, #tpu.memory_space<vmem>>
        %dma_wait3A_2270 = arith.constant 0 : i32
        %dma_wait3A_2271 = arith.constant 0 : i32
        %dma_wait3A_2272 = tpu.memref_slice %arg3[%dma_wait3A_2270, %dma_wait3A_2271] : memref<1000001x51xf32, #tpu.memory_space<hbm>> -> memref<16x51xf32, #tpu.memory_space<hbm>>
        tpu.wait_dma2 semaphore(%dma_wait3A_2265 : memref<!tpu.dma_semaphore, #tpu.memory_space<semaphore_mem>>) src(%dma_wait3A_2272 : memref<16x51xf32, #tpu.memory_space<hbm>>) dst(%dma_wait3A_2269 : memref<16x51xf32, #tpu.memory_space<vmem>>)
      } else {
      }
      %slice3A_931 = vector.extract_strided_slice %get3A_303 {offsets = [5], sizes = [1], strides = [1]} : vector<16xf32> to vector<1xf32>
      %squeeze3A_932 = vector.extract %slice3A_931[0] : f32 from vector<1xf32>
      %get3A_933 = arith.constant 5 : i32
      %get3A_934 = arith.index_cast %get3A_933 : i32 to index
      %get3A_935 = arith.index_cast %sub3A_920 : i32 to index
      %get3A_936 = arith.constant 0 : index
      %get3A_937 = tpu.vector_load %arg8[%get3A_934, %get3A_935, %get3A_936] {strides = array<i32>} : memref<16x16x51xf32, #tpu.memory_space<vmem>>, vector<16xf32>,
      %add3A_938 = arith.constant 1 : i32
      %add3A_939 = arith.addi %sub3A_920, %add3A_938 : i32
      %get3A_940 = arith.constant 5 : i32
      %get3A_941 = arith.index_cast %get3A_940 : i32 to index
      %get3A_942 = arith.index_cast %add3A_939 : i32 to index
      %get3A_943 = arith.constant 0 : index
      %get3A_944 = tpu.vector_load %arg8[%get3A_941, %get3A_942, %get3A_943] {strides = array<i32>} : memref<16x16x51xf32, #tpu.memory_space<vmem>>, vector<16xf32>,
      %mul3A_945 = arith.constant 1.000000e+03 : f32
      %mul3A_946 = vector.broadcast %mul3A_945 : f32 to vector<16xf32>
      %mul3A_947 = arith.mulf %get3A_937, %mul3A_946 : vector<16xf32>
      %sub3A_948 = arith.subf %get3A_944, %get3A_937 : vector<16xf32>
      %mul3A_949 = vector.broadcast %squeeze3A_932 : f32 to vector<16xf32>
      %mul3A_950 = arith.mulf %sub3A_948, %mul3A_949 : vector<16xf32>
      %add3A_951 = arith.addf %mul3A_947, %mul3A_950 : vector<16xf32>
      %add3A_952 = arith.constant 320 : i32
      %add3A_953 = arith.addi %mul3A_305, %add3A_952 : i32
      %add3A_954 = arith.constant 0 : i32
      %add3A_955 = arith.addi %add3A_953, %add3A_954 : i32
      %swap3A_956 = arith.index_cast %add3A_955 : i32 to index
      %swap3A_957 = tpu.vector_load %arg9[%swap3A_956] {strides = array<i32>} : memref<32768xf32, #tpu.memory_space<vmem>>, vector<16xf32>,
      tpu.vector_store %arg9[%swap3A_956], %add3A_951 {strides = array<i32>} : memref<32768xf32, #tpu.memory_space<vmem>>, vector<16xf32>,
      %get3A_958 = arith.constant 5 : i32
      %get3A_959 = arith.index_cast %get3A_958 : i32 to index
      %get3A_960 = arith.index_cast %sub3A_920 : i32 to index
      %get3A_961 = arith.constant 16 : index
      %get3A_962 = tpu.vector_load %arg8[%get3A_959, %get3A_960, %get3A_961] {strides = array<i32>} : memref<16x16x51xf32, #tpu.memory_space<vmem>>, vector<16xf32>,
      %add3A_963 = arith.constant 1 : i32
      %add3A_964 = arith.addi %sub3A_920, %add3A_963 : i32
      %get3A_965 = arith.constant 5 : i32
      %get3A_966 = arith.index_cast %get3A_965 : i32 to index
      %get3A_967 = arith.index_cast %add3A_964 : i32 to index
      %get3A_968 = arith.constant 16 : index
      %get3A_969 = tpu.vector_load %arg8[%get3A_966, %get3A_967, %get3A_968] {strides = array<i32>} : memref<16x16x51xf32, #tpu.memory_space<vmem>>, vector<16xf32>,
      %mul3A_970 = arith.constant 1.000000e+03 : f32
      %mul3A_971 = vector.broadcast %mul3A_970 : f32 to vector<16xf32>
      %mul3A_972 = arith.mulf %get3A_962, %mul3A_971 : vector<16xf32>
      %sub3A_973 = arith.subf %get3A_969, %get3A_962 : vector<16xf32>
      %mul3A_974 = vector.broadcast %squeeze3A_932 : f32 to vector<16xf32>
      %mul3A_975 = arith.mulf %sub3A_973, %mul3A_974 : vector<16xf32>
      %add3A_976 = arith.addf %mul3A_972, %mul3A_975 : vector<16xf32>
      %add3A_977 = arith.constant 320 : i32
      %add3A_978 = arith.addi %mul3A_305, %add3A_977 : i32
      %add3A_979 = arith.constant 16 : i32
      %add3A_980 = arith.addi %add3A_978, %add3A_979 : i32
      %swap3A_981 = arith.index_cast %add3A_980 : i32 to index
      %swap3A_982 = tpu.vector_load %arg9[%swap3A_981] {strides = array<i32>} : memref<32768xf32, #tpu.memory_space<vmem>>, vector<16xf32>,
      tpu.vector_store %arg9[%swap3A_981], %add3A_976 {strides = array<i32>} : memref<32768xf32, #tpu.memory_space<vmem>>, vector<16xf32>,
      %get3A_983 = arith.constant 5 : i32
      %get3A_984 = arith.index_cast %get3A_983 : i32 to index
      %get3A_985 = arith.index_cast %sub3A_920 : i32 to index
      %get3A_986 = arith.constant 32 : index
      %get3A_987 = tpu.vector_load %arg8[%get3A_984, %get3A_985, %get3A_986] {strides = array<i32>} : memref<16x16x51xf32, #tpu.memory_space<vmem>>, vector<16xf32>,
      %add3A_988 = arith.constant 1 : i32
      %add3A_989 = arith.addi %sub3A_920, %add3A_988 : i32
      %get3A_990 = arith.constant 5 : i32
      %get3A_991 = arith.index_cast %get3A_990 : i32 to index
      %get3A_992 = arith.index_cast %add3A_989 : i32 to index
      %get3A_993 = arith.constant 32 : index
      %get3A_994 = tpu.vector_load %arg8[%get3A_991, %get3A_992, %get3A_993] {strides = array<i32>} : memref<16x16x51xf32, #tpu.memory_space<vmem>>, vector<16xf32>,
      %mul3A_995 = arith.constant 1.000000e+03 : f32
      %mul3A_996 = vector.broadcast %mul3A_995 : f32 to vector<16xf32>
      %mul3A_997 = arith.mulf %get3A_987, %mul3A_996 : vector<16xf32>
      %sub3A_998 = arith.subf %get3A_994, %get3A_987 : vector<16xf32>
      %mul3A_999 = vector.broadcast %squeeze3A_932 : f32 to vector<16xf32>
      %mul3A_1000 = arith.mulf %sub3A_998, %mul3A_999 : vector<16xf32>
      %add3A_1001 = arith.addf %mul3A_997, %mul3A_1000 : vector<16xf32>
      %add3A_1002 = arith.constant 320 : i32
      %add3A_1003 = arith.addi %mul3A_305, %add3A_1002 : i32
      %add3A_1004 = arith.constant 32 : i32
      %add3A_1005 = arith.addi %add3A_1003, %add3A_1004 : i32
      %swap3A_1006 = arith.index_cast %add3A_1005 : i32 to index
      %swap3A_1007 = tpu.vector_load %arg9[%swap3A_1006] {strides = array<i32>} : memref<32768xf32, #tpu.memory_space<vmem>>, vector<16xf32>,
      tpu.vector_store %arg9[%swap3A_1006], %add3A_1001 {strides = array<i32>} : memref<32768xf32, #tpu.memory_space<vmem>>, vector<16xf32>,
      %get3A_1008 = arith.constant 5 : i32
      %get3A_1009 = arith.index_cast %get3A_1008 : i32 to index
      %get3A_1010 = arith.index_cast %sub3A_920 : i32 to index
      %get3A_1011 = arith.constant 35 : index
      %get3A_1012 = tpu.vector_load %arg8[%get3A_1009, %get3A_1010, %get3A_1011] {strides = array<i32>} : memref<16x16x51xf32, #tpu.memory_space<vmem>>, vector<16xf32>,
      %add3A_1013 = arith.constant 1 : i32
      %add3A_1014 = arith.addi %sub3A_920, %add3A_1013 : i32
      %get3A_1015 = arith.constant 5 : i32
      %get3A_1016 = arith.index_cast %get3A_1015 : i32 to index
      %get3A_1017 = arith.index_cast %add3A_1014 : i32 to index
      %get3A_1018 = arith.constant 35 : index
      %get3A_1019 = tpu.vector_load %arg8[%get3A_1016, %get3A_1017, %get3A_1018] {strides = array<i32>} : memref<16x16x51xf32, #tpu.memory_space<vmem>>, vector<16xf32>,
      %mul3A_1020 = arith.constant 1.000000e+03 : f32
      %mul3A_1021 = vector.broadcast %mul3A_1020 : f32 to vector<16xf32>
      %mul3A_1022 = arith.mulf %get3A_1012, %mul3A_1021 : vector<16xf32>
      %sub3A_1023 = arith.subf %get3A_1019, %get3A_1012 : vector<16xf32>
      %mul3A_1024 = vector.broadcast %squeeze3A_932 : f32 to vector<16xf32>
      %mul3A_1025 = arith.mulf %sub3A_1023, %mul3A_1024 : vector<16xf32>
      %add3A_1026 = arith.addf %mul3A_1022, %mul3A_1025 : vector<16xf32>
      %iota3A_1027 = tpu.iota {dimensions = array<i32: 0>} : vector<16xi32>
      %add3A_1028 = arith.constant 320 : i32
      %add3A_1029 = arith.addi %mul3A_305, %add3A_1028 : i32
      %add3A_1030 = arith.constant 51 : i32
      %add3A_1031 = arith.addi %add3A_1029, %add3A_1030 : i32
      %sub3A_1032 = arith.constant 16 : i32
      %sub3A_1033 = arith.subi %add3A_1031, %sub3A_1032 : i32
      %add3A_1034 = vector.broadcast %sub3A_1033 : i32 to vector<16xi32>
      %add3A_1035 = arith.addi %iota3A_1027, %add3A_1034 : vector<16xi32>
      tpu.vector_store_idx %arg9[%add3A_1035], %add3A_1026 : memref<32768xf32, #tpu.memory_space<vmem>>[vector<16xi32>], vector<16xf32>,
      %slice3A_1036 = vector.extract_strided_slice %get3A_299 {offsets = [6], sizes = [1], strides = [1]} : vector<16xi32> to vector<1xi32>
      %squeeze3A_1037 = vector.extract %slice3A_1036[0] : i32 from vector<1xi32>
      %and3A_1038 = arith.constant -8 : i32
      %and3A_1039 = arith.andi %squeeze3A_1037, %and3A_1038 : i32
      %min3A_1040 = arith.constant 999984 : i32
      %min3A_1041 = arith.minsi %and3A_1039, %min3A_1040 : i32
      %sub3A_1042 = arith.subi %squeeze3A_1037, %min3A_1041 : i32
      %lt3A_1043 = arith.constant 7 : i32
      %lt3A_1044 = arith.cmpi slt, %sub3A_1042, %lt3A_1043 : i32
      %convert_element_type3A_1045 = arith.extui %lt3A_1044 : i1 to i32
      %cond3A_1046 = arith.constant 0 : i32
      %cond3A_1047 = arith.cmpi ne, %convert_element_type3A_1045, %cond3A_1046 : i32
      scf.if %cond3A_1047 {
        %dma_wait3A = arith.constant 6 : i32
        %dma_wait3A_2256 = arith.constant 6 : i32
        %dma_wait3A_2257 = arith.constant 0 : i32
        %dma_wait3A_2258 = arith.constant 0 : i32
        %dma_wait3A_2259 = tpu.memref_slice %arg8[%dma_wait3A, %dma_wait3A_2257, %dma_wait3A_2258] : memref<16x16x51xf32, #tpu.memory_space<vmem>> -> memref<1x8x51xf32, #tpu.memory_space<vmem>>
        %dma_wait3A_2260 = tpu.memref_squeeze %dma_wait3A_2259 : memref<1x8x51xf32, #tpu.memory_space<vmem>> -> memref<8x51xf32, #tpu.memory_space<vmem>>
        %dma_wait3A_2261 = arith.constant 0 : i32
        %dma_wait3A_2262 = arith.constant 0 : i32
        %dma_wait3A_2263 = tpu.memref_slice %arg3[%dma_wait3A_2261, %dma_wait3A_2262] : memref<1000001x51xf32, #tpu.memory_space<hbm>> -> memref<8x51xf32, #tpu.memory_space<hbm>>
        %dma_wait3A_2264 = tpu.memref_slice %arg10[%dma_wait3A_2256] : memref<16x!tpu.dma_semaphore, #tpu.memory_space<semaphore_mem>> -> memref<1x!tpu.dma_semaphore, #tpu.memory_space<semaphore_mem>>
        %dma_wait3A_2265 = tpu.memref_squeeze %dma_wait3A_2264 : memref<1x!tpu.dma_semaphore, #tpu.memory_space<semaphore_mem>> -> memref<!tpu.dma_semaphore, #tpu.memory_space<semaphore_mem>>
        %dma_wait3A_2266 = arith.constant 0 : i32
        %dma_wait3A_2267 = arith.constant 0 : i32
        %dma_wait3A_2268 = tpu.memref_slice %arg8[%dma_wait3A, %dma_wait3A_2266, %dma_wait3A_2267] : memref<16x16x51xf32, #tpu.memory_space<vmem>> -> memref<1x8x51xf32, #tpu.memory_space<vmem>>
        %dma_wait3A_2269 = tpu.memref_squeeze %dma_wait3A_2268 : memref<1x8x51xf32, #tpu.memory_space<vmem>> -> memref<8x51xf32, #tpu.memory_space<vmem>>
        %dma_wait3A_2270 = arith.constant 0 : i32
        %dma_wait3A_2271 = arith.constant 0 : i32
        %dma_wait3A_2272 = tpu.memref_slice %arg3[%dma_wait3A_2270, %dma_wait3A_2271] : memref<1000001x51xf32, #tpu.memory_space<hbm>> -> memref<8x51xf32, #tpu.memory_space<hbm>>
        tpu.wait_dma2 semaphore(%dma_wait3A_2265 : memref<!tpu.dma_semaphore, #tpu.memory_space<semaphore_mem>>) src(%dma_wait3A_2272 : memref<8x51xf32, #tpu.memory_space<hbm>>) dst(%dma_wait3A_2269 : memref<8x51xf32, #tpu.memory_space<vmem>>)
      } else {
      }
      %ge3A_1048 = arith.constant 7 : i32
      %ge3A_1049 = arith.cmpi sge, %sub3A_1042, %ge3A_1048 : i32
      %convert_element_type3A_1050 = arith.extui %ge3A_1049 : i1 to i32
      %cond3A_1051 = arith.constant 0 : i32
      %cond3A_1052 = arith.cmpi ne, %convert_element_type3A_1050, %cond3A_1051 : i32
      scf.if %cond3A_1052 {
        %dma_wait3A = arith.constant 6 : i32
        %dma_wait3A_2256 = arith.constant 6 : i32
        %dma_wait3A_2257 = arith.constant 0 : i32
        %dma_wait3A_2258 = arith.constant 0 : i32
        %dma_wait3A_2259 = tpu.memref_slice %arg8[%dma_wait3A, %dma_wait3A_2257, %dma_wait3A_2258] : memref<16x16x51xf32, #tpu.memory_space<vmem>> -> memref<1x16x51xf32, #tpu.memory_space<vmem>>
        %dma_wait3A_2260 = tpu.memref_squeeze %dma_wait3A_2259 : memref<1x16x51xf32, #tpu.memory_space<vmem>> -> memref<16x51xf32, #tpu.memory_space<vmem>>
        %dma_wait3A_2261 = arith.constant 0 : i32
        %dma_wait3A_2262 = arith.constant 0 : i32
        %dma_wait3A_2263 = tpu.memref_slice %arg3[%dma_wait3A_2261, %dma_wait3A_2262] : memref<1000001x51xf32, #tpu.memory_space<hbm>> -> memref<16x51xf32, #tpu.memory_space<hbm>>
        %dma_wait3A_2264 = tpu.memref_slice %arg10[%dma_wait3A_2256] : memref<16x!tpu.dma_semaphore, #tpu.memory_space<semaphore_mem>> -> memref<1x!tpu.dma_semaphore, #tpu.memory_space<semaphore_mem>>
        %dma_wait3A_2265 = tpu.memref_squeeze %dma_wait3A_2264 : memref<1x!tpu.dma_semaphore, #tpu.memory_space<semaphore_mem>> -> memref<!tpu.dma_semaphore, #tpu.memory_space<semaphore_mem>>
        %dma_wait3A_2266 = arith.constant 0 : i32
        %dma_wait3A_2267 = arith.constant 0 : i32
        %dma_wait3A_2268 = tpu.memref_slice %arg8[%dma_wait3A, %dma_wait3A_2266, %dma_wait3A_2267] : memref<16x16x51xf32, #tpu.memory_space<vmem>> -> memref<1x16x51xf32, #tpu.memory_space<vmem>>
        %dma_wait3A_2269 = tpu.memref_squeeze %dma_wait3A_2268 : memref<1x16x51xf32, #tpu.memory_space<vmem>> -> memref<16x51xf32, #tpu.memory_space<vmem>>
        %dma_wait3A_2270 = arith.constant 0 : i32
        %dma_wait3A_2271 = arith.constant 0 : i32
        %dma_wait3A_2272 = tpu.memref_slice %arg3[%dma_wait3A_2270, %dma_wait3A_2271] : memref<1000001x51xf32, #tpu.memory_space<hbm>> -> memref<16x51xf32, #tpu.memory_space<hbm>>
        tpu.wait_dma2 semaphore(%dma_wait3A_2265 : memref<!tpu.dma_semaphore, #tpu.memory_space<semaphore_mem>>) src(%dma_wait3A_2272 : memref<16x51xf32, #tpu.memory_space<hbm>>) dst(%dma_wait3A_2269 : memref<16x51xf32, #tpu.memory_space<vmem>>)
      } else {
      }
      %slice3A_1053 = vector.extract_strided_slice %get3A_303 {offsets = [6], sizes = [1], strides = [1]} : vector<16xf32> to vector<1xf32>
      %squeeze3A_1054 = vector.extract %slice3A_1053[0] : f32 from vector<1xf32>
      %get3A_1055 = arith.constant 6 : i32
      %get3A_1056 = arith.index_cast %get3A_1055 : i32 to index
      %get3A_1057 = arith.index_cast %sub3A_1042 : i32 to index
      %get3A_1058 = arith.constant 0 : index
      %get3A_1059 = tpu.vector_load %arg8[%get3A_1056, %get3A_1057, %get3A_1058] {strides = array<i32>} : memref<16x16x51xf32, #tpu.memory_space<vmem>>, vector<16xf32>,
      %add3A_1060 = arith.constant 1 : i32
      %add3A_1061 = arith.addi %sub3A_1042, %add3A_1060 : i32
      %get3A_1062 = arith.constant 6 : i32
      %get3A_1063 = arith.index_cast %get3A_1062 : i32 to index
      %get3A_1064 = arith.index_cast %add3A_1061 : i32 to index
      %get3A_1065 = arith.constant 0 : index
      %get3A_1066 = tpu.vector_load %arg8[%get3A_1063, %get3A_1064, %get3A_1065] {strides = array<i32>} : memref<16x16x51xf32, #tpu.memory_space<vmem>>, vector<16xf32>,
      %mul3A_1067 = arith.constant 1.000000e+03 : f32
      %mul3A_1068 = vector.broadcast %mul3A_1067 : f32 to vector<16xf32>
      %mul3A_1069 = arith.mulf %get3A_1059, %mul3A_1068 : vector<16xf32>
      %sub3A_1070 = arith.subf %get3A_1066, %get3A_1059 : vector<16xf32>
      %mul3A_1071 = vector.broadcast %squeeze3A_1054 : f32 to vector<16xf32>
      %mul3A_1072 = arith.mulf %sub3A_1070, %mul3A_1071 : vector<16xf32>
      %add3A_1073 = arith.addf %mul3A_1069, %mul3A_1072 : vector<16xf32>
      %add3A_1074 = arith.constant 384 : i32
      %add3A_1075 = arith.addi %mul3A_305, %add3A_1074 : i32
      %add3A_1076 = arith.constant 0 : i32
      %add3A_1077 = arith.addi %add3A_1075, %add3A_1076 : i32
      %swap3A_1078 = arith.index_cast %add3A_1077 : i32 to index
      %swap3A_1079 = tpu.vector_load %arg9[%swap3A_1078] {strides = array<i32>} : memref<32768xf32, #tpu.memory_space<vmem>>, vector<16xf32>,
      tpu.vector_store %arg9[%swap3A_1078], %add3A_1073 {strides = array<i32>} : memref<32768xf32, #tpu.memory_space<vmem>>, vector<16xf32>,
      %get3A_1080 = arith.constant 6 : i32
      %get3A_1081 = arith.index_cast %get3A_1080 : i32 to index
      %get3A_1082 = arith.index_cast %sub3A_1042 : i32 to index
      %get3A_1083 = arith.constant 16 : index
      %get3A_1084 = tpu.vector_load %arg8[%get3A_1081, %get3A_1082, %get3A_1083] {strides = array<i32>} : memref<16x16x51xf32, #tpu.memory_space<vmem>>, vector<16xf32>,
      %add3A_1085 = arith.constant 1 : i32
      %add3A_1086 = arith.addi %sub3A_1042, %add3A_1085 : i32
      %get3A_1087 = arith.constant 6 : i32
      %get3A_1088 = arith.index_cast %get3A_1087 : i32 to index
      %get3A_1089 = arith.index_cast %add3A_1086 : i32 to index
      %get3A_1090 = arith.constant 16 : index
      %get3A_1091 = tpu.vector_load %arg8[%get3A_1088, %get3A_1089, %get3A_1090] {strides = array<i32>} : memref<16x16x51xf32, #tpu.memory_space<vmem>>, vector<16xf32>,
      %mul3A_1092 = arith.constant 1.000000e+03 : f32
      %mul3A_1093 = vector.broadcast %mul3A_1092 : f32 to vector<16xf32>
      %mul3A_1094 = arith.mulf %get3A_1084, %mul3A_1093 : vector<16xf32>
      %sub3A_1095 = arith.subf %get3A_1091, %get3A_1084 : vector<16xf32>
      %mul3A_1096 = vector.broadcast %squeeze3A_1054 : f32 to vector<16xf32>
      %mul3A_1097 = arith.mulf %sub3A_1095, %mul3A_1096 : vector<16xf32>
      %add3A_1098 = arith.addf %mul3A_1094, %mul3A_1097 : vector<16xf32>
      %add3A_1099 = arith.constant 384 : i32
      %add3A_1100 = arith.addi %mul3A_305, %add3A_1099 : i32
      %add3A_1101 = arith.constant 16 : i32
      %add3A_1102 = arith.addi %add3A_1100, %add3A_1101 : i32
      %swap3A_1103 = arith.index_cast %add3A_1102 : i32 to index
      %swap3A_1104 = tpu.vector_load %arg9[%swap3A_1103] {strides = array<i32>} : memref<32768xf32, #tpu.memory_space<vmem>>, vector<16xf32>,
      tpu.vector_store %arg9[%swap3A_1103], %add3A_1098 {strides = array<i32>} : memref<32768xf32, #tpu.memory_space<vmem>>, vector<16xf32>,
      %get3A_1105 = arith.constant 6 : i32
      %get3A_1106 = arith.index_cast %get3A_1105 : i32 to index
      %get3A_1107 = arith.index_cast %sub3A_1042 : i32 to index
      %get3A_1108 = arith.constant 32 : index
      %get3A_1109 = tpu.vector_load %arg8[%get3A_1106, %get3A_1107, %get3A_1108] {strides = array<i32>} : memref<16x16x51xf32, #tpu.memory_space<vmem>>, vector<16xf32>,
      %add3A_1110 = arith.constant 1 : i32
      %add3A_1111 = arith.addi %sub3A_1042, %add3A_1110 : i32
      %get3A_1112 = arith.constant 6 : i32
      %get3A_1113 = arith.index_cast %get3A_1112 : i32 to index
      %get3A_1114 = arith.index_cast %add3A_1111 : i32 to index
      %get3A_1115 = arith.constant 32 : index
      %get3A_1116 = tpu.vector_load %arg8[%get3A_1113, %get3A_1114, %get3A_1115] {strides = array<i32>} : memref<16x16x51xf32, #tpu.memory_space<vmem>>, vector<16xf32>,
      %mul3A_1117 = arith.constant 1.000000e+03 : f32
      %mul3A_1118 = vector.broadcast %mul3A_1117 : f32 to vector<16xf32>
      %mul3A_1119 = arith.mulf %get3A_1109, %mul3A_1118 : vector<16xf32>
      %sub3A_1120 = arith.subf %get3A_1116, %get3A_1109 : vector<16xf32>
      %mul3A_1121 = vector.broadcast %squeeze3A_1054 : f32 to vector<16xf32>
      %mul3A_1122 = arith.mulf %sub3A_1120, %mul3A_1121 : vector<16xf32>
      %add3A_1123 = arith.addf %mul3A_1119, %mul3A_1122 : vector<16xf32>
      %add3A_1124 = arith.constant 384 : i32
      %add3A_1125 = arith.addi %mul3A_305, %add3A_1124 : i32
      %add3A_1126 = arith.constant 32 : i32
      %add3A_1127 = arith.addi %add3A_1125, %add3A_1126 : i32
      %swap3A_1128 = arith.index_cast %add3A_1127 : i32 to index
      %swap3A_1129 = tpu.vector_load %arg9[%swap3A_1128] {strides = array<i32>} : memref<32768xf32, #tpu.memory_space<vmem>>, vector<16xf32>,
      tpu.vector_store %arg9[%swap3A_1128], %add3A_1123 {strides = array<i32>} : memref<32768xf32, #tpu.memory_space<vmem>>, vector<16xf32>,
      %get3A_1130 = arith.constant 6 : i32
      %get3A_1131 = arith.index_cast %get3A_1130 : i32 to index
      %get3A_1132 = arith.index_cast %sub3A_1042 : i32 to index
      %get3A_1133 = arith.constant 35 : index
      %get3A_1134 = tpu.vector_load %arg8[%get3A_1131, %get3A_1132, %get3A_1133] {strides = array<i32>} : memref<16x16x51xf32, #tpu.memory_space<vmem>>, vector<16xf32>,
      %add3A_1135 = arith.constant 1 : i32
      %add3A_1136 = arith.addi %sub3A_1042, %add3A_1135 : i32
      %get3A_1137 = arith.constant 6 : i32
      %get3A_1138 = arith.index_cast %get3A_1137 : i32 to index
      %get3A_1139 = arith.index_cast %add3A_1136 : i32 to index
      %get3A_1140 = arith.constant 35 : index
      %get3A_1141 = tpu.vector_load %arg8[%get3A_1138, %get3A_1139, %get3A_1140] {strides = array<i32>} : memref<16x16x51xf32, #tpu.memory_space<vmem>>, vector<16xf32>,
      %mul3A_1142 = arith.constant 1.000000e+03 : f32
      %mul3A_1143 = vector.broadcast %mul3A_1142 : f32 to vector<16xf32>
      %mul3A_1144 = arith.mulf %get3A_1134, %mul3A_1143 : vector<16xf32>
      %sub3A_1145 = arith.subf %get3A_1141, %get3A_1134 : vector<16xf32>
      %mul3A_1146 = vector.broadcast %squeeze3A_1054 : f32 to vector<16xf32>
      %mul3A_1147 = arith.mulf %sub3A_1145, %mul3A_1146 : vector<16xf32>
      %add3A_1148 = arith.addf %mul3A_1144, %mul3A_1147 : vector<16xf32>
      %iota3A_1149 = tpu.iota {dimensions = array<i32: 0>} : vector<16xi32>
      %add3A_1150 = arith.constant 384 : i32
      %add3A_1151 = arith.addi %mul3A_305, %add3A_1150 : i32
      %add3A_1152 = arith.constant 51 : i32
      %add3A_1153 = arith.addi %add3A_1151, %add3A_1152 : i32
      %sub3A_1154 = arith.constant 16 : i32
      %sub3A_1155 = arith.subi %add3A_1153, %sub3A_1154 : i32
      %add3A_1156 = vector.broadcast %sub3A_1155 : i32 to vector<16xi32>
      %add3A_1157 = arith.addi %iota3A_1149, %add3A_1156 : vector<16xi32>
      tpu.vector_store_idx %arg9[%add3A_1157], %add3A_1148 : memref<32768xf32, #tpu.memory_space<vmem>>[vector<16xi32>], vector<16xf32>,
      %slice3A_1158 = vector.extract_strided_slice %get3A_299 {offsets = [7], sizes = [1], strides = [1]} : vector<16xi32> to vector<1xi32>
      %squeeze3A_1159 = vector.extract %slice3A_1158[0] : i32 from vector<1xi32>
      %and3A_1160 = arith.constant -8 : i32
      %and3A_1161 = arith.andi %squeeze3A_1159, %and3A_1160 : i32
      %min3A_1162 = arith.constant 999984 : i32
      %min3A_1163 = arith.minsi %and3A_1161, %min3A_1162 : i32
      %sub3A_1164 = arith.subi %squeeze3A_1159, %min3A_1163 : i32
      %lt3A_1165 = arith.constant 7 : i32
      %lt3A_1166 = arith.cmpi slt, %sub3A_1164, %lt3A_1165 : i32
      %convert_element_type3A_1167 = arith.extui %lt3A_1166 : i1 to i32
      %cond3A_1168 = arith.constant 0 : i32
      %cond3A_1169 = arith.cmpi ne, %convert_element_type3A_1167, %cond3A_1168 : i32
      scf.if %cond3A_1169 {
        %dma_wait3A = arith.constant 7 : i32
        %dma_wait3A_2256 = arith.constant 7 : i32
        %dma_wait3A_2257 = arith.constant 0 : i32
        %dma_wait3A_2258 = arith.constant 0 : i32
        %dma_wait3A_2259 = tpu.memref_slice %arg8[%dma_wait3A, %dma_wait3A_2257, %dma_wait3A_2258] : memref<16x16x51xf32, #tpu.memory_space<vmem>> -> memref<1x8x51xf32, #tpu.memory_space<vmem>>
        %dma_wait3A_2260 = tpu.memref_squeeze %dma_wait3A_2259 : memref<1x8x51xf32, #tpu.memory_space<vmem>> -> memref<8x51xf32, #tpu.memory_space<vmem>>
        %dma_wait3A_2261 = arith.constant 0 : i32
        %dma_wait3A_2262 = arith.constant 0 : i32
        %dma_wait3A_2263 = tpu.memref_slice %arg3[%dma_wait3A_2261, %dma_wait3A_2262] : memref<1000001x51xf32, #tpu.memory_space<hbm>> -> memref<8x51xf32, #tpu.memory_space<hbm>>
        %dma_wait3A_2264 = tpu.memref_slice %arg10[%dma_wait3A_2256] : memref<16x!tpu.dma_semaphore, #tpu.memory_space<semaphore_mem>> -> memref<1x!tpu.dma_semaphore, #tpu.memory_space<semaphore_mem>>
        %dma_wait3A_2265 = tpu.memref_squeeze %dma_wait3A_2264 : memref<1x!tpu.dma_semaphore, #tpu.memory_space<semaphore_mem>> -> memref<!tpu.dma_semaphore, #tpu.memory_space<semaphore_mem>>
        %dma_wait3A_2266 = arith.constant 0 : i32
        %dma_wait3A_2267 = arith.constant 0 : i32
        %dma_wait3A_2268 = tpu.memref_slice %arg8[%dma_wait3A, %dma_wait3A_2266, %dma_wait3A_2267] : memref<16x16x51xf32, #tpu.memory_space<vmem>> -> memref<1x8x51xf32, #tpu.memory_space<vmem>>
        %dma_wait3A_2269 = tpu.memref_squeeze %dma_wait3A_2268 : memref<1x8x51xf32, #tpu.memory_space<vmem>> -> memref<8x51xf32, #tpu.memory_space<vmem>>
        %dma_wait3A_2270 = arith.constant 0 : i32
        %dma_wait3A_2271 = arith.constant 0 : i32
        %dma_wait3A_2272 = tpu.memref_slice %arg3[%dma_wait3A_2270, %dma_wait3A_2271] : memref<1000001x51xf32, #tpu.memory_space<hbm>> -> memref<8x51xf32, #tpu.memory_space<hbm>>
        tpu.wait_dma2 semaphore(%dma_wait3A_2265 : memref<!tpu.dma_semaphore, #tpu.memory_space<semaphore_mem>>) src(%dma_wait3A_2272 : memref<8x51xf32, #tpu.memory_space<hbm>>) dst(%dma_wait3A_2269 : memref<8x51xf32, #tpu.memory_space<vmem>>)
      } else {
      }
      %ge3A_1170 = arith.constant 7 : i32
      %ge3A_1171 = arith.cmpi sge, %sub3A_1164, %ge3A_1170 : i32
      %convert_element_type3A_1172 = arith.extui %ge3A_1171 : i1 to i32
      %cond3A_1173 = arith.constant 0 : i32
      %cond3A_1174 = arith.cmpi ne, %convert_element_type3A_1172, %cond3A_1173 : i32
      scf.if %cond3A_1174 {
        %dma_wait3A = arith.constant 7 : i32
        %dma_wait3A_2256 = arith.constant 7 : i32
        %dma_wait3A_2257 = arith.constant 0 : i32
        %dma_wait3A_2258 = arith.constant 0 : i32
        %dma_wait3A_2259 = tpu.memref_slice %arg8[%dma_wait3A, %dma_wait3A_2257, %dma_wait3A_2258] : memref<16x16x51xf32, #tpu.memory_space<vmem>> -> memref<1x16x51xf32, #tpu.memory_space<vmem>>
        %dma_wait3A_2260 = tpu.memref_squeeze %dma_wait3A_2259 : memref<1x16x51xf32, #tpu.memory_space<vmem>> -> memref<16x51xf32, #tpu.memory_space<vmem>>
        %dma_wait3A_2261 = arith.constant 0 : i32
        %dma_wait3A_2262 = arith.constant 0 : i32
        %dma_wait3A_2263 = tpu.memref_slice %arg3[%dma_wait3A_2261, %dma_wait3A_2262] : memref<1000001x51xf32, #tpu.memory_space<hbm>> -> memref<16x51xf32, #tpu.memory_space<hbm>>
        %dma_wait3A_2264 = tpu.memref_slice %arg10[%dma_wait3A_2256] : memref<16x!tpu.dma_semaphore, #tpu.memory_space<semaphore_mem>> -> memref<1x!tpu.dma_semaphore, #tpu.memory_space<semaphore_mem>>
        %dma_wait3A_2265 = tpu.memref_squeeze %dma_wait3A_2264 : memref<1x!tpu.dma_semaphore, #tpu.memory_space<semaphore_mem>> -> memref<!tpu.dma_semaphore, #tpu.memory_space<semaphore_mem>>
        %dma_wait3A_2266 = arith.constant 0 : i32
        %dma_wait3A_2267 = arith.constant 0 : i32
        %dma_wait3A_2268 = tpu.memref_slice %arg8[%dma_wait3A, %dma_wait3A_2266, %dma_wait3A_2267] : memref<16x16x51xf32, #tpu.memory_space<vmem>> -> memref<1x16x51xf32, #tpu.memory_space<vmem>>
        %dma_wait3A_2269 = tpu.memref_squeeze %dma_wait3A_2268 : memref<1x16x51xf32, #tpu.memory_space<vmem>> -> memref<16x51xf32, #tpu.memory_space<vmem>>
        %dma_wait3A_2270 = arith.constant 0 : i32
        %dma_wait3A_2271 = arith.constant 0 : i32
        %dma_wait3A_2272 = tpu.memref_slice %arg3[%dma_wait3A_2270, %dma_wait3A_2271] : memref<1000001x51xf32, #tpu.memory_space<hbm>> -> memref<16x51xf32, #tpu.memory_space<hbm>>
        tpu.wait_dma2 semaphore(%dma_wait3A_2265 : memref<!tpu.dma_semaphore, #tpu.memory_space<semaphore_mem>>) src(%dma_wait3A_2272 : memref<16x51xf32, #tpu.memory_space<hbm>>) dst(%dma_wait3A_2269 : memref<16x51xf32, #tpu.memory_space<vmem>>)
      } else {
      }
      %slice3A_1175 = vector.extract_strided_slice %get3A_303 {offsets = [7], sizes = [1], strides = [1]} : vector<16xf32> to vector<1xf32>
      %squeeze3A_1176 = vector.extract %slice3A_1175[0] : f32 from vector<1xf32>
      %get3A_1177 = arith.constant 7 : i32
      %get3A_1178 = arith.index_cast %get3A_1177 : i32 to index
      %get3A_1179 = arith.index_cast %sub3A_1164 : i32 to index
      %get3A_1180 = arith.constant 0 : index
      %get3A_1181 = tpu.vector_load %arg8[%get3A_1178, %get3A_1179, %get3A_1180] {strides = array<i32>} : memref<16x16x51xf32, #tpu.memory_space<vmem>>, vector<16xf32>,
      %add3A_1182 = arith.constant 1 : i32
      %add3A_1183 = arith.addi %sub3A_1164, %add3A_1182 : i32
      %get3A_1184 = arith.constant 7 : i32
      %get3A_1185 = arith.index_cast %get3A_1184 : i32 to index
      %get3A_1186 = arith.index_cast %add3A_1183 : i32 to index
      %get3A_1187 = arith.constant 0 : index
      %get3A_1188 = tpu.vector_load %arg8[%get3A_1185, %get3A_1186, %get3A_1187] {strides = array<i32>} : memref<16x16x51xf32, #tpu.memory_space<vmem>>, vector<16xf32>,
      %mul3A_1189 = arith.constant 1.000000e+03 : f32
      %mul3A_1190 = vector.broadcast %mul3A_1189 : f32 to vector<16xf32>
      %mul3A_1191 = arith.mulf %get3A_1181, %mul3A_1190 : vector<16xf32>
      %sub3A_1192 = arith.subf %get3A_1188, %get3A_1181 : vector<16xf32>
      %mul3A_1193 = vector.broadcast %squeeze3A_1176 : f32 to vector<16xf32>
      %mul3A_1194 = arith.mulf %sub3A_1192, %mul3A_1193 : vector<16xf32>
      %add3A_1195 = arith.addf %mul3A_1191, %mul3A_1194 : vector<16xf32>
      %add3A_1196 = arith.constant 448 : i32
      %add3A_1197 = arith.addi %mul3A_305, %add3A_1196 : i32
      %add3A_1198 = arith.constant 0 : i32
      %add3A_1199 = arith.addi %add3A_1197, %add3A_1198 : i32
      %swap3A_1200 = arith.index_cast %add3A_1199 : i32 to index
      %swap3A_1201 = tpu.vector_load %arg9[%swap3A_1200] {strides = array<i32>} : memref<32768xf32, #tpu.memory_space<vmem>>, vector<16xf32>,
      tpu.vector_store %arg9[%swap3A_1200], %add3A_1195 {strides = array<i32>} : memref<32768xf32, #tpu.memory_space<vmem>>, vector<16xf32>,
      %get3A_1202 = arith.constant 7 : i32
      %get3A_1203 = arith.index_cast %get3A_1202 : i32 to index
      %get3A_1204 = arith.index_cast %sub3A_1164 : i32 to index
      %get3A_1205 = arith.constant 16 : index
      %get3A_1206 = tpu.vector_load %arg8[%get3A_1203, %get3A_1204, %get3A_1205] {strides = array<i32>} : memref<16x16x51xf32, #tpu.memory_space<vmem>>, vector<16xf32>,
      %add3A_1207 = arith.constant 1 : i32
      %add3A_1208 = arith.addi %sub3A_1164, %add3A_1207 : i32
      %get3A_1209 = arith.constant 7 : i32
      %get3A_1210 = arith.index_cast %get3A_1209 : i32 to index
      %get3A_1211 = arith.index_cast %add3A_1208 : i32 to index
      %get3A_1212 = arith.constant 16 : index
      %get3A_1213 = tpu.vector_load %arg8[%get3A_1210, %get3A_1211, %get3A_1212] {strides = array<i32>} : memref<16x16x51xf32, #tpu.memory_space<vmem>>, vector<16xf32>,
      %mul3A_1214 = arith.constant 1.000000e+03 : f32
      %mul3A_1215 = vector.broadcast %mul3A_1214 : f32 to vector<16xf32>
      %mul3A_1216 = arith.mulf %get3A_1206, %mul3A_1215 : vector<16xf32>
      %sub3A_1217 = arith.subf %get3A_1213, %get3A_1206 : vector<16xf32>
      %mul3A_1218 = vector.broadcast %squeeze3A_1176 : f32 to vector<16xf32>
      %mul3A_1219 = arith.mulf %sub3A_1217, %mul3A_1218 : vector<16xf32>
      %add3A_1220 = arith.addf %mul3A_1216, %mul3A_1219 : vector<16xf32>
      %add3A_1221 = arith.constant 448 : i32
      %add3A_1222 = arith.addi %mul3A_305, %add3A_1221 : i32
      %add3A_1223 = arith.constant 16 : i32
      %add3A_1224 = arith.addi %add3A_1222, %add3A_1223 : i32
      %swap3A_1225 = arith.index_cast %add3A_1224 : i32 to index
      %swap3A_1226 = tpu.vector_load %arg9[%swap3A_1225] {strides = array<i32>} : memref<32768xf32, #tpu.memory_space<vmem>>, vector<16xf32>,
      tpu.vector_store %arg9[%swap3A_1225], %add3A_1220 {strides = array<i32>} : memref<32768xf32, #tpu.memory_space<vmem>>, vector<16xf32>,
      %get3A_1227 = arith.constant 7 : i32
      %get3A_1228 = arith.index_cast %get3A_1227 : i32 to index
      %get3A_1229 = arith.index_cast %sub3A_1164 : i32 to index
      %get3A_1230 = arith.constant 32 : index
      %get3A_1231 = tpu.vector_load %arg8[%get3A_1228, %get3A_1229, %get3A_1230] {strides = array<i32>} : memref<16x16x51xf32, #tpu.memory_space<vmem>>, vector<16xf32>,
      %add3A_1232 = arith.constant 1 : i32
      %add3A_1233 = arith.addi %sub3A_1164, %add3A_1232 : i32
      %get3A_1234 = arith.constant 7 : i32
      %get3A_1235 = arith.index_cast %get3A_1234 : i32 to index
      %get3A_1236 = arith.index_cast %add3A_1233 : i32 to index
      %get3A_1237 = arith.constant 32 : index
      %get3A_1238 = tpu.vector_load %arg8[%get3A_1235, %get3A_1236, %get3A_1237] {strides = array<i32>} : memref<16x16x51xf32, #tpu.memory_space<vmem>>, vector<16xf32>,
      %mul3A_1239 = arith.constant 1.000000e+03 : f32
      %mul3A_1240 = vector.broadcast %mul3A_1239 : f32 to vector<16xf32>
      %mul3A_1241 = arith.mulf %get3A_1231, %mul3A_1240 : vector<16xf32>
      %sub3A_1242 = arith.subf %get3A_1238, %get3A_1231 : vector<16xf32>
      %mul3A_1243 = vector.broadcast %squeeze3A_1176 : f32 to vector<16xf32>
      %mul3A_1244 = arith.mulf %sub3A_1242, %mul3A_1243 : vector<16xf32>
      %add3A_1245 = arith.addf %mul3A_1241, %mul3A_1244 : vector<16xf32>
      %add3A_1246 = arith.constant 448 : i32
      %add3A_1247 = arith.addi %mul3A_305, %add3A_1246 : i32
      %add3A_1248 = arith.constant 32 : i32
      %add3A_1249 = arith.addi %add3A_1247, %add3A_1248 : i32
      %swap3A_1250 = arith.index_cast %add3A_1249 : i32 to index
      %swap3A_1251 = tpu.vector_load %arg9[%swap3A_1250] {strides = array<i32>} : memref<32768xf32, #tpu.memory_space<vmem>>, vector<16xf32>,
      tpu.vector_store %arg9[%swap3A_1250], %add3A_1245 {strides = array<i32>} : memref<32768xf32, #tpu.memory_space<vmem>>, vector<16xf32>,
      %get3A_1252 = arith.constant 7 : i32
      %get3A_1253 = arith.index_cast %get3A_1252 : i32 to index
      %get3A_1254 = arith.index_cast %sub3A_1164 : i32 to index
      %get3A_1255 = arith.constant 35 : index
      %get3A_1256 = tpu.vector_load %arg8[%get3A_1253, %get3A_1254, %get3A_1255] {strides = array<i32>} : memref<16x16x51xf32, #tpu.memory_space<vmem>>, vector<16xf32>,
      %add3A_1257 = arith.constant 1 : i32
      %add3A_1258 = arith.addi %sub3A_1164, %add3A_1257 : i32
      %get3A_1259 = arith.constant 7 : i32
      %get3A_1260 = arith.index_cast %get3A_1259 : i32 to index
      %get3A_1261 = arith.index_cast %add3A_1258 : i32 to index
      %get3A_1262 = arith.constant 35 : index
      %get3A_1263 = tpu.vector_load %arg8[%get3A_1260, %get3A_1261, %get3A_1262] {strides = array<i32>} : memref<16x16x51xf32, #tpu.memory_space<vmem>>, vector<16xf32>,
      %mul3A_1264 = arith.constant 1.000000e+03 : f32
      %mul3A_1265 = vector.broadcast %mul3A_1264 : f32 to vector<16xf32>
      %mul3A_1266 = arith.mulf %get3A_1256, %mul3A_1265 : vector<16xf32>
      %sub3A_1267 = arith.subf %get3A_1263, %get3A_1256 : vector<16xf32>
      %mul3A_1268 = vector.broadcast %squeeze3A_1176 : f32 to vector<16xf32>
      %mul3A_1269 = arith.mulf %sub3A_1267, %mul3A_1268 : vector<16xf32>
      %add3A_1270 = arith.addf %mul3A_1266, %mul3A_1269 : vector<16xf32>
      %iota3A_1271 = tpu.iota {dimensions = array<i32: 0>} : vector<16xi32>
      %add3A_1272 = arith.constant 448 : i32
      %add3A_1273 = arith.addi %mul3A_305, %add3A_1272 : i32
      %add3A_1274 = arith.constant 51 : i32
      %add3A_1275 = arith.addi %add3A_1273, %add3A_1274 : i32
      %sub3A_1276 = arith.constant 16 : i32
      %sub3A_1277 = arith.subi %add3A_1275, %sub3A_1276 : i32
      %add3A_1278 = vector.broadcast %sub3A_1277 : i32 to vector<16xi32>
      %add3A_1279 = arith.addi %iota3A_1271, %add3A_1278 : vector<16xi32>
      tpu.vector_store_idx %arg9[%add3A_1279], %add3A_1270 : memref<32768xf32, #tpu.memory_space<vmem>>[vector<16xi32>], vector<16xf32>,
      %slice3A_1280 = vector.extract_strided_slice %get3A_299 {offsets = [8], sizes = [1], strides = [1]} : vector<16xi32> to vector<1xi32>
      %squeeze3A_1281 = vector.extract %slice3A_1280[0] : i32 from vector<1xi32>
      %and3A_1282 = arith.constant -8 : i32
      %and3A_1283 = arith.andi %squeeze3A_1281, %and3A_1282 : i32
      %min3A_1284 = arith.constant 999984 : i32
      %min3A_1285 = arith.minsi %and3A_1283, %min3A_1284 : i32
      %sub3A_1286 = arith.subi %squeeze3A_1281, %min3A_1285 : i32
      %lt3A_1287 = arith.constant 7 : i32
      %lt3A_1288 = arith.cmpi slt, %sub3A_1286, %lt3A_1287 : i32
      %convert_element_type3A_1289 = arith.extui %lt3A_1288 : i1 to i32
      %cond3A_1290 = arith.constant 0 : i32
      %cond3A_1291 = arith.cmpi ne, %convert_element_type3A_1289, %cond3A_1290 : i32
      scf.if %cond3A_1291 {
        %dma_wait3A = arith.constant 8 : i32
        %dma_wait3A_2256 = arith.constant 8 : i32
        %dma_wait3A_2257 = arith.constant 0 : i32
        %dma_wait3A_2258 = arith.constant 0 : i32
        %dma_wait3A_2259 = tpu.memref_slice %arg8[%dma_wait3A, %dma_wait3A_2257, %dma_wait3A_2258] : memref<16x16x51xf32, #tpu.memory_space<vmem>> -> memref<1x8x51xf32, #tpu.memory_space<vmem>>
        %dma_wait3A_2260 = tpu.memref_squeeze %dma_wait3A_2259 : memref<1x8x51xf32, #tpu.memory_space<vmem>> -> memref<8x51xf32, #tpu.memory_space<vmem>>
        %dma_wait3A_2261 = arith.constant 0 : i32
        %dma_wait3A_2262 = arith.constant 0 : i32
        %dma_wait3A_2263 = tpu.memref_slice %arg3[%dma_wait3A_2261, %dma_wait3A_2262] : memref<1000001x51xf32, #tpu.memory_space<hbm>> -> memref<8x51xf32, #tpu.memory_space<hbm>>
        %dma_wait3A_2264 = tpu.memref_slice %arg10[%dma_wait3A_2256] : memref<16x!tpu.dma_semaphore, #tpu.memory_space<semaphore_mem>> -> memref<1x!tpu.dma_semaphore, #tpu.memory_space<semaphore_mem>>
        %dma_wait3A_2265 = tpu.memref_squeeze %dma_wait3A_2264 : memref<1x!tpu.dma_semaphore, #tpu.memory_space<semaphore_mem>> -> memref<!tpu.dma_semaphore, #tpu.memory_space<semaphore_mem>>
        %dma_wait3A_2266 = arith.constant 0 : i32
        %dma_wait3A_2267 = arith.constant 0 : i32
        %dma_wait3A_2268 = tpu.memref_slice %arg8[%dma_wait3A, %dma_wait3A_2266, %dma_wait3A_2267] : memref<16x16x51xf32, #tpu.memory_space<vmem>> -> memref<1x8x51xf32, #tpu.memory_space<vmem>>
        %dma_wait3A_2269 = tpu.memref_squeeze %dma_wait3A_2268 : memref<1x8x51xf32, #tpu.memory_space<vmem>> -> memref<8x51xf32, #tpu.memory_space<vmem>>
        %dma_wait3A_2270 = arith.constant 0 : i32
        %dma_wait3A_2271 = arith.constant 0 : i32
        %dma_wait3A_2272 = tpu.memref_slice %arg3[%dma_wait3A_2270, %dma_wait3A_2271] : memref<1000001x51xf32, #tpu.memory_space<hbm>> -> memref<8x51xf32, #tpu.memory_space<hbm>>
        tpu.wait_dma2 semaphore(%dma_wait3A_2265 : memref<!tpu.dma_semaphore, #tpu.memory_space<semaphore_mem>>) src(%dma_wait3A_2272 : memref<8x51xf32, #tpu.memory_space<hbm>>) dst(%dma_wait3A_2269 : memref<8x51xf32, #tpu.memory_space<vmem>>)
      } else {
      }
      %ge3A_1292 = arith.constant 7 : i32
      %ge3A_1293 = arith.cmpi sge, %sub3A_1286, %ge3A_1292 : i32
      %convert_element_type3A_1294 = arith.extui %ge3A_1293 : i1 to i32
      %cond3A_1295 = arith.constant 0 : i32
      %cond3A_1296 = arith.cmpi ne, %convert_element_type3A_1294, %cond3A_1295 : i32
      scf.if %cond3A_1296 {
        %dma_wait3A = arith.constant 8 : i32
        %dma_wait3A_2256 = arith.constant 8 : i32
        %dma_wait3A_2257 = arith.constant 0 : i32
        %dma_wait3A_2258 = arith.constant 0 : i32
        %dma_wait3A_2259 = tpu.memref_slice %arg8[%dma_wait3A, %dma_wait3A_2257, %dma_wait3A_2258] : memref<16x16x51xf32, #tpu.memory_space<vmem>> -> memref<1x16x51xf32, #tpu.memory_space<vmem>>
        %dma_wait3A_2260 = tpu.memref_squeeze %dma_wait3A_2259 : memref<1x16x51xf32, #tpu.memory_space<vmem>> -> memref<16x51xf32, #tpu.memory_space<vmem>>
        %dma_wait3A_2261 = arith.constant 0 : i32
        %dma_wait3A_2262 = arith.constant 0 : i32
        %dma_wait3A_2263 = tpu.memref_slice %arg3[%dma_wait3A_2261, %dma_wait3A_2262] : memref<1000001x51xf32, #tpu.memory_space<hbm>> -> memref<16x51xf32, #tpu.memory_space<hbm>>
        %dma_wait3A_2264 = tpu.memref_slice %arg10[%dma_wait3A_2256] : memref<16x!tpu.dma_semaphore, #tpu.memory_space<semaphore_mem>> -> memref<1x!tpu.dma_semaphore, #tpu.memory_space<semaphore_mem>>
        %dma_wait3A_2265 = tpu.memref_squeeze %dma_wait3A_2264 : memref<1x!tpu.dma_semaphore, #tpu.memory_space<semaphore_mem>> -> memref<!tpu.dma_semaphore, #tpu.memory_space<semaphore_mem>>
        %dma_wait3A_2266 = arith.constant 0 : i32
        %dma_wait3A_2267 = arith.constant 0 : i32
        %dma_wait3A_2268 = tpu.memref_slice %arg8[%dma_wait3A, %dma_wait3A_2266, %dma_wait3A_2267] : memref<16x16x51xf32, #tpu.memory_space<vmem>> -> memref<1x16x51xf32, #tpu.memory_space<vmem>>
        %dma_wait3A_2269 = tpu.memref_squeeze %dma_wait3A_2268 : memref<1x16x51xf32, #tpu.memory_space<vmem>> -> memref<16x51xf32, #tpu.memory_space<vmem>>
        %dma_wait3A_2270 = arith.constant 0 : i32
        %dma_wait3A_2271 = arith.constant 0 : i32
        %dma_wait3A_2272 = tpu.memref_slice %arg3[%dma_wait3A_2270, %dma_wait3A_2271] : memref<1000001x51xf32, #tpu.memory_space<hbm>> -> memref<16x51xf32, #tpu.memory_space<hbm>>
        tpu.wait_dma2 semaphore(%dma_wait3A_2265 : memref<!tpu.dma_semaphore, #tpu.memory_space<semaphore_mem>>) src(%dma_wait3A_2272 : memref<16x51xf32, #tpu.memory_space<hbm>>) dst(%dma_wait3A_2269 : memref<16x51xf32, #tpu.memory_space<vmem>>)
      } else {
      }
      %slice3A_1297 = vector.extract_strided_slice %get3A_303 {offsets = [8], sizes = [1], strides = [1]} : vector<16xf32> to vector<1xf32>
      %squeeze3A_1298 = vector.extract %slice3A_1297[0] : f32 from vector<1xf32>
      %get3A_1299 = arith.constant 8 : i32
      %get3A_1300 = arith.index_cast %get3A_1299 : i32 to index
      %get3A_1301 = arith.index_cast %sub3A_1286 : i32 to index
      %get3A_1302 = arith.constant 0 : index
      %get3A_1303 = tpu.vector_load %arg8[%get3A_1300, %get3A_1301, %get3A_1302] {strides = array<i32>} : memref<16x16x51xf32, #tpu.memory_space<vmem>>, vector<16xf32>,
      %add3A_1304 = arith.constant 1 : i32
      %add3A_1305 = arith.addi %sub3A_1286, %add3A_1304 : i32
      %get3A_1306 = arith.constant 8 : i32
      %get3A_1307 = arith.index_cast %get3A_1306 : i32 to index
      %get3A_1308 = arith.index_cast %add3A_1305 : i32 to index
      %get3A_1309 = arith.constant 0 : index
      %get3A_1310 = tpu.vector_load %arg8[%get3A_1307, %get3A_1308, %get3A_1309] {strides = array<i32>} : memref<16x16x51xf32, #tpu.memory_space<vmem>>, vector<16xf32>,
      %mul3A_1311 = arith.constant 1.000000e+03 : f32
      %mul3A_1312 = vector.broadcast %mul3A_1311 : f32 to vector<16xf32>
      %mul3A_1313 = arith.mulf %get3A_1303, %mul3A_1312 : vector<16xf32>
      %sub3A_1314 = arith.subf %get3A_1310, %get3A_1303 : vector<16xf32>
      %mul3A_1315 = vector.broadcast %squeeze3A_1298 : f32 to vector<16xf32>
      %mul3A_1316 = arith.mulf %sub3A_1314, %mul3A_1315 : vector<16xf32>
      %add3A_1317 = arith.addf %mul3A_1313, %mul3A_1316 : vector<16xf32>
      %add3A_1318 = arith.constant 512 : i32
      %add3A_1319 = arith.addi %mul3A_305, %add3A_1318 : i32
      %add3A_1320 = arith.constant 0 : i32
      %add3A_1321 = arith.addi %add3A_1319, %add3A_1320 : i32
      %swap3A_1322 = arith.index_cast %add3A_1321 : i32 to index
      %swap3A_1323 = tpu.vector_load %arg9[%swap3A_1322] {strides = array<i32>} : memref<32768xf32, #tpu.memory_space<vmem>>, vector<16xf32>,
      tpu.vector_store %arg9[%swap3A_1322], %add3A_1317 {strides = array<i32>} : memref<32768xf32, #tpu.memory_space<vmem>>, vector<16xf32>,
      %get3A_1324 = arith.constant 8 : i32
      %get3A_1325 = arith.index_cast %get3A_1324 : i32 to index
      %get3A_1326 = arith.index_cast %sub3A_1286 : i32 to index
      %get3A_1327 = arith.constant 16 : index
      %get3A_1328 = tpu.vector_load %arg8[%get3A_1325, %get3A_1326, %get3A_1327] {strides = array<i32>} : memref<16x16x51xf32, #tpu.memory_space<vmem>>, vector<16xf32>,
      %add3A_1329 = arith.constant 1 : i32
      %add3A_1330 = arith.addi %sub3A_1286, %add3A_1329 : i32
      %get3A_1331 = arith.constant 8 : i32
      %get3A_1332 = arith.index_cast %get3A_1331 : i32 to index
      %get3A_1333 = arith.index_cast %add3A_1330 : i32 to index
      %get3A_1334 = arith.constant 16 : index
      %get3A_1335 = tpu.vector_load %arg8[%get3A_1332, %get3A_1333, %get3A_1334] {strides = array<i32>} : memref<16x16x51xf32, #tpu.memory_space<vmem>>, vector<16xf32>,
      %mul3A_1336 = arith.constant 1.000000e+03 : f32
      %mul3A_1337 = vector.broadcast %mul3A_1336 : f32 to vector<16xf32>
      %mul3A_1338 = arith.mulf %get3A_1328, %mul3A_1337 : vector<16xf32>
      %sub3A_1339 = arith.subf %get3A_1335, %get3A_1328 : vector<16xf32>
      %mul3A_1340 = vector.broadcast %squeeze3A_1298 : f32 to vector<16xf32>
      %mul3A_1341 = arith.mulf %sub3A_1339, %mul3A_1340 : vector<16xf32>
      %add3A_1342 = arith.addf %mul3A_1338, %mul3A_1341 : vector<16xf32>
      %add3A_1343 = arith.constant 512 : i32
      %add3A_1344 = arith.addi %mul3A_305, %add3A_1343 : i32
      %add3A_1345 = arith.constant 16 : i32
      %add3A_1346 = arith.addi %add3A_1344, %add3A_1345 : i32
      %swap3A_1347 = arith.index_cast %add3A_1346 : i32 to index
      %swap3A_1348 = tpu.vector_load %arg9[%swap3A_1347] {strides = array<i32>} : memref<32768xf32, #tpu.memory_space<vmem>>, vector<16xf32>,
      tpu.vector_store %arg9[%swap3A_1347], %add3A_1342 {strides = array<i32>} : memref<32768xf32, #tpu.memory_space<vmem>>, vector<16xf32>,
      %get3A_1349 = arith.constant 8 : i32
      %get3A_1350 = arith.index_cast %get3A_1349 : i32 to index
      %get3A_1351 = arith.index_cast %sub3A_1286 : i32 to index
      %get3A_1352 = arith.constant 32 : index
      %get3A_1353 = tpu.vector_load %arg8[%get3A_1350, %get3A_1351, %get3A_1352] {strides = array<i32>} : memref<16x16x51xf32, #tpu.memory_space<vmem>>, vector<16xf32>,
      %add3A_1354 = arith.constant 1 : i32
      %add3A_1355 = arith.addi %sub3A_1286, %add3A_1354 : i32
      %get3A_1356 = arith.constant 8 : i32
      %get3A_1357 = arith.index_cast %get3A_1356 : i32 to index
      %get3A_1358 = arith.index_cast %add3A_1355 : i32 to index
      %get3A_1359 = arith.constant 32 : index
      %get3A_1360 = tpu.vector_load %arg8[%get3A_1357, %get3A_1358, %get3A_1359] {strides = array<i32>} : memref<16x16x51xf32, #tpu.memory_space<vmem>>, vector<16xf32>,
      %mul3A_1361 = arith.constant 1.000000e+03 : f32
      %mul3A_1362 = vector.broadcast %mul3A_1361 : f32 to vector<16xf32>
      %mul3A_1363 = arith.mulf %get3A_1353, %mul3A_1362 : vector<16xf32>
      %sub3A_1364 = arith.subf %get3A_1360, %get3A_1353 : vector<16xf32>
      %mul3A_1365 = vector.broadcast %squeeze3A_1298 : f32 to vector<16xf32>
      %mul3A_1366 = arith.mulf %sub3A_1364, %mul3A_1365 : vector<16xf32>
      %add3A_1367 = arith.addf %mul3A_1363, %mul3A_1366 : vector<16xf32>
      %add3A_1368 = arith.constant 512 : i32
      %add3A_1369 = arith.addi %mul3A_305, %add3A_1368 : i32
      %add3A_1370 = arith.constant 32 : i32
      %add3A_1371 = arith.addi %add3A_1369, %add3A_1370 : i32
      %swap3A_1372 = arith.index_cast %add3A_1371 : i32 to index
      %swap3A_1373 = tpu.vector_load %arg9[%swap3A_1372] {strides = array<i32>} : memref<32768xf32, #tpu.memory_space<vmem>>, vector<16xf32>,
      tpu.vector_store %arg9[%swap3A_1372], %add3A_1367 {strides = array<i32>} : memref<32768xf32, #tpu.memory_space<vmem>>, vector<16xf32>,
      %get3A_1374 = arith.constant 8 : i32
      %get3A_1375 = arith.index_cast %get3A_1374 : i32 to index
      %get3A_1376 = arith.index_cast %sub3A_1286 : i32 to index
      %get3A_1377 = arith.constant 35 : index
      %get3A_1378 = tpu.vector_load %arg8[%get3A_1375, %get3A_1376, %get3A_1377] {strides = array<i32>} : memref<16x16x51xf32, #tpu.memory_space<vmem>>, vector<16xf32>,
      %add3A_1379 = arith.constant 1 : i32
      %add3A_1380 = arith.addi %sub3A_1286, %add3A_1379 : i32
      %get3A_1381 = arith.constant 8 : i32
      %get3A_1382 = arith.index_cast %get3A_1381 : i32 to index
      %get3A_1383 = arith.index_cast %add3A_1380 : i32 to index
      %get3A_1384 = arith.constant 35 : index
      %get3A_1385 = tpu.vector_load %arg8[%get3A_1382, %get3A_1383, %get3A_1384] {strides = array<i32>} : memref<16x16x51xf32, #tpu.memory_space<vmem>>, vector<16xf32>,
      %mul3A_1386 = arith.constant 1.000000e+03 : f32
      %mul3A_1387 = vector.broadcast %mul3A_1386 : f32 to vector<16xf32>
      %mul3A_1388 = arith.mulf %get3A_1378, %mul3A_1387 : vector<16xf32>
      %sub3A_1389 = arith.subf %get3A_1385, %get3A_1378 : vector<16xf32>
      %mul3A_1390 = vector.broadcast %squeeze3A_1298 : f32 to vector<16xf32>
      %mul3A_1391 = arith.mulf %sub3A_1389, %mul3A_1390 : vector<16xf32>
      %add3A_1392 = arith.addf %mul3A_1388, %mul3A_1391 : vector<16xf32>
      %iota3A_1393 = tpu.iota {dimensions = array<i32: 0>} : vector<16xi32>
      %add3A_1394 = arith.constant 512 : i32
      %add3A_1395 = arith.addi %mul3A_305, %add3A_1394 : i32
      %add3A_1396 = arith.constant 51 : i32
      %add3A_1397 = arith.addi %add3A_1395, %add3A_1396 : i32
      %sub3A_1398 = arith.constant 16 : i32
      %sub3A_1399 = arith.subi %add3A_1397, %sub3A_1398 : i32
      %add3A_1400 = vector.broadcast %sub3A_1399 : i32 to vector<16xi32>
      %add3A_1401 = arith.addi %iota3A_1393, %add3A_1400 : vector<16xi32>
      tpu.vector_store_idx %arg9[%add3A_1401], %add3A_1392 : memref<32768xf32, #tpu.memory_space<vmem>>[vector<16xi32>], vector<16xf32>,
      %slice3A_1402 = vector.extract_strided_slice %get3A_299 {offsets = [9], sizes = [1], strides = [1]} : vector<16xi32> to vector<1xi32>
      %squeeze3A_1403 = vector.extract %slice3A_1402[0] : i32 from vector<1xi32>
      %and3A_1404 = arith.constant -8 : i32
      %and3A_1405 = arith.andi %squeeze3A_1403, %and3A_1404 : i32
      %min3A_1406 = arith.constant 999984 : i32
      %min3A_1407 = arith.minsi %and3A_1405, %min3A_1406 : i32
      %sub3A_1408 = arith.subi %squeeze3A_1403, %min3A_1407 : i32
      %lt3A_1409 = arith.constant 7 : i32
      %lt3A_1410 = arith.cmpi slt, %sub3A_1408, %lt3A_1409 : i32
      %convert_element_type3A_1411 = arith.extui %lt3A_1410 : i1 to i32
      %cond3A_1412 = arith.constant 0 : i32
      %cond3A_1413 = arith.cmpi ne, %convert_element_type3A_1411, %cond3A_1412 : i32
      scf.if %cond3A_1413 {
        %dma_wait3A = arith.constant 9 : i32
        %dma_wait3A_2256 = arith.constant 9 : i32
        %dma_wait3A_2257 = arith.constant 0 : i32
        %dma_wait3A_2258 = arith.constant 0 : i32
        %dma_wait3A_2259 = tpu.memref_slice %arg8[%dma_wait3A, %dma_wait3A_2257, %dma_wait3A_2258] : memref<16x16x51xf32, #tpu.memory_space<vmem>> -> memref<1x8x51xf32, #tpu.memory_space<vmem>>
        %dma_wait3A_2260 = tpu.memref_squeeze %dma_wait3A_2259 : memref<1x8x51xf32, #tpu.memory_space<vmem>> -> memref<8x51xf32, #tpu.memory_space<vmem>>
        %dma_wait3A_2261 = arith.constant 0 : i32
        %dma_wait3A_2262 = arith.constant 0 : i32
        %dma_wait3A_2263 = tpu.memref_slice %arg3[%dma_wait3A_2261, %dma_wait3A_2262] : memref<1000001x51xf32, #tpu.memory_space<hbm>> -> memref<8x51xf32, #tpu.memory_space<hbm>>
        %dma_wait3A_2264 = tpu.memref_slice %arg10[%dma_wait3A_2256] : memref<16x!tpu.dma_semaphore, #tpu.memory_space<semaphore_mem>> -> memref<1x!tpu.dma_semaphore, #tpu.memory_space<semaphore_mem>>
        %dma_wait3A_2265 = tpu.memref_squeeze %dma_wait3A_2264 : memref<1x!tpu.dma_semaphore, #tpu.memory_space<semaphore_mem>> -> memref<!tpu.dma_semaphore, #tpu.memory_space<semaphore_mem>>
        %dma_wait3A_2266 = arith.constant 0 : i32
        %dma_wait3A_2267 = arith.constant 0 : i32
        %dma_wait3A_2268 = tpu.memref_slice %arg8[%dma_wait3A, %dma_wait3A_2266, %dma_wait3A_2267] : memref<16x16x51xf32, #tpu.memory_space<vmem>> -> memref<1x8x51xf32, #tpu.memory_space<vmem>>
        %dma_wait3A_2269 = tpu.memref_squeeze %dma_wait3A_2268 : memref<1x8x51xf32, #tpu.memory_space<vmem>> -> memref<8x51xf32, #tpu.memory_space<vmem>>
        %dma_wait3A_2270 = arith.constant 0 : i32
        %dma_wait3A_2271 = arith.constant 0 : i32
        %dma_wait3A_2272 = tpu.memref_slice %arg3[%dma_wait3A_2270, %dma_wait3A_2271] : memref<1000001x51xf32, #tpu.memory_space<hbm>> -> memref<8x51xf32, #tpu.memory_space<hbm>>
        tpu.wait_dma2 semaphore(%dma_wait3A_2265 : memref<!tpu.dma_semaphore, #tpu.memory_space<semaphore_mem>>) src(%dma_wait3A_2272 : memref<8x51xf32, #tpu.memory_space<hbm>>) dst(%dma_wait3A_2269 : memref<8x51xf32, #tpu.memory_space<vmem>>)
      } else {
      }
      %ge3A_1414 = arith.constant 7 : i32
      %ge3A_1415 = arith.cmpi sge, %sub3A_1408, %ge3A_1414 : i32
      %convert_element_type3A_1416 = arith.extui %ge3A_1415 : i1 to i32
      %cond3A_1417 = arith.constant 0 : i32
      %cond3A_1418 = arith.cmpi ne, %convert_element_type3A_1416, %cond3A_1417 : i32
      scf.if %cond3A_1418 {
        %dma_wait3A = arith.constant 9 : i32
        %dma_wait3A_2256 = arith.constant 9 : i32
        %dma_wait3A_2257 = arith.constant 0 : i32
        %dma_wait3A_2258 = arith.constant 0 : i32
        %dma_wait3A_2259 = tpu.memref_slice %arg8[%dma_wait3A, %dma_wait3A_2257, %dma_wait3A_2258] : memref<16x16x51xf32, #tpu.memory_space<vmem>> -> memref<1x16x51xf32, #tpu.memory_space<vmem>>
        %dma_wait3A_2260 = tpu.memref_squeeze %dma_wait3A_2259 : memref<1x16x51xf32, #tpu.memory_space<vmem>> -> memref<16x51xf32, #tpu.memory_space<vmem>>
        %dma_wait3A_2261 = arith.constant 0 : i32
        %dma_wait3A_2262 = arith.constant 0 : i32
        %dma_wait3A_2263 = tpu.memref_slice %arg3[%dma_wait3A_2261, %dma_wait3A_2262] : memref<1000001x51xf32, #tpu.memory_space<hbm>> -> memref<16x51xf32, #tpu.memory_space<hbm>>
        %dma_wait3A_2264 = tpu.memref_slice %arg10[%dma_wait3A_2256] : memref<16x!tpu.dma_semaphore, #tpu.memory_space<semaphore_mem>> -> memref<1x!tpu.dma_semaphore, #tpu.memory_space<semaphore_mem>>
        %dma_wait3A_2265 = tpu.memref_squeeze %dma_wait3A_2264 : memref<1x!tpu.dma_semaphore, #tpu.memory_space<semaphore_mem>> -> memref<!tpu.dma_semaphore, #tpu.memory_space<semaphore_mem>>
        %dma_wait3A_2266 = arith.constant 0 : i32
        %dma_wait3A_2267 = arith.constant 0 : i32
        %dma_wait3A_2268 = tpu.memref_slice %arg8[%dma_wait3A, %dma_wait3A_2266, %dma_wait3A_2267] : memref<16x16x51xf32, #tpu.memory_space<vmem>> -> memref<1x16x51xf32, #tpu.memory_space<vmem>>
        %dma_wait3A_2269 = tpu.memref_squeeze %dma_wait3A_2268 : memref<1x16x51xf32, #tpu.memory_space<vmem>> -> memref<16x51xf32, #tpu.memory_space<vmem>>
        %dma_wait3A_2270 = arith.constant 0 : i32
        %dma_wait3A_2271 = arith.constant 0 : i32
        %dma_wait3A_2272 = tpu.memref_slice %arg3[%dma_wait3A_2270, %dma_wait3A_2271] : memref<1000001x51xf32, #tpu.memory_space<hbm>> -> memref<16x51xf32, #tpu.memory_space<hbm>>
        tpu.wait_dma2 semaphore(%dma_wait3A_2265 : memref<!tpu.dma_semaphore, #tpu.memory_space<semaphore_mem>>) src(%dma_wait3A_2272 : memref<16x51xf32, #tpu.memory_space<hbm>>) dst(%dma_wait3A_2269 : memref<16x51xf32, #tpu.memory_space<vmem>>)
      } else {
      }
      %slice3A_1419 = vector.extract_strided_slice %get3A_303 {offsets = [9], sizes = [1], strides = [1]} : vector<16xf32> to vector<1xf32>
      %squeeze3A_1420 = vector.extract %slice3A_1419[0] : f32 from vector<1xf32>
      %get3A_1421 = arith.constant 9 : i32
      %get3A_1422 = arith.index_cast %get3A_1421 : i32 to index
      %get3A_1423 = arith.index_cast %sub3A_1408 : i32 to index
      %get3A_1424 = arith.constant 0 : index
      %get3A_1425 = tpu.vector_load %arg8[%get3A_1422, %get3A_1423, %get3A_1424] {strides = array<i32>} : memref<16x16x51xf32, #tpu.memory_space<vmem>>, vector<16xf32>,
      %add3A_1426 = arith.constant 1 : i32
      %add3A_1427 = arith.addi %sub3A_1408, %add3A_1426 : i32
      %get3A_1428 = arith.constant 9 : i32
      %get3A_1429 = arith.index_cast %get3A_1428 : i32 to index
      %get3A_1430 = arith.index_cast %add3A_1427 : i32 to index
      %get3A_1431 = arith.constant 0 : index
      %get3A_1432 = tpu.vector_load %arg8[%get3A_1429, %get3A_1430, %get3A_1431] {strides = array<i32>} : memref<16x16x51xf32, #tpu.memory_space<vmem>>, vector<16xf32>,
      %mul3A_1433 = arith.constant 1.000000e+03 : f32
      %mul3A_1434 = vector.broadcast %mul3A_1433 : f32 to vector<16xf32>
      %mul3A_1435 = arith.mulf %get3A_1425, %mul3A_1434 : vector<16xf32>
      %sub3A_1436 = arith.subf %get3A_1432, %get3A_1425 : vector<16xf32>
      %mul3A_1437 = vector.broadcast %squeeze3A_1420 : f32 to vector<16xf32>
      %mul3A_1438 = arith.mulf %sub3A_1436, %mul3A_1437 : vector<16xf32>
      %add3A_1439 = arith.addf %mul3A_1435, %mul3A_1438 : vector<16xf32>
      %add3A_1440 = arith.constant 576 : i32
      %add3A_1441 = arith.addi %mul3A_305, %add3A_1440 : i32
      %add3A_1442 = arith.constant 0 : i32
      %add3A_1443 = arith.addi %add3A_1441, %add3A_1442 : i32
      %swap3A_1444 = arith.index_cast %add3A_1443 : i32 to index
      %swap3A_1445 = tpu.vector_load %arg9[%swap3A_1444] {strides = array<i32>} : memref<32768xf32, #tpu.memory_space<vmem>>, vector<16xf32>,
      tpu.vector_store %arg9[%swap3A_1444], %add3A_1439 {strides = array<i32>} : memref<32768xf32, #tpu.memory_space<vmem>>, vector<16xf32>,
      %get3A_1446 = arith.constant 9 : i32
      %get3A_1447 = arith.index_cast %get3A_1446 : i32 to index
      %get3A_1448 = arith.index_cast %sub3A_1408 : i32 to index
      %get3A_1449 = arith.constant 16 : index
      %get3A_1450 = tpu.vector_load %arg8[%get3A_1447, %get3A_1448, %get3A_1449] {strides = array<i32>} : memref<16x16x51xf32, #tpu.memory_space<vmem>>, vector<16xf32>,
      %add3A_1451 = arith.constant 1 : i32
      %add3A_1452 = arith.addi %sub3A_1408, %add3A_1451 : i32
      %get3A_1453 = arith.constant 9 : i32
      %get3A_1454 = arith.index_cast %get3A_1453 : i32 to index
      %get3A_1455 = arith.index_cast %add3A_1452 : i32 to index
      %get3A_1456 = arith.constant 16 : index
      %get3A_1457 = tpu.vector_load %arg8[%get3A_1454, %get3A_1455, %get3A_1456] {strides = array<i32>} : memref<16x16x51xf32, #tpu.memory_space<vmem>>, vector<16xf32>,
      %mul3A_1458 = arith.constant 1.000000e+03 : f32
      %mul3A_1459 = vector.broadcast %mul3A_1458 : f32 to vector<16xf32>
      %mul3A_1460 = arith.mulf %get3A_1450, %mul3A_1459 : vector<16xf32>
      %sub3A_1461 = arith.subf %get3A_1457, %get3A_1450 : vector<16xf32>
      %mul3A_1462 = vector.broadcast %squeeze3A_1420 : f32 to vector<16xf32>
      %mul3A_1463 = arith.mulf %sub3A_1461, %mul3A_1462 : vector<16xf32>
      %add3A_1464 = arith.addf %mul3A_1460, %mul3A_1463 : vector<16xf32>
      %add3A_1465 = arith.constant 576 : i32
      %add3A_1466 = arith.addi %mul3A_305, %add3A_1465 : i32
      %add3A_1467 = arith.constant 16 : i32
      %add3A_1468 = arith.addi %add3A_1466, %add3A_1467 : i32
      %swap3A_1469 = arith.index_cast %add3A_1468 : i32 to index
      %swap3A_1470 = tpu.vector_load %arg9[%swap3A_1469] {strides = array<i32>} : memref<32768xf32, #tpu.memory_space<vmem>>, vector<16xf32>,
      tpu.vector_store %arg9[%swap3A_1469], %add3A_1464 {strides = array<i32>} : memref<32768xf32, #tpu.memory_space<vmem>>, vector<16xf32>,
      %get3A_1471 = arith.constant 9 : i32
      %get3A_1472 = arith.index_cast %get3A_1471 : i32 to index
      %get3A_1473 = arith.index_cast %sub3A_1408 : i32 to index
      %get3A_1474 = arith.constant 32 : index
      %get3A_1475 = tpu.vector_load %arg8[%get3A_1472, %get3A_1473, %get3A_1474] {strides = array<i32>} : memref<16x16x51xf32, #tpu.memory_space<vmem>>, vector<16xf32>,
      %add3A_1476 = arith.constant 1 : i32
      %add3A_1477 = arith.addi %sub3A_1408, %add3A_1476 : i32
      %get3A_1478 = arith.constant 9 : i32
      %get3A_1479 = arith.index_cast %get3A_1478 : i32 to index
      %get3A_1480 = arith.index_cast %add3A_1477 : i32 to index
      %get3A_1481 = arith.constant 32 : index
      %get3A_1482 = tpu.vector_load %arg8[%get3A_1479, %get3A_1480, %get3A_1481] {strides = array<i32>} : memref<16x16x51xf32, #tpu.memory_space<vmem>>, vector<16xf32>,
      %mul3A_1483 = arith.constant 1.000000e+03 : f32
      %mul3A_1484 = vector.broadcast %mul3A_1483 : f32 to vector<16xf32>
      %mul3A_1485 = arith.mulf %get3A_1475, %mul3A_1484 : vector<16xf32>
      %sub3A_1486 = arith.subf %get3A_1482, %get3A_1475 : vector<16xf32>
      %mul3A_1487 = vector.broadcast %squeeze3A_1420 : f32 to vector<16xf32>
      %mul3A_1488 = arith.mulf %sub3A_1486, %mul3A_1487 : vector<16xf32>
      %add3A_1489 = arith.addf %mul3A_1485, %mul3A_1488 : vector<16xf32>
      %add3A_1490 = arith.constant 576 : i32
      %add3A_1491 = arith.addi %mul3A_305, %add3A_1490 : i32
      %add3A_1492 = arith.constant 32 : i32
      %add3A_1493 = arith.addi %add3A_1491, %add3A_1492 : i32
      %swap3A_1494 = arith.index_cast %add3A_1493 : i32 to index
      %swap3A_1495 = tpu.vector_load %arg9[%swap3A_1494] {strides = array<i32>} : memref<32768xf32, #tpu.memory_space<vmem>>, vector<16xf32>,
      tpu.vector_store %arg9[%swap3A_1494], %add3A_1489 {strides = array<i32>} : memref<32768xf32, #tpu.memory_space<vmem>>, vector<16xf32>,
      %get3A_1496 = arith.constant 9 : i32
      %get3A_1497 = arith.index_cast %get3A_1496 : i32 to index
      %get3A_1498 = arith.index_cast %sub3A_1408 : i32 to index
      %get3A_1499 = arith.constant 35 : index
      %get3A_1500 = tpu.vector_load %arg8[%get3A_1497, %get3A_1498, %get3A_1499] {strides = array<i32>} : memref<16x16x51xf32, #tpu.memory_space<vmem>>, vector<16xf32>,
      %add3A_1501 = arith.constant 1 : i32
      %add3A_1502 = arith.addi %sub3A_1408, %add3A_1501 : i32
      %get3A_1503 = arith.constant 9 : i32
      %get3A_1504 = arith.index_cast %get3A_1503 : i32 to index
      %get3A_1505 = arith.index_cast %add3A_1502 : i32 to index
      %get3A_1506 = arith.constant 35 : index
      %get3A_1507 = tpu.vector_load %arg8[%get3A_1504, %get3A_1505, %get3A_1506] {strides = array<i32>} : memref<16x16x51xf32, #tpu.memory_space<vmem>>, vector<16xf32>,
      %mul3A_1508 = arith.constant 1.000000e+03 : f32
      %mul3A_1509 = vector.broadcast %mul3A_1508 : f32 to vector<16xf32>
      %mul3A_1510 = arith.mulf %get3A_1500, %mul3A_1509 : vector<16xf32>
      %sub3A_1511 = arith.subf %get3A_1507, %get3A_1500 : vector<16xf32>
      %mul3A_1512 = vector.broadcast %squeeze3A_1420 : f32 to vector<16xf32>
      %mul3A_1513 = arith.mulf %sub3A_1511, %mul3A_1512 : vector<16xf32>
      %add3A_1514 = arith.addf %mul3A_1510, %mul3A_1513 : vector<16xf32>
      %iota3A_1515 = tpu.iota {dimensions = array<i32: 0>} : vector<16xi32>
      %add3A_1516 = arith.constant 576 : i32
      %add3A_1517 = arith.addi %mul3A_305, %add3A_1516 : i32
      %add3A_1518 = arith.constant 51 : i32
      %add3A_1519 = arith.addi %add3A_1517, %add3A_1518 : i32
      %sub3A_1520 = arith.constant 16 : i32
      %sub3A_1521 = arith.subi %add3A_1519, %sub3A_1520 : i32
      %add3A_1522 = vector.broadcast %sub3A_1521 : i32 to vector<16xi32>
      %add3A_1523 = arith.addi %iota3A_1515, %add3A_1522 : vector<16xi32>
      tpu.vector_store_idx %arg9[%add3A_1523], %add3A_1514 : memref<32768xf32, #tpu.memory_space<vmem>>[vector<16xi32>], vector<16xf32>,
      %slice3A_1524 = vector.extract_strided_slice %get3A_299 {offsets = [10], sizes = [1], strides = [1]} : vector<16xi32> to vector<1xi32>
      %squeeze3A_1525 = vector.extract %slice3A_1524[0] : i32 from vector<1xi32>
      %and3A_1526 = arith.constant -8 : i32
      %and3A_1527 = arith.andi %squeeze3A_1525, %and3A_1526 : i32
      %min3A_1528 = arith.constant 999984 : i32
      %min3A_1529 = arith.minsi %and3A_1527, %min3A_1528 : i32
      %sub3A_1530 = arith.subi %squeeze3A_1525, %min3A_1529 : i32
      %lt3A_1531 = arith.constant 7 : i32
      %lt3A_1532 = arith.cmpi slt, %sub3A_1530, %lt3A_1531 : i32
      %convert_element_type3A_1533 = arith.extui %lt3A_1532 : i1 to i32
      %cond3A_1534 = arith.constant 0 : i32
      %cond3A_1535 = arith.cmpi ne, %convert_element_type3A_1533, %cond3A_1534 : i32
      scf.if %cond3A_1535 {
        %dma_wait3A = arith.constant 10 : i32
        %dma_wait3A_2256 = arith.constant 10 : i32
        %dma_wait3A_2257 = arith.constant 0 : i32
        %dma_wait3A_2258 = arith.constant 0 : i32
        %dma_wait3A_2259 = tpu.memref_slice %arg8[%dma_wait3A, %dma_wait3A_2257, %dma_wait3A_2258] : memref<16x16x51xf32, #tpu.memory_space<vmem>> -> memref<1x8x51xf32, #tpu.memory_space<vmem>>
        %dma_wait3A_2260 = tpu.memref_squeeze %dma_wait3A_2259 : memref<1x8x51xf32, #tpu.memory_space<vmem>> -> memref<8x51xf32, #tpu.memory_space<vmem>>
        %dma_wait3A_2261 = arith.constant 0 : i32
        %dma_wait3A_2262 = arith.constant 0 : i32
        %dma_wait3A_2263 = tpu.memref_slice %arg3[%dma_wait3A_2261, %dma_wait3A_2262] : memref<1000001x51xf32, #tpu.memory_space<hbm>> -> memref<8x51xf32, #tpu.memory_space<hbm>>
        %dma_wait3A_2264 = tpu.memref_slice %arg10[%dma_wait3A_2256] : memref<16x!tpu.dma_semaphore, #tpu.memory_space<semaphore_mem>> -> memref<1x!tpu.dma_semaphore, #tpu.memory_space<semaphore_mem>>
        %dma_wait3A_2265 = tpu.memref_squeeze %dma_wait3A_2264 : memref<1x!tpu.dma_semaphore, #tpu.memory_space<semaphore_mem>> -> memref<!tpu.dma_semaphore, #tpu.memory_space<semaphore_mem>>
        %dma_wait3A_2266 = arith.constant 0 : i32
        %dma_wait3A_2267 = arith.constant 0 : i32
        %dma_wait3A_2268 = tpu.memref_slice %arg8[%dma_wait3A, %dma_wait3A_2266, %dma_wait3A_2267] : memref<16x16x51xf32, #tpu.memory_space<vmem>> -> memref<1x8x51xf32, #tpu.memory_space<vmem>>
        %dma_wait3A_2269 = tpu.memref_squeeze %dma_wait3A_2268 : memref<1x8x51xf32, #tpu.memory_space<vmem>> -> memref<8x51xf32, #tpu.memory_space<vmem>>
        %dma_wait3A_2270 = arith.constant 0 : i32
        %dma_wait3A_2271 = arith.constant 0 : i32
        %dma_wait3A_2272 = tpu.memref_slice %arg3[%dma_wait3A_2270, %dma_wait3A_2271] : memref<1000001x51xf32, #tpu.memory_space<hbm>> -> memref<8x51xf32, #tpu.memory_space<hbm>>
        tpu.wait_dma2 semaphore(%dma_wait3A_2265 : memref<!tpu.dma_semaphore, #tpu.memory_space<semaphore_mem>>) src(%dma_wait3A_2272 : memref<8x51xf32, #tpu.memory_space<hbm>>) dst(%dma_wait3A_2269 : memref<8x51xf32, #tpu.memory_space<vmem>>)
      } else {
      }
      %ge3A_1536 = arith.constant 7 : i32
      %ge3A_1537 = arith.cmpi sge, %sub3A_1530, %ge3A_1536 : i32
      %convert_element_type3A_1538 = arith.extui %ge3A_1537 : i1 to i32
      %cond3A_1539 = arith.constant 0 : i32
      %cond3A_1540 = arith.cmpi ne, %convert_element_type3A_1538, %cond3A_1539 : i32
      scf.if %cond3A_1540 {
        %dma_wait3A = arith.constant 10 : i32
        %dma_wait3A_2256 = arith.constant 10 : i32
        %dma_wait3A_2257 = arith.constant 0 : i32
        %dma_wait3A_2258 = arith.constant 0 : i32
        %dma_wait3A_2259 = tpu.memref_slice %arg8[%dma_wait3A, %dma_wait3A_2257, %dma_wait3A_2258] : memref<16x16x51xf32, #tpu.memory_space<vmem>> -> memref<1x16x51xf32, #tpu.memory_space<vmem>>
        %dma_wait3A_2260 = tpu.memref_squeeze %dma_wait3A_2259 : memref<1x16x51xf32, #tpu.memory_space<vmem>> -> memref<16x51xf32, #tpu.memory_space<vmem>>
        %dma_wait3A_2261 = arith.constant 0 : i32
        %dma_wait3A_2262 = arith.constant 0 : i32
        %dma_wait3A_2263 = tpu.memref_slice %arg3[%dma_wait3A_2261, %dma_wait3A_2262] : memref<1000001x51xf32, #tpu.memory_space<hbm>> -> memref<16x51xf32, #tpu.memory_space<hbm>>
        %dma_wait3A_2264 = tpu.memref_slice %arg10[%dma_wait3A_2256] : memref<16x!tpu.dma_semaphore, #tpu.memory_space<semaphore_mem>> -> memref<1x!tpu.dma_semaphore, #tpu.memory_space<semaphore_mem>>
        %dma_wait3A_2265 = tpu.memref_squeeze %dma_wait3A_2264 : memref<1x!tpu.dma_semaphore, #tpu.memory_space<semaphore_mem>> -> memref<!tpu.dma_semaphore, #tpu.memory_space<semaphore_mem>>
        %dma_wait3A_2266 = arith.constant 0 : i32
        %dma_wait3A_2267 = arith.constant 0 : i32
        %dma_wait3A_2268 = tpu.memref_slice %arg8[%dma_wait3A, %dma_wait3A_2266, %dma_wait3A_2267] : memref<16x16x51xf32, #tpu.memory_space<vmem>> -> memref<1x16x51xf32, #tpu.memory_space<vmem>>
        %dma_wait3A_2269 = tpu.memref_squeeze %dma_wait3A_2268 : memref<1x16x51xf32, #tpu.memory_space<vmem>> -> memref<16x51xf32, #tpu.memory_space<vmem>>
        %dma_wait3A_2270 = arith.constant 0 : i32
        %dma_wait3A_2271 = arith.constant 0 : i32
        %dma_wait3A_2272 = tpu.memref_slice %arg3[%dma_wait3A_2270, %dma_wait3A_2271] : memref<1000001x51xf32, #tpu.memory_space<hbm>> -> memref<16x51xf32, #tpu.memory_space<hbm>>
        tpu.wait_dma2 semaphore(%dma_wait3A_2265 : memref<!tpu.dma_semaphore, #tpu.memory_space<semaphore_mem>>) src(%dma_wait3A_2272 : memref<16x51xf32, #tpu.memory_space<hbm>>) dst(%dma_wait3A_2269 : memref<16x51xf32, #tpu.memory_space<vmem>>)
      } else {
      }
      %slice3A_1541 = vector.extract_strided_slice %get3A_303 {offsets = [10], sizes = [1], strides = [1]} : vector<16xf32> to vector<1xf32>
      %squeeze3A_1542 = vector.extract %slice3A_1541[0] : f32 from vector<1xf32>
      %get3A_1543 = arith.constant 10 : i32
      %get3A_1544 = arith.index_cast %get3A_1543 : i32 to index
      %get3A_1545 = arith.index_cast %sub3A_1530 : i32 to index
      %get3A_1546 = arith.constant 0 : index
      %get3A_1547 = tpu.vector_load %arg8[%get3A_1544, %get3A_1545, %get3A_1546] {strides = array<i32>} : memref<16x16x51xf32, #tpu.memory_space<vmem>>, vector<16xf32>,
      %add3A_1548 = arith.constant 1 : i32
      %add3A_1549 = arith.addi %sub3A_1530, %add3A_1548 : i32
      %get3A_1550 = arith.constant 10 : i32
      %get3A_1551 = arith.index_cast %get3A_1550 : i32 to index
      %get3A_1552 = arith.index_cast %add3A_1549 : i32 to index
      %get3A_1553 = arith.constant 0 : index
      %get3A_1554 = tpu.vector_load %arg8[%get3A_1551, %get3A_1552, %get3A_1553] {strides = array<i32>} : memref<16x16x51xf32, #tpu.memory_space<vmem>>, vector<16xf32>,
      %mul3A_1555 = arith.constant 1.000000e+03 : f32
      %mul3A_1556 = vector.broadcast %mul3A_1555 : f32 to vector<16xf32>
      %mul3A_1557 = arith.mulf %get3A_1547, %mul3A_1556 : vector<16xf32>
      %sub3A_1558 = arith.subf %get3A_1554, %get3A_1547 : vector<16xf32>
      %mul3A_1559 = vector.broadcast %squeeze3A_1542 : f32 to vector<16xf32>
      %mul3A_1560 = arith.mulf %sub3A_1558, %mul3A_1559 : vector<16xf32>
      %add3A_1561 = arith.addf %mul3A_1557, %mul3A_1560 : vector<16xf32>
      %add3A_1562 = arith.constant 640 : i32
      %add3A_1563 = arith.addi %mul3A_305, %add3A_1562 : i32
      %add3A_1564 = arith.constant 0 : i32
      %add3A_1565 = arith.addi %add3A_1563, %add3A_1564 : i32
      %swap3A_1566 = arith.index_cast %add3A_1565 : i32 to index
      %swap3A_1567 = tpu.vector_load %arg9[%swap3A_1566] {strides = array<i32>} : memref<32768xf32, #tpu.memory_space<vmem>>, vector<16xf32>,
      tpu.vector_store %arg9[%swap3A_1566], %add3A_1561 {strides = array<i32>} : memref<32768xf32, #tpu.memory_space<vmem>>, vector<16xf32>,
      %get3A_1568 = arith.constant 10 : i32
      %get3A_1569 = arith.index_cast %get3A_1568 : i32 to index
      %get3A_1570 = arith.index_cast %sub3A_1530 : i32 to index
      %get3A_1571 = arith.constant 16 : index
      %get3A_1572 = tpu.vector_load %arg8[%get3A_1569, %get3A_1570, %get3A_1571] {strides = array<i32>} : memref<16x16x51xf32, #tpu.memory_space<vmem>>, vector<16xf32>,
      %add3A_1573 = arith.constant 1 : i32
      %add3A_1574 = arith.addi %sub3A_1530, %add3A_1573 : i32
      %get3A_1575 = arith.constant 10 : i32
      %get3A_1576 = arith.index_cast %get3A_1575 : i32 to index
      %get3A_1577 = arith.index_cast %add3A_1574 : i32 to index
      %get3A_1578 = arith.constant 16 : index
      %get3A_1579 = tpu.vector_load %arg8[%get3A_1576, %get3A_1577, %get3A_1578] {strides = array<i32>} : memref<16x16x51xf32, #tpu.memory_space<vmem>>, vector<16xf32>,
      %mul3A_1580 = arith.constant 1.000000e+03 : f32
      %mul3A_1581 = vector.broadcast %mul3A_1580 : f32 to vector<16xf32>
      %mul3A_1582 = arith.mulf %get3A_1572, %mul3A_1581 : vector<16xf32>
      %sub3A_1583 = arith.subf %get3A_1579, %get3A_1572 : vector<16xf32>
      %mul3A_1584 = vector.broadcast %squeeze3A_1542 : f32 to vector<16xf32>
      %mul3A_1585 = arith.mulf %sub3A_1583, %mul3A_1584 : vector<16xf32>
      %add3A_1586 = arith.addf %mul3A_1582, %mul3A_1585 : vector<16xf32>
      %add3A_1587 = arith.constant 640 : i32
      %add3A_1588 = arith.addi %mul3A_305, %add3A_1587 : i32
      %add3A_1589 = arith.constant 16 : i32
      %add3A_1590 = arith.addi %add3A_1588, %add3A_1589 : i32
      %swap3A_1591 = arith.index_cast %add3A_1590 : i32 to index
      %swap3A_1592 = tpu.vector_load %arg9[%swap3A_1591] {strides = array<i32>} : memref<32768xf32, #tpu.memory_space<vmem>>, vector<16xf32>,
      tpu.vector_store %arg9[%swap3A_1591], %add3A_1586 {strides = array<i32>} : memref<32768xf32, #tpu.memory_space<vmem>>, vector<16xf32>,
      %get3A_1593 = arith.constant 10 : i32
      %get3A_1594 = arith.index_cast %get3A_1593 : i32 to index
      %get3A_1595 = arith.index_cast %sub3A_1530 : i32 to index
      %get3A_1596 = arith.constant 32 : index
      %get3A_1597 = tpu.vector_load %arg8[%get3A_1594, %get3A_1595, %get3A_1596] {strides = array<i32>} : memref<16x16x51xf32, #tpu.memory_space<vmem>>, vector<16xf32>,
      %add3A_1598 = arith.constant 1 : i32
      %add3A_1599 = arith.addi %sub3A_1530, %add3A_1598 : i32
      %get3A_1600 = arith.constant 10 : i32
      %get3A_1601 = arith.index_cast %get3A_1600 : i32 to index
      %get3A_1602 = arith.index_cast %add3A_1599 : i32 to index
      %get3A_1603 = arith.constant 32 : index
      %get3A_1604 = tpu.vector_load %arg8[%get3A_1601, %get3A_1602, %get3A_1603] {strides = array<i32>} : memref<16x16x51xf32, #tpu.memory_space<vmem>>, vector<16xf32>,
      %mul3A_1605 = arith.constant 1.000000e+03 : f32
      %mul3A_1606 = vector.broadcast %mul3A_1605 : f32 to vector<16xf32>
      %mul3A_1607 = arith.mulf %get3A_1597, %mul3A_1606 : vector<16xf32>
      %sub3A_1608 = arith.subf %get3A_1604, %get3A_1597 : vector<16xf32>
      %mul3A_1609 = vector.broadcast %squeeze3A_1542 : f32 to vector<16xf32>
      %mul3A_1610 = arith.mulf %sub3A_1608, %mul3A_1609 : vector<16xf32>
      %add3A_1611 = arith.addf %mul3A_1607, %mul3A_1610 : vector<16xf32>
      %add3A_1612 = arith.constant 640 : i32
      %add3A_1613 = arith.addi %mul3A_305, %add3A_1612 : i32
      %add3A_1614 = arith.constant 32 : i32
      %add3A_1615 = arith.addi %add3A_1613, %add3A_1614 : i32
      %swap3A_1616 = arith.index_cast %add3A_1615 : i32 to index
      %swap3A_1617 = tpu.vector_load %arg9[%swap3A_1616] {strides = array<i32>} : memref<32768xf32, #tpu.memory_space<vmem>>, vector<16xf32>,
      tpu.vector_store %arg9[%swap3A_1616], %add3A_1611 {strides = array<i32>} : memref<32768xf32, #tpu.memory_space<vmem>>, vector<16xf32>,
      %get3A_1618 = arith.constant 10 : i32
      %get3A_1619 = arith.index_cast %get3A_1618 : i32 to index
      %get3A_1620 = arith.index_cast %sub3A_1530 : i32 to index
      %get3A_1621 = arith.constant 35 : index
      %get3A_1622 = tpu.vector_load %arg8[%get3A_1619, %get3A_1620, %get3A_1621] {strides = array<i32>} : memref<16x16x51xf32, #tpu.memory_space<vmem>>, vector<16xf32>,
      %add3A_1623 = arith.constant 1 : i32
      %add3A_1624 = arith.addi %sub3A_1530, %add3A_1623 : i32
      %get3A_1625 = arith.constant 10 : i32
      %get3A_1626 = arith.index_cast %get3A_1625 : i32 to index
      %get3A_1627 = arith.index_cast %add3A_1624 : i32 to index
      %get3A_1628 = arith.constant 35 : index
      %get3A_1629 = tpu.vector_load %arg8[%get3A_1626, %get3A_1627, %get3A_1628] {strides = array<i32>} : memref<16x16x51xf32, #tpu.memory_space<vmem>>, vector<16xf32>,
      %mul3A_1630 = arith.constant 1.000000e+03 : f32
      %mul3A_1631 = vector.broadcast %mul3A_1630 : f32 to vector<16xf32>
      %mul3A_1632 = arith.mulf %get3A_1622, %mul3A_1631 : vector<16xf32>
      %sub3A_1633 = arith.subf %get3A_1629, %get3A_1622 : vector<16xf32>
      %mul3A_1634 = vector.broadcast %squeeze3A_1542 : f32 to vector<16xf32>
      %mul3A_1635 = arith.mulf %sub3A_1633, %mul3A_1634 : vector<16xf32>
      %add3A_1636 = arith.addf %mul3A_1632, %mul3A_1635 : vector<16xf32>
      %iota3A_1637 = tpu.iota {dimensions = array<i32: 0>} : vector<16xi32>
      %add3A_1638 = arith.constant 640 : i32
      %add3A_1639 = arith.addi %mul3A_305, %add3A_1638 : i32
      %add3A_1640 = arith.constant 51 : i32
      %add3A_1641 = arith.addi %add3A_1639, %add3A_1640 : i32
      %sub3A_1642 = arith.constant 16 : i32
      %sub3A_1643 = arith.subi %add3A_1641, %sub3A_1642 : i32
      %add3A_1644 = vector.broadcast %sub3A_1643 : i32 to vector<16xi32>
      %add3A_1645 = arith.addi %iota3A_1637, %add3A_1644 : vector<16xi32>
      tpu.vector_store_idx %arg9[%add3A_1645], %add3A_1636 : memref<32768xf32, #tpu.memory_space<vmem>>[vector<16xi32>], vector<16xf32>,
      %slice3A_1646 = vector.extract_strided_slice %get3A_299 {offsets = [11], sizes = [1], strides = [1]} : vector<16xi32> to vector<1xi32>
      %squeeze3A_1647 = vector.extract %slice3A_1646[0] : i32 from vector<1xi32>
      %and3A_1648 = arith.constant -8 : i32
      %and3A_1649 = arith.andi %squeeze3A_1647, %and3A_1648 : i32
      %min3A_1650 = arith.constant 999984 : i32
      %min3A_1651 = arith.minsi %and3A_1649, %min3A_1650 : i32
      %sub3A_1652 = arith.subi %squeeze3A_1647, %min3A_1651 : i32
      %lt3A_1653 = arith.constant 7 : i32
      %lt3A_1654 = arith.cmpi slt, %sub3A_1652, %lt3A_1653 : i32
      %convert_element_type3A_1655 = arith.extui %lt3A_1654 : i1 to i32
      %cond3A_1656 = arith.constant 0 : i32
      %cond3A_1657 = arith.cmpi ne, %convert_element_type3A_1655, %cond3A_1656 : i32
      scf.if %cond3A_1657 {
        %dma_wait3A = arith.constant 11 : i32
        %dma_wait3A_2256 = arith.constant 11 : i32
        %dma_wait3A_2257 = arith.constant 0 : i32
        %dma_wait3A_2258 = arith.constant 0 : i32
        %dma_wait3A_2259 = tpu.memref_slice %arg8[%dma_wait3A, %dma_wait3A_2257, %dma_wait3A_2258] : memref<16x16x51xf32, #tpu.memory_space<vmem>> -> memref<1x8x51xf32, #tpu.memory_space<vmem>>
        %dma_wait3A_2260 = tpu.memref_squeeze %dma_wait3A_2259 : memref<1x8x51xf32, #tpu.memory_space<vmem>> -> memref<8x51xf32, #tpu.memory_space<vmem>>
        %dma_wait3A_2261 = arith.constant 0 : i32
        %dma_wait3A_2262 = arith.constant 0 : i32
        %dma_wait3A_2263 = tpu.memref_slice %arg3[%dma_wait3A_2261, %dma_wait3A_2262] : memref<1000001x51xf32, #tpu.memory_space<hbm>> -> memref<8x51xf32, #tpu.memory_space<hbm>>
        %dma_wait3A_2264 = tpu.memref_slice %arg10[%dma_wait3A_2256] : memref<16x!tpu.dma_semaphore, #tpu.memory_space<semaphore_mem>> -> memref<1x!tpu.dma_semaphore, #tpu.memory_space<semaphore_mem>>
        %dma_wait3A_2265 = tpu.memref_squeeze %dma_wait3A_2264 : memref<1x!tpu.dma_semaphore, #tpu.memory_space<semaphore_mem>> -> memref<!tpu.dma_semaphore, #tpu.memory_space<semaphore_mem>>
        %dma_wait3A_2266 = arith.constant 0 : i32
        %dma_wait3A_2267 = arith.constant 0 : i32
        %dma_wait3A_2268 = tpu.memref_slice %arg8[%dma_wait3A, %dma_wait3A_2266, %dma_wait3A_2267] : memref<16x16x51xf32, #tpu.memory_space<vmem>> -> memref<1x8x51xf32, #tpu.memory_space<vmem>>
        %dma_wait3A_2269 = tpu.memref_squeeze %dma_wait3A_2268 : memref<1x8x51xf32, #tpu.memory_space<vmem>> -> memref<8x51xf32, #tpu.memory_space<vmem>>
        %dma_wait3A_2270 = arith.constant 0 : i32
        %dma_wait3A_2271 = arith.constant 0 : i32
        %dma_wait3A_2272 = tpu.memref_slice %arg3[%dma_wait3A_2270, %dma_wait3A_2271] : memref<1000001x51xf32, #tpu.memory_space<hbm>> -> memref<8x51xf32, #tpu.memory_space<hbm>>
        tpu.wait_dma2 semaphore(%dma_wait3A_2265 : memref<!tpu.dma_semaphore, #tpu.memory_space<semaphore_mem>>) src(%dma_wait3A_2272 : memref<8x51xf32, #tpu.memory_space<hbm>>) dst(%dma_wait3A_2269 : memref<8x51xf32, #tpu.memory_space<vmem>>)
      } else {
      }
      %ge3A_1658 = arith.constant 7 : i32
      %ge3A_1659 = arith.cmpi sge, %sub3A_1652, %ge3A_1658 : i32
      %convert_element_type3A_1660 = arith.extui %ge3A_1659 : i1 to i32
      %cond3A_1661 = arith.constant 0 : i32
      %cond3A_1662 = arith.cmpi ne, %convert_element_type3A_1660, %cond3A_1661 : i32
      scf.if %cond3A_1662 {
        %dma_wait3A = arith.constant 11 : i32
        %dma_wait3A_2256 = arith.constant 11 : i32
        %dma_wait3A_2257 = arith.constant 0 : i32
        %dma_wait3A_2258 = arith.constant 0 : i32
        %dma_wait3A_2259 = tpu.memref_slice %arg8[%dma_wait3A, %dma_wait3A_2257, %dma_wait3A_2258] : memref<16x16x51xf32, #tpu.memory_space<vmem>> -> memref<1x16x51xf32, #tpu.memory_space<vmem>>
        %dma_wait3A_2260 = tpu.memref_squeeze %dma_wait3A_2259 : memref<1x16x51xf32, #tpu.memory_space<vmem>> -> memref<16x51xf32, #tpu.memory_space<vmem>>
        %dma_wait3A_2261 = arith.constant 0 : i32
        %dma_wait3A_2262 = arith.constant 0 : i32
        %dma_wait3A_2263 = tpu.memref_slice %arg3[%dma_wait3A_2261, %dma_wait3A_2262] : memref<1000001x51xf32, #tpu.memory_space<hbm>> -> memref<16x51xf32, #tpu.memory_space<hbm>>
        %dma_wait3A_2264 = tpu.memref_slice %arg10[%dma_wait3A_2256] : memref<16x!tpu.dma_semaphore, #tpu.memory_space<semaphore_mem>> -> memref<1x!tpu.dma_semaphore, #tpu.memory_space<semaphore_mem>>
        %dma_wait3A_2265 = tpu.memref_squeeze %dma_wait3A_2264 : memref<1x!tpu.dma_semaphore, #tpu.memory_space<semaphore_mem>> -> memref<!tpu.dma_semaphore, #tpu.memory_space<semaphore_mem>>
        %dma_wait3A_2266 = arith.constant 0 : i32
        %dma_wait3A_2267 = arith.constant 0 : i32
        %dma_wait3A_2268 = tpu.memref_slice %arg8[%dma_wait3A, %dma_wait3A_2266, %dma_wait3A_2267] : memref<16x16x51xf32, #tpu.memory_space<vmem>> -> memref<1x16x51xf32, #tpu.memory_space<vmem>>
        %dma_wait3A_2269 = tpu.memref_squeeze %dma_wait3A_2268 : memref<1x16x51xf32, #tpu.memory_space<vmem>> -> memref<16x51xf32, #tpu.memory_space<vmem>>
        %dma_wait3A_2270 = arith.constant 0 : i32
        %dma_wait3A_2271 = arith.constant 0 : i32
        %dma_wait3A_2272 = tpu.memref_slice %arg3[%dma_wait3A_2270, %dma_wait3A_2271] : memref<1000001x51xf32, #tpu.memory_space<hbm>> -> memref<16x51xf32, #tpu.memory_space<hbm>>
        tpu.wait_dma2 semaphore(%dma_wait3A_2265 : memref<!tpu.dma_semaphore, #tpu.memory_space<semaphore_mem>>) src(%dma_wait3A_2272 : memref<16x51xf32, #tpu.memory_space<hbm>>) dst(%dma_wait3A_2269 : memref<16x51xf32, #tpu.memory_space<vmem>>)
      } else {
      }
      %slice3A_1663 = vector.extract_strided_slice %get3A_303 {offsets = [11], sizes = [1], strides = [1]} : vector<16xf32> to vector<1xf32>
      %squeeze3A_1664 = vector.extract %slice3A_1663[0] : f32 from vector<1xf32>
      %get3A_1665 = arith.constant 11 : i32
      %get3A_1666 = arith.index_cast %get3A_1665 : i32 to index
      %get3A_1667 = arith.index_cast %sub3A_1652 : i32 to index
      %get3A_1668 = arith.constant 0 : index
      %get3A_1669 = tpu.vector_load %arg8[%get3A_1666, %get3A_1667, %get3A_1668] {strides = array<i32>} : memref<16x16x51xf32, #tpu.memory_space<vmem>>, vector<16xf32>,
      %add3A_1670 = arith.constant 1 : i32
      %add3A_1671 = arith.addi %sub3A_1652, %add3A_1670 : i32
      %get3A_1672 = arith.constant 11 : i32
      %get3A_1673 = arith.index_cast %get3A_1672 : i32 to index
      %get3A_1674 = arith.index_cast %add3A_1671 : i32 to index
      %get3A_1675 = arith.constant 0 : index
      %get3A_1676 = tpu.vector_load %arg8[%get3A_1673, %get3A_1674, %get3A_1675] {strides = array<i32>} : memref<16x16x51xf32, #tpu.memory_space<vmem>>, vector<16xf32>,
      %mul3A_1677 = arith.constant 1.000000e+03 : f32
      %mul3A_1678 = vector.broadcast %mul3A_1677 : f32 to vector<16xf32>
      %mul3A_1679 = arith.mulf %get3A_1669, %mul3A_1678 : vector<16xf32>
      %sub3A_1680 = arith.subf %get3A_1676, %get3A_1669 : vector<16xf32>
      %mul3A_1681 = vector.broadcast %squeeze3A_1664 : f32 to vector<16xf32>
      %mul3A_1682 = arith.mulf %sub3A_1680, %mul3A_1681 : vector<16xf32>
      %add3A_1683 = arith.addf %mul3A_1679, %mul3A_1682 : vector<16xf32>
      %add3A_1684 = arith.constant 704 : i32
      %add3A_1685 = arith.addi %mul3A_305, %add3A_1684 : i32
      %add3A_1686 = arith.constant 0 : i32
      %add3A_1687 = arith.addi %add3A_1685, %add3A_1686 : i32
      %swap3A_1688 = arith.index_cast %add3A_1687 : i32 to index
      %swap3A_1689 = tpu.vector_load %arg9[%swap3A_1688] {strides = array<i32>} : memref<32768xf32, #tpu.memory_space<vmem>>, vector<16xf32>,
      tpu.vector_store %arg9[%swap3A_1688], %add3A_1683 {strides = array<i32>} : memref<32768xf32, #tpu.memory_space<vmem>>, vector<16xf32>,
      %get3A_1690 = arith.constant 11 : i32
      %get3A_1691 = arith.index_cast %get3A_1690 : i32 to index
      %get3A_1692 = arith.index_cast %sub3A_1652 : i32 to index
      %get3A_1693 = arith.constant 16 : index
      %get3A_1694 = tpu.vector_load %arg8[%get3A_1691, %get3A_1692, %get3A_1693] {strides = array<i32>} : memref<16x16x51xf32, #tpu.memory_space<vmem>>, vector<16xf32>,
      %add3A_1695 = arith.constant 1 : i32
      %add3A_1696 = arith.addi %sub3A_1652, %add3A_1695 : i32
      %get3A_1697 = arith.constant 11 : i32
      %get3A_1698 = arith.index_cast %get3A_1697 : i32 to index
      %get3A_1699 = arith.index_cast %add3A_1696 : i32 to index
      %get3A_1700 = arith.constant 16 : index
      %get3A_1701 = tpu.vector_load %arg8[%get3A_1698, %get3A_1699, %get3A_1700] {strides = array<i32>} : memref<16x16x51xf32, #tpu.memory_space<vmem>>, vector<16xf32>,
      %mul3A_1702 = arith.constant 1.000000e+03 : f32
      %mul3A_1703 = vector.broadcast %mul3A_1702 : f32 to vector<16xf32>
      %mul3A_1704 = arith.mulf %get3A_1694, %mul3A_1703 : vector<16xf32>
      %sub3A_1705 = arith.subf %get3A_1701, %get3A_1694 : vector<16xf32>
      %mul3A_1706 = vector.broadcast %squeeze3A_1664 : f32 to vector<16xf32>
      %mul3A_1707 = arith.mulf %sub3A_1705, %mul3A_1706 : vector<16xf32>
      %add3A_1708 = arith.addf %mul3A_1704, %mul3A_1707 : vector<16xf32>
      %add3A_1709 = arith.constant 704 : i32
      %add3A_1710 = arith.addi %mul3A_305, %add3A_1709 : i32
      %add3A_1711 = arith.constant 16 : i32
      %add3A_1712 = arith.addi %add3A_1710, %add3A_1711 : i32
      %swap3A_1713 = arith.index_cast %add3A_1712 : i32 to index
      %swap3A_1714 = tpu.vector_load %arg9[%swap3A_1713] {strides = array<i32>} : memref<32768xf32, #tpu.memory_space<vmem>>, vector<16xf32>,
      tpu.vector_store %arg9[%swap3A_1713], %add3A_1708 {strides = array<i32>} : memref<32768xf32, #tpu.memory_space<vmem>>, vector<16xf32>,
      %get3A_1715 = arith.constant 11 : i32
      %get3A_1716 = arith.index_cast %get3A_1715 : i32 to index
      %get3A_1717 = arith.index_cast %sub3A_1652 : i32 to index
      %get3A_1718 = arith.constant 32 : index
      %get3A_1719 = tpu.vector_load %arg8[%get3A_1716, %get3A_1717, %get3A_1718] {strides = array<i32>} : memref<16x16x51xf32, #tpu.memory_space<vmem>>, vector<16xf32>,
      %add3A_1720 = arith.constant 1 : i32
      %add3A_1721 = arith.addi %sub3A_1652, %add3A_1720 : i32
      %get3A_1722 = arith.constant 11 : i32
      %get3A_1723 = arith.index_cast %get3A_1722 : i32 to index
      %get3A_1724 = arith.index_cast %add3A_1721 : i32 to index
      %get3A_1725 = arith.constant 32 : index
      %get3A_1726 = tpu.vector_load %arg8[%get3A_1723, %get3A_1724, %get3A_1725] {strides = array<i32>} : memref<16x16x51xf32, #tpu.memory_space<vmem>>, vector<16xf32>,
      %mul3A_1727 = arith.constant 1.000000e+03 : f32
      %mul3A_1728 = vector.broadcast %mul3A_1727 : f32 to vector<16xf32>
      %mul3A_1729 = arith.mulf %get3A_1719, %mul3A_1728 : vector<16xf32>
      %sub3A_1730 = arith.subf %get3A_1726, %get3A_1719 : vector<16xf32>
      %mul3A_1731 = vector.broadcast %squeeze3A_1664 : f32 to vector<16xf32>
      %mul3A_1732 = arith.mulf %sub3A_1730, %mul3A_1731 : vector<16xf32>
      %add3A_1733 = arith.addf %mul3A_1729, %mul3A_1732 : vector<16xf32>
      %add3A_1734 = arith.constant 704 : i32
      %add3A_1735 = arith.addi %mul3A_305, %add3A_1734 : i32
      %add3A_1736 = arith.constant 32 : i32
      %add3A_1737 = arith.addi %add3A_1735, %add3A_1736 : i32
      %swap3A_1738 = arith.index_cast %add3A_1737 : i32 to index
      %swap3A_1739 = tpu.vector_load %arg9[%swap3A_1738] {strides = array<i32>} : memref<32768xf32, #tpu.memory_space<vmem>>, vector<16xf32>,
      tpu.vector_store %arg9[%swap3A_1738], %add3A_1733 {strides = array<i32>} : memref<32768xf32, #tpu.memory_space<vmem>>, vector<16xf32>,
      %get3A_1740 = arith.constant 11 : i32
      %get3A_1741 = arith.index_cast %get3A_1740 : i32 to index
      %get3A_1742 = arith.index_cast %sub3A_1652 : i32 to index
      %get3A_1743 = arith.constant 35 : index
      %get3A_1744 = tpu.vector_load %arg8[%get3A_1741, %get3A_1742, %get3A_1743] {strides = array<i32>} : memref<16x16x51xf32, #tpu.memory_space<vmem>>, vector<16xf32>,
      %add3A_1745 = arith.constant 1 : i32
      %add3A_1746 = arith.addi %sub3A_1652, %add3A_1745 : i32
      %get3A_1747 = arith.constant 11 : i32
      %get3A_1748 = arith.index_cast %get3A_1747 : i32 to index
      %get3A_1749 = arith.index_cast %add3A_1746 : i32 to index
      %get3A_1750 = arith.constant 35 : index
      %get3A_1751 = tpu.vector_load %arg8[%get3A_1748, %get3A_1749, %get3A_1750] {strides = array<i32>} : memref<16x16x51xf32, #tpu.memory_space<vmem>>, vector<16xf32>,
      %mul3A_1752 = arith.constant 1.000000e+03 : f32
      %mul3A_1753 = vector.broadcast %mul3A_1752 : f32 to vector<16xf32>
      %mul3A_1754 = arith.mulf %get3A_1744, %mul3A_1753 : vector<16xf32>
      %sub3A_1755 = arith.subf %get3A_1751, %get3A_1744 : vector<16xf32>
      %mul3A_1756 = vector.broadcast %squeeze3A_1664 : f32 to vector<16xf32>
      %mul3A_1757 = arith.mulf %sub3A_1755, %mul3A_1756 : vector<16xf32>
      %add3A_1758 = arith.addf %mul3A_1754, %mul3A_1757 : vector<16xf32>
      %iota3A_1759 = tpu.iota {dimensions = array<i32: 0>} : vector<16xi32>
      %add3A_1760 = arith.constant 704 : i32
      %add3A_1761 = arith.addi %mul3A_305, %add3A_1760 : i32
      %add3A_1762 = arith.constant 51 : i32
      %add3A_1763 = arith.addi %add3A_1761, %add3A_1762 : i32
      %sub3A_1764 = arith.constant 16 : i32
      %sub3A_1765 = arith.subi %add3A_1763, %sub3A_1764 : i32
      %add3A_1766 = vector.broadcast %sub3A_1765 : i32 to vector<16xi32>
      %add3A_1767 = arith.addi %iota3A_1759, %add3A_1766 : vector<16xi32>
      tpu.vector_store_idx %arg9[%add3A_1767], %add3A_1758 : memref<32768xf32, #tpu.memory_space<vmem>>[vector<16xi32>], vector<16xf32>,
      %slice3A_1768 = vector.extract_strided_slice %get3A_299 {offsets = [12], sizes = [1], strides = [1]} : vector<16xi32> to vector<1xi32>
      %squeeze3A_1769 = vector.extract %slice3A_1768[0] : i32 from vector<1xi32>
      %and3A_1770 = arith.constant -8 : i32
      %and3A_1771 = arith.andi %squeeze3A_1769, %and3A_1770 : i32
      %min3A_1772 = arith.constant 999984 : i32
      %min3A_1773 = arith.minsi %and3A_1771, %min3A_1772 : i32
      %sub3A_1774 = arith.subi %squeeze3A_1769, %min3A_1773 : i32
      %lt3A_1775 = arith.constant 7 : i32
      %lt3A_1776 = arith.cmpi slt, %sub3A_1774, %lt3A_1775 : i32
      %convert_element_type3A_1777 = arith.extui %lt3A_1776 : i1 to i32
      %cond3A_1778 = arith.constant 0 : i32
      %cond3A_1779 = arith.cmpi ne, %convert_element_type3A_1777, %cond3A_1778 : i32
      scf.if %cond3A_1779 {
        %dma_wait3A = arith.constant 12 : i32
        %dma_wait3A_2256 = arith.constant 12 : i32
        %dma_wait3A_2257 = arith.constant 0 : i32
        %dma_wait3A_2258 = arith.constant 0 : i32
        %dma_wait3A_2259 = tpu.memref_slice %arg8[%dma_wait3A, %dma_wait3A_2257, %dma_wait3A_2258] : memref<16x16x51xf32, #tpu.memory_space<vmem>> -> memref<1x8x51xf32, #tpu.memory_space<vmem>>
        %dma_wait3A_2260 = tpu.memref_squeeze %dma_wait3A_2259 : memref<1x8x51xf32, #tpu.memory_space<vmem>> -> memref<8x51xf32, #tpu.memory_space<vmem>>
        %dma_wait3A_2261 = arith.constant 0 : i32
        %dma_wait3A_2262 = arith.constant 0 : i32
        %dma_wait3A_2263 = tpu.memref_slice %arg3[%dma_wait3A_2261, %dma_wait3A_2262] : memref<1000001x51xf32, #tpu.memory_space<hbm>> -> memref<8x51xf32, #tpu.memory_space<hbm>>
        %dma_wait3A_2264 = tpu.memref_slice %arg10[%dma_wait3A_2256] : memref<16x!tpu.dma_semaphore, #tpu.memory_space<semaphore_mem>> -> memref<1x!tpu.dma_semaphore, #tpu.memory_space<semaphore_mem>>
        %dma_wait3A_2265 = tpu.memref_squeeze %dma_wait3A_2264 : memref<1x!tpu.dma_semaphore, #tpu.memory_space<semaphore_mem>> -> memref<!tpu.dma_semaphore, #tpu.memory_space<semaphore_mem>>
        %dma_wait3A_2266 = arith.constant 0 : i32
        %dma_wait3A_2267 = arith.constant 0 : i32
        %dma_wait3A_2268 = tpu.memref_slice %arg8[%dma_wait3A, %dma_wait3A_2266, %dma_wait3A_2267] : memref<16x16x51xf32, #tpu.memory_space<vmem>> -> memref<1x8x51xf32, #tpu.memory_space<vmem>>
        %dma_wait3A_2269 = tpu.memref_squeeze %dma_wait3A_2268 : memref<1x8x51xf32, #tpu.memory_space<vmem>> -> memref<8x51xf32, #tpu.memory_space<vmem>>
        %dma_wait3A_2270 = arith.constant 0 : i32
        %dma_wait3A_2271 = arith.constant 0 : i32
        %dma_wait3A_2272 = tpu.memref_slice %arg3[%dma_wait3A_2270, %dma_wait3A_2271] : memref<1000001x51xf32, #tpu.memory_space<hbm>> -> memref<8x51xf32, #tpu.memory_space<hbm>>
        tpu.wait_dma2 semaphore(%dma_wait3A_2265 : memref<!tpu.dma_semaphore, #tpu.memory_space<semaphore_mem>>) src(%dma_wait3A_2272 : memref<8x51xf32, #tpu.memory_space<hbm>>) dst(%dma_wait3A_2269 : memref<8x51xf32, #tpu.memory_space<vmem>>)
      } else {
      }
      %ge3A_1780 = arith.constant 7 : i32
      %ge3A_1781 = arith.cmpi sge, %sub3A_1774, %ge3A_1780 : i32
      %convert_element_type3A_1782 = arith.extui %ge3A_1781 : i1 to i32
      %cond3A_1783 = arith.constant 0 : i32
      %cond3A_1784 = arith.cmpi ne, %convert_element_type3A_1782, %cond3A_1783 : i32
      scf.if %cond3A_1784 {
        %dma_wait3A = arith.constant 12 : i32
        %dma_wait3A_2256 = arith.constant 12 : i32
        %dma_wait3A_2257 = arith.constant 0 : i32
        %dma_wait3A_2258 = arith.constant 0 : i32
        %dma_wait3A_2259 = tpu.memref_slice %arg8[%dma_wait3A, %dma_wait3A_2257, %dma_wait3A_2258] : memref<16x16x51xf32, #tpu.memory_space<vmem>> -> memref<1x16x51xf32, #tpu.memory_space<vmem>>
        %dma_wait3A_2260 = tpu.memref_squeeze %dma_wait3A_2259 : memref<1x16x51xf32, #tpu.memory_space<vmem>> -> memref<16x51xf32, #tpu.memory_space<vmem>>
        %dma_wait3A_2261 = arith.constant 0 : i32
        %dma_wait3A_2262 = arith.constant 0 : i32
        %dma_wait3A_2263 = tpu.memref_slice %arg3[%dma_wait3A_2261, %dma_wait3A_2262] : memref<1000001x51xf32, #tpu.memory_space<hbm>> -> memref<16x51xf32, #tpu.memory_space<hbm>>
        %dma_wait3A_2264 = tpu.memref_slice %arg10[%dma_wait3A_2256] : memref<16x!tpu.dma_semaphore, #tpu.memory_space<semaphore_mem>> -> memref<1x!tpu.dma_semaphore, #tpu.memory_space<semaphore_mem>>
        %dma_wait3A_2265 = tpu.memref_squeeze %dma_wait3A_2264 : memref<1x!tpu.dma_semaphore, #tpu.memory_space<semaphore_mem>> -> memref<!tpu.dma_semaphore, #tpu.memory_space<semaphore_mem>>
        %dma_wait3A_2266 = arith.constant 0 : i32
        %dma_wait3A_2267 = arith.constant 0 : i32
        %dma_wait3A_2268 = tpu.memref_slice %arg8[%dma_wait3A, %dma_wait3A_2266, %dma_wait3A_2267] : memref<16x16x51xf32, #tpu.memory_space<vmem>> -> memref<1x16x51xf32, #tpu.memory_space<vmem>>
        %dma_wait3A_2269 = tpu.memref_squeeze %dma_wait3A_2268 : memref<1x16x51xf32, #tpu.memory_space<vmem>> -> memref<16x51xf32, #tpu.memory_space<vmem>>
        %dma_wait3A_2270 = arith.constant 0 : i32
        %dma_wait3A_2271 = arith.constant 0 : i32
        %dma_wait3A_2272 = tpu.memref_slice %arg3[%dma_wait3A_2270, %dma_wait3A_2271] : memref<1000001x51xf32, #tpu.memory_space<hbm>> -> memref<16x51xf32, #tpu.memory_space<hbm>>
        tpu.wait_dma2 semaphore(%dma_wait3A_2265 : memref<!tpu.dma_semaphore, #tpu.memory_space<semaphore_mem>>) src(%dma_wait3A_2272 : memref<16x51xf32, #tpu.memory_space<hbm>>) dst(%dma_wait3A_2269 : memref<16x51xf32, #tpu.memory_space<vmem>>)
      } else {
      }
      %slice3A_1785 = vector.extract_strided_slice %get3A_303 {offsets = [12], sizes = [1], strides = [1]} : vector<16xf32> to vector<1xf32>
      %squeeze3A_1786 = vector.extract %slice3A_1785[0] : f32 from vector<1xf32>
      %get3A_1787 = arith.constant 12 : i32
      %get3A_1788 = arith.index_cast %get3A_1787 : i32 to index
      %get3A_1789 = arith.index_cast %sub3A_1774 : i32 to index
      %get3A_1790 = arith.constant 0 : index
      %get3A_1791 = tpu.vector_load %arg8[%get3A_1788, %get3A_1789, %get3A_1790] {strides = array<i32>} : memref<16x16x51xf32, #tpu.memory_space<vmem>>, vector<16xf32>,
      %add3A_1792 = arith.constant 1 : i32
      %add3A_1793 = arith.addi %sub3A_1774, %add3A_1792 : i32
      %get3A_1794 = arith.constant 12 : i32
      %get3A_1795 = arith.index_cast %get3A_1794 : i32 to index
      %get3A_1796 = arith.index_cast %add3A_1793 : i32 to index
      %get3A_1797 = arith.constant 0 : index
      %get3A_1798 = tpu.vector_load %arg8[%get3A_1795, %get3A_1796, %get3A_1797] {strides = array<i32>} : memref<16x16x51xf32, #tpu.memory_space<vmem>>, vector<16xf32>,
      %mul3A_1799 = arith.constant 1.000000e+03 : f32
      %mul3A_1800 = vector.broadcast %mul3A_1799 : f32 to vector<16xf32>
      %mul3A_1801 = arith.mulf %get3A_1791, %mul3A_1800 : vector<16xf32>
      %sub3A_1802 = arith.subf %get3A_1798, %get3A_1791 : vector<16xf32>
      %mul3A_1803 = vector.broadcast %squeeze3A_1786 : f32 to vector<16xf32>
      %mul3A_1804 = arith.mulf %sub3A_1802, %mul3A_1803 : vector<16xf32>
      %add3A_1805 = arith.addf %mul3A_1801, %mul3A_1804 : vector<16xf32>
      %add3A_1806 = arith.constant 768 : i32
      %add3A_1807 = arith.addi %mul3A_305, %add3A_1806 : i32
      %add3A_1808 = arith.constant 0 : i32
      %add3A_1809 = arith.addi %add3A_1807, %add3A_1808 : i32
      %swap3A_1810 = arith.index_cast %add3A_1809 : i32 to index
      %swap3A_1811 = tpu.vector_load %arg9[%swap3A_1810] {strides = array<i32>} : memref<32768xf32, #tpu.memory_space<vmem>>, vector<16xf32>,
      tpu.vector_store %arg9[%swap3A_1810], %add3A_1805 {strides = array<i32>} : memref<32768xf32, #tpu.memory_space<vmem>>, vector<16xf32>,
      %get3A_1812 = arith.constant 12 : i32
      %get3A_1813 = arith.index_cast %get3A_1812 : i32 to index
      %get3A_1814 = arith.index_cast %sub3A_1774 : i32 to index
      %get3A_1815 = arith.constant 16 : index
      %get3A_1816 = tpu.vector_load %arg8[%get3A_1813, %get3A_1814, %get3A_1815] {strides = array<i32>} : memref<16x16x51xf32, #tpu.memory_space<vmem>>, vector<16xf32>,
      %add3A_1817 = arith.constant 1 : i32
      %add3A_1818 = arith.addi %sub3A_1774, %add3A_1817 : i32
      %get3A_1819 = arith.constant 12 : i32
      %get3A_1820 = arith.index_cast %get3A_1819 : i32 to index
      %get3A_1821 = arith.index_cast %add3A_1818 : i32 to index
      %get3A_1822 = arith.constant 16 : index
      %get3A_1823 = tpu.vector_load %arg8[%get3A_1820, %get3A_1821, %get3A_1822] {strides = array<i32>} : memref<16x16x51xf32, #tpu.memory_space<vmem>>, vector<16xf32>,
      %mul3A_1824 = arith.constant 1.000000e+03 : f32
      %mul3A_1825 = vector.broadcast %mul3A_1824 : f32 to vector<16xf32>
      %mul3A_1826 = arith.mulf %get3A_1816, %mul3A_1825 : vector<16xf32>
      %sub3A_1827 = arith.subf %get3A_1823, %get3A_1816 : vector<16xf32>
      %mul3A_1828 = vector.broadcast %squeeze3A_1786 : f32 to vector<16xf32>
      %mul3A_1829 = arith.mulf %sub3A_1827, %mul3A_1828 : vector<16xf32>
      %add3A_1830 = arith.addf %mul3A_1826, %mul3A_1829 : vector<16xf32>
      %add3A_1831 = arith.constant 768 : i32
      %add3A_1832 = arith.addi %mul3A_305, %add3A_1831 : i32
      %add3A_1833 = arith.constant 16 : i32
      %add3A_1834 = arith.addi %add3A_1832, %add3A_1833 : i32
      %swap3A_1835 = arith.index_cast %add3A_1834 : i32 to index
      %swap3A_1836 = tpu.vector_load %arg9[%swap3A_1835] {strides = array<i32>} : memref<32768xf32, #tpu.memory_space<vmem>>, vector<16xf32>,
      tpu.vector_store %arg9[%swap3A_1835], %add3A_1830 {strides = array<i32>} : memref<32768xf32, #tpu.memory_space<vmem>>, vector<16xf32>,
      %get3A_1837 = arith.constant 12 : i32
      %get3A_1838 = arith.index_cast %get3A_1837 : i32 to index
      %get3A_1839 = arith.index_cast %sub3A_1774 : i32 to index
      %get3A_1840 = arith.constant 32 : index
      %get3A_1841 = tpu.vector_load %arg8[%get3A_1838, %get3A_1839, %get3A_1840] {strides = array<i32>} : memref<16x16x51xf32, #tpu.memory_space<vmem>>, vector<16xf32>,
      %add3A_1842 = arith.constant 1 : i32
      %add3A_1843 = arith.addi %sub3A_1774, %add3A_1842 : i32
      %get3A_1844 = arith.constant 12 : i32
      %get3A_1845 = arith.index_cast %get3A_1844 : i32 to index
      %get3A_1846 = arith.index_cast %add3A_1843 : i32 to index
      %get3A_1847 = arith.constant 32 : index
      %get3A_1848 = tpu.vector_load %arg8[%get3A_1845, %get3A_1846, %get3A_1847] {strides = array<i32>} : memref<16x16x51xf32, #tpu.memory_space<vmem>>, vector<16xf32>,
      %mul3A_1849 = arith.constant 1.000000e+03 : f32
      %mul3A_1850 = vector.broadcast %mul3A_1849 : f32 to vector<16xf32>
      %mul3A_1851 = arith.mulf %get3A_1841, %mul3A_1850 : vector<16xf32>
      %sub3A_1852 = arith.subf %get3A_1848, %get3A_1841 : vector<16xf32>
      %mul3A_1853 = vector.broadcast %squeeze3A_1786 : f32 to vector<16xf32>
      %mul3A_1854 = arith.mulf %sub3A_1852, %mul3A_1853 : vector<16xf32>
      %add3A_1855 = arith.addf %mul3A_1851, %mul3A_1854 : vector<16xf32>
      %add3A_1856 = arith.constant 768 : i32
      %add3A_1857 = arith.addi %mul3A_305, %add3A_1856 : i32
      %add3A_1858 = arith.constant 32 : i32
      %add3A_1859 = arith.addi %add3A_1857, %add3A_1858 : i32
      %swap3A_1860 = arith.index_cast %add3A_1859 : i32 to index
      %swap3A_1861 = tpu.vector_load %arg9[%swap3A_1860] {strides = array<i32>} : memref<32768xf32, #tpu.memory_space<vmem>>, vector<16xf32>,
      tpu.vector_store %arg9[%swap3A_1860], %add3A_1855 {strides = array<i32>} : memref<32768xf32, #tpu.memory_space<vmem>>, vector<16xf32>,
      %get3A_1862 = arith.constant 12 : i32
      %get3A_1863 = arith.index_cast %get3A_1862 : i32 to index
      %get3A_1864 = arith.index_cast %sub3A_1774 : i32 to index
      %get3A_1865 = arith.constant 35 : index
      %get3A_1866 = tpu.vector_load %arg8[%get3A_1863, %get3A_1864, %get3A_1865] {strides = array<i32>} : memref<16x16x51xf32, #tpu.memory_space<vmem>>, vector<16xf32>,
      %add3A_1867 = arith.constant 1 : i32
      %add3A_1868 = arith.addi %sub3A_1774, %add3A_1867 : i32
      %get3A_1869 = arith.constant 12 : i32
      %get3A_1870 = arith.index_cast %get3A_1869 : i32 to index
      %get3A_1871 = arith.index_cast %add3A_1868 : i32 to index
      %get3A_1872 = arith.constant 35 : index
      %get3A_1873 = tpu.vector_load %arg8[%get3A_1870, %get3A_1871, %get3A_1872] {strides = array<i32>} : memref<16x16x51xf32, #tpu.memory_space<vmem>>, vector<16xf32>,
      %mul3A_1874 = arith.constant 1.000000e+03 : f32
      %mul3A_1875 = vector.broadcast %mul3A_1874 : f32 to vector<16xf32>
      %mul3A_1876 = arith.mulf %get3A_1866, %mul3A_1875 : vector<16xf32>
      %sub3A_1877 = arith.subf %get3A_1873, %get3A_1866 : vector<16xf32>
      %mul3A_1878 = vector.broadcast %squeeze3A_1786 : f32 to vector<16xf32>
      %mul3A_1879 = arith.mulf %sub3A_1877, %mul3A_1878 : vector<16xf32>
      %add3A_1880 = arith.addf %mul3A_1876, %mul3A_1879 : vector<16xf32>
      %iota3A_1881 = tpu.iota {dimensions = array<i32: 0>} : vector<16xi32>
      %add3A_1882 = arith.constant 768 : i32
      %add3A_1883 = arith.addi %mul3A_305, %add3A_1882 : i32
      %add3A_1884 = arith.constant 51 : i32
      %add3A_1885 = arith.addi %add3A_1883, %add3A_1884 : i32
      %sub3A_1886 = arith.constant 16 : i32
      %sub3A_1887 = arith.subi %add3A_1885, %sub3A_1886 : i32
      %add3A_1888 = vector.broadcast %sub3A_1887 : i32 to vector<16xi32>
      %add3A_1889 = arith.addi %iota3A_1881, %add3A_1888 : vector<16xi32>
      tpu.vector_store_idx %arg9[%add3A_1889], %add3A_1880 : memref<32768xf32, #tpu.memory_space<vmem>>[vector<16xi32>], vector<16xf32>,
      %slice3A_1890 = vector.extract_strided_slice %get3A_299 {offsets = [13], sizes = [1], strides = [1]} : vector<16xi32> to vector<1xi32>
      %squeeze3A_1891 = vector.extract %slice3A_1890[0] : i32 from vector<1xi32>
      %and3A_1892 = arith.constant -8 : i32
      %and3A_1893 = arith.andi %squeeze3A_1891, %and3A_1892 : i32
      %min3A_1894 = arith.constant 999984 : i32
      %min3A_1895 = arith.minsi %and3A_1893, %min3A_1894 : i32
      %sub3A_1896 = arith.subi %squeeze3A_1891, %min3A_1895 : i32
      %lt3A_1897 = arith.constant 7 : i32
      %lt3A_1898 = arith.cmpi slt, %sub3A_1896, %lt3A_1897 : i32
      %convert_element_type3A_1899 = arith.extui %lt3A_1898 : i1 to i32
      %cond3A_1900 = arith.constant 0 : i32
      %cond3A_1901 = arith.cmpi ne, %convert_element_type3A_1899, %cond3A_1900 : i32
      scf.if %cond3A_1901 {
        %dma_wait3A = arith.constant 13 : i32
        %dma_wait3A_2256 = arith.constant 13 : i32
        %dma_wait3A_2257 = arith.constant 0 : i32
        %dma_wait3A_2258 = arith.constant 0 : i32
        %dma_wait3A_2259 = tpu.memref_slice %arg8[%dma_wait3A, %dma_wait3A_2257, %dma_wait3A_2258] : memref<16x16x51xf32, #tpu.memory_space<vmem>> -> memref<1x8x51xf32, #tpu.memory_space<vmem>>
        %dma_wait3A_2260 = tpu.memref_squeeze %dma_wait3A_2259 : memref<1x8x51xf32, #tpu.memory_space<vmem>> -> memref<8x51xf32, #tpu.memory_space<vmem>>
        %dma_wait3A_2261 = arith.constant 0 : i32
        %dma_wait3A_2262 = arith.constant 0 : i32
        %dma_wait3A_2263 = tpu.memref_slice %arg3[%dma_wait3A_2261, %dma_wait3A_2262] : memref<1000001x51xf32, #tpu.memory_space<hbm>> -> memref<8x51xf32, #tpu.memory_space<hbm>>
        %dma_wait3A_2264 = tpu.memref_slice %arg10[%dma_wait3A_2256] : memref<16x!tpu.dma_semaphore, #tpu.memory_space<semaphore_mem>> -> memref<1x!tpu.dma_semaphore, #tpu.memory_space<semaphore_mem>>
        %dma_wait3A_2265 = tpu.memref_squeeze %dma_wait3A_2264 : memref<1x!tpu.dma_semaphore, #tpu.memory_space<semaphore_mem>> -> memref<!tpu.dma_semaphore, #tpu.memory_space<semaphore_mem>>
        %dma_wait3A_2266 = arith.constant 0 : i32
        %dma_wait3A_2267 = arith.constant 0 : i32
        %dma_wait3A_2268 = tpu.memref_slice %arg8[%dma_wait3A, %dma_wait3A_2266, %dma_wait3A_2267] : memref<16x16x51xf32, #tpu.memory_space<vmem>> -> memref<1x8x51xf32, #tpu.memory_space<vmem>>
        %dma_wait3A_2269 = tpu.memref_squeeze %dma_wait3A_2268 : memref<1x8x51xf32, #tpu.memory_space<vmem>> -> memref<8x51xf32, #tpu.memory_space<vmem>>
        %dma_wait3A_2270 = arith.constant 0 : i32
        %dma_wait3A_2271 = arith.constant 0 : i32
        %dma_wait3A_2272 = tpu.memref_slice %arg3[%dma_wait3A_2270, %dma_wait3A_2271] : memref<1000001x51xf32, #tpu.memory_space<hbm>> -> memref<8x51xf32, #tpu.memory_space<hbm>>
        tpu.wait_dma2 semaphore(%dma_wait3A_2265 : memref<!tpu.dma_semaphore, #tpu.memory_space<semaphore_mem>>) src(%dma_wait3A_2272 : memref<8x51xf32, #tpu.memory_space<hbm>>) dst(%dma_wait3A_2269 : memref<8x51xf32, #tpu.memory_space<vmem>>)
      } else {
      }
      %ge3A_1902 = arith.constant 7 : i32
      %ge3A_1903 = arith.cmpi sge, %sub3A_1896, %ge3A_1902 : i32
      %convert_element_type3A_1904 = arith.extui %ge3A_1903 : i1 to i32
      %cond3A_1905 = arith.constant 0 : i32
      %cond3A_1906 = arith.cmpi ne, %convert_element_type3A_1904, %cond3A_1905 : i32
      scf.if %cond3A_1906 {
        %dma_wait3A = arith.constant 13 : i32
        %dma_wait3A_2256 = arith.constant 13 : i32
        %dma_wait3A_2257 = arith.constant 0 : i32
        %dma_wait3A_2258 = arith.constant 0 : i32
        %dma_wait3A_2259 = tpu.memref_slice %arg8[%dma_wait3A, %dma_wait3A_2257, %dma_wait3A_2258] : memref<16x16x51xf32, #tpu.memory_space<vmem>> -> memref<1x16x51xf32, #tpu.memory_space<vmem>>
        %dma_wait3A_2260 = tpu.memref_squeeze %dma_wait3A_2259 : memref<1x16x51xf32, #tpu.memory_space<vmem>> -> memref<16x51xf32, #tpu.memory_space<vmem>>
        %dma_wait3A_2261 = arith.constant 0 : i32
        %dma_wait3A_2262 = arith.constant 0 : i32
        %dma_wait3A_2263 = tpu.memref_slice %arg3[%dma_wait3A_2261, %dma_wait3A_2262] : memref<1000001x51xf32, #tpu.memory_space<hbm>> -> memref<16x51xf32, #tpu.memory_space<hbm>>
        %dma_wait3A_2264 = tpu.memref_slice %arg10[%dma_wait3A_2256] : memref<16x!tpu.dma_semaphore, #tpu.memory_space<semaphore_mem>> -> memref<1x!tpu.dma_semaphore, #tpu.memory_space<semaphore_mem>>
        %dma_wait3A_2265 = tpu.memref_squeeze %dma_wait3A_2264 : memref<1x!tpu.dma_semaphore, #tpu.memory_space<semaphore_mem>> -> memref<!tpu.dma_semaphore, #tpu.memory_space<semaphore_mem>>
        %dma_wait3A_2266 = arith.constant 0 : i32
        %dma_wait3A_2267 = arith.constant 0 : i32
        %dma_wait3A_2268 = tpu.memref_slice %arg8[%dma_wait3A, %dma_wait3A_2266, %dma_wait3A_2267] : memref<16x16x51xf32, #tpu.memory_space<vmem>> -> memref<1x16x51xf32, #tpu.memory_space<vmem>>
        %dma_wait3A_2269 = tpu.memref_squeeze %dma_wait3A_2268 : memref<1x16x51xf32, #tpu.memory_space<vmem>> -> memref<16x51xf32, #tpu.memory_space<vmem>>
        %dma_wait3A_2270 = arith.constant 0 : i32
        %dma_wait3A_2271 = arith.constant 0 : i32
        %dma_wait3A_2272 = tpu.memref_slice %arg3[%dma_wait3A_2270, %dma_wait3A_2271] : memref<1000001x51xf32, #tpu.memory_space<hbm>> -> memref<16x51xf32, #tpu.memory_space<hbm>>
        tpu.wait_dma2 semaphore(%dma_wait3A_2265 : memref<!tpu.dma_semaphore, #tpu.memory_space<semaphore_mem>>) src(%dma_wait3A_2272 : memref<16x51xf32, #tpu.memory_space<hbm>>) dst(%dma_wait3A_2269 : memref<16x51xf32, #tpu.memory_space<vmem>>)
      } else {
      }
      %slice3A_1907 = vector.extract_strided_slice %get3A_303 {offsets = [13], sizes = [1], strides = [1]} : vector<16xf32> to vector<1xf32>
      %squeeze3A_1908 = vector.extract %slice3A_1907[0] : f32 from vector<1xf32>
      %get3A_1909 = arith.constant 13 : i32
      %get3A_1910 = arith.index_cast %get3A_1909 : i32 to index
      %get3A_1911 = arith.index_cast %sub3A_1896 : i32 to index
      %get3A_1912 = arith.constant 0 : index
      %get3A_1913 = tpu.vector_load %arg8[%get3A_1910, %get3A_1911, %get3A_1912] {strides = array<i32>} : memref<16x16x51xf32, #tpu.memory_space<vmem>>, vector<16xf32>,
      %add3A_1914 = arith.constant 1 : i32
      %add3A_1915 = arith.addi %sub3A_1896, %add3A_1914 : i32
      %get3A_1916 = arith.constant 13 : i32
      %get3A_1917 = arith.index_cast %get3A_1916 : i32 to index
      %get3A_1918 = arith.index_cast %add3A_1915 : i32 to index
      %get3A_1919 = arith.constant 0 : index
      %get3A_1920 = tpu.vector_load %arg8[%get3A_1917, %get3A_1918, %get3A_1919] {strides = array<i32>} : memref<16x16x51xf32, #tpu.memory_space<vmem>>, vector<16xf32>,
      %mul3A_1921 = arith.constant 1.000000e+03 : f32
      %mul3A_1922 = vector.broadcast %mul3A_1921 : f32 to vector<16xf32>
      %mul3A_1923 = arith.mulf %get3A_1913, %mul3A_1922 : vector<16xf32>
      %sub3A_1924 = arith.subf %get3A_1920, %get3A_1913 : vector<16xf32>
      %mul3A_1925 = vector.broadcast %squeeze3A_1908 : f32 to vector<16xf32>
      %mul3A_1926 = arith.mulf %sub3A_1924, %mul3A_1925 : vector<16xf32>
      %add3A_1927 = arith.addf %mul3A_1923, %mul3A_1926 : vector<16xf32>
      %add3A_1928 = arith.constant 832 : i32
      %add3A_1929 = arith.addi %mul3A_305, %add3A_1928 : i32
      %add3A_1930 = arith.constant 0 : i32
      %add3A_1931 = arith.addi %add3A_1929, %add3A_1930 : i32
      %swap3A_1932 = arith.index_cast %add3A_1931 : i32 to index
      %swap3A_1933 = tpu.vector_load %arg9[%swap3A_1932] {strides = array<i32>} : memref<32768xf32, #tpu.memory_space<vmem>>, vector<16xf32>,
      tpu.vector_store %arg9[%swap3A_1932], %add3A_1927 {strides = array<i32>} : memref<32768xf32, #tpu.memory_space<vmem>>, vector<16xf32>,
      %get3A_1934 = arith.constant 13 : i32
      %get3A_1935 = arith.index_cast %get3A_1934 : i32 to index
      %get3A_1936 = arith.index_cast %sub3A_1896 : i32 to index
      %get3A_1937 = arith.constant 16 : index
      %get3A_1938 = tpu.vector_load %arg8[%get3A_1935, %get3A_1936, %get3A_1937] {strides = array<i32>} : memref<16x16x51xf32, #tpu.memory_space<vmem>>, vector<16xf32>,
      %add3A_1939 = arith.constant 1 : i32
      %add3A_1940 = arith.addi %sub3A_1896, %add3A_1939 : i32
      %get3A_1941 = arith.constant 13 : i32
      %get3A_1942 = arith.index_cast %get3A_1941 : i32 to index
      %get3A_1943 = arith.index_cast %add3A_1940 : i32 to index
      %get3A_1944 = arith.constant 16 : index
      %get3A_1945 = tpu.vector_load %arg8[%get3A_1942, %get3A_1943, %get3A_1944] {strides = array<i32>} : memref<16x16x51xf32, #tpu.memory_space<vmem>>, vector<16xf32>,
      %mul3A_1946 = arith.constant 1.000000e+03 : f32
      %mul3A_1947 = vector.broadcast %mul3A_1946 : f32 to vector<16xf32>
      %mul3A_1948 = arith.mulf %get3A_1938, %mul3A_1947 : vector<16xf32>
      %sub3A_1949 = arith.subf %get3A_1945, %get3A_1938 : vector<16xf32>
      %mul3A_1950 = vector.broadcast %squeeze3A_1908 : f32 to vector<16xf32>
      %mul3A_1951 = arith.mulf %sub3A_1949, %mul3A_1950 : vector<16xf32>
      %add3A_1952 = arith.addf %mul3A_1948, %mul3A_1951 : vector<16xf32>
      %add3A_1953 = arith.constant 832 : i32
      %add3A_1954 = arith.addi %mul3A_305, %add3A_1953 : i32
      %add3A_1955 = arith.constant 16 : i32
      %add3A_1956 = arith.addi %add3A_1954, %add3A_1955 : i32
      %swap3A_1957 = arith.index_cast %add3A_1956 : i32 to index
      %swap3A_1958 = tpu.vector_load %arg9[%swap3A_1957] {strides = array<i32>} : memref<32768xf32, #tpu.memory_space<vmem>>, vector<16xf32>,
      tpu.vector_store %arg9[%swap3A_1957], %add3A_1952 {strides = array<i32>} : memref<32768xf32, #tpu.memory_space<vmem>>, vector<16xf32>,
      %get3A_1959 = arith.constant 13 : i32
      %get3A_1960 = arith.index_cast %get3A_1959 : i32 to index
      %get3A_1961 = arith.index_cast %sub3A_1896 : i32 to index
      %get3A_1962 = arith.constant 32 : index
      %get3A_1963 = tpu.vector_load %arg8[%get3A_1960, %get3A_1961, %get3A_1962] {strides = array<i32>} : memref<16x16x51xf32, #tpu.memory_space<vmem>>, vector<16xf32>,
      %add3A_1964 = arith.constant 1 : i32
      %add3A_1965 = arith.addi %sub3A_1896, %add3A_1964 : i32
      %get3A_1966 = arith.constant 13 : i32
      %get3A_1967 = arith.index_cast %get3A_1966 : i32 to index
      %get3A_1968 = arith.index_cast %add3A_1965 : i32 to index
      %get3A_1969 = arith.constant 32 : index
      %get3A_1970 = tpu.vector_load %arg8[%get3A_1967, %get3A_1968, %get3A_1969] {strides = array<i32>} : memref<16x16x51xf32, #tpu.memory_space<vmem>>, vector<16xf32>,
      %mul3A_1971 = arith.constant 1.000000e+03 : f32
      %mul3A_1972 = vector.broadcast %mul3A_1971 : f32 to vector<16xf32>
      %mul3A_1973 = arith.mulf %get3A_1963, %mul3A_1972 : vector<16xf32>
      %sub3A_1974 = arith.subf %get3A_1970, %get3A_1963 : vector<16xf32>
      %mul3A_1975 = vector.broadcast %squeeze3A_1908 : f32 to vector<16xf32>
      %mul3A_1976 = arith.mulf %sub3A_1974, %mul3A_1975 : vector<16xf32>
      %add3A_1977 = arith.addf %mul3A_1973, %mul3A_1976 : vector<16xf32>
      %add3A_1978 = arith.constant 832 : i32
      %add3A_1979 = arith.addi %mul3A_305, %add3A_1978 : i32
      %add3A_1980 = arith.constant 32 : i32
      %add3A_1981 = arith.addi %add3A_1979, %add3A_1980 : i32
      %swap3A_1982 = arith.index_cast %add3A_1981 : i32 to index
      %swap3A_1983 = tpu.vector_load %arg9[%swap3A_1982] {strides = array<i32>} : memref<32768xf32, #tpu.memory_space<vmem>>, vector<16xf32>,
      tpu.vector_store %arg9[%swap3A_1982], %add3A_1977 {strides = array<i32>} : memref<32768xf32, #tpu.memory_space<vmem>>, vector<16xf32>,
      %get3A_1984 = arith.constant 13 : i32
      %get3A_1985 = arith.index_cast %get3A_1984 : i32 to index
      %get3A_1986 = arith.index_cast %sub3A_1896 : i32 to index
      %get3A_1987 = arith.constant 35 : index
      %get3A_1988 = tpu.vector_load %arg8[%get3A_1985, %get3A_1986, %get3A_1987] {strides = array<i32>} : memref<16x16x51xf32, #tpu.memory_space<vmem>>, vector<16xf32>,
      %add3A_1989 = arith.constant 1 : i32
      %add3A_1990 = arith.addi %sub3A_1896, %add3A_1989 : i32
      %get3A_1991 = arith.constant 13 : i32
      %get3A_1992 = arith.index_cast %get3A_1991 : i32 to index
      %get3A_1993 = arith.index_cast %add3A_1990 : i32 to index
      %get3A_1994 = arith.constant 35 : index
      %get3A_1995 = tpu.vector_load %arg8[%get3A_1992, %get3A_1993, %get3A_1994] {strides = array<i32>} : memref<16x16x51xf32, #tpu.memory_space<vmem>>, vector<16xf32>,
      %mul3A_1996 = arith.constant 1.000000e+03 : f32
      %mul3A_1997 = vector.broadcast %mul3A_1996 : f32 to vector<16xf32>
      %mul3A_1998 = arith.mulf %get3A_1988, %mul3A_1997 : vector<16xf32>
      %sub3A_1999 = arith.subf %get3A_1995, %get3A_1988 : vector<16xf32>
      %mul3A_2000 = vector.broadcast %squeeze3A_1908 : f32 to vector<16xf32>
      %mul3A_2001 = arith.mulf %sub3A_1999, %mul3A_2000 : vector<16xf32>
      %add3A_2002 = arith.addf %mul3A_1998, %mul3A_2001 : vector<16xf32>
      %iota3A_2003 = tpu.iota {dimensions = array<i32: 0>} : vector<16xi32>
      %add3A_2004 = arith.constant 832 : i32
      %add3A_2005 = arith.addi %mul3A_305, %add3A_2004 : i32
      %add3A_2006 = arith.constant 51 : i32
      %add3A_2007 = arith.addi %add3A_2005, %add3A_2006 : i32
      %sub3A_2008 = arith.constant 16 : i32
      %sub3A_2009 = arith.subi %add3A_2007, %sub3A_2008 : i32
      %add3A_2010 = vector.broadcast %sub3A_2009 : i32 to vector<16xi32>
      %add3A_2011 = arith.addi %iota3A_2003, %add3A_2010 : vector<16xi32>
      tpu.vector_store_idx %arg9[%add3A_2011], %add3A_2002 : memref<32768xf32, #tpu.memory_space<vmem>>[vector<16xi32>], vector<16xf32>,
      %slice3A_2012 = vector.extract_strided_slice %get3A_299 {offsets = [14], sizes = [1], strides = [1]} : vector<16xi32> to vector<1xi32>
      %squeeze3A_2013 = vector.extract %slice3A_2012[0] : i32 from vector<1xi32>
      %and3A_2014 = arith.constant -8 : i32
      %and3A_2015 = arith.andi %squeeze3A_2013, %and3A_2014 : i32
      %min3A_2016 = arith.constant 999984 : i32
      %min3A_2017 = arith.minsi %and3A_2015, %min3A_2016 : i32
      %sub3A_2018 = arith.subi %squeeze3A_2013, %min3A_2017 : i32
      %lt3A_2019 = arith.constant 7 : i32
      %lt3A_2020 = arith.cmpi slt, %sub3A_2018, %lt3A_2019 : i32
      %convert_element_type3A_2021 = arith.extui %lt3A_2020 : i1 to i32
      %cond3A_2022 = arith.constant 0 : i32
      %cond3A_2023 = arith.cmpi ne, %convert_element_type3A_2021, %cond3A_2022 : i32
      scf.if %cond3A_2023 {
        %dma_wait3A = arith.constant 14 : i32
        %dma_wait3A_2256 = arith.constant 14 : i32
        %dma_wait3A_2257 = arith.constant 0 : i32
        %dma_wait3A_2258 = arith.constant 0 : i32
        %dma_wait3A_2259 = tpu.memref_slice %arg8[%dma_wait3A, %dma_wait3A_2257, %dma_wait3A_2258] : memref<16x16x51xf32, #tpu.memory_space<vmem>> -> memref<1x8x51xf32, #tpu.memory_space<vmem>>
        %dma_wait3A_2260 = tpu.memref_squeeze %dma_wait3A_2259 : memref<1x8x51xf32, #tpu.memory_space<vmem>> -> memref<8x51xf32, #tpu.memory_space<vmem>>
        %dma_wait3A_2261 = arith.constant 0 : i32
        %dma_wait3A_2262 = arith.constant 0 : i32
        %dma_wait3A_2263 = tpu.memref_slice %arg3[%dma_wait3A_2261, %dma_wait3A_2262] : memref<1000001x51xf32, #tpu.memory_space<hbm>> -> memref<8x51xf32, #tpu.memory_space<hbm>>
        %dma_wait3A_2264 = tpu.memref_slice %arg10[%dma_wait3A_2256] : memref<16x!tpu.dma_semaphore, #tpu.memory_space<semaphore_mem>> -> memref<1x!tpu.dma_semaphore, #tpu.memory_space<semaphore_mem>>
        %dma_wait3A_2265 = tpu.memref_squeeze %dma_wait3A_2264 : memref<1x!tpu.dma_semaphore, #tpu.memory_space<semaphore_mem>> -> memref<!tpu.dma_semaphore, #tpu.memory_space<semaphore_mem>>
        %dma_wait3A_2266 = arith.constant 0 : i32
        %dma_wait3A_2267 = arith.constant 0 : i32
        %dma_wait3A_2268 = tpu.memref_slice %arg8[%dma_wait3A, %dma_wait3A_2266, %dma_wait3A_2267] : memref<16x16x51xf32, #tpu.memory_space<vmem>> -> memref<1x8x51xf32, #tpu.memory_space<vmem>>
        %dma_wait3A_2269 = tpu.memref_squeeze %dma_wait3A_2268 : memref<1x8x51xf32, #tpu.memory_space<vmem>> -> memref<8x51xf32, #tpu.memory_space<vmem>>
        %dma_wait3A_2270 = arith.constant 0 : i32
        %dma_wait3A_2271 = arith.constant 0 : i32
        %dma_wait3A_2272 = tpu.memref_slice %arg3[%dma_wait3A_2270, %dma_wait3A_2271] : memref<1000001x51xf32, #tpu.memory_space<hbm>> -> memref<8x51xf32, #tpu.memory_space<hbm>>
        tpu.wait_dma2 semaphore(%dma_wait3A_2265 : memref<!tpu.dma_semaphore, #tpu.memory_space<semaphore_mem>>) src(%dma_wait3A_2272 : memref<8x51xf32, #tpu.memory_space<hbm>>) dst(%dma_wait3A_2269 : memref<8x51xf32, #tpu.memory_space<vmem>>)
      } else {
      }
      %ge3A_2024 = arith.constant 7 : i32
      %ge3A_2025 = arith.cmpi sge, %sub3A_2018, %ge3A_2024 : i32
      %convert_element_type3A_2026 = arith.extui %ge3A_2025 : i1 to i32
      %cond3A_2027 = arith.constant 0 : i32
      %cond3A_2028 = arith.cmpi ne, %convert_element_type3A_2026, %cond3A_2027 : i32
      scf.if %cond3A_2028 {
        %dma_wait3A = arith.constant 14 : i32
        %dma_wait3A_2256 = arith.constant 14 : i32
        %dma_wait3A_2257 = arith.constant 0 : i32
        %dma_wait3A_2258 = arith.constant 0 : i32
        %dma_wait3A_2259 = tpu.memref_slice %arg8[%dma_wait3A, %dma_wait3A_2257, %dma_wait3A_2258] : memref<16x16x51xf32, #tpu.memory_space<vmem>> -> memref<1x16x51xf32, #tpu.memory_space<vmem>>
        %dma_wait3A_2260 = tpu.memref_squeeze %dma_wait3A_2259 : memref<1x16x51xf32, #tpu.memory_space<vmem>> -> memref<16x51xf32, #tpu.memory_space<vmem>>
        %dma_wait3A_2261 = arith.constant 0 : i32
        %dma_wait3A_2262 = arith.constant 0 : i32
        %dma_wait3A_2263 = tpu.memref_slice %arg3[%dma_wait3A_2261, %dma_wait3A_2262] : memref<1000001x51xf32, #tpu.memory_space<hbm>> -> memref<16x51xf32, #tpu.memory_space<hbm>>
        %dma_wait3A_2264 = tpu.memref_slice %arg10[%dma_wait3A_2256] : memref<16x!tpu.dma_semaphore, #tpu.memory_space<semaphore_mem>> -> memref<1x!tpu.dma_semaphore, #tpu.memory_space<semaphore_mem>>
        %dma_wait3A_2265 = tpu.memref_squeeze %dma_wait3A_2264 : memref<1x!tpu.dma_semaphore, #tpu.memory_space<semaphore_mem>> -> memref<!tpu.dma_semaphore, #tpu.memory_space<semaphore_mem>>
        %dma_wait3A_2266 = arith.constant 0 : i32
        %dma_wait3A_2267 = arith.constant 0 : i32
        %dma_wait3A_2268 = tpu.memref_slice %arg8[%dma_wait3A, %dma_wait3A_2266, %dma_wait3A_2267] : memref<16x16x51xf32, #tpu.memory_space<vmem>> -> memref<1x16x51xf32, #tpu.memory_space<vmem>>
        %dma_wait3A_2269 = tpu.memref_squeeze %dma_wait3A_2268 : memref<1x16x51xf32, #tpu.memory_space<vmem>> -> memref<16x51xf32, #tpu.memory_space<vmem>>
        %dma_wait3A_2270 = arith.constant 0 : i32
        %dma_wait3A_2271 = arith.constant 0 : i32
        %dma_wait3A_2272 = tpu.memref_slice %arg3[%dma_wait3A_2270, %dma_wait3A_2271] : memref<1000001x51xf32, #tpu.memory_space<hbm>> -> memref<16x51xf32, #tpu.memory_space<hbm>>
        tpu.wait_dma2 semaphore(%dma_wait3A_2265 : memref<!tpu.dma_semaphore, #tpu.memory_space<semaphore_mem>>) src(%dma_wait3A_2272 : memref<16x51xf32, #tpu.memory_space<hbm>>) dst(%dma_wait3A_2269 : memref<16x51xf32, #tpu.memory_space<vmem>>)
      } else {
      }
      %slice3A_2029 = vector.extract_strided_slice %get3A_303 {offsets = [14], sizes = [1], strides = [1]} : vector<16xf32> to vector<1xf32>
      %squeeze3A_2030 = vector.extract %slice3A_2029[0] : f32 from vector<1xf32>
      %get3A_2031 = arith.constant 14 : i32
      %get3A_2032 = arith.index_cast %get3A_2031 : i32 to index
      %get3A_2033 = arith.index_cast %sub3A_2018 : i32 to index
      %get3A_2034 = arith.constant 0 : index
      %get3A_2035 = tpu.vector_load %arg8[%get3A_2032, %get3A_2033, %get3A_2034] {strides = array<i32>} : memref<16x16x51xf32, #tpu.memory_space<vmem>>, vector<16xf32>,
      %add3A_2036 = arith.constant 1 : i32
      %add3A_2037 = arith.addi %sub3A_2018, %add3A_2036 : i32
      %get3A_2038 = arith.constant 14 : i32
      %get3A_2039 = arith.index_cast %get3A_2038 : i32 to index
      %get3A_2040 = arith.index_cast %add3A_2037 : i32 to index
      %get3A_2041 = arith.constant 0 : index
      %get3A_2042 = tpu.vector_load %arg8[%get3A_2039, %get3A_2040, %get3A_2041] {strides = array<i32>} : memref<16x16x51xf32, #tpu.memory_space<vmem>>, vector<16xf32>,
      %mul3A_2043 = arith.constant 1.000000e+03 : f32
      %mul3A_2044 = vector.broadcast %mul3A_2043 : f32 to vector<16xf32>
      %mul3A_2045 = arith.mulf %get3A_2035, %mul3A_2044 : vector<16xf32>
      %sub3A_2046 = arith.subf %get3A_2042, %get3A_2035 : vector<16xf32>
      %mul3A_2047 = vector.broadcast %squeeze3A_2030 : f32 to vector<16xf32>
      %mul3A_2048 = arith.mulf %sub3A_2046, %mul3A_2047 : vector<16xf32>
      %add3A_2049 = arith.addf %mul3A_2045, %mul3A_2048 : vector<16xf32>
      %add3A_2050 = arith.constant 896 : i32
      %add3A_2051 = arith.addi %mul3A_305, %add3A_2050 : i32
      %add3A_2052 = arith.constant 0 : i32
      %add3A_2053 = arith.addi %add3A_2051, %add3A_2052 : i32
      %swap3A_2054 = arith.index_cast %add3A_2053 : i32 to index
      %swap3A_2055 = tpu.vector_load %arg9[%swap3A_2054] {strides = array<i32>} : memref<32768xf32, #tpu.memory_space<vmem>>, vector<16xf32>,
      tpu.vector_store %arg9[%swap3A_2054], %add3A_2049 {strides = array<i32>} : memref<32768xf32, #tpu.memory_space<vmem>>, vector<16xf32>,
      %get3A_2056 = arith.constant 14 : i32
      %get3A_2057 = arith.index_cast %get3A_2056 : i32 to index
      %get3A_2058 = arith.index_cast %sub3A_2018 : i32 to index
      %get3A_2059 = arith.constant 16 : index
      %get3A_2060 = tpu.vector_load %arg8[%get3A_2057, %get3A_2058, %get3A_2059] {strides = array<i32>} : memref<16x16x51xf32, #tpu.memory_space<vmem>>, vector<16xf32>,
      %add3A_2061 = arith.constant 1 : i32
      %add3A_2062 = arith.addi %sub3A_2018, %add3A_2061 : i32
      %get3A_2063 = arith.constant 14 : i32
      %get3A_2064 = arith.index_cast %get3A_2063 : i32 to index
      %get3A_2065 = arith.index_cast %add3A_2062 : i32 to index
      %get3A_2066 = arith.constant 16 : index
      %get3A_2067 = tpu.vector_load %arg8[%get3A_2064, %get3A_2065, %get3A_2066] {strides = array<i32>} : memref<16x16x51xf32, #tpu.memory_space<vmem>>, vector<16xf32>,
      %mul3A_2068 = arith.constant 1.000000e+03 : f32
      %mul3A_2069 = vector.broadcast %mul3A_2068 : f32 to vector<16xf32>
      %mul3A_2070 = arith.mulf %get3A_2060, %mul3A_2069 : vector<16xf32>
      %sub3A_2071 = arith.subf %get3A_2067, %get3A_2060 : vector<16xf32>
      %mul3A_2072 = vector.broadcast %squeeze3A_2030 : f32 to vector<16xf32>
      %mul3A_2073 = arith.mulf %sub3A_2071, %mul3A_2072 : vector<16xf32>
      %add3A_2074 = arith.addf %mul3A_2070, %mul3A_2073 : vector<16xf32>
      %add3A_2075 = arith.constant 896 : i32
      %add3A_2076 = arith.addi %mul3A_305, %add3A_2075 : i32
      %add3A_2077 = arith.constant 16 : i32
      %add3A_2078 = arith.addi %add3A_2076, %add3A_2077 : i32
      %swap3A_2079 = arith.index_cast %add3A_2078 : i32 to index
      %swap3A_2080 = tpu.vector_load %arg9[%swap3A_2079] {strides = array<i32>} : memref<32768xf32, #tpu.memory_space<vmem>>, vector<16xf32>,
      tpu.vector_store %arg9[%swap3A_2079], %add3A_2074 {strides = array<i32>} : memref<32768xf32, #tpu.memory_space<vmem>>, vector<16xf32>,
      %get3A_2081 = arith.constant 14 : i32
      %get3A_2082 = arith.index_cast %get3A_2081 : i32 to index
      %get3A_2083 = arith.index_cast %sub3A_2018 : i32 to index
      %get3A_2084 = arith.constant 32 : index
      %get3A_2085 = tpu.vector_load %arg8[%get3A_2082, %get3A_2083, %get3A_2084] {strides = array<i32>} : memref<16x16x51xf32, #tpu.memory_space<vmem>>, vector<16xf32>,
      %add3A_2086 = arith.constant 1 : i32
      %add3A_2087 = arith.addi %sub3A_2018, %add3A_2086 : i32
      %get3A_2088 = arith.constant 14 : i32
      %get3A_2089 = arith.index_cast %get3A_2088 : i32 to index
      %get3A_2090 = arith.index_cast %add3A_2087 : i32 to index
      %get3A_2091 = arith.constant 32 : index
      %get3A_2092 = tpu.vector_load %arg8[%get3A_2089, %get3A_2090, %get3A_2091] {strides = array<i32>} : memref<16x16x51xf32, #tpu.memory_space<vmem>>, vector<16xf32>,
      %mul3A_2093 = arith.constant 1.000000e+03 : f32
      %mul3A_2094 = vector.broadcast %mul3A_2093 : f32 to vector<16xf32>
      %mul3A_2095 = arith.mulf %get3A_2085, %mul3A_2094 : vector<16xf32>
      %sub3A_2096 = arith.subf %get3A_2092, %get3A_2085 : vector<16xf32>
      %mul3A_2097 = vector.broadcast %squeeze3A_2030 : f32 to vector<16xf32>
      %mul3A_2098 = arith.mulf %sub3A_2096, %mul3A_2097 : vector<16xf32>
      %add3A_2099 = arith.addf %mul3A_2095, %mul3A_2098 : vector<16xf32>
      %add3A_2100 = arith.constant 896 : i32
      %add3A_2101 = arith.addi %mul3A_305, %add3A_2100 : i32
      %add3A_2102 = arith.constant 32 : i32
      %add3A_2103 = arith.addi %add3A_2101, %add3A_2102 : i32
      %swap3A_2104 = arith.index_cast %add3A_2103 : i32 to index
      %swap3A_2105 = tpu.vector_load %arg9[%swap3A_2104] {strides = array<i32>} : memref<32768xf32, #tpu.memory_space<vmem>>, vector<16xf32>,
      tpu.vector_store %arg9[%swap3A_2104], %add3A_2099 {strides = array<i32>} : memref<32768xf32, #tpu.memory_space<vmem>>, vector<16xf32>,
      %get3A_2106 = arith.constant 14 : i32
      %get3A_2107 = arith.index_cast %get3A_2106 : i32 to index
      %get3A_2108 = arith.index_cast %sub3A_2018 : i32 to index
      %get3A_2109 = arith.constant 35 : index
      %get3A_2110 = tpu.vector_load %arg8[%get3A_2107, %get3A_2108, %get3A_2109] {strides = array<i32>} : memref<16x16x51xf32, #tpu.memory_space<vmem>>, vector<16xf32>,
      %add3A_2111 = arith.constant 1 : i32
      %add3A_2112 = arith.addi %sub3A_2018, %add3A_2111 : i32
      %get3A_2113 = arith.constant 14 : i32
      %get3A_2114 = arith.index_cast %get3A_2113 : i32 to index
      %get3A_2115 = arith.index_cast %add3A_2112 : i32 to index
      %get3A_2116 = arith.constant 35 : index
      %get3A_2117 = tpu.vector_load %arg8[%get3A_2114, %get3A_2115, %get3A_2116] {strides = array<i32>} : memref<16x16x51xf32, #tpu.memory_space<vmem>>, vector<16xf32>,
      %mul3A_2118 = arith.constant 1.000000e+03 : f32
      %mul3A_2119 = vector.broadcast %mul3A_2118 : f32 to vector<16xf32>
      %mul3A_2120 = arith.mulf %get3A_2110, %mul3A_2119 : vector<16xf32>
      %sub3A_2121 = arith.subf %get3A_2117, %get3A_2110 : vector<16xf32>
      %mul3A_2122 = vector.broadcast %squeeze3A_2030 : f32 to vector<16xf32>
      %mul3A_2123 = arith.mulf %sub3A_2121, %mul3A_2122 : vector<16xf32>
      %add3A_2124 = arith.addf %mul3A_2120, %mul3A_2123 : vector<16xf32>
      %iota3A_2125 = tpu.iota {dimensions = array<i32: 0>} : vector<16xi32>
      %add3A_2126 = arith.constant 896 : i32
      %add3A_2127 = arith.addi %mul3A_305, %add3A_2126 : i32
      %add3A_2128 = arith.constant 51 : i32
      %add3A_2129 = arith.addi %add3A_2127, %add3A_2128 : i32
      %sub3A_2130 = arith.constant 16 : i32
      %sub3A_2131 = arith.subi %add3A_2129, %sub3A_2130 : i32
      %add3A_2132 = vector.broadcast %sub3A_2131 : i32 to vector<16xi32>
      %add3A_2133 = arith.addi %iota3A_2125, %add3A_2132 : vector<16xi32>
      tpu.vector_store_idx %arg9[%add3A_2133], %add3A_2124 : memref<32768xf32, #tpu.memory_space<vmem>>[vector<16xi32>], vector<16xf32>,
      %slice3A_2134 = vector.extract_strided_slice %get3A_299 {offsets = [15], sizes = [1], strides = [1]} : vector<16xi32> to vector<1xi32>
      %squeeze3A_2135 = vector.extract %slice3A_2134[0] : i32 from vector<1xi32>
      %and3A_2136 = arith.constant -8 : i32
      %and3A_2137 = arith.andi %squeeze3A_2135, %and3A_2136 : i32
      %min3A_2138 = arith.constant 999984 : i32
      %min3A_2139 = arith.minsi %and3A_2137, %min3A_2138 : i32
      %sub3A_2140 = arith.subi %squeeze3A_2135, %min3A_2139 : i32
      %lt3A_2141 = arith.constant 7 : i32
      %lt3A_2142 = arith.cmpi slt, %sub3A_2140, %lt3A_2141 : i32
      %convert_element_type3A_2143 = arith.extui %lt3A_2142 : i1 to i32
      %cond3A_2144 = arith.constant 0 : i32
      %cond3A_2145 = arith.cmpi ne, %convert_element_type3A_2143, %cond3A_2144 : i32
      scf.if %cond3A_2145 {
        %dma_wait3A = arith.constant 15 : i32
        %dma_wait3A_2256 = arith.constant 15 : i32
        %dma_wait3A_2257 = arith.constant 0 : i32
        %dma_wait3A_2258 = arith.constant 0 : i32
        %dma_wait3A_2259 = tpu.memref_slice %arg8[%dma_wait3A, %dma_wait3A_2257, %dma_wait3A_2258] : memref<16x16x51xf32, #tpu.memory_space<vmem>> -> memref<1x8x51xf32, #tpu.memory_space<vmem>>
        %dma_wait3A_2260 = tpu.memref_squeeze %dma_wait3A_2259 : memref<1x8x51xf32, #tpu.memory_space<vmem>> -> memref<8x51xf32, #tpu.memory_space<vmem>>
        %dma_wait3A_2261 = arith.constant 0 : i32
        %dma_wait3A_2262 = arith.constant 0 : i32
        %dma_wait3A_2263 = tpu.memref_slice %arg3[%dma_wait3A_2261, %dma_wait3A_2262] : memref<1000001x51xf32, #tpu.memory_space<hbm>> -> memref<8x51xf32, #tpu.memory_space<hbm>>
        %dma_wait3A_2264 = tpu.memref_slice %arg10[%dma_wait3A_2256] : memref<16x!tpu.dma_semaphore, #tpu.memory_space<semaphore_mem>> -> memref<1x!tpu.dma_semaphore, #tpu.memory_space<semaphore_mem>>
        %dma_wait3A_2265 = tpu.memref_squeeze %dma_wait3A_2264 : memref<1x!tpu.dma_semaphore, #tpu.memory_space<semaphore_mem>> -> memref<!tpu.dma_semaphore, #tpu.memory_space<semaphore_mem>>
        %dma_wait3A_2266 = arith.constant 0 : i32
        %dma_wait3A_2267 = arith.constant 0 : i32
        %dma_wait3A_2268 = tpu.memref_slice %arg8[%dma_wait3A, %dma_wait3A_2266, %dma_wait3A_2267] : memref<16x16x51xf32, #tpu.memory_space<vmem>> -> memref<1x8x51xf32, #tpu.memory_space<vmem>>
        %dma_wait3A_2269 = tpu.memref_squeeze %dma_wait3A_2268 : memref<1x8x51xf32, #tpu.memory_space<vmem>> -> memref<8x51xf32, #tpu.memory_space<vmem>>
        %dma_wait3A_2270 = arith.constant 0 : i32
        %dma_wait3A_2271 = arith.constant 0 : i32
        %dma_wait3A_2272 = tpu.memref_slice %arg3[%dma_wait3A_2270, %dma_wait3A_2271] : memref<1000001x51xf32, #tpu.memory_space<hbm>> -> memref<8x51xf32, #tpu.memory_space<hbm>>
        tpu.wait_dma2 semaphore(%dma_wait3A_2265 : memref<!tpu.dma_semaphore, #tpu.memory_space<semaphore_mem>>) src(%dma_wait3A_2272 : memref<8x51xf32, #tpu.memory_space<hbm>>) dst(%dma_wait3A_2269 : memref<8x51xf32, #tpu.memory_space<vmem>>)
      } else {
      }
      %ge3A_2146 = arith.constant 7 : i32
      %ge3A_2147 = arith.cmpi sge, %sub3A_2140, %ge3A_2146 : i32
      %convert_element_type3A_2148 = arith.extui %ge3A_2147 : i1 to i32
      %cond3A_2149 = arith.constant 0 : i32
      %cond3A_2150 = arith.cmpi ne, %convert_element_type3A_2148, %cond3A_2149 : i32
      scf.if %cond3A_2150 {
        %dma_wait3A = arith.constant 15 : i32
        %dma_wait3A_2256 = arith.constant 15 : i32
        %dma_wait3A_2257 = arith.constant 0 : i32
        %dma_wait3A_2258 = arith.constant 0 : i32
        %dma_wait3A_2259 = tpu.memref_slice %arg8[%dma_wait3A, %dma_wait3A_2257, %dma_wait3A_2258] : memref<16x16x51xf32, #tpu.memory_space<vmem>> -> memref<1x16x51xf32, #tpu.memory_space<vmem>>
        %dma_wait3A_2260 = tpu.memref_squeeze %dma_wait3A_2259 : memref<1x16x51xf32, #tpu.memory_space<vmem>> -> memref<16x51xf32, #tpu.memory_space<vmem>>
        %dma_wait3A_2261 = arith.constant 0 : i32
        %dma_wait3A_2262 = arith.constant 0 : i32
        %dma_wait3A_2263 = tpu.memref_slice %arg3[%dma_wait3A_2261, %dma_wait3A_2262] : memref<1000001x51xf32, #tpu.memory_space<hbm>> -> memref<16x51xf32, #tpu.memory_space<hbm>>
        %dma_wait3A_2264 = tpu.memref_slice %arg10[%dma_wait3A_2256] : memref<16x!tpu.dma_semaphore, #tpu.memory_space<semaphore_mem>> -> memref<1x!tpu.dma_semaphore, #tpu.memory_space<semaphore_mem>>
        %dma_wait3A_2265 = tpu.memref_squeeze %dma_wait3A_2264 : memref<1x!tpu.dma_semaphore, #tpu.memory_space<semaphore_mem>> -> memref<!tpu.dma_semaphore, #tpu.memory_space<semaphore_mem>>
        %dma_wait3A_2266 = arith.constant 0 : i32
        %dma_wait3A_2267 = arith.constant 0 : i32
        %dma_wait3A_2268 = tpu.memref_slice %arg8[%dma_wait3A, %dma_wait3A_2266, %dma_wait3A_2267] : memref<16x16x51xf32, #tpu.memory_space<vmem>> -> memref<1x16x51xf32, #tpu.memory_space<vmem>>
        %dma_wait3A_2269 = tpu.memref_squeeze %dma_wait3A_2268 : memref<1x16x51xf32, #tpu.memory_space<vmem>> -> memref<16x51xf32, #tpu.memory_space<vmem>>
        %dma_wait3A_2270 = arith.constant 0 : i32
        %dma_wait3A_2271 = arith.constant 0 : i32
        %dma_wait3A_2272 = tpu.memref_slice %arg3[%dma_wait3A_2270, %dma_wait3A_2271] : memref<1000001x51xf32, #tpu.memory_space<hbm>> -> memref<16x51xf32, #tpu.memory_space<hbm>>
        tpu.wait_dma2 semaphore(%dma_wait3A_2265 : memref<!tpu.dma_semaphore, #tpu.memory_space<semaphore_mem>>) src(%dma_wait3A_2272 : memref<16x51xf32, #tpu.memory_space<hbm>>) dst(%dma_wait3A_2269 : memref<16x51xf32, #tpu.memory_space<vmem>>)
      } else {
      }
      %slice3A_2151 = vector.extract_strided_slice %get3A_303 {offsets = [15], sizes = [1], strides = [1]} : vector<16xf32> to vector<1xf32>
      %squeeze3A_2152 = vector.extract %slice3A_2151[0] : f32 from vector<1xf32>
      %get3A_2153 = arith.constant 15 : i32
      %get3A_2154 = arith.index_cast %get3A_2153 : i32 to index
      %get3A_2155 = arith.index_cast %sub3A_2140 : i32 to index
      %get3A_2156 = arith.constant 0 : index
      %get3A_2157 = tpu.vector_load %arg8[%get3A_2154, %get3A_2155, %get3A_2156] {strides = array<i32>} : memref<16x16x51xf32, #tpu.memory_space<vmem>>, vector<16xf32>,
      %add3A_2158 = arith.constant 1 : i32
      %add3A_2159 = arith.addi %sub3A_2140, %add3A_2158 : i32
      %get3A_2160 = arith.constant 15 : i32
      %get3A_2161 = arith.index_cast %get3A_2160 : i32 to index
      %get3A_2162 = arith.index_cast %add3A_2159 : i32 to index
      %get3A_2163 = arith.constant 0 : index
      %get3A_2164 = tpu.vector_load %arg8[%get3A_2161, %get3A_2162, %get3A_2163] {strides = array<i32>} : memref<16x16x51xf32, #tpu.memory_space<vmem>>, vector<16xf32>,
      %mul3A_2165 = arith.constant 1.000000e+03 : f32
      %mul3A_2166 = vector.broadcast %mul3A_2165 : f32 to vector<16xf32>
      %mul3A_2167 = arith.mulf %get3A_2157, %mul3A_2166 : vector<16xf32>
      %sub3A_2168 = arith.subf %get3A_2164, %get3A_2157 : vector<16xf32>
      %mul3A_2169 = vector.broadcast %squeeze3A_2152 : f32 to vector<16xf32>
      %mul3A_2170 = arith.mulf %sub3A_2168, %mul3A_2169 : vector<16xf32>
      %add3A_2171 = arith.addf %mul3A_2167, %mul3A_2170 : vector<16xf32>
      %add3A_2172 = arith.constant 960 : i32
      %add3A_2173 = arith.addi %mul3A_305, %add3A_2172 : i32
      %add3A_2174 = arith.constant 0 : i32
      %add3A_2175 = arith.addi %add3A_2173, %add3A_2174 : i32
      %swap3A_2176 = arith.index_cast %add3A_2175 : i32 to index
      %swap3A_2177 = tpu.vector_load %arg9[%swap3A_2176] {strides = array<i32>} : memref<32768xf32, #tpu.memory_space<vmem>>, vector<16xf32>,
      tpu.vector_store %arg9[%swap3A_2176], %add3A_2171 {strides = array<i32>} : memref<32768xf32, #tpu.memory_space<vmem>>, vector<16xf32>,
      %get3A_2178 = arith.constant 15 : i32
      %get3A_2179 = arith.index_cast %get3A_2178 : i32 to index
      %get3A_2180 = arith.index_cast %sub3A_2140 : i32 to index
      %get3A_2181 = arith.constant 16 : index
      %get3A_2182 = tpu.vector_load %arg8[%get3A_2179, %get3A_2180, %get3A_2181] {strides = array<i32>} : memref<16x16x51xf32, #tpu.memory_space<vmem>>, vector<16xf32>,
      %add3A_2183 = arith.constant 1 : i32
      %add3A_2184 = arith.addi %sub3A_2140, %add3A_2183 : i32
      %get3A_2185 = arith.constant 15 : i32
      %get3A_2186 = arith.index_cast %get3A_2185 : i32 to index
      %get3A_2187 = arith.index_cast %add3A_2184 : i32 to index
      %get3A_2188 = arith.constant 16 : index
      %get3A_2189 = tpu.vector_load %arg8[%get3A_2186, %get3A_2187, %get3A_2188] {strides = array<i32>} : memref<16x16x51xf32, #tpu.memory_space<vmem>>, vector<16xf32>,
      %mul3A_2190 = arith.constant 1.000000e+03 : f32
      %mul3A_2191 = vector.broadcast %mul3A_2190 : f32 to vector<16xf32>
      %mul3A_2192 = arith.mulf %get3A_2182, %mul3A_2191 : vector<16xf32>
      %sub3A_2193 = arith.subf %get3A_2189, %get3A_2182 : vector<16xf32>
      %mul3A_2194 = vector.broadcast %squeeze3A_2152 : f32 to vector<16xf32>
      %mul3A_2195 = arith.mulf %sub3A_2193, %mul3A_2194 : vector<16xf32>
      %add3A_2196 = arith.addf %mul3A_2192, %mul3A_2195 : vector<16xf32>
      %add3A_2197 = arith.constant 960 : i32
      %add3A_2198 = arith.addi %mul3A_305, %add3A_2197 : i32
      %add3A_2199 = arith.constant 16 : i32
      %add3A_2200 = arith.addi %add3A_2198, %add3A_2199 : i32
      %swap3A_2201 = arith.index_cast %add3A_2200 : i32 to index
      %swap3A_2202 = tpu.vector_load %arg9[%swap3A_2201] {strides = array<i32>} : memref<32768xf32, #tpu.memory_space<vmem>>, vector<16xf32>,
      tpu.vector_store %arg9[%swap3A_2201], %add3A_2196 {strides = array<i32>} : memref<32768xf32, #tpu.memory_space<vmem>>, vector<16xf32>,
      %get3A_2203 = arith.constant 15 : i32
      %get3A_2204 = arith.index_cast %get3A_2203 : i32 to index
      %get3A_2205 = arith.index_cast %sub3A_2140 : i32 to index
      %get3A_2206 = arith.constant 32 : index
      %get3A_2207 = tpu.vector_load %arg8[%get3A_2204, %get3A_2205, %get3A_2206] {strides = array<i32>} : memref<16x16x51xf32, #tpu.memory_space<vmem>>, vector<16xf32>,
      %add3A_2208 = arith.constant 1 : i32
      %add3A_2209 = arith.addi %sub3A_2140, %add3A_2208 : i32
      %get3A_2210 = arith.constant 15 : i32
      %get3A_2211 = arith.index_cast %get3A_2210 : i32 to index
      %get3A_2212 = arith.index_cast %add3A_2209 : i32 to index
      %get3A_2213 = arith.constant 32 : index
      %get3A_2214 = tpu.vector_load %arg8[%get3A_2211, %get3A_2212, %get3A_2213] {strides = array<i32>} : memref<16x16x51xf32, #tpu.memory_space<vmem>>, vector<16xf32>,
      %mul3A_2215 = arith.constant 1.000000e+03 : f32
      %mul3A_2216 = vector.broadcast %mul3A_2215 : f32 to vector<16xf32>
      %mul3A_2217 = arith.mulf %get3A_2207, %mul3A_2216 : vector<16xf32>
      %sub3A_2218 = arith.subf %get3A_2214, %get3A_2207 : vector<16xf32>
      %mul3A_2219 = vector.broadcast %squeeze3A_2152 : f32 to vector<16xf32>
      %mul3A_2220 = arith.mulf %sub3A_2218, %mul3A_2219 : vector<16xf32>
      %add3A_2221 = arith.addf %mul3A_2217, %mul3A_2220 : vector<16xf32>
      %add3A_2222 = arith.constant 960 : i32
      %add3A_2223 = arith.addi %mul3A_305, %add3A_2222 : i32
      %add3A_2224 = arith.constant 32 : i32
      %add3A_2225 = arith.addi %add3A_2223, %add3A_2224 : i32
      %swap3A_2226 = arith.index_cast %add3A_2225 : i32 to index
      %swap3A_2227 = tpu.vector_load %arg9[%swap3A_2226] {strides = array<i32>} : memref<32768xf32, #tpu.memory_space<vmem>>, vector<16xf32>,
      tpu.vector_store %arg9[%swap3A_2226], %add3A_2221 {strides = array<i32>} : memref<32768xf32, #tpu.memory_space<vmem>>, vector<16xf32>,
      %get3A_2228 = arith.constant 15 : i32
      %get3A_2229 = arith.index_cast %get3A_2228 : i32 to index
      %get3A_2230 = arith.index_cast %sub3A_2140 : i32 to index
      %get3A_2231 = arith.constant 35 : index
      %get3A_2232 = tpu.vector_load %arg8[%get3A_2229, %get3A_2230, %get3A_2231] {strides = array<i32>} : memref<16x16x51xf32, #tpu.memory_space<vmem>>, vector<16xf32>,
      %add3A_2233 = arith.constant 1 : i32
      %add3A_2234 = arith.addi %sub3A_2140, %add3A_2233 : i32
      %get3A_2235 = arith.constant 15 : i32
      %get3A_2236 = arith.index_cast %get3A_2235 : i32 to index
      %get3A_2237 = arith.index_cast %add3A_2234 : i32 to index
      %get3A_2238 = arith.constant 35 : index
      %get3A_2239 = tpu.vector_load %arg8[%get3A_2236, %get3A_2237, %get3A_2238] {strides = array<i32>} : memref<16x16x51xf32, #tpu.memory_space<vmem>>, vector<16xf32>,
      %mul3A_2240 = arith.constant 1.000000e+03 : f32
      %mul3A_2241 = vector.broadcast %mul3A_2240 : f32 to vector<16xf32>
      %mul3A_2242 = arith.mulf %get3A_2232, %mul3A_2241 : vector<16xf32>
      %sub3A_2243 = arith.subf %get3A_2239, %get3A_2232 : vector<16xf32>
      %mul3A_2244 = vector.broadcast %squeeze3A_2152 : f32 to vector<16xf32>
      %mul3A_2245 = arith.mulf %sub3A_2243, %mul3A_2244 : vector<16xf32>
      %add3A_2246 = arith.addf %mul3A_2242, %mul3A_2245 : vector<16xf32>
      %iota3A_2247 = tpu.iota {dimensions = array<i32: 0>} : vector<16xi32>
      %add3A_2248 = arith.constant 960 : i32
      %add3A_2249 = arith.addi %mul3A_305, %add3A_2248 : i32
      %add3A_2250 = arith.constant 51 : i32
      %add3A_2251 = arith.addi %add3A_2249, %add3A_2250 : i32
      %sub3A_2252 = arith.constant 16 : i32
      %sub3A_2253 = arith.subi %add3A_2251, %sub3A_2252 : i32
      %add3A_2254 = vector.broadcast %sub3A_2253 : i32 to vector<16xi32>
      %add3A_2255 = arith.addi %iota3A_2247, %add3A_2254 : vector<16xi32>
      tpu.vector_store_idx %arg9[%add3A_2255], %add3A_2246 : memref<32768xf32, #tpu.memory_space<vmem>>[vector<16xi32>], vector<16xf32>,
    }
    %scan3A_11 = arith.constant 32 : i32
    %mul3A_12 = arith.constant 64 : i32
    %mul3A_13 = arith.muli %mul3A_2, %mul3A_12 : i32
    "tpu.region"() ({
      %run_scoped3A = tpu.sem_alloc : memref<!tpu.dma_semaphore, #tpu.memory_space<semaphore_mem>>
      %dma_start3A = tpu.memref_slice %arg4[%mul3A_13] : memref<1048576xf32, #tpu.memory_space<hbm>> -> memref<32768xf32, #tpu.memory_space<hbm>>
      %dma_start3A_14 = tpu.memref_slice %arg4[%mul3A_13] : memref<1048576xf32, #tpu.memory_space<hbm>> -> memref<32768xf32, #tpu.memory_space<hbm>>
      tpu.enqueue_dma source(%arg9 : memref<32768xf32, #tpu.memory_space<vmem>>) target(%dma_start3A_14 : memref<32768xf32, #tpu.memory_space<hbm>>) target_semaphore(%run_scoped3A : memref<!tpu.dma_semaphore, #tpu.memory_space<semaphore_mem>>)
      %dma_wait3A = tpu.memref_slice %arg4[%mul3A_13] : memref<1048576xf32, #tpu.memory_space<hbm>> -> memref<32768xf32, #tpu.memory_space<hbm>>
      %dma_wait3A_15 = tpu.memref_slice %arg4[%mul3A_13] : memref<1048576xf32, #tpu.memory_space<hbm>> -> memref<32768xf32, #tpu.memory_space<hbm>>
      tpu.wait_dma2 semaphore(%run_scoped3A : memref<!tpu.dma_semaphore, #tpu.memory_space<semaphore_mem>>) src(%arg9 : memref<32768xf32, #tpu.memory_space<vmem>>) dst(%dma_wait3A_15 : memref<32768xf32, #tpu.memory_space<hbm>>)
      tpu.yield
    }) : () -> ()
    return
  }
}

</mosaic_0001>

<sc_bundles>
// kernel: kernel.3.cloned.1.call-start
scs
__scs_entry_jumppad:
0x0: {  	(pc) =	sbr.rel $0x88, $3  }
0x1: {  	(tag) =	ssettag $0x0;
	lr =	simm.s32 $0x1  }
0x2: {  	[smem:$0x3F9F] =	sst lr;
	_ =	strace $0xD0000000  }
0x3: {  	_ = 	snop  }
0x4: {  	_ = 	snop  }
0x5: {  	_ = 	snop  }
0x6: {  	_ = 	snop  }
0x7: {  	_ = 	snop  }
__scs_overlays_trampoline_lowered:
0x8: {  	[smem:$0x3FAE] =	sst s0  }
0x9: {  	[smem:$0x3FAF] =	sst s1  }
0xa: {  	[smem:$0x3FB0] =	sst s2  }
0xb: {  	[smem:$0x3FB1] =	sst s3  }
0xc: {  	[smem:$0x3FB2] =	sst s4  }
0xd: {  	[smem:$0x3FB3] =	sst s5  }
0xe: {  	[smem:$0x3FB4] =	sst s6  }
0xf: {  	[smem:$0x3FB5] =	sst s7  }
0x10: {  	[smem:$0x3FB6] =	sst s8  }
0x11: {  	[smem:$0x3FB7] =	sst s9;
	s0 =	simm.s32 @!p0 $0x0  }
0x12: {  	s1 =	sld [smem:$0x3F9D];
	s0 =	simm.s32 @p0 $0x1  }
0x13: {  	[smem:$0x3FB8] =	sst s0;
	s0 =	simm.s32 @!p1 $0x0  }
0x14: {  	s2 =	sld [smem:$0x3F9C];
	s0 =	simm.s32 @p1 $0x1  }
0x15: {  	[smem:$0x3FB9] =	sst s0;
	s0 =	simm.s32 @!p2 $0x0  }
0x16: {  	s3 =	sld [smem:$0x3FDB];
	s0 =	simm.s32 @p2 $0x1  }
0x17: {  	s4 =	simm.s32 $0x1BF5;
	[smem:$0x3FBB] =	sst s0  }
0x18: {  	s0 =	sld [smem:$0x3F9E];
	_ =	swait.ge [sflag:s4], $0x0  }
0x19: {  	s7 =	sld [smem:$0x3F9F]  }
0x1a: {  	s8 =	sadd.s32 $0xFFFFE003, lr  }
0x1b: {  	s9 =	sadd.s32 $0xFFFFFEF7, lr;
	s5 =	simm.s32 $0xFFFFFFFF;
	p2 =	slt.u32 s8, $0xFFFFF086  }
0x1c: {  	p1 =	slt.u32 s9, $0xF7A;
	s5 =	simm.s32 @!p2 $0x0  }
0x1d: {  	s5 =	simm.s32 @p1 $0x1;
	p0 =	seq.s32 s7, s2  }
0x1e: {  	s7 =	smul.u32 @!p0 $0xF7A, s2;
	p2 =	seq.s32 @!p0 s5, $0x0  }
0x1f: {  	s9 =	smul.u32 $0xF7A, s1;
	s8 =	simm.s32 @!p0 $0x1BF5;
	p2 =	por !p2, p0  }
0x20: {  	[sflag:s8] =	ssyncset.s32 @!p0 $0xFFFFF086;
	s6 =	sadd.s32 @!p0 s3, s7;
	s7 =	simm.s32 @!p0 $0x108  }
0x21: {  	s3 =	sadd.s32 s3, s9;
	s6 =	sadd.s32 @!p0 $0x88, s6;
	s7 =	simm.s32 @p2 $0x1082  }
0x22: {  	[simem:s7], [sflag:s8] =	dma.local @!p0 [hbm:s6], $0xF7A  }
0x23: {  	s9 =	sor.u32 $0xD0000000, s2;
	s6 =	simm.s32 $0x108;
	_ =	swait.ge @!p0 [sflag:s8], $0x0  }
0x24: {  	s3 =	sadd.s32 $0x88, s3;
	s6 =	simm.s32 @!p1 $0x1082;
	[sflag:s4] =	ssyncset.s32 $0xFFFFF086  }
0x25: {  	[simem:s6], [sflag:s4] =	dma.local [hbm:s3], $0xF7A  }
0x26: {  	[smem:$0x3F9F] =	sst s1;
	(tag) =	ssettag s2;
	_ =	strace s9  }
0x27: {  	s1 =	sld [smem:$0x3FAF]  }
0x28: {  	s2 =	sld [smem:$0x3FB0]  }
0x29: {  	s4 =	sld [smem:$0x3FB2]  }
0x2a: {  	p0 =	seq.s32 s5, $0x0;
	s5 =	sld [smem:$0x3FB3]  }
0x2b: {  	s6 =	sld [smem:$0x3FB4]  }
0x2c: {  	s7 =	sld [smem:$0x3FB5]  }
0x2d: {  	s3 =	simm.s32 $0x108;
	s8 =	sld [smem:$0x3FB6]  }
0x2e: {  	s3 =	simm.s32 @!p0 $0x1082;
	s9 =	sld [smem:$0x3FB7]  }
0x2f: {  	lr =	sadd.s32 s0, s3;
	s0 =	sld [smem:$0x3FAE]  }
0x30: {  	s3 =	sld [smem:$0x3FB1]  }
0x31: {  	[smem:$0x3FBA] =	sst s10  }
0x32: {  	s10 =	sld [smem:$0x3FB8];
	_ =	sdelay $0x3  }
0x33: {  	p0 =	seq.s32 s10, $0x1;
	s10 =	sld [smem:$0x3FBA];
	_ =	sdelay $0x3  }
0x34: {  	[smem:$0x3FBA] =	sst s10  }
0x35: {  	s10 =	sld [smem:$0x3FB9];
	_ =	sdelay $0x3  }
0x36: {  	p1 =	seq.s32 s10, $0x1;
	s10 =	sld [smem:$0x3FBA];
	_ =	sdelay $0x3  }
0x37: {  	[smem:$0x3FBA] =	sst s10  }
0x38: {  	s10 =	sld [smem:$0x3FBB]  }
0x39: {  	_ = 	snop;
	(pc) =	sbr.ind lr, $3  }
0x3a: {  	_ = 	snop  }
0x3b: {  	_ = 	snop  }
0x3c: {  	p2 =	seq.s32 s10, $0x1;
	s10 =	sld [smem:$0x3FBA]  }
0x3d: {  	_ =	shalt  }
0x3e: {  	_ =	shalt  }
0x3f: {  	_ =	shalt  }
0x40: {  	_ =	shalt  }
0x41: {  	_ =	shalt  }
0x42: {  	_ =	shalt  }
0x43: {  	_ =	shalt  }
0x44: {  	_ =	shalt  }
0x45: {  	_ =	shalt  }
0x46: {  	_ =	shalt  }
0x47: {  	_ =	shalt  }
0x48: {  	_ =	shalt  }
0x49: {  	_ =	shalt  }
0x4a: {  	_ =	shalt  }
0x4b: {  	_ =	shalt  }
0x4c: {  	_ =	shalt  }
0x4d: {  	_ =	shalt  }
0x4e: {  	_ =	shalt  }
0x4f: {  	_ =	shalt  }
0x50: {  	_ =	shalt  }
0x51: {  	_ =	shalt  }
0x52: {  	_ =	shalt  }
0x53: {  	_ =	shalt  }
0x54: {  	_ =	shalt  }
0x55: {  	_ =	shalt  }
0x56: {  	_ =	shalt  }
0x57: {  	_ =	shalt  }
0x58: {  	_ =	shalt  }
0x59: {  	_ =	shalt  }
0x5a: {  	_ =	shalt  }
0x5b: {  	_ =	shalt  }
0x5c: {  	_ =	shalt  }
0x5d: {  	_ =	shalt  }
0x5e: {  	_ =	shalt  }
0x5f: {  	_ =	shalt  }
0x60: {  	_ =	shalt  }
0x61: {  	_ =	shalt  }
0x62: {  	_ =	shalt  }
0x63: {  	_ =	shalt  }
0x64: {  	_ =	shalt  }
0x65: {  	_ =	shalt  }
0x66: {  	_ =	shalt  }
0x67: {  	_ =	shalt  }
0x68: {  	_ =	shalt  }
0x69: {  	_ =	shalt  }
0x6a: {  	_ =	shalt  }
0x6b: {  	_ =	shalt  }
0x6c: {  	_ =	shalt  }
0x6d: {  	_ =	shalt  }
0x6e: {  	_ =	shalt  }
0x6f: {  	_ =	shalt  }
0x70: {  	_ =	shalt  }
0x71: {  	_ =	shalt  }
0x72: {  	_ =	shalt  }
0x73: {  	_ =	shalt  }
0x74: {  	_ =	shalt  }
0x75: {  	_ =	shalt  }
0x76: {  	_ =	shalt  }
0x77: {  	_ =	shalt  }
0x78: {  	_ =	shalt  }
0x79: {  	_ =	shalt  }
0x7a: {  	_ =	shalt  }
0x7b: {  	_ =	shalt  }
0x7c: {  	_ =	shalt  }
0x7d: {  	_ =	shalt  }
0x7e: {  	_ =	shalt  }
0x7f: {  	_ =	shalt  }
0x80: {  	_ =	shalt  }
0x81: {  	_ =	shalt  }
0x82: {  	_ =	shalt  }
0x83: {  	_ =	shalt  }
0x84: {  	_ =	shalt  }
0x85: {  	_ =	shalt  }
0x86: {  	_ =	shalt  }
0x87: {  	_ =	shalt  }
.Lfunc_end0:
.L_simem_size_0:
called_computation_lowered:
.L_overlay_start_0:
0x88: {  	s2 =	sld [smem:$0x3FD9]  }
0x89: {  	s3 =	sld [smem:$0x3FFE];
	_ =	sdelay $0x1  }
0x8a: {  	s1 =	srdreg.scid  }
0x8b: {  	s0 =	sand.u32 $0x1, s1  }
0x8c: {  	s17 =	sshll.u32 s0, $0xA;
	s2 =	sadd.s32 s3, s2  }
0x8d: {  	s2 =	sadd.s32 s2, s17  }
0x8e: {  	[smem:$0x3FC6] =	sst s2  }
0x8f: {  	_ = 	snop  }
0x90: {  	s2 =	sld [smem:$0x3FC9]  }
0x91: {  	s18 =	sld [smem:$0x3FD0];
	(tm) =	ssettm $0x1  }
0x92: {  	s4 =	sld [smem:$0x3FFB];
	_ =	sdelay $0x3  }
0x93: {  	_ =	strace s4  }
0x94: {  	s4 =	sld [smem:$0x3FFC];
	_ =	sdelay $0x3  }
0x95: {  	_ =	strace s4  }
0x96: {  	s4 =	sld [smem:$0x3FFD];
	_ =	sdelay $0x3  }
0x97: {  	_ =	strace s4  }
0x98: {  	_ =	strace $0x8FFFFFFF  }
0x99: {  	s19 =	sld [smem:$0x3FDB];
	_ =	sdelay $0x1  }
0x9a: {  	s5 =	simm.s32 $_scs_section_size  }
0x9b: {  	s6 =	simm.s32 $_size__tile_overlayer_lowered;
	s7 =	simm.s32 $_tile_overlayer_lowered  }
0x9c: {  	s22 =	simm.s32 $0x1BFF;
	s21 =	sshll.u32 s7, $0x1;
	s4 =	sadd.s32 s5, s19  }
0x9d: {  	s8 =	simm.s32 $0x0;
	s20 =	sshll.u32 s6, $0x1;
	s6 =	sadd.s32 s21, s4  }
0x9e: {  	[timem:s8], [sflag:s22] =	dma.local [hbm:s6], s20  }
0x9f: {  	_ =	swait.ge [sflag:s22], s20  }
0xa0: {  	s5 =	ssub.s32 $0x0, s20;
	[sflag:s22] =	ssyncset.done $0x0  }
0xa1: {  	[sflag:s22] =	ssyncadd.s32 s5;
	_ =	sdelay $0x1  }
0xa2: {  	s23 =	simm.s32 $0x1B8B  }
0xa3: {  	_ =	swait.ge [sflag:s23], $0x1  }
0xa4: {  	[sflag:s23] =	ssyncset.done $0x0  }
0xa5: {  	s25 =	simm.s32 $0x1B8E;
	s24 =	sld [smem:$0x3FFE];
	[sflag:s23] =	ssyncadd.s32 $0xFFFFFFFF  }
0xa6: {  	s26 =	simm.s32 $execute0_lowered;
	[smem:$0x3FD2] =	sst s25  }
0xa7: {  	s6 =	sshll.u32 s26, $0x1;
	_ =	strace $0x80000046;
	[dreg:$0x1] =	wrdreg $0xFFFFFFFF  }
0xa8: {  	s28 =	simm.s32 $_size_execute0_lowered;
	s4 =	sadd.s32 s4, s6;
	[dreg:$0x0] =	wrdreg $0x0  }
0xa9: {  	s6 =	sshll.u32 s28, $0x1;
	[dreg:$0x2] =	wrdreg s4  }
0xaa: {  	[dreg:$0x3] =	wrdreg s6  }
0xab: {  	[dreg:$0x4] =	wrdreg $0xC0  }
0xac: {  	_ =	task [dreg:s8], $0x5FFFF  }
0xad: {  	[dreg:$0x1] =	wrdreg $0xFFFFFFFF  }
0xae: {  	[dreg:$0x0] =	wrdreg $0x60  }
0xaf: {  	[dreg:$0x2] =	wrdreg s2  }
0xb0: {  	[dreg:$0x3] =	wrdreg s24  }
0xb1: {  	[dreg:$0x4] =	wrdreg s18  }
0xb2: {  	[dreg:$0x5] =	wrdreg $0x9  }
0xb3: {  	_ =	task.clear_ibuf [dreg:s8], $0x6FFFF;
	_ =	strace $0x90000046  }
0xb4: {  	s29 =	simm.s32 $0x9;
	_ =	strace $0x80000048  }
0xb5: {  	_ =	swait.ge [sflag:s29], $0x1  }
0xb6: {  	[sflag:s29] =	ssyncadd.s32 $0xFFFFFFFF  }
0xb7: {  	_ =	strace $0x90000048  }
0xb8: {  	_ =	sfence  }
0xb9: {  	s30 =	sld [smem:$0x0];
	_ =	sdelay $0x2  }
0xba: {  	s31 =	sshll.u32 s1, $0xD;
	s1 =	sshrl.u32 s1, $0x2  }
0xbb: {  	s3 =	sand.u32 $0x4000, s31;
	s1 =	sadd.s32 s1, s30  }
0xbc: {  	s0 =	sor.u32 s3, s0;
	s1 =	sshll.u32 s1, $0x11  }
0xbd: {  	s0 =	sor.u32 s1, s0  }
0xbe: {  	s0 =	sadd.s32 $0x8F2B, s0  }
0xbf: {  	[sflag:s0] =	ssyncadd.remote.s32 $0x1  }
0xc0: {  	_ =	sfence.sel $0xFFFF  }
0xc1: {  	[dreg:$0x0] =	wrdreg $0xFFFFFFFF;
	(pc) =	sbr.abs _section_cstart, $3  }
0xc2: {  	[dreg:$0x1] =	wrdreg $0xFFFFFFFF  }
0xc3: {  	_ =	task.clear_ibuf [dreg:s8], $0x2FFFF;
	_ =	strace $0x9FFFFFFF  }
0xc4: {  	(tm) =	ssettm $0x7FFFFFFF  }
0xc5: {  	_ =	shalt  }
tec
execute0_lowered:
.L_overlay_start_1:
0x0: {  	(tag) =	ssettag $0x1  }
0x1: {  	s4 =	rddreg [dreg:$0x0]  }
0x2: {  	s3 =	rddreg [dreg:$0x1]  }
0x3: {  	s5 =	rddreg [dreg:$0x2]  }
0x4: {  	s0 =	rddreg [dreg:$0x3];
	s2 =	simm.s32 $0x0;
	s6 =	srdreg.scid  }
0x5: {  	s1 =	stileid.u32;
	[smem:$0x7FF] =	sst s2;
	s6 =	sand.u32 $0x1, s6  }
0x6: {  	s8 =	sshll.u32 s1, $0x1;
	s3 =	sadd.s32 $0x400, s3;
	s7 =	ssub.s32 $0x2, s6  }
0x7: {  	_ =	strace $0x80000047;
	s6 =	sor.u32 s6, s8;
	s9 =	sshrl.u32 s7, $0x1  }
0x8: {  	s8 =	sshll.u32 s6, $0x6;
	s6 =	sshll.u32 s6, $0xC;
	s7 =	ssub.s32 s7, s9  }
0x9: {  	s4 =	sadd.s32 s4, s8;
	s5 =	sadd.s32 s5, s6;
	s8 =	simm.s32 $0x8600  }
0xa: {  	v0 =	vimm.s32 $0x0;
	v1 =	vlaneseq.u32;
	s9 =	simm.s32 $0x0;
	s6 =	smax.u32 s7, $0x1;
	s7 =	simm.s32 $0x11  }
.LBB2_1:
0xb: {  	[tilespmem:s2], [sflag:$0x11] =	stream.linear.gather [hbm4b:s4+s2], $0x200, $0x38;
	[tilespmem:$0x10600] =	vst v63  }
0xc: {  	_ =	swait.ge [sflag:s7], $0x200  }
0xd: {  	[sflag:s7] =	ssyncset.done $0x0  }
0xe: {  	s10 =	simm.s32 $0x0;
	[sflag:s7] =	ssyncadd.s32 $0xFFFFFE00  }
0xf: {  	v2 =	vld [tilespmem:s10+$0x0];
	_ =	sdelay $0x4  }
0x10: {  	s11 =	simm.s32 $0x10;
	v3 =	vtrunc.f32 v2  }
0x11: {  	v4 =	vcvt.f32.s32 v3;
	vm0 =	vlt.f32 v2, v3;
	v3 =	vld [tilespmem:s11+$0x0]  }
0x12: {  	v5 =	vsel vm0, $0xFFFFFFFF, v0  }
0x13: {  	v5 =	vadd.s32 v4, v5  }
0x14: {  	v4 =	vcvt.s32.f32 v5  }
0x15: {  	s12 =	simm.s32 $0x80;
	[tilespmem:s10+$0x400] =	vst v5  }
.LBB2_2:
0x16: {  	s13 =	sshra.s32 s12, $0x2;
	p0 =	sne.s32 s12, $0x7C0;
	s12 =	sadd.s32 $0x40, s12;
	v5 =	vtrunc.f32 v3;
	v4 =	vsub.f32 v2, v4;
	v2 =	vmov v3  }
.Ltmp0:
0x17: {  	v3 =	vld [tilespmem:s13+$0x0];
	v6 =	vcvt.f32.s32 v5;
	vm0 =	vlt.f32 v2, v5;
	(pc) =	sbr.rel @p0 .LBB2_2-.Ltmp0, $4  }
0x18: {  	v5 =	vsel vm0, $0xFFFFFFFF, v0;
	v7 =	vmul.f32 $1.000000000e+03, v4  }
0x19: {  	v5 =	vadd.s32 v6, v5  }
0x1a: {  	v4 =	vcvt.s32.f32 v5;
	[tilespmem:s10+$0x200] =	vst v7;
	s10 =	smov.u32 s11;
	s11 =	smov.u32 s13  }
0x1b: {  	[tilespmem:s10+$0x400] =	vst v5  }
0x1c: {  	v5 =	vtrunc.f32 v3  }
0x1d: {  	v6 =	vcvt.f32.s32 v5;
	vm0 =	vlt.f32 v3, v5  }
0x1e: {  	v5 =	vsel vm0, $0xFFFFFFFF, v0  }
0x1f: {  	v5 =	vadd.s32 v6, v5  }
0x20: {  	v2 =	vsub.f32 v2, v4;
	v63 =	vcvt.s32.f32 v5;
	_ =	sdelay $0x1  }
0x21: {  	v2 =	vmul.f32 $1.000000000e+03, v2;
	v3 =	vsub.f32 v3, v63;
	_ =	sdelay $0x1  }
0x22: {  	[tilespmem:s10+$0x200] =	vst v2;
	v2 =	vmul.f32 $1.000000000e+03, v3  }
0x23: {  	s12 =	simm.s32 $0x400;
	[tilespmem:s11+$0x400] =	vst v5  }
0x24: {  	s13 =	simm.s32 $0x8800;
	s10 =	simm.s32 $0x3E3;
	[tilespmem:s11+$0x200] =	vst v2;
	s11 =	simm.s32 $0x200  }
.LBB2_4:
0x25: {  	v2 =	vld [tilespmem:s12+$0x0];
	_ =	sdelay $0x4  }
0x26: {  	(v2sf) =	vpush v2, $0x0;
	_ =	sdelay $0x7  }
0x27: {  	(v2sf) =	vpush v2, $0x1;
	_ =	sdelay $0x6  }
0x28: {  	s14 =	spop (v2sf)  }
0x29: {  	s15 =	sand.u32 $0xFFFFFFF8, s14  }
0x2a: {  	(v2sf) =	vpush v2, $0x2;
	p0 =	slt.s32 s15, $0xF4230  }
0x2b: {  	s15 =	simm.s32 @!p0 $0xF4230  }
0x2c: {  	s14 =	ssub.s32 s14, s15  }
0x2d: {  	s17 =	sshll.u32 s15, $0x4;
	p0 =	sgt.s32 s14, $0x6  }
0x2e: {  	s14 =	sadd.s32 s3, s17;
	s15 =	simm.s32 @p0 $0x0;
	s16 =	simm.s32 @p0 $0x600  }
0x2f: {  	[tilespmem:s16], [sflag:$0x1] =	stream.linear.gather @p0 [hbm4b:s14+s15], $0x800, $0x38;
	[tilespmem:$0x10600] =	vst v63  }
0x30: {  	s18 =	spop (v2sf);
	s15 =	simm.s32 @!p0 $0x0;
	s16 =	simm.s32 @!p0 $0x600  }
0x31: {  	[tilespmem:s16], [sflag:$0x1] =	stream.linear.gather @!p0 [hbm4b:s14+s15], $0x400, $0x38;
	[tilespmem:$0x10600] =	vst v63  }
0x32: {  	s15 =	sand.u32 $0xFFFFFFF8, s18  }
0x33: {  	(v2sf) =	vpush v2, $0x3;
	p0 =	slt.s32 s15, $0xF4230  }
0x34: {  	s15 =	simm.s32 @!p0 $0xF4230  }
0x35: {  	s14 =	ssub.s32 s18, s15  }
0x36: {  	s19 =	sshll.u32 s15, $0x4;
	p0 =	sgt.s32 s14, $0x6  }
0x37: {  	s14 =	sadd.s32 s3, s19;
	s15 =	simm.s32 @p0 $0x0;
	s16 =	simm.s32 @p0 $0xE00  }
0x38: {  	[tilespmem:s16], [sflag:$0x2] =	stream.linear.gather @p0 [hbm4b:s14+s15], $0x800, $0x38;
	[tilespmem:$0x10600] =	vst v63  }
0x39: {  	s15 =	simm.s32 @!p0 $0x0;
	s16 =	simm.s32 @!p0 $0xE00;
	s20 =	spop (v2sf)  }
0x3a: {  	[tilespmem:s16], [sflag:$0x2] =	stream.linear.gather @!p0 [hbm4b:s14+s15], $0x400, $0x38;
	[tilespmem:$0x10600] =	vst v63  }
0x3b: {  	s15 =	sand.u32 $0xFFFFFFF8, s20  }
0x3c: {  	(v2sf) =	vpush v2, $0x4;
	p0 =	slt.s32 s15, $0xF4230  }
0x3d: {  	s15 =	simm.s32 @!p0 $0xF4230  }
0x3e: {  	s14 =	ssub.s32 s20, s15  }
0x3f: {  	s21 =	sshll.u32 s15, $0x4;
	p0 =	sgt.s32 s14, $0x6  }
0x40: {  	s14 =	sadd.s32 s3, s21;
	s15 =	simm.s32 @p0 $0x0;
	s16 =	simm.s32 @p0 $0x1600  }
0x41: {  	[tilespmem:s16], [sflag:$0x3] =	stream.linear.gather @p0 [hbm4b:s14+s15], $0x800, $0x38;
	[tilespmem:$0x10600] =	vst v63  }
0x42: {  	s22 =	spop (v2sf);
	s15 =	simm.s32 @!p0 $0x0;
	s16 =	simm.s32 @!p0 $0x1600  }
0x43: {  	[tilespmem:s16], [sflag:$0x3] =	stream.linear.gather @!p0 [hbm4b:s14+s15], $0x400, $0x38;
	[tilespmem:$0x10600] =	vst v63  }
0x44: {  	s15 =	sand.u32 $0xFFFFFFF8, s22  }
0x45: {  	(v2sf) =	vpush v2, $0x5;
	p0 =	slt.s32 s15, $0xF4230  }
0x46: {  	s15 =	simm.s32 @!p0 $0xF4230  }
0x47: {  	s14 =	ssub.s32 s22, s15  }
0x48: {  	s23 =	sshll.u32 s15, $0x4;
	p0 =	sgt.s32 s14, $0x6  }
0x49: {  	s14 =	sadd.s32 s3, s23;
	s15 =	simm.s32 @p0 $0x0;
	s16 =	simm.s32 @p0 $0x1E00  }
0x4a: {  	[tilespmem:s16], [sflag:$0x4] =	stream.linear.gather @p0 [hbm4b:s14+s15], $0x800, $0x38;
	[tilespmem:$0x10600] =	vst v63  }
0x4b: {  	s24 =	spop (v2sf);
	s15 =	simm.s32 @!p0 $0x0;
	s16 =	simm.s32 @!p0 $0x1E00  }
0x4c: {  	[tilespmem:s16], [sflag:$0x4] =	stream.linear.gather @!p0 [hbm4b:s14+s15], $0x400, $0x38;
	[tilespmem:$0x10600] =	vst v63  }
0x4d: {  	s15 =	sand.u32 $0xFFFFFFF8, s24  }
0x4e: {  	(v2sf) =	vpush v2, $0x6;
	p0 =	slt.s32 s15, $0xF4230  }
0x4f: {  	s15 =	simm.s32 @!p0 $0xF4230  }
0x50: {  	s14 =	ssub.s32 s24, s15  }
0x51: {  	s25 =	sshll.u32 s15, $0x4;
	p0 =	sgt.s32 s14, $0x6  }
0x52: {  	s14 =	sadd.s32 s3, s25;
	s15 =	simm.s32 @p0 $0x0;
	s16 =	simm.s32 @p0 $0x2600  }
0x53: {  	[tilespmem:s16], [sflag:$0x5] =	stream.linear.gather @p0 [hbm4b:s14+s15], $0x800, $0x38;
	[tilespmem:$0x10600] =	vst v63  }
0x54: {  	s26 =	spop (v2sf);
	s15 =	simm.s32 @!p0 $0x0;
	s16 =	simm.s32 @!p0 $0x2600  }
0x55: {  	[tilespmem:s16], [sflag:$0x5] =	stream.linear.gather @!p0 [hbm4b:s14+s15], $0x400, $0x38;
	[tilespmem:$0x10600] =	vst v63  }
0x56: {  	s15 =	sand.u32 $0xFFFFFFF8, s26  }
0x57: {  	(v2sf) =	vpush v2, $0x7;
	p0 =	slt.s32 s15, $0xF4230  }
0x58: {  	s15 =	simm.s32 @!p0 $0xF4230  }
0x59: {  	s14 =	ssub.s32 s26, s15  }
0x5a: {  	s28 =	sshll.u32 s15, $0x4;
	p0 =	sgt.s32 s14, $0x6  }
0x5b: {  	s14 =	sadd.s32 s3, s28;
	s15 =	simm.s32 @p0 $0x0;
	s16 =	simm.s32 @p0 $0x2E00  }
0x5c: {  	[tilespmem:s16], [sflag:$0x6] =	stream.linear.gather @p0 [hbm4b:s14+s15], $0x800, $0x38;
	[tilespmem:$0x10600] =	vst v63  }
0x5d: {  	s29 =	spop (v2sf);
	s15 =	simm.s32 @!p0 $0x0;
	s16 =	simm.s32 @!p0 $0x2E00  }
0x5e: {  	[tilespmem:s16], [sflag:$0x6] =	stream.linear.gather @!p0 [hbm4b:s14+s15], $0x400, $0x38;
	[tilespmem:$0x10600] =	vst v63  }
0x5f: {  	s15 =	sand.u32 $0xFFFFFFF8, s29  }
0x60: {  	p0 =	slt.s32 s15, $0xF4230  }
0x61: {  	s15 =	simm.s32 @!p0 $0xF4230  }
0x62: {  	(v2sf) =	vpush v2, $0x8;
	s14 =	ssub.s32 s29, s15  }
0x63: {  	s30 =	sshll.u32 s15, $0x4;
	p0 =	sgt.s32 s14, $0x6  }
0x64: {  	s14 =	sadd.s32 s3, s30;
	s15 =	simm.s32 @p0 $0x0;
	s16 =	simm.s32 @p0 $0x3600  }
0x65: {  	[tilespmem:s16], [sflag:$0x7] =	stream.linear.gather @p0 [hbm4b:s14+s15], $0x800, $0x38;
	[tilespmem:$0x10600] =	vst v63  }
0x66: {  	s31 =	spop (v2sf);
	s15 =	simm.s32 @!p0 $0x0;
	s16 =	simm.s32 @!p0 $0x3600  }
0x67: {  	[tilespmem:s16], [sflag:$0x7] =	stream.linear.gather @!p0 [hbm4b:s14+s15], $0x400, $0x38;
	[tilespmem:$0x10600] =	vst v63  }
0x68: {  	s15 =	sand.u32 $0xFFFFFFF8, s31  }
0x69: {  	p0 =	slt.s32 s15, $0xF4230  }
0x6a: {  	(v2sf) =	vpush v2, $0x9;
	s15 =	simm.s32 @!p0 $0xF4230  }
0x6b: {  	s14 =	ssub.s32 s31, s15  }
0x6c: {  	s15 =	sshll.u32 s15, $0x4;
	p0 =	sgt.s32 s14, $0x6  }
0x6d: {  	s14 =	sadd.s32 s3, s15;
	s15 =	simm.s32 @p0 $0x0;
	s16 =	simm.s32 @p0 $0x3E00  }
0x6e: {  	[tilespmem:s16], [sflag:$0x8] =	stream.linear.gather @p0 [hbm4b:s14+s15], $0x800, $0x38;
	[tilespmem:$0x10600] =	vst v63  }
0x6f: {  	s15 =	simm.s32 @!p0 $0x0;
	s16 =	simm.s32 @!p0 $0x3E00  }
0x70: {  	[tilespmem:s16], [sflag:$0x8] =	stream.linear.gather @!p0 [hbm4b:s14+s15], $0x400, $0x38;
	[tilespmem:$0x10600] =	vst v63  }
0x71: {  	s16 =	spop (v2sf)  }
0x72: {  	s15 =	sand.u32 $0xFFFFFFF8, s16  }
0x73: {  	(v2sf) =	vpush v2, $0xA;
	p0 =	slt.s32 s15, $0xF4230  }
0x74: {  	s15 =	simm.s32 @!p0 $0xF4230  }
0x75: {  	s14 =	ssub.s32 s16, s15  }
0x76: {  	s17 =	sshll.u32 s15, $0x4;
	p0 =	sgt.s32 s14, $0x6  }
0x77: {  	s14 =	sadd.s32 s3, s17;
	s15 =	simm.s32 @p0 $0x0;
	s16 =	simm.s32 @p0 $0x4600  }
0x78: {  	[tilespmem:s16], [sflag:$0x9] =	stream.linear.gather @p0 [hbm4b:s14+s15], $0x800, $0x38;
	[tilespmem:$0x10600] =	vst v63  }
0x79: {  	s18 =	spop (v2sf);
	s15 =	simm.s32 @!p0 $0x0;
	s16 =	simm.s32 @!p0 $0x4600  }
0x7a: {  	[tilespmem:s16], [sflag:$0x9] =	stream.linear.gather @!p0 [hbm4b:s14+s15], $0x400, $0x38;
	[tilespmem:$0x10600] =	vst v63  }
0x7b: {  	s15 =	sand.u32 $0xFFFFFFF8, s18  }
0x7c: {  	(v2sf) =	vpush v2, $0xB;
	p0 =	slt.s32 s15, $0xF4230  }
0x7d: {  	s15 =	simm.s32 @!p0 $0xF4230  }
0x7e: {  	s14 =	ssub.s32 s18, s15  }
0x7f: {  	s19 =	sshll.u32 s15, $0x4;
	p0 =	sgt.s32 s14, $0x6  }
0x80: {  	s14 =	sadd.s32 s3, s19;
	s15 =	simm.s32 @p0 $0x0;
	s16 =	simm.s32 @p0 $0x4E00  }
0x81: {  	[tilespmem:s16], [sflag:$0xA] =	stream.linear.gather @p0 [hbm4b:s14+s15], $0x800, $0x38;
	[tilespmem:$0x10600] =	vst v63  }
0x82: {  	s15 =	simm.s32 @!p0 $0x0;
	s16 =	simm.s32 @!p0 $0x4E00;
	s20 =	spop (v2sf)  }
0x83: {  	[tilespmem:s16], [sflag:$0xA] =	stream.linear.gather @!p0 [hbm4b:s14+s15], $0x400, $0x38;
	[tilespmem:$0x10600] =	vst v63  }
0x84: {  	s15 =	sand.u32 $0xFFFFFFF8, s20  }
0x85: {  	(v2sf) =	vpush v2, $0xC;
	p0 =	slt.s32 s15, $0xF4230  }
0x86: {  	s15 =	simm.s32 @!p0 $0xF4230  }
0x87: {  	s14 =	ssub.s32 s20, s15  }
0x88: {  	s21 =	sshll.u32 s15, $0x4;
	p0 =	sgt.s32 s14, $0x6  }
0x89: {  	s14 =	sadd.s32 s3, s21;
	s15 =	simm.s32 @p0 $0x0;
	s16 =	simm.s32 @p0 $0x5600  }
0x8a: {  	[tilespmem:s16], [sflag:$0xB] =	stream.linear.gather @p0 [hbm4b:s14+s15], $0x800, $0x38;
	[tilespmem:$0x10600] =	vst v63  }
0x8b: {  	s22 =	spop (v2sf);
	s15 =	simm.s32 @!p0 $0x0;
	s16 =	simm.s32 @!p0 $0x5600  }
0x8c: {  	[tilespmem:s16], [sflag:$0xB] =	stream.linear.gather @!p0 [hbm4b:s14+s15], $0x400, $0x38;
	[tilespmem:$0x10600] =	vst v63  }
0x8d: {  	s15 =	sand.u32 $0xFFFFFFF8, s22  }
0x8e: {  	(v2sf) =	vpush v2, $0xD;
	p0 =	slt.s32 s15, $0xF4230  }
0x8f: {  	s15 =	simm.s32 @!p0 $0xF4230  }
0x90: {  	s14 =	ssub.s32 s22, s15  }
0x91: {  	s23 =	sshll.u32 s15, $0x4;
	p0 =	sgt.s32 s14, $0x6  }
0x92: {  	s14 =	sadd.s32 s3, s23;
	s15 =	simm.s32 @p0 $0x0;
	s16 =	simm.s32 @p0 $0x5E00  }
0x93: {  	[tilespmem:s16], [sflag:$0xC] =	stream.linear.gather @p0 [hbm4b:s14+s15], $0x800, $0x38;
	[tilespmem:$0x10600] =	vst v63  }
0x94: {  	s24 =	spop (v2sf);
	s15 =	simm.s32 @!p0 $0x0;
	s16 =	simm.s32 @!p0 $0x5E00  }
0x95: {  	[tilespmem:s16], [sflag:$0xC] =	stream.linear.gather @!p0 [hbm4b:s14+s15], $0x400, $0x38;
	[tilespmem:$0x10600] =	vst v63  }
0x96: {  	s15 =	sand.u32 $0xFFFFFFF8, s24  }
0x97: {  	(v2sf) =	vpush v2, $0xE;
	p0 =	slt.s32 s15, $0xF4230  }
0x98: {  	s15 =	simm.s32 @!p0 $0xF4230  }
0x99: {  	s14 =	ssub.s32 s24, s15  }
0x9a: {  	s25 =	sshll.u32 s15, $0x4;
	p0 =	sgt.s32 s14, $0x6  }
0x9b: {  	s14 =	sadd.s32 s3, s25;
	s15 =	simm.s32 @p0 $0x0;
	s16 =	simm.s32 @p0 $0x6600  }
0x9c: {  	[tilespmem:s16], [sflag:$0xD] =	stream.linear.gather @p0 [hbm4b:s14+s15], $0x800, $0x38;
	[tilespmem:$0x10600] =	vst v63  }
0x9d: {  	s26 =	spop (v2sf);
	s15 =	simm.s32 @!p0 $0x0;
	s16 =	simm.s32 @!p0 $0x6600  }
0x9e: {  	[tilespmem:s16], [sflag:$0xD] =	stream.linear.gather @!p0 [hbm4b:s14+s15], $0x400, $0x38;
	[tilespmem:$0x10600] =	vst v63  }
0x9f: {  	s15 =	sand.u32 $0xFFFFFFF8, s26  }
0xa0: {  	(v2sf) =	vpush v2, $0xF;
	p0 =	slt.s32 s15, $0xF4230  }
0xa1: {  	s15 =	simm.s32 @!p0 $0xF4230  }
0xa2: {  	s14 =	ssub.s32 s26, s15  }
0xa3: {  	s28 =	sshll.u32 s15, $0x4;
	p0 =	sgt.s32 s14, $0x6  }
0xa4: {  	s14 =	sadd.s32 s3, s28;
	s15 =	simm.s32 @p0 $0x0;
	s16 =	simm.s32 @p0 $0x6E00  }
0xa5: {  	[tilespmem:s16], [sflag:$0xE] =	stream.linear.gather @p0 [hbm4b:s14+s15], $0x800, $0x38;
	[tilespmem:$0x10600] =	vst v63  }
0xa6: {  	s29 =	spop (v2sf);
	s15 =	simm.s32 @!p0 $0x0;
	s16 =	simm.s32 @!p0 $0x6E00  }
0xa7: {  	[tilespmem:s16], [sflag:$0xE] =	stream.linear.gather @!p0 [hbm4b:s14+s15], $0x400, $0x38;
	[tilespmem:$0x10600] =	vst v63  }
0xa8: {  	s15 =	sand.u32 $0xFFFFFFF8, s29  }
0xa9: {  	p0 =	slt.s32 s15, $0xF4230  }
0xaa: {  	s15 =	simm.s32 @!p0 $0xF4230  }
0xab: {  	s14 =	ssub.s32 s29, s15  }
0xac: {  	s30 =	sshll.u32 s15, $0x4;
	p0 =	sgt.s32 s14, $0x6  }
0xad: {  	s14 =	sadd.s32 s3, s30;
	s15 =	simm.s32 @p0 $0x0;
	s16 =	simm.s32 @p0 $0x7600  }
0xae: {  	[tilespmem:s16], [sflag:$0xF] =	stream.linear.gather @p0 [hbm4b:s14+s15], $0x800, $0x38;
	[tilespmem:$0x10600] =	vst v63  }
0xaf: {  	s31 =	spop (v2sf);
	s15 =	simm.s32 @!p0 $0x0;
	s16 =	simm.s32 @!p0 $0x7600  }
0xb0: {  	[tilespmem:s16], [sflag:$0xF] =	stream.linear.gather @!p0 [hbm4b:s14+s15], $0x400, $0x38;
	[tilespmem:$0x10600] =	vst v63  }
0xb1: {  	s15 =	sand.u32 $0xFFFFFFF8, s31  }
0xb2: {  	p0 =	slt.s32 s15, $0xF4230  }
0xb3: {  	s15 =	simm.s32 @!p0 $0xF4230  }
0xb4: {  	s14 =	ssub.s32 s31, s15  }
0xb5: {  	s15 =	sshll.u32 s15, $0x4;
	p0 =	sgt.s32 s14, $0x6  }
0xb6: {  	s14 =	sadd.s32 s3, s15;
	s15 =	simm.s32 @p0 $0x0;
	s16 =	simm.s32 @p0 $0x7E00  }
0xb7: {  	[tilespmem:s16], [sflag:$0x10] =	stream.linear.gather @p0 [hbm4b:s14+s15], $0x800, $0x38;
	[tilespmem:$0x10600] =	vst v63  }
0xb8: {  	s15 =	simm.s32 @!p0 $0x0;
	s16 =	simm.s32 @!p0 $0x7E00  }
0xb9: {  	[tilespmem:s16], [sflag:$0x10] =	stream.linear.gather @!p0 [hbm4b:s14+s15], $0x400, $0x38;
	[tilespmem:$0x10600] =	vst v63  }
0xba: {  	v3 =	vld [tilespmem:s12+$0x0];
	_ =	sdelay $0x4  }
0xbb: {  	(v2sf) =	vpush v3, $0x0;
	_ =	sdelay $0xe  }
0xbc: {  	s16 =	spop (v2sf)  }
0xbd: {  	s15 =	sand.u32 $0xFFFFFFF8, s16  }
0xbe: {  	p0 =	slt.s32 s15, $0xF4230  }
0xbf: {  	s15 =	simm.s32 @!p0 $0xF4230  }
0xc0: {  	s14 =	ssub.s32 s16, s15  }
0xc1: {  	p0 =	sgt.s32 s14, $0x6  }
0xc2: {  	s15 =	simm.s32 @p0 $0x1  }
0xc3: {  	v2 =	vld [tilespmem:s11+$0x0];
	_ =	swait.ge @p0 [sflag:s15], $0x800  }
0xc4: {  	[sflag:s15] =	ssyncset.done @p0 $0x0  }
0xc5: {  	[sflag:s15] =	ssyncadd.s32 @p0 $0xFFFFF800;
	s15 =	simm.s32 @!p0 $0x1  }
0xc6: {  	_ =	swait.ge @!p0 [sflag:s15], $0x400  }
0xc7: {  	s14 =	sshll.u32 s14, $0x9;
	[sflag:s15] =	ssyncset.done @!p0 $0x0  }
0xc8: {  	s14 =	sshra.s32 s14, $0x2;
	[sflag:s15] =	ssyncadd.s32 @!p0 $0xFFFFFC00  }
0xc9: {  	v4 =	vld [tilespmem:s14+$0x600]  }
0xca: {  	v5 =	vld [tilespmem:s14+$0x680];
	_ =	sdelay $0x4  }
0xcb: {  	v6 =	vbroadcast v2, $0x0;
	v5 =	vsub.f32 v5, v4;
	_ =	sdelay $0x1  }
0xcc: {  	v4 =	vmul.f32 $1.000000000e+03, v4;
	v5 =	vmul.f32 v5, v6;
	_ =	sdelay $0x1  }
0xcd: {  	v4 =	vadd.f32 v5, v4;
	_ =	sdelay $0x1  }
0xce: {  	[tilespmem:s13+$0xFFFFFE00] =	vst v4  }
0xcf: {  	v4 =	vld [tilespmem:s14+$0x610]  }
0xd0: {  	v14 =	vld [tilespmem:s14+$0x690];
	_ =	sdelay $0x4  }
0xd1: {  	v5 =	vsub.f32 v14, v4;
	_ =	sdelay $0x1  }
0xd2: {  	v4 =	vmul.f32 $1.000000000e+03, v4;
	v5 =	vmul.f32 v5, v6;
	_ =	sdelay $0x1  }
0xd3: {  	v4 =	vadd.f32 v5, v4;
	_ =	sdelay $0x1  }
0xd4: {  	[tilespmem:s13+$0xFFFFFE10] =	vst v4  }
0xd5: {  	v4 =	vld [tilespmem:s14+$0x620]  }
0xd6: {  	v15 =	vld [tilespmem:s14+$0x6A0];
	_ =	sdelay $0x2  }
0xd7: {  	(v2sf) =	vpush v3, $0x1;
	_ =	sdelay $0x1  }
0xd8: {  	v5 =	vsub.f32 v15, v4;
	_ =	sdelay $0x1  }
0xd9: {  	v4 =	vmul.f32 $1.000000000e+03, v4;
	v5 =	vmul.f32 v5, v6;
	_ =	sdelay $0x1  }
0xda: {  	v4 =	vadd.f32 v5, v4;
	_ =	sdelay $0x1  }
0xdb: {  	[tilespmem:s13+$0xFFFFFE20] =	vst v4  }
0xdc: {  	v4 =	vld [tilespmem:s14+$0x623]  }
0xdd: {  	v16 =	vld [tilespmem:s14+$0x6A3];
	_ =	sdelay $0x4  }
0xde: {  	s17 =	sadd.s32 $0xFFFFFC40, s10;
	s18 =	spop (v2sf);
	v5 =	vsub.f32 v16, v4  }
0xdf: {  	v7 =	vadd.s32 s17, v1;
	s14 =	sand.u32 $0xFFFFFFF8, s18  }
0xe0: {  	p0 =	slt.s32 s14, $0xF4230;
	v4 =	vmul.f32 $1.000000000e+03, v4;
	v5 =	vmul.f32 v5, v6  }
0xe1: {  	s14 =	simm.s32 @!p0 $0xF4230  }
0xe2: {  	s14 =	ssub.s32 s18, s14;
	v4 =	vadd.f32 v5, v4  }
0xe3: {  	p0 =	sgt.s32 s14, $0x6  }
0xe4: {  	s15 =	simm.s32 @p0 $0x2;
	[tilespmem:v7+s8+$0x0] =	vst.idx.msk $0xffff, v4  }
0xe5: {  	_ =	swait.ge @p0 [sflag:s15], $0x800  }
0xe6: {  	[sflag:s15] =	ssyncset.done @p0 $0x0  }
0xe7: {  	[sflag:s15] =	ssyncadd.s32 @p0 $0xFFFFF800;
	s15 =	simm.s32 @!p0 $0x2  }
0xe8: {  	_ =	swait.ge @!p0 [sflag:s15], $0x400  }
0xe9: {  	s14 =	sshll.u32 s14, $0x9;
	[sflag:s15] =	ssyncset.done @!p0 $0x0  }
0xea: {  	s14 =	sshra.s32 s14, $0x2;
	[sflag:s15] =	ssyncadd.s32 @!p0 $0xFFFFFC00  }
0xeb: {  	v17 =	vld [tilespmem:s14+$0xE00]  }
0xec: {  	v18 =	vld [tilespmem:s14+$0xE80];
	_ =	sdelay $0x4  }
0xed: {  	v19 =	vbroadcast v2, $0x1;
	v5 =	vsub.f32 v18, v17;
	_ =	sdelay $0x1  }
0xee: {  	v4 =	vmul.f32 $1.000000000e+03, v17;
	v5 =	vmul.f32 v5, v19;
	_ =	sdelay $0x1  }
0xef: {  	v4 =	vadd.f32 v5, v4;
	_ =	sdelay $0x1  }
0xf0: {  	[tilespmem:s13+$0xFFFFFE40] =	vst v4  }
0xf1: {  	v4 =	vld [tilespmem:s14+$0xE10]  }
0xf2: {  	v20 =	vld [tilespmem:s14+$0xE90];
	_ =	sdelay $0x4  }
0xf3: {  	v5 =	vsub.f32 v20, v4;
	_ =	sdelay $0x1  }
0xf4: {  	v4 =	vmul.f32 $1.000000000e+03, v4;
	v5 =	vmul.f32 v5, v19;
	_ =	sdelay $0x1  }
0xf5: {  	v4 =	vadd.f32 v5, v4;
	_ =	sdelay $0x1  }
0xf6: {  	[tilespmem:s13+$0xFFFFFE50] =	vst v4  }
0xf7: {  	v4 =	vld [tilespmem:s14+$0xE20]  }
0xf8: {  	v21 =	vld [tilespmem:s14+$0xEA0];
	_ =	sdelay $0x2  }
0xf9: {  	(v2sf) =	vpush v3, $0x2;
	_ =	sdelay $0x1  }
0xfa: {  	v5 =	vsub.f32 v21, v4;
	_ =	sdelay $0x1  }
0xfb: {  	v4 =	vmul.f32 $1.000000000e+03, v4;
	v5 =	vmul.f32 v5, v19;
	_ =	sdelay $0x1  }
0xfc: {  	v4 =	vadd.f32 v5, v4;
	_ =	sdelay $0x1  }
0xfd: {  	[tilespmem:s13+$0xFFFFFE60] =	vst v4  }
0xfe: {  	v4 =	vld [tilespmem:s14+$0xE23]  }
0xff: {  	v22 =	vld [tilespmem:s14+$0xEA3];
	_ =	sdelay $0x4  }
0x100: {  	s19 =	sadd.s32 $0xFFFFFC80, s10;
	s20 =	spop (v2sf);
	v5 =	vsub.f32 v22, v4  }
0x101: {  	v23 =	vadd.s32 s19, v1;
	s14 =	sand.u32 $0xFFFFFFF8, s20  }
0x102: {  	p0 =	slt.s32 s14, $0xF4230;
	v4 =	vmul.f32 $1.000000000e+03, v4;
	v5 =	vmul.f32 v5, v19  }
0x103: {  	s14 =	simm.s32 @!p0 $0xF4230  }
0x104: {  	s14 =	ssub.s32 s20, s14;
	v4 =	vadd.f32 v5, v4  }
0x105: {  	p0 =	sgt.s32 s14, $0x6  }
0x106: {  	s15 =	simm.s32 @p0 $0x3;
	[tilespmem:v23+s8+$0x0] =	vst.idx.msk $0xffff, v4  }
0x107: {  	_ =	swait.ge @p0 [sflag:s15], $0x800  }
0x108: {  	[sflag:s15] =	ssyncset.done @p0 $0x0  }
0x109: {  	[sflag:s15] =	ssyncadd.s32 @p0 $0xFFFFF800;
	s15 =	simm.s32 @!p0 $0x3  }
0x10a: {  	_ =	swait.ge @!p0 [sflag:s15], $0x400  }
0x10b: {  	s14 =	sshll.u32 s14, $0x9;
	[sflag:s15] =	ssyncset.done @!p0 $0x0  }
0x10c: {  	s14 =	sshra.s32 s14, $0x2;
	[sflag:s15] =	ssyncadd.s32 @!p0 $0xFFFFFC00  }
0x10d: {  	v24 =	vld [tilespmem:s14+$0x1600]  }
0x10e: {  	v25 =	vld [tilespmem:s14+$0x1680];
	_ =	sdelay $0x4  }
0x10f: {  	v26 =	vbroadcast v2, $0x2;
	v5 =	vsub.f32 v25, v24;
	_ =	sdelay $0x1  }
0x110: {  	v4 =	vmul.f32 $1.000000000e+03, v24;
	v5 =	vmul.f32 v5, v26;
	_ =	sdelay $0x1  }
0x111: {  	v4 =	vadd.f32 v5, v4;
	_ =	sdelay $0x1  }
0x112: {  	[tilespmem:s13+$0xFFFFFE80] =	vst v4  }
0x113: {  	v4 =	vld [tilespmem:s14+$0x1610]  }
0x114: {  	v27 =	vld [tilespmem:s14+$0x1690];
	_ =	sdelay $0x4  }
0x115: {  	v5 =	vsub.f32 v27, v4;
	_ =	sdelay $0x1  }
0x116: {  	v4 =	vmul.f32 $1.000000000e+03, v4;
	v5 =	vmul.f32 v5, v26;
	_ =	sdelay $0x1  }
0x117: {  	v4 =	vadd.f32 v5, v4;
	_ =	sdelay $0x1  }
0x118: {  	[tilespmem:s13+$0xFFFFFE90] =	vst v4  }
0x119: {  	v4 =	vld [tilespmem:s14+$0x1620]  }
0x11a: {  	v28 =	vld [tilespmem:s14+$0x16A0];
	_ =	sdelay $0x2  }
0x11b: {  	(v2sf) =	vpush v3, $0x3;
	_ =	sdelay $0x1  }
0x11c: {  	v5 =	vsub.f32 v28, v4;
	_ =	sdelay $0x1  }
0x11d: {  	v4 =	vmul.f32 $1.000000000e+03, v4;
	v5 =	vmul.f32 v5, v26;
	_ =	sdelay $0x1  }
0x11e: {  	v4 =	vadd.f32 v5, v4;
	_ =	sdelay $0x1  }
0x11f: {  	[tilespmem:s13+$0xFFFFFEA0] =	vst v4  }
0x120: {  	v4 =	vld [tilespmem:s14+$0x1623]  }
0x121: {  	v29 =	vld [tilespmem:s14+$0x16A3];
	_ =	sdelay $0x4  }
0x122: {  	s21 =	sadd.s32 $0xFFFFFCC0, s10;
	s22 =	spop (v2sf);
	v5 =	vsub.f32 v29, v4  }
0x123: {  	v30 =	vadd.s32 s21, v1;
	s14 =	sand.u32 $0xFFFFFFF8, s22  }
0x124: {  	p0 =	slt.s32 s14, $0xF4230;
	v4 =	vmul.f32 $1.000000000e+03, v4;
	v5 =	vmul.f32 v5, v26  }
0x125: {  	s14 =	simm.s32 @!p0 $0xF4230  }
0x126: {  	s14 =	ssub.s32 s22, s14;
	v4 =	vadd.f32 v5, v4  }
0x127: {  	p0 =	sgt.s32 s14, $0x6  }
0x128: {  	s15 =	simm.s32 @p0 $0x4;
	[tilespmem:v30+s8+$0x0] =	vst.idx.msk $0xffff, v4  }
0x129: {  	_ =	swait.ge @p0 [sflag:s15], $0x800  }
0x12a: {  	[sflag:s15] =	ssyncset.done @p0 $0x0  }
0x12b: {  	[sflag:s15] =	ssyncadd.s32 @p0 $0xFFFFF800;
	s15 =	simm.s32 @!p0 $0x4  }
0x12c: {  	_ =	swait.ge @!p0 [sflag:s15], $0x400  }
0x12d: {  	s14 =	sshll.u32 s14, $0x9;
	[sflag:s15] =	ssyncset.done @!p0 $0x0  }
0x12e: {  	s14 =	sshra.s32 s14, $0x2;
	[sflag:s15] =	ssyncadd.s32 @!p0 $0xFFFFFC00  }
0x12f: {  	v31 =	vld [tilespmem:s14+$0x1E00]  }
0x130: {  	v32 =	vld [tilespmem:s14+$0x1E80];
	_ =	sdelay $0x4  }
0x131: {  	v33 =	vbroadcast v2, $0x3;
	v5 =	vsub.f32 v32, v31;
	_ =	sdelay $0x1  }
0x132: {  	v4 =	vmul.f32 $1.000000000e+03, v31;
	v5 =	vmul.f32 v5, v33;
	_ =	sdelay $0x1  }
0x133: {  	v4 =	vadd.f32 v5, v4;
	_ =	sdelay $0x1  }
0x134: {  	[tilespmem:s13+$0xFFFFFEC0] =	vst v4  }
0x135: {  	v4 =	vld [tilespmem:s14+$0x1E10]  }
0x136: {  	v34 =	vld [tilespmem:s14+$0x1E90];
	_ =	sdelay $0x4  }
0x137: {  	v5 =	vsub.f32 v34, v4;
	_ =	sdelay $0x1  }
0x138: {  	v4 =	vmul.f32 $1.000000000e+03, v4;
	v5 =	vmul.f32 v5, v33;
	_ =	sdelay $0x1  }
0x139: {  	v4 =	vadd.f32 v5, v4;
	_ =	sdelay $0x1  }
0x13a: {  	[tilespmem:s13+$0xFFFFFED0] =	vst v4  }
0x13b: {  	v4 =	vld [tilespmem:s14+$0x1E20]  }
0x13c: {  	v35 =	vld [tilespmem:s14+$0x1EA0];
	_ =	sdelay $0x2  }
0x13d: {  	(v2sf) =	vpush v3, $0x4;
	_ =	sdelay $0x1  }
0x13e: {  	v5 =	vsub.f32 v35, v4;
	_ =	sdelay $0x1  }
0x13f: {  	v4 =	vmul.f32 $1.000000000e+03, v4;
	v5 =	vmul.f32 v5, v33;
	_ =	sdelay $0x1  }
0x140: {  	v4 =	vadd.f32 v5, v4;
	_ =	sdelay $0x1  }
0x141: {  	[tilespmem:s13+$0xFFFFFEE0] =	vst v4  }
0x142: {  	v4 =	vld [tilespmem:s14+$0x1E23]  }
0x143: {  	v36 =	vld [tilespmem:s14+$0x1EA3];
	_ =	sdelay $0x4  }
0x144: {  	s23 =	sadd.s32 $0xFFFFFD00, s10;
	s24 =	spop (v2sf);
	v5 =	vsub.f32 v36, v4  }
0x145: {  	v37 =	vadd.s32 s23, v1;
	s14 =	sand.u32 $0xFFFFFFF8, s24  }
0x146: {  	p0 =	slt.s32 s14, $0xF4230;
	v4 =	vmul.f32 $1.000000000e+03, v4;
	v5 =	vmul.f32 v5, v33  }
0x147: {  	s14 =	simm.s32 @!p0 $0xF4230  }
0x148: {  	s14 =	ssub.s32 s24, s14;
	v4 =	vadd.f32 v5, v4  }
0x149: {  	p0 =	sgt.s32 s14, $0x6  }
0x14a: {  	s15 =	simm.s32 @p0 $0x5;
	[tilespmem:v37+s8+$0x0] =	vst.idx.msk $0xffff, v4  }
0x14b: {  	_ =	swait.ge @p0 [sflag:s15], $0x800  }
0x14c: {  	[sflag:s15] =	ssyncset.done @p0 $0x0  }
0x14d: {  	[sflag:s15] =	ssyncadd.s32 @p0 $0xFFFFF800;
	s15 =	simm.s32 @!p0 $0x5  }
0x14e: {  	_ =	swait.ge @!p0 [sflag:s15], $0x400  }
0x14f: {  	s14 =	sshll.u32 s14, $0x9;
	[sflag:s15] =	ssyncset.done @!p0 $0x0  }
0x150: {  	s14 =	sshra.s32 s14, $0x2;
	[sflag:s15] =	ssyncadd.s32 @!p0 $0xFFFFFC00  }
0x151: {  	v38 =	vld [tilespmem:s14+$0x2600]  }
0x152: {  	v39 =	vld [tilespmem:s14+$0x2680];
	_ =	sdelay $0x4  }
0x153: {  	v40 =	vbroadcast v2, $0x4;
	v5 =	vsub.f32 v39, v38;
	_ =	sdelay $0x1  }
0x154: {  	v4 =	vmul.f32 $1.000000000e+03, v38;
	v5 =	vmul.f32 v5, v40;
	_ =	sdelay $0x1  }
0x155: {  	v4 =	vadd.f32 v5, v4;
	_ =	sdelay $0x1  }
0x156: {  	[tilespmem:s13+$0xFFFFFF00] =	vst v4  }
0x157: {  	v4 =	vld [tilespmem:s14+$0x2610]  }
0x158: {  	v41 =	vld [tilespmem:s14+$0x2690];
	_ =	sdelay $0x4  }
0x159: {  	v5 =	vsub.f32 v41, v4;
	_ =	sdelay $0x1  }
0x15a: {  	v4 =	vmul.f32 $1.000000000e+03, v4;
	v5 =	vmul.f32 v5, v40;
	_ =	sdelay $0x1  }
0x15b: {  	v4 =	vadd.f32 v5, v4;
	_ =	sdelay $0x1  }
0x15c: {  	[tilespmem:s13+$0xFFFFFF10] =	vst v4  }
0x15d: {  	v4 =	vld [tilespmem:s14+$0x2620]  }
0x15e: {  	v42 =	vld [tilespmem:s14+$0x26A0];
	_ =	sdelay $0x2  }
0x15f: {  	(v2sf) =	vpush v3, $0x5;
	_ =	sdelay $0x1  }
0x160: {  	v5 =	vsub.f32 v42, v4;
	_ =	sdelay $0x1  }
0x161: {  	v4 =	vmul.f32 $1.000000000e+03, v4;
	v5 =	vmul.f32 v5, v40;
	_ =	sdelay $0x1  }
0x162: {  	v4 =	vadd.f32 v5, v4;
	_ =	sdelay $0x1  }
0x163: {  	[tilespmem:s13+$0xFFFFFF20] =	vst v4  }
0x164: {  	v4 =	vld [tilespmem:s14+$0x2623]  }
0x165: {  	v43 =	vld [tilespmem:s14+$0x26A3];
	_ =	sdelay $0x4  }
0x166: {  	s25 =	sadd.s32 $0xFFFFFD40, s10;
	s26 =	spop (v2sf);
	v5 =	vsub.f32 v43, v4  }
0x167: {  	v44 =	vadd.s32 s25, v1;
	s14 =	sand.u32 $0xFFFFFFF8, s26  }
0x168: {  	p0 =	slt.s32 s14, $0xF4230;
	v4 =	vmul.f32 $1.000000000e+03, v4;
	v5 =	vmul.f32 v5, v40  }
0x169: {  	s14 =	simm.s32 @!p0 $0xF4230  }
0x16a: {  	s14 =	ssub.s32 s26, s14;
	v4 =	vadd.f32 v5, v4  }
0x16b: {  	p0 =	sgt.s32 s14, $0x6  }
0x16c: {  	s15 =	simm.s32 @p0 $0x6;
	[tilespmem:v44+s8+$0x0] =	vst.idx.msk $0xffff, v4  }
0x16d: {  	_ =	swait.ge @p0 [sflag:s15], $0x800  }
0x16e: {  	[sflag:s15] =	ssyncset.done @p0 $0x0  }
0x16f: {  	[sflag:s15] =	ssyncadd.s32 @p0 $0xFFFFF800;
	s15 =	simm.s32 @!p0 $0x6  }
0x170: {  	_ =	swait.ge @!p0 [sflag:s15], $0x400  }
0x171: {  	s14 =	sshll.u32 s14, $0x9;
	[sflag:s15] =	ssyncset.done @!p0 $0x0  }
0x172: {  	s14 =	sshra.s32 s14, $0x2;
	[sflag:s15] =	ssyncadd.s32 @!p0 $0xFFFFFC00  }
0x173: {  	v45 =	vld [tilespmem:s14+$0x2E00]  }
0x174: {  	v46 =	vld [tilespmem:s14+$0x2E80];
	_ =	sdelay $0x4  }
0x175: {  	v47 =	vbroadcast v2, $0x5;
	v5 =	vsub.f32 v46, v45;
	_ =	sdelay $0x1  }
0x176: {  	v4 =	vmul.f32 $1.000000000e+03, v45;
	v5 =	vmul.f32 v5, v47;
	_ =	sdelay $0x1  }
0x177: {  	v4 =	vadd.f32 v5, v4;
	_ =	sdelay $0x1  }
0x178: {  	[tilespmem:s13+$0xFFFFFF40] =	vst v4  }
0x179: {  	v4 =	vld [tilespmem:s14+$0x2E10]  }
0x17a: {  	v48 =	vld [tilespmem:s14+$0x2E90];
	_ =	sdelay $0x4  }
0x17b: {  	v5 =	vsub.f32 v48, v4;
	_ =	sdelay $0x1  }
0x17c: {  	v4 =	vmul.f32 $1.000000000e+03, v4;
	v5 =	vmul.f32 v5, v47;
	_ =	sdelay $0x1  }
0x17d: {  	v4 =	vadd.f32 v5, v4;
	_ =	sdelay $0x1  }
0x17e: {  	[tilespmem:s13+$0xFFFFFF50] =	vst v4  }
0x17f: {  	v4 =	vld [tilespmem:s14+$0x2E20]  }
0x180: {  	v49 =	vld [tilespmem:s14+$0x2EA0];
	_ =	sdelay $0x2  }
0x181: {  	(v2sf) =	vpush v3, $0x6;
	_ =	sdelay $0x1  }
0x182: {  	v5 =	vsub.f32 v49, v4;
	_ =	sdelay $0x1  }
0x183: {  	v4 =	vmul.f32 $1.000000000e+03, v4;
	v5 =	vmul.f32 v5, v47;
	_ =	sdelay $0x1  }
0x184: {  	v4 =	vadd.f32 v5, v4;
	_ =	sdelay $0x1  }
0x185: {  	[tilespmem:s13+$0xFFFFFF60] =	vst v4  }
0x186: {  	v4 =	vld [tilespmem:s14+$0x2E23]  }
0x187: {  	v50 =	vld [tilespmem:s14+$0x2EA3];
	_ =	sdelay $0x4  }
0x188: {  	s28 =	sadd.s32 $0xFFFFFD80, s10;
	s29 =	spop (v2sf);
	v5 =	vsub.f32 v50, v4  }
0x189: {  	v51 =	vadd.s32 s28, v1;
	s14 =	sand.u32 $0xFFFFFFF8, s29  }
0x18a: {  	p0 =	slt.s32 s14, $0xF4230;
	v4 =	vmul.f32 $1.000000000e+03, v4;
	v5 =	vmul.f32 v5, v47  }
0x18b: {  	s14 =	simm.s32 @!p0 $0xF4230  }
0x18c: {  	s14 =	ssub.s32 s29, s14;
	v4 =	vadd.f32 v5, v4  }
0x18d: {  	p0 =	sgt.s32 s14, $0x6  }
0x18e: {  	s15 =	simm.s32 @p0 $0x7;
	[tilespmem:v51+s8+$0x0] =	vst.idx.msk $0xffff, v4  }
0x18f: {  	_ =	swait.ge @p0 [sflag:s15], $0x800  }
0x190: {  	[sflag:s15] =	ssyncset.done @p0 $0x0  }
0x191: {  	[sflag:s15] =	ssyncadd.s32 @p0 $0xFFFFF800;
	s15 =	simm.s32 @!p0 $0x7  }
0x192: {  	_ =	swait.ge @!p0 [sflag:s15], $0x400  }
0x193: {  	s14 =	sshll.u32 s14, $0x9;
	[sflag:s15] =	ssyncset.done @!p0 $0x0  }
0x194: {  	s14 =	sshra.s32 s14, $0x2;
	[sflag:s15] =	ssyncadd.s32 @!p0 $0xFFFFFC00  }
0x195: {  	v52 =	vld [tilespmem:s14+$0x3600]  }
0x196: {  	v53 =	vld [tilespmem:s14+$0x3680];
	_ =	sdelay $0x4  }
0x197: {  	v54 =	vbroadcast v2, $0x6;
	v5 =	vsub.f32 v53, v52;
	_ =	sdelay $0x1  }
0x198: {  	v4 =	vmul.f32 $1.000000000e+03, v52;
	v5 =	vmul.f32 v5, v54;
	_ =	sdelay $0x1  }
0x199: {  	v4 =	vadd.f32 v5, v4;
	_ =	sdelay $0x1  }
0x19a: {  	[tilespmem:s13+$0xFFFFFF80] =	vst v4  }
0x19b: {  	v4 =	vld [tilespmem:s14+$0x3610]  }
0x19c: {  	v55 =	vld [tilespmem:s14+$0x3690];
	_ =	sdelay $0x4  }
0x19d: {  	v5 =	vsub.f32 v55, v4;
	_ =	sdelay $0x1  }
0x19e: {  	v4 =	vmul.f32 $1.000000000e+03, v4;
	v5 =	vmul.f32 v5, v54;
	_ =	sdelay $0x1  }
0x19f: {  	v4 =	vadd.f32 v5, v4;
	_ =	sdelay $0x1  }
0x1a0: {  	[tilespmem:s13+$0xFFFFFF90] =	vst v4  }
0x1a1: {  	v4 =	vld [tilespmem:s14+$0x3620]  }
0x1a2: {  	v56 =	vld [tilespmem:s14+$0x36A0];
	_ =	sdelay $0x2  }
0x1a3: {  	(v2sf) =	vpush v3, $0x7;
	_ =	sdelay $0x1  }
0x1a4: {  	v5 =	vsub.f32 v56, v4;
	_ =	sdelay $0x1  }
0x1a5: {  	v4 =	vmul.f32 $1.000000000e+03, v4;
	v5 =	vmul.f32 v5, v54;
	_ =	sdelay $0x1  }
0x1a6: {  	v4 =	vadd.f32 v5, v4;
	_ =	sdelay $0x1  }
0x1a7: {  	[tilespmem:s13+$0xFFFFFFA0] =	vst v4  }
0x1a8: {  	v4 =	vld [tilespmem:s14+$0x3623]  }
0x1a9: {  	v57 =	vld [tilespmem:s14+$0x36A3];
	_ =	sdelay $0x4  }
0x1aa: {  	s30 =	sadd.s32 $0xFFFFFDC0, s10;
	s31 =	spop (v2sf);
	v5 =	vsub.f32 v57, v4  }
0x1ab: {  	v58 =	vadd.s32 s30, v1;
	s14 =	sand.u32 $0xFFFFFFF8, s31  }
0x1ac: {  	p0 =	slt.s32 s14, $0xF4230;
	v4 =	vmul.f32 $1.000000000e+03, v4;
	v5 =	vmul.f32 v5, v54  }
0x1ad: {  	s14 =	simm.s32 @!p0 $0xF4230  }
0x1ae: {  	s14 =	ssub.s32 s31, s14;
	v4 =	vadd.f32 v5, v4  }
0x1af: {  	p0 =	sgt.s32 s14, $0x6  }
0x1b0: {  	s15 =	simm.s32 @p0 $0x8;
	[tilespmem:v58+s8+$0x0] =	vst.idx.msk $0xffff, v4  }
0x1b1: {  	_ =	swait.ge @p0 [sflag:s15], $0x800  }
0x1b2: {  	[sflag:s15] =	ssyncset.done @p0 $0x0  }
0x1b3: {  	[sflag:s15] =	ssyncadd.s32 @p0 $0xFFFFF800;
	s15 =	simm.s32 @!p0 $0x8  }
0x1b4: {  	_ =	swait.ge @!p0 [sflag:s15], $0x400  }
0x1b5: {  	s14 =	sshll.u32 s14, $0x9;
	[sflag:s15] =	ssyncset.done @!p0 $0x0  }
0x1b6: {  	s14 =	sshra.s32 s14, $0x2;
	[sflag:s15] =	ssyncadd.s32 @!p0 $0xFFFFFC00  }
0x1b7: {  	v59 =	vld [tilespmem:s14+$0x3E00]  }
0x1b8: {  	v60 =	vld [tilespmem:s14+$0x3E80];
	_ =	sdelay $0x4  }
0x1b9: {  	v61 =	vbroadcast v2, $0x7;
	v5 =	vsub.f32 v60, v59;
	_ =	sdelay $0x1  }
0x1ba: {  	v4 =	vmul.f32 $1.000000000e+03, v59;
	v5 =	vmul.f32 v5, v61;
	_ =	sdelay $0x1  }
0x1bb: {  	v4 =	vadd.f32 v5, v4;
	_ =	sdelay $0x1  }
0x1bc: {  	[tilespmem:s13+$0xFFFFFFC0] =	vst v4  }
0x1bd: {  	v4 =	vld [tilespmem:s14+$0x3E10]  }
0x1be: {  	v62 =	vld [tilespmem:s14+$0x3E90];
	_ =	sdelay $0x4  }
0x1bf: {  	v5 =	vsub.f32 v62, v4;
	_ =	sdelay $0x1  }
0x1c0: {  	v4 =	vmul.f32 $1.000000000e+03, v4;
	v5 =	vmul.f32 v5, v61;
	_ =	sdelay $0x1  }
0x1c1: {  	v4 =	vadd.f32 v5, v4;
	_ =	sdelay $0x1  }
0x1c2: {  	[tilespmem:s13+$0xFFFFFFD0] =	vst v4  }
0x1c3: {  	v4 =	vld [tilespmem:s14+$0x3E20]  }
0x1c4: {  	v63 =	vld [tilespmem:s14+$0x3EA0];
	_ =	sdelay $0x2  }
0x1c5: {  	(v2sf) =	vpush v3, $0x8;
	_ =	sdelay $0x1  }
0x1c6: {  	v5 =	vsub.f32 v63, v4;
	_ =	sdelay $0x1  }
0x1c7: {  	v4 =	vmul.f32 $1.000000000e+03, v4;
	v5 =	vmul.f32 v5, v61;
	_ =	sdelay $0x1  }
0x1c8: {  	v4 =	vadd.f32 v5, v4;
	_ =	sdelay $0x1  }
0x1c9: {  	[tilespmem:s13+$0xFFFFFFE0] =	vst v4  }
0x1ca: {  	v4 =	vld [tilespmem:s14+$0x3E23]  }
0x1cb: {  	v8 =	vld [tilespmem:s14+$0x3EA3];
	_ =	sdelay $0x4  }
0x1cc: {  	s15 =	sadd.s32 $0xFFFFFE00, s10;
	s16 =	spop (v2sf);
	v5 =	vsub.f32 v8, v4  }
0x1cd: {  	v9 =	vadd.s32 s15, v1;
	s14 =	sand.u32 $0xFFFFFFF8, s16  }
0x1ce: {  	p0 =	slt.s32 s14, $0xF4230;
	v4 =	vmul.f32 $1.000000000e+03, v4;
	v5 =	vmul.f32 v5, v61  }
0x1cf: {  	s14 =	simm.s32 @!p0 $0xF4230  }
0x1d0: {  	s14 =	ssub.s32 s16, s14;
	v4 =	vadd.f32 v5, v4  }
0x1d1: {  	p0 =	sgt.s32 s14, $0x6  }
0x1d2: {  	s15 =	simm.s32 @p0 $0x9;
	[tilespmem:v9+s8+$0x0] =	vst.idx.msk $0xffff, v4  }
0x1d3: {  	_ =	swait.ge @p0 [sflag:s15], $0x800  }
0x1d4: {  	[sflag:s15] =	ssyncset.done @p0 $0x0  }
0x1d5: {  	[sflag:s15] =	ssyncadd.s32 @p0 $0xFFFFF800;
	s15 =	simm.s32 @!p0 $0x9  }
0x1d6: {  	_ =	swait.ge @!p0 [sflag:s15], $0x400  }
0x1d7: {  	s14 =	sshll.u32 s14, $0x9;
	[sflag:s15] =	ssyncset.done @!p0 $0x0  }
0x1d8: {  	s14 =	sshra.s32 s14, $0x2;
	[sflag:s15] =	ssyncadd.s32 @!p0 $0xFFFFFC00  }
0x1d9: {  	v10 =	vld [tilespmem:s14+$0x4600]  }
0x1da: {  	v11 =	vld [tilespmem:s14+$0x4680];
	_ =	sdelay $0x4  }
0x1db: {  	v12 =	vbroadcast v2, $0x8;
	v5 =	vsub.f32 v11, v10;
	_ =	sdelay $0x1  }
0x1dc: {  	v4 =	vmul.f32 $1.000000000e+03, v10;
	v5 =	vmul.f32 v5, v12;
	_ =	sdelay $0x1  }
0x1dd: {  	v4 =	vadd.f32 v5, v4;
	_ =	sdelay $0x1  }
0x1de: {  	[tilespmem:s13+$0x0] =	vst v4  }
0x1df: {  	v4 =	vld [tilespmem:s14+$0x4610]  }
0x1e0: {  	v13 =	vld [tilespmem:s14+$0x4690];
	_ =	sdelay $0x4  }
0x1e1: {  	v5 =	vsub.f32 v13, v4;
	_ =	sdelay $0x1  }
0x1e2: {  	v4 =	vmul.f32 $1.000000000e+03, v4;
	v5 =	vmul.f32 v5, v12;
	_ =	sdelay $0x1  }
0x1e3: {  	v4 =	vadd.f32 v5, v4;
	_ =	sdelay $0x1  }
0x1e4: {  	[tilespmem:s13+$0x10] =	vst v4  }
0x1e5: {  	v4 =	vld [tilespmem:s14+$0x4620]  }
0x1e6: {  	v14 =	vld [tilespmem:s14+$0x46A0];
	_ =	sdelay $0x2  }
0x1e7: {  	(v2sf) =	vpush v3, $0x9;
	_ =	sdelay $0x1  }
0x1e8: {  	v5 =	vsub.f32 v14, v4;
	_ =	sdelay $0x1  }
0x1e9: {  	v4 =	vmul.f32 $1.000000000e+03, v4;
	v5 =	vmul.f32 v5, v12;
	_ =	sdelay $0x1  }
0x1ea: {  	v4 =	vadd.f32 v5, v4;
	_ =	sdelay $0x1  }
0x1eb: {  	[tilespmem:s13+$0x20] =	vst v4  }
0x1ec: {  	v4 =	vld [tilespmem:s14+$0x4623]  }
0x1ed: {  	v15 =	vld [tilespmem:s14+$0x46A3];
	_ =	sdelay $0x4  }
0x1ee: {  	s17 =	sadd.s32 $0xFFFFFE40, s10;
	s18 =	spop (v2sf);
	v5 =	vsub.f32 v15, v4  }
0x1ef: {  	v16 =	vadd.s32 s17, v1;
	s14 =	sand.u32 $0xFFFFFFF8, s18  }
0x1f0: {  	p0 =	slt.s32 s14, $0xF4230;
	v4 =	vmul.f32 $1.000000000e+03, v4;
	v5 =	vmul.f32 v5, v12  }
0x1f1: {  	s14 =	simm.s32 @!p0 $0xF4230  }
0x1f2: {  	s14 =	ssub.s32 s18, s14;
	v4 =	vadd.f32 v5, v4  }
0x1f3: {  	p0 =	sgt.s32 s14, $0x6  }
0x1f4: {  	s15 =	simm.s32 @p0 $0xA;
	[tilespmem:v16+s8+$0x0] =	vst.idx.msk $0xffff, v4  }
0x1f5: {  	_ =	swait.ge @p0 [sflag:s15], $0x800  }
0x1f6: {  	[sflag:s15] =	ssyncset.done @p0 $0x0  }
0x1f7: {  	[sflag:s15] =	ssyncadd.s32 @p0 $0xFFFFF800;
	s15 =	simm.s32 @!p0 $0xA  }
0x1f8: {  	_ =	swait.ge @!p0 [sflag:s15], $0x400  }
0x1f9: {  	s14 =	sshll.u32 s14, $0x9;
	[sflag:s15] =	ssyncset.done @!p0 $0x0  }
0x1fa: {  	s14 =	sshra.s32 s14, $0x2;
	[sflag:s15] =	ssyncadd.s32 @!p0 $0xFFFFFC00  }
0x1fb: {  	v17 =	vld [tilespmem:s14+$0x4E00]  }
0x1fc: {  	v18 =	vld [tilespmem:s14+$0x4E80];
	_ =	sdelay $0x4  }
0x1fd: {  	v19 =	vbroadcast v2, $0x9;
	v5 =	vsub.f32 v18, v17;
	_ =	sdelay $0x1  }
0x1fe: {  	v4 =	vmul.f32 $1.000000000e+03, v17;
	v5 =	vmul.f32 v5, v19;
	_ =	sdelay $0x1  }
0x1ff: {  	v4 =	vadd.f32 v5, v4;
	_ =	sdelay $0x1  }
0x200: {  	[tilespmem:s13+$0x40] =	vst v4  }
0x201: {  	v4 =	vld [tilespmem:s14+$0x4E10]  }
0x202: {  	v20 =	vld [tilespmem:s14+$0x4E90];
	_ =	sdelay $0x4  }
0x203: {  	v5 =	vsub.f32 v20, v4;
	_ =	sdelay $0x1  }
0x204: {  	v4 =	vmul.f32 $1.000000000e+03, v4;
	v5 =	vmul.f32 v5, v19;
	_ =	sdelay $0x1  }
0x205: {  	v4 =	vadd.f32 v5, v4;
	_ =	sdelay $0x1  }
0x206: {  	[tilespmem:s13+$0x50] =	vst v4  }
0x207: {  	v4 =	vld [tilespmem:s14+$0x4E20]  }
0x208: {  	v21 =	vld [tilespmem:s14+$0x4EA0];
	_ =	sdelay $0x2  }
0x209: {  	(v2sf) =	vpush v3, $0xA;
	_ =	sdelay $0x1  }
0x20a: {  	v5 =	vsub.f32 v21, v4;
	_ =	sdelay $0x1  }
0x20b: {  	v4 =	vmul.f32 $1.000000000e+03, v4;
	v5 =	vmul.f32 v5, v19;
	_ =	sdelay $0x1  }
0x20c: {  	v4 =	vadd.f32 v5, v4;
	_ =	sdelay $0x1  }
0x20d: {  	[tilespmem:s13+$0x60] =	vst v4  }
0x20e: {  	v4 =	vld [tilespmem:s14+$0x4E23]  }
0x20f: {  	v22 =	vld [tilespmem:s14+$0x4EA3];
	_ =	sdelay $0x4  }
0x210: {  	s19 =	sadd.s32 $0xFFFFFE80, s10;
	s20 =	spop (v2sf);
	v5 =	vsub.f32 v22, v4  }
0x211: {  	v23 =	vadd.s32 s19, v1;
	s14 =	sand.u32 $0xFFFFFFF8, s20  }
0x212: {  	p0 =	slt.s32 s14, $0xF4230;
	v4 =	vmul.f32 $1.000000000e+03, v4;
	v5 =	vmul.f32 v5, v19  }
0x213: {  	s14 =	simm.s32 @!p0 $0xF4230  }
0x214: {  	s14 =	ssub.s32 s20, s14;
	v4 =	vadd.f32 v5, v4  }
0x215: {  	p0 =	sgt.s32 s14, $0x6  }
0x216: {  	s15 =	simm.s32 @p0 $0xB;
	[tilespmem:v23+s8+$0x0] =	vst.idx.msk $0xffff, v4  }
0x217: {  	_ =	swait.ge @p0 [sflag:s15], $0x800  }
0x218: {  	[sflag:s15] =	ssyncset.done @p0 $0x0  }
0x219: {  	[sflag:s15] =	ssyncadd.s32 @p0 $0xFFFFF800;
	s15 =	simm.s32 @!p0 $0xB  }
0x21a: {  	_ =	swait.ge @!p0 [sflag:s15], $0x400  }
0x21b: {  	s14 =	sshll.u32 s14, $0x9;
	[sflag:s15] =	ssyncset.done @!p0 $0x0  }
0x21c: {  	s14 =	sshra.s32 s14, $0x2;
	[sflag:s15] =	ssyncadd.s32 @!p0 $0xFFFFFC00  }
0x21d: {  	v24 =	vld [tilespmem:s14+$0x5600]  }
0x21e: {  	v25 =	vld [tilespmem:s14+$0x5680];
	_ =	sdelay $0x4  }
0x21f: {  	v26 =	vbroadcast v2, $0xA;
	v5 =	vsub.f32 v25, v24;
	_ =	sdelay $0x1  }
0x220: {  	v4 =	vmul.f32 $1.000000000e+03, v24;
	v5 =	vmul.f32 v5, v26;
	_ =	sdelay $0x1  }
0x221: {  	v4 =	vadd.f32 v5, v4;
	_ =	sdelay $0x1  }
0x222: {  	[tilespmem:s13+$0x80] =	vst v4  }
0x223: {  	v4 =	vld [tilespmem:s14+$0x5610]  }
0x224: {  	v27 =	vld [tilespmem:s14+$0x5690];
	_ =	sdelay $0x4  }
0x225: {  	v5 =	vsub.f32 v27, v4;
	_ =	sdelay $0x1  }
0x226: {  	v4 =	vmul.f32 $1.000000000e+03, v4;
	v5 =	vmul.f32 v5, v26;
	_ =	sdelay $0x1  }
0x227: {  	v4 =	vadd.f32 v5, v4;
	_ =	sdelay $0x1  }
0x228: {  	[tilespmem:s13+$0x90] =	vst v4  }
0x229: {  	v4 =	vld [tilespmem:s14+$0x5620]  }
0x22a: {  	v28 =	vld [tilespmem:s14+$0x56A0];
	_ =	sdelay $0x2  }
0x22b: {  	(v2sf) =	vpush v3, $0xB;
	_ =	sdelay $0x1  }
0x22c: {  	v5 =	vsub.f32 v28, v4;
	_ =	sdelay $0x1  }
0x22d: {  	v4 =	vmul.f32 $1.000000000e+03, v4;
	v5 =	vmul.f32 v5, v26;
	_ =	sdelay $0x1  }
0x22e: {  	v4 =	vadd.f32 v5, v4;
	_ =	sdelay $0x1  }
0x22f: {  	[tilespmem:s13+$0xA0] =	vst v4  }
0x230: {  	v4 =	vld [tilespmem:s14+$0x5623]  }
0x231: {  	v29 =	vld [tilespmem:s14+$0x56A3];
	_ =	sdelay $0x4  }
0x232: {  	s21 =	sadd.s32 $0xFFFFFEC0, s10;
	s22 =	spop (v2sf);
	v5 =	vsub.f32 v29, v4  }
0x233: {  	v30 =	vadd.s32 s21, v1;
	s14 =	sand.u32 $0xFFFFFFF8, s22  }
0x234: {  	p0 =	slt.s32 s14, $0xF4230;
	v4 =	vmul.f32 $1.000000000e+03, v4;
	v5 =	vmul.f32 v5, v26  }
0x235: {  	s14 =	simm.s32 @!p0 $0xF4230  }
0x236: {  	s14 =	ssub.s32 s22, s14;
	v4 =	vadd.f32 v5, v4  }
0x237: {  	p0 =	sgt.s32 s14, $0x6  }
0x238: {  	s15 =	simm.s32 @p0 $0xC;
	[tilespmem:v30+s8+$0x0] =	vst.idx.msk $0xffff, v4  }
0x239: {  	_ =	swait.ge @p0 [sflag:s15], $0x800  }
0x23a: {  	[sflag:s15] =	ssyncset.done @p0 $0x0  }
0x23b: {  	[sflag:s15] =	ssyncadd.s32 @p0 $0xFFFFF800;
	s15 =	simm.s32 @!p0 $0xC  }
0x23c: {  	_ =	swait.ge @!p0 [sflag:s15], $0x400  }
0x23d: {  	s14 =	sshll.u32 s14, $0x9;
	[sflag:s15] =	ssyncset.done @!p0 $0x0  }
0x23e: {  	s14 =	sshra.s32 s14, $0x2;
	[sflag:s15] =	ssyncadd.s32 @!p0 $0xFFFFFC00  }
0x23f: {  	v31 =	vld [tilespmem:s14+$0x5E00]  }
0x240: {  	v32 =	vld [tilespmem:s14+$0x5E80];
	_ =	sdelay $0x4  }
0x241: {  	v33 =	vbroadcast v2, $0xB;
	v5 =	vsub.f32 v32, v31;
	_ =	sdelay $0x1  }
0x242: {  	v4 =	vmul.f32 $1.000000000e+03, v31;
	v5 =	vmul.f32 v5, v33;
	_ =	sdelay $0x1  }
0x243: {  	v4 =	vadd.f32 v5, v4;
	_ =	sdelay $0x1  }
0x244: {  	[tilespmem:s13+$0xC0] =	vst v4  }
0x245: {  	v4 =	vld [tilespmem:s14+$0x5E10]  }
0x246: {  	v34 =	vld [tilespmem:s14+$0x5E90];
	_ =	sdelay $0x4  }
0x247: {  	v5 =	vsub.f32 v34, v4;
	_ =	sdelay $0x1  }
0x248: {  	v4 =	vmul.f32 $1.000000000e+03, v4;
	v5 =	vmul.f32 v5, v33;
	_ =	sdelay $0x1  }
0x249: {  	v4 =	vadd.f32 v5, v4;
	_ =	sdelay $0x1  }
0x24a: {  	[tilespmem:s13+$0xD0] =	vst v4  }
0x24b: {  	v4 =	vld [tilespmem:s14+$0x5E20]  }
0x24c: {  	v35 =	vld [tilespmem:s14+$0x5EA0];
	_ =	sdelay $0x2  }
0x24d: {  	(v2sf) =	vpush v3, $0xC;
	_ =	sdelay $0x1  }
0x24e: {  	v5 =	vsub.f32 v35, v4;
	_ =	sdelay $0x1  }
0x24f: {  	v4 =	vmul.f32 $1.000000000e+03, v4;
	v5 =	vmul.f32 v5, v33;
	_ =	sdelay $0x1  }
0x250: {  	v4 =	vadd.f32 v5, v4;
	_ =	sdelay $0x1  }
0x251: {  	[tilespmem:s13+$0xE0] =	vst v4  }
0x252: {  	v4 =	vld [tilespmem:s14+$0x5E23]  }
0x253: {  	v36 =	vld [tilespmem:s14+$0x5EA3];
	_ =	sdelay $0x4  }
0x254: {  	s23 =	sadd.s32 $0xFFFFFF00, s10;
	s24 =	spop (v2sf);
	v5 =	vsub.f32 v36, v4  }
0x255: {  	v37 =	vadd.s32 s23, v1;
	s14 =	sand.u32 $0xFFFFFFF8, s24  }
0x256: {  	p0 =	slt.s32 s14, $0xF4230;
	v4 =	vmul.f32 $1.000000000e+03, v4;
	v5 =	vmul.f32 v5, v33  }
0x257: {  	s14 =	simm.s32 @!p0 $0xF4230  }
0x258: {  	s14 =	ssub.s32 s24, s14;
	v4 =	vadd.f32 v5, v4  }
0x259: {  	p0 =	sgt.s32 s14, $0x6  }
0x25a: {  	s15 =	simm.s32 @p0 $0xD;
	[tilespmem:v37+s8+$0x0] =	vst.idx.msk $0xffff, v4  }
0x25b: {  	_ =	swait.ge @p0 [sflag:s15], $0x800  }
0x25c: {  	[sflag:s15] =	ssyncset.done @p0 $0x0  }
0x25d: {  	[sflag:s15] =	ssyncadd.s32 @p0 $0xFFFFF800;
	s15 =	simm.s32 @!p0 $0xD  }
0x25e: {  	_ =	swait.ge @!p0 [sflag:s15], $0x400  }
0x25f: {  	s14 =	sshll.u32 s14, $0x9;
	[sflag:s15] =	ssyncset.done @!p0 $0x0  }
0x260: {  	s14 =	sshra.s32 s14, $0x2;
	[sflag:s15] =	ssyncadd.s32 @!p0 $0xFFFFFC00  }
0x261: {  	v38 =	vld [tilespmem:s14+$0x6600]  }
0x262: {  	v39 =	vld [tilespmem:s14+$0x6680];
	_ =	sdelay $0x4  }
0x263: {  	v40 =	vbroadcast v2, $0xC;
	v5 =	vsub.f32 v39, v38;
	_ =	sdelay $0x1  }
0x264: {  	v4 =	vmul.f32 $1.000000000e+03, v38;
	v5 =	vmul.f32 v5, v40;
	_ =	sdelay $0x1  }
0x265: {  	v4 =	vadd.f32 v5, v4;
	_ =	sdelay $0x1  }
0x266: {  	[tilespmem:s13+$0x100] =	vst v4  }
0x267: {  	v4 =	vld [tilespmem:s14+$0x6610]  }
0x268: {  	v41 =	vld [tilespmem:s14+$0x6690];
	_ =	sdelay $0x4  }
0x269: {  	v5 =	vsub.f32 v41, v4;
	_ =	sdelay $0x1  }
0x26a: {  	v4 =	vmul.f32 $1.000000000e+03, v4;
	v5 =	vmul.f32 v5, v40;
	_ =	sdelay $0x1  }
0x26b: {  	v4 =	vadd.f32 v5, v4;
	_ =	sdelay $0x1  }
0x26c: {  	[tilespmem:s13+$0x110] =	vst v4  }
0x26d: {  	v4 =	vld [tilespmem:s14+$0x6620]  }
0x26e: {  	v42 =	vld [tilespmem:s14+$0x66A0];
	_ =	sdelay $0x2  }
0x26f: {  	(v2sf) =	vpush v3, $0xD;
	_ =	sdelay $0x1  }
0x270: {  	v5 =	vsub.f32 v42, v4;
	_ =	sdelay $0x1  }
0x271: {  	v4 =	vmul.f32 $1.000000000e+03, v4;
	v5 =	vmul.f32 v5, v40;
	_ =	sdelay $0x1  }
0x272: {  	v4 =	vadd.f32 v5, v4;
	_ =	sdelay $0x1  }
0x273: {  	[tilespmem:s13+$0x120] =	vst v4  }
0x274: {  	v4 =	vld [tilespmem:s14+$0x6623]  }
0x275: {  	v43 =	vld [tilespmem:s14+$0x66A3];
	_ =	sdelay $0x4  }
0x276: {  	s25 =	sadd.s32 $0xFFFFFF40, s10;
	s26 =	spop (v2sf);
	v5 =	vsub.f32 v43, v4  }
0x277: {  	v44 =	vadd.s32 s25, v1;
	s14 =	sand.u32 $0xFFFFFFF8, s26  }
0x278: {  	p0 =	slt.s32 s14, $0xF4230;
	v4 =	vmul.f32 $1.000000000e+03, v4;
	v5 =	vmul.f32 v5, v40  }
0x279: {  	s14 =	simm.s32 @!p0 $0xF4230  }
0x27a: {  	s14 =	ssub.s32 s26, s14;
	v4 =	vadd.f32 v5, v4  }
0x27b: {  	p0 =	sgt.s32 s14, $0x6  }
0x27c: {  	s15 =	simm.s32 @p0 $0xE;
	[tilespmem:v44+s8+$0x0] =	vst.idx.msk $0xffff, v4  }
0x27d: {  	_ =	swait.ge @p0 [sflag:s15], $0x800  }
0x27e: {  	[sflag:s15] =	ssyncset.done @p0 $0x0  }
0x27f: {  	[sflag:s15] =	ssyncadd.s32 @p0 $0xFFFFF800;
	s15 =	simm.s32 @!p0 $0xE  }
0x280: {  	_ =	swait.ge @!p0 [sflag:s15], $0x400  }
0x281: {  	s14 =	sshll.u32 s14, $0x9;
	[sflag:s15] =	ssyncset.done @!p0 $0x0  }
0x282: {  	s14 =	sshra.s32 s14, $0x2;
	[sflag:s15] =	ssyncadd.s32 @!p0 $0xFFFFFC00  }
0x283: {  	v45 =	vld [tilespmem:s14+$0x6E00]  }
0x284: {  	v46 =	vld [tilespmem:s14+$0x6E80];
	_ =	sdelay $0x4  }
0x285: {  	v47 =	vbroadcast v2, $0xD;
	v5 =	vsub.f32 v46, v45;
	_ =	sdelay $0x1  }
0x286: {  	v4 =	vmul.f32 $1.000000000e+03, v45;
	v5 =	vmul.f32 v5, v47;
	_ =	sdelay $0x1  }
0x287: {  	v4 =	vadd.f32 v5, v4;
	_ =	sdelay $0x1  }
0x288: {  	[tilespmem:s13+$0x140] =	vst v4  }
0x289: {  	v4 =	vld [tilespmem:s14+$0x6E10]  }
0x28a: {  	v48 =	vld [tilespmem:s14+$0x6E90];
	_ =	sdelay $0x4  }
0x28b: {  	v5 =	vsub.f32 v48, v4;
	_ =	sdelay $0x1  }
0x28c: {  	v4 =	vmul.f32 $1.000000000e+03, v4;
	v5 =	vmul.f32 v5, v47;
	_ =	sdelay $0x1  }
0x28d: {  	v4 =	vadd.f32 v5, v4;
	_ =	sdelay $0x1  }
0x28e: {  	[tilespmem:s13+$0x150] =	vst v4  }
0x28f: {  	v4 =	vld [tilespmem:s14+$0x6E20]  }
0x290: {  	v49 =	vld [tilespmem:s14+$0x6EA0];
	_ =	sdelay $0x2  }
0x291: {  	(v2sf) =	vpush v3, $0xE;
	_ =	sdelay $0x1  }
0x292: {  	v5 =	vsub.f32 v49, v4;
	_ =	sdelay $0x1  }
0x293: {  	v4 =	vmul.f32 $1.000000000e+03, v4;
	v5 =	vmul.f32 v5, v47;
	_ =	sdelay $0x1  }
0x294: {  	v4 =	vadd.f32 v5, v4;
	_ =	sdelay $0x1  }
0x295: {  	[tilespmem:s13+$0x160] =	vst v4  }
0x296: {  	v4 =	vld [tilespmem:s14+$0x6E23]  }
0x297: {  	v50 =	vld [tilespmem:s14+$0x6EA3];
	_ =	sdelay $0x4  }
0x298: {  	s28 =	sadd.s32 $0xFFFFFF80, s10;
	s29 =	spop (v2sf);
	v5 =	vsub.f32 v50, v4  }
0x299: {  	v51 =	vadd.s32 s28, v1;
	s14 =	sand.u32 $0xFFFFFFF8, s29  }
0x29a: {  	p0 =	slt.s32 s14, $0xF4230;
	v4 =	vmul.f32 $1.000000000e+03, v4;
	v5 =	vmul.f32 v5, v47  }
0x29b: {  	s14 =	simm.s32 @!p0 $0xF4230  }
0x29c: {  	s14 =	ssub.s32 s29, s14;
	v4 =	vadd.f32 v5, v4  }
0x29d: {  	p0 =	sgt.s32 s14, $0x6  }
0x29e: {  	s15 =	simm.s32 @p0 $0xF;
	[tilespmem:v51+s8+$0x0] =	vst.idx.msk $0xffff, v4  }
0x29f: {  	_ =	swait.ge @p0 [sflag:s15], $0x800  }
0x2a0: {  	[sflag:s15] =	ssyncset.done @p0 $0x0  }
0x2a1: {  	[sflag:s15] =	ssyncadd.s32 @p0 $0xFFFFF800;
	s15 =	simm.s32 @!p0 $0xF  }
0x2a2: {  	_ =	swait.ge @!p0 [sflag:s15], $0x400  }
0x2a3: {  	s14 =	sshll.u32 s14, $0x9;
	[sflag:s15] =	ssyncset.done @!p0 $0x0  }
0x2a4: {  	s14 =	sshra.s32 s14, $0x2;
	[sflag:s15] =	ssyncadd.s32 @!p0 $0xFFFFFC00  }
0x2a5: {  	v52 =	vld [tilespmem:s14+$0x7600]  }
0x2a6: {  	v53 =	vld [tilespmem:s14+$0x7680];
	_ =	sdelay $0x4  }
0x2a7: {  	v54 =	vbroadcast v2, $0xE;
	v5 =	vsub.f32 v53, v52;
	_ =	sdelay $0x1  }
0x2a8: {  	v4 =	vmul.f32 $1.000000000e+03, v52;
	v5 =	vmul.f32 v5, v54;
	_ =	sdelay $0x1  }
0x2a9: {  	v4 =	vadd.f32 v5, v4;
	_ =	sdelay $0x1  }
0x2aa: {  	[tilespmem:s13+$0x180] =	vst v4  }
0x2ab: {  	v4 =	vld [tilespmem:s14+$0x7610]  }
0x2ac: {  	v55 =	vld [tilespmem:s14+$0x7690];
	_ =	sdelay $0x4  }
0x2ad: {  	v5 =	vsub.f32 v55, v4;
	_ =	sdelay $0x1  }
0x2ae: {  	v4 =	vmul.f32 $1.000000000e+03, v4;
	v5 =	vmul.f32 v5, v54;
	_ =	sdelay $0x1  }
0x2af: {  	v4 =	vadd.f32 v5, v4;
	_ =	sdelay $0x1  }
0x2b0: {  	[tilespmem:s13+$0x190] =	vst v4  }
0x2b1: {  	v4 =	vld [tilespmem:s14+$0x7620]  }
0x2b2: {  	v56 =	vld [tilespmem:s14+$0x76A0];
	_ =	sdelay $0x2  }
0x2b3: {  	(v2sf) =	vpush v3, $0xF;
	_ =	sdelay $0x1  }
0x2b4: {  	v3 =	vsub.f32 v56, v4;
	_ =	sdelay $0x1  }
0x2b5: {  	v4 =	vmul.f32 $1.000000000e+03, v4;
	v3 =	vmul.f32 v3, v54;
	_ =	sdelay $0x1  }
0x2b6: {  	v3 =	vadd.f32 v3, v4;
	_ =	sdelay $0x1  }
0x2b7: {  	[tilespmem:s13+$0x1A0] =	vst v3  }
0x2b8: {  	v3 =	vld [tilespmem:s14+$0x7623]  }
0x2b9: {  	v57 =	vld [tilespmem:s14+$0x76A3];
	_ =	sdelay $0x4  }
0x2ba: {  	s30 =	sadd.s32 $0xFFFFFFC0, s10;
	s31 =	spop (v2sf);
	v4 =	vsub.f32 v57, v3  }
0x2bb: {  	v58 =	vadd.s32 s30, v1;
	s14 =	sand.u32 $0xFFFFFFF8, s31  }
0x2bc: {  	p0 =	slt.s32 s14, $0xF4230;
	v3 =	vmul.f32 $1.000000000e+03, v3;
	v4 =	vmul.f32 v4, v54  }
0x2bd: {  	s14 =	simm.s32 @!p0 $0xF4230  }
0x2be: {  	s14 =	ssub.s32 s31, s14;
	v3 =	vadd.f32 v4, v3  }
0x2bf: {  	p0 =	sgt.s32 s14, $0x6  }
0x2c0: {  	s15 =	simm.s32 @p0 $0x10;
	[tilespmem:v58+s8+$0x0] =	vst.idx.msk $0xffff, v3  }
0x2c1: {  	_ =	swait.ge @p0 [sflag:s15], $0x800  }
0x2c2: {  	[sflag:s15] =	ssyncset.done @p0 $0x0  }
0x2c3: {  	[sflag:s15] =	ssyncadd.s32 @p0 $0xFFFFF800;
	s15 =	simm.s32 @!p0 $0x10  }
0x2c4: {  	_ =	swait.ge @!p0 [sflag:s15], $0x400  }
0x2c5: {  	s14 =	sshll.u32 s14, $0x9;
	[sflag:s15] =	ssyncset.done @!p0 $0x0  }
0x2c6: {  	s14 =	sshra.s32 s14, $0x2;
	[sflag:s15] =	ssyncadd.s32 @!p0 $0xFFFFFC00  }
0x2c7: {  	v3 =	vld [tilespmem:s14+$0x7E00]  }
0x2c8: {  	v59 =	vld [tilespmem:s14+$0x7E80];
	_ =	sdelay $0x4  }
0x2c9: {  	v2 =	vbroadcast v2, $0xF;
	v4 =	vsub.f32 v59, v3;
	_ =	sdelay $0x1  }
0x2ca: {  	v3 =	vmul.f32 $1.000000000e+03, v3;
	v4 =	vmul.f32 v4, v2;
	_ =	sdelay $0x1  }
0x2cb: {  	v3 =	vadd.f32 v4, v3;
	_ =	sdelay $0x1  }
0x2cc: {  	[tilespmem:s13+$0x1C0] =	vst v3  }
0x2cd: {  	v3 =	vld [tilespmem:s14+$0x7E10]  }
0x2ce: {  	v60 =	vld [tilespmem:s14+$0x7E90];
	_ =	sdelay $0x4  }
0x2cf: {  	v4 =	vsub.f32 v60, v3;
	_ =	sdelay $0x1  }
0x2d0: {  	v3 =	vmul.f32 $1.000000000e+03, v3;
	v4 =	vmul.f32 v4, v2;
	_ =	sdelay $0x1  }
0x2d1: {  	v3 =	vadd.f32 v4, v3;
	_ =	sdelay $0x1  }
0x2d2: {  	[tilespmem:s13+$0x1D0] =	vst v3  }
0x2d3: {  	v3 =	vld [tilespmem:s14+$0x7E20]  }
0x2d4: {  	v61 =	vld [tilespmem:s14+$0x7EA0];
	_ =	sdelay $0x4  }
0x2d5: {  	v4 =	vsub.f32 v61, v3;
	_ =	sdelay $0x1  }
0x2d6: {  	v3 =	vmul.f32 $1.000000000e+03, v3;
	v4 =	vmul.f32 v4, v2;
	_ =	sdelay $0x1  }
0x2d7: {  	v3 =	vadd.f32 v4, v3;
	_ =	sdelay $0x1  }
0x2d8: {  	[tilespmem:s13+$0x1E0] =	vst v3  }
0x2d9: {  	v3 =	vld [tilespmem:s14+$0x7E23]  }
0x2da: {  	v62 =	vld [tilespmem:s14+$0x7EA3];
	_ =	sdelay $0x4  }
0x2db: {  	v63 =	vadd.s32 s10, v1;
	s10 =	sadd.s32 $0x400, s10;
	v4 =	vsub.f32 v62, v3  }
0x2dc: {  	p0 =	sne.s32 s10, $0x83E3  }
.Ltmp1:
0x2dd: {  	v3 =	vmul.f32 $1.000000000e+03, v3;
	v2 =	vmul.f32 v4, v2;
	(pc) =	sbr.rel @p0 .LBB2_4-.Ltmp1, $3  }
0x2de: {  	_ = 	snop  }
0x2df: {  	v2 =	vadd.f32 v2, v3;
	_ =	sdelay $0x1  }
0x2e0: {  	s11 =	sadd.s32 $0x10, s11;
	s12 =	sadd.s32 $0x10, s12;
	s13 =	sadd.s32 $0x400, s13;
	[tilespmem:v63+s8+$0x0] =	vst.idx.msk $0xffff, v2  }
0x2e1: {  	s9 =	sadd.s32 $0x1, s9  }
0x2e2: {  	p0 =	sne.s32 s9, s6  }
.Ltmp2:
0x2e3: {  	_ = 	snop;
	(pc) =	sbr.rel @p0 .LBB2_1-.Ltmp2, $4  }
0x2e4: {  	[hbm4b:s5+s2] =	stream.linear.scatter [tilespmem:s8], [sflag:$0x11], $0x8000, $0x38;
	[tilespmem:$0x10600] =	vst v63  }
0x2e5: {  	_ =	swait.ge [sflag:s7], $0x8000  }
0x2e6: {  	[sflag:s7] =	ssyncset.done $0x0  }
0x2e7: {  	[sflag:s7] =	ssyncadd.s32 $0xFFFF8000  }
0x2e8: {  	_ =	sfence.sel $0x180000  }
0x2e9: {  	[bflag:$0x0] =	sbarrier.arrive $0xFFFF  }
0x2ea: {  	p0 =	sne.s32 s1, $0x0;
	_ =	strace $0x90000047  }
0x2eb: {  	s0 =	sadd.s32 @!p0 $0x100000, s0;
	[bflag:$0x2] =	sbarrier.arrive $0xFFFF  }
0x2ec: {  	[sflag:s0] =	ssyncadd.tile.s32 @!p0 $0x1;
	_ =	shalt  }
.Lfunc_end2:
_tile_overlayer_lowered:
.L_overlay_start_2:
0x2ed: {  	(tag) =	ssettag $0x2  }
0x2ee: {  	s0 =	rddreg [dreg:$0x0];
	s2 =	stileid.u32  }
0x2ef: {  	s1 =	rddreg [dreg:$0x1];
	p0 =	sne.s32 s2, $0x0  }
0x2f0: {  	s3 =	rddreg [dreg:$0x2];
	[bflag:$0x3] =	sbarrier.arrive $0xFFFF;
	s2 =	simm.s32 @!p0 $0x1C11  }
0x2f1: {  	[timem:s3], [sflag:s2] =	dma.local @!p0 [hbm:s0], s1  }
0x2f2: {  	s0 =	simm.s32 @!p0 $0x11  }
0x2f3: {  	_ =	swait.ge @!p0 [sflag:s0], s1  }
0x2f4: {  	s1 =	ssub.s32 @!p0 $0x0, s1;
	[sflag:s0] =	ssyncset.done @!p0 $0x0  }
0x2f5: {  	[sflag:s0] =	ssyncadd.s32 @!p0 s1  }
0x2f6: {  	[bflag:$0x3] =	sbarrier.arrive $0xFFFF  }
0x2f7: {  	_ =	shalt  }

</sc_bundles>
